<compile_context>
chip_gen: v7x
topology: tpu7x:2x2x1
jax: 0.10.2.dev20260603
libtpu: 0.0.44.dev20260713+nightly
codegen_flags: <defaults>
</compile_context>

<pallas_src>
import functools

import jax
import jax.numpy as jnp
from jax import lax
from jax.experimental import pallas as pl
from jax.experimental.pallas import tpu as pltpu
from jax.experimental.pallas import tpu_sc as plsc

N = 10000
E = 320000
DIN = 128
DH = 128
DOUT = 40
D3 = 128
BN_EPS = 1e-5

NC = 2
NS = 16
NW = NC * NS
CHUNK = 128
GEC = 8
NBUF = 2
NPAD = 10240
EWP = NPAD
NCH = EWP // CHUNK
NGRP = NCH // GEC
NSUP = NGRP // 2
RPT = NPAD // NS

ADT = jnp.float32


def _sc_agg_body(d, t_hbm, src_hbm, dst_hbm, out_hbm,
                 sring, dring, bufs, acc, isems, dsems, gsems):
    cid = lax.axis_index("c")
    sid = lax.axis_index("s")
    wid = sid * NC + cid

    lanes = 32 if ADT == jnp.bfloat16 else 16

    def zrow(r, carry):
        for k in range(d // lanes):
            bufs[0][r, pl.ds(k * lanes, lanes)] = jnp.zeros((lanes,), ADT)
        return carry

    lax.fori_loop(0, CHUNK, zrow, 0)
    for i in range(RPT // CHUNK):
        pltpu.sync_copy(bufs[0],
                        acc.at[pl.ds(sid * RPT + i * CHUNK, CHUNK)])
    plsc.subcore_barrier()

    def ldsrc(g, s):
        return pltpu.make_async_copy(src_hbm.at[wid, g], sring[s], isems[s])

    def lddst(g, s):
        return pltpu.make_async_copy(dst_hbm.at[wid, g], dring[s], dsems[s])

    def gth(s, t, b):
        return pltpu.make_async_copy(t_hbm.at[sring[s].at[t]], bufs[b],
                                     gsems[b])

    def sct(s, t, b):
        pltpu.sync_copy(bufs[b], acc.at[dring[s].at[t]], add=True)

    for s in range(2):
        ldsrc(s, s).start()
        lddst(s, s).start()
    ldsrc(0, 0).wait()
    for b in range(NBUF):
        gth(0, b, b).start()
    lddst(0, 0).wait()

    def super_body(k, carry):
        g_next0 = jnp.minimum(2 * k + 2, NGRP - 1)
        g_next1 = jnp.minimum(2 * k + 3, NGRP - 1)
        for half, s in ((0, 0), (1, 1)):
            ns = 1 - s
            for t in range(GEC):
                b = t % NBUF
                gth(s, t, b).wait()
                sct(s, t, b)
                if t < GEC - NBUF:
                    gth(s, t + NBUF, b).start()
                else:
                    if t == GEC - NBUF:
                        ldsrc(0, ns).wait()
                    gth(ns, t - (GEC - NBUF), b).start()
            if half == 0:
                ldsrc(g_next0, 0).start()
                lddst(g_next0, 0).start()
                lddst(1, 1).wait()
        ldsrc(g_next1, 1).start()
        lddst(g_next1, 1).start()
        lddst(0, 0).wait()
        return carry

    lax.fori_loop(0, NSUP, super_body, 0)
    for b in range(NBUF):
        pltpu.make_async_copy(t_hbm.at[sring[0].at[0]], bufs[b],
                              gsems[b]).wait()
    ldsrc(0, 1).wait()
    lddst(0, 1).wait()
    plsc.subcore_barrier()

    pltpu.sync_copy(acc.at[pl.ds(sid * RPT, RPT)],
                    out_hbm.at[cid, pl.ds(sid * RPT, RPT)])


def _make_sc_agg(d):
    mesh = plsc.VectorSubcoreMesh(core_axis_name="c", subcore_axis_name="s",
                                  num_cores=NC, num_subcores=NS)
    return pl.kernel(
        functools.partial(_sc_agg_body, d),
        out_type=jax.ShapeDtypeStruct((NC, NPAD, d), ADT),
        mesh=mesh,
        scratch_types=[
            [pltpu.VMEM((GEC, CHUNK), jnp.int32) for _ in range(2)],
            [pltpu.VMEM((GEC, CHUNK), jnp.int32) for _ in range(2)],
            [pltpu.VMEM((CHUNK, d), ADT) for _ in range(NBUF)],
            pltpu.VMEM_SHARED((NPAD, d), ADT),
            [pltpu.SemaphoreType.DMA for _ in range(2)],
            [pltpu.SemaphoreType.DMA for _ in range(2)],
            [pltpu.SemaphoreType.DMA for _ in range(NBUF)],
        ],
    )


BN_ROWS = 5000


def _mm_body(x_ref, w_ref, o_ref):
    o_ref[...] = jnp.dot(x_ref[...], w_ref[...],
                         preferred_element_type=jnp.float32)


def _tc_matmul(x, w, dout):
    return pl.pallas_call(
        _mm_body,
        grid=(N // BN_ROWS,),
        in_specs=[
            pl.BlockSpec((BN_ROWS, x.shape[1]), lambda i: (i, 0)),
            pl.BlockSpec(w.shape, lambda i: (0, 0)),
        ],
        out_specs=pl.BlockSpec((BN_ROWS, dout), lambda i: (i, 0)),
        out_shape=jax.ShapeDtypeStruct((N, dout), jnp.float32),
    )(x, w)


def _stage_body(t_ref, p0_ref, p1_ref, eps_ref, b_ref, a_ref, be_ref, w_ref,
                o_ref):
    agg = p0_ref[0] + p1_ref[0]
    z = (1.0 + eps_ref[0, 0]) * t_ref[...] + agg + b_ref[...]
    h = jnp.maximum(z * a_ref[...] + be_ref[...], 0.0)
    o_ref[...] = jnp.dot(h, w_ref[...], preferred_element_type=jnp.float32)


def _tc_stage(t, p, eps, b, a, be, w, dout):
    return pl.pallas_call(
        _stage_body,
        grid=(N // BN_ROWS,),
        in_specs=[
            pl.BlockSpec((BN_ROWS, DH), lambda i: (i, 0)),
            pl.BlockSpec((1, BN_ROWS, DH), lambda i: (0, i, 0)),
            pl.BlockSpec((1, BN_ROWS, DH), lambda i: (1, i, 0)),
            pl.BlockSpec(memory_space=pltpu.SMEM),
            pl.BlockSpec((1, DH), lambda i: (0, 0)),
            pl.BlockSpec((1, DH), lambda i: (0, 0)),
            pl.BlockSpec((1, DH), lambda i: (0, 0)),
            pl.BlockSpec((DH, dout), lambda i: (0, 0)),
        ],
        out_specs=pl.BlockSpec((BN_ROWS, dout), lambda i: (i, 0)),
        out_shape=jax.ShapeDtypeStruct((N, dout), jnp.float32),
    )(t, p, p, eps, b, a, be, w)


def _final_body(t_ref, p0_ref, p1_ref, eps_ref, b_ref, o_ref):
    agg = p0_ref[0] + p1_ref[0]
    z = (1.0 + eps_ref[0, 0]) * t_ref[...] + agg + b_ref[...]
    mask = lax.broadcasted_iota(jnp.int32, z.shape, 1) < DOUT
    zm = jnp.where(mask, z, -jnp.inf)
    m = jnp.max(zm, axis=-1, keepdims=True)
    ez = jnp.where(mask, jnp.exp(z - m), 0.0)
    ls = (z - m) - jnp.log(jnp.sum(ez, axis=-1, keepdims=True))
    o_ref[...] = ls[:, :DOUT]


def _tc_final(t, p, eps, b, d):
    return pl.pallas_call(
        _final_body,
        grid=(N // BN_ROWS,),
        in_specs=[
            pl.BlockSpec((BN_ROWS, d), lambda i: (i, 0)),
            pl.BlockSpec((1, BN_ROWS, d), lambda i: (0, i, 0)),
            pl.BlockSpec((1, BN_ROWS, d), lambda i: (1, i, 0)),
            pl.BlockSpec(memory_space=pltpu.SMEM),
            pl.BlockSpec((1, d), lambda i: (0, 0)),
        ],
        out_specs=pl.BlockSpec((BN_ROWS, DOUT), lambda i: (i, 0)),
        out_shape=jax.ShapeDtypeStruct((N, DOUT), jnp.float32),
    )(t, p, p, eps, b)


@jax.jit
def _run(x, edge_index, W0, b0, W1, b1, W2, b2, eps0, eps1, eps2,
         g0, be0, g1, be1):
    npad_e = NW * EWP - E
    pad_src = jnp.arange(npad_e, dtype=jnp.int32) % N
    pad_dst = N + (jnp.arange(npad_e, dtype=jnp.int32) % (NPAD - N))
    src3 = jnp.concatenate([edge_index[0], pad_src]).reshape(
        NW, NGRP, GEC, CHUNK)
    dst3 = jnp.concatenate([edge_index[1], pad_dst]).reshape(
        NW, NGRP, GEC, CHUNK)

    bn_s = 1.0 / jnp.sqrt(1.0 + BN_EPS)
    a0 = (g0 * bn_s).reshape(1, DH)
    a1 = (g1 * bn_s).reshape(1, DH)

    sc_agg = _make_sc_agg(DH)
    sc_agg3 = _make_sc_agg(D3)

    t0 = _tc_matmul(x, W0, DH)
    p0 = sc_agg(t0, src3, dst3)
    t1 = _tc_stage(t0, p0, eps0.reshape(1, 1), b0.reshape(1, DH), a0,
                   be0.reshape(1, DH), W1, DH)
    p1 = sc_agg(t1, src3, dst3)
    t2 = _tc_stage(t1, p1, eps1.reshape(1, 1), b1.reshape(1, DH), a1,
                   be1.reshape(1, DH),
                   jnp.pad(W2, ((0, 0), (0, D3 - DOUT))), D3)
    p2 = sc_agg3(t2, src3, dst3)
    b2p = jnp.pad(b2.reshape(1, DOUT), ((0, 0), (0, D3 - DOUT)))
    return _tc_final(t2, p2, eps2.reshape(1, 1), b2p, D3)


def kernel(x, edge_index, W0, b0, W1, b1, W2, b2, eps0, eps1, eps2,
           g0, be0, g1, be1):
    return _run(x, edge_index, W0, b0, W1, b1, W2, b2, eps0, eps1, eps2,
                g0, be0, g1, be1)

# --- scband reference (transcript-rebuilt; emitter-appended) ---
"""Pipeline reference for scband-gin-73521250173172 (READ-ONLY COPY).

The authoritative reference and input builder live on the scoring server;
editing this copy changes nothing except your own understanding.
"""

import jax, jax.numpy as jnp
import numpy as np

N = 10000
E = 320000
DIN = 128
DH = 128
DOUT = 40
BN_EPS = 1e-5


def setup_inputs(seed: int = 0) -> dict:
    key = jax.random.key(seed)
    ks = jax.random.split(key, 10)
    x = jax.random.normal(ks[0], (N, DIN), dtype=jnp.float32)
    edge_index = jax.random.randint(ks[1], (2, E), 0, N, dtype=jnp.int32)
    W0 = jax.random.normal(ks[2], (DIN, DH), dtype=jnp.float32) * (1.0 / np.sqrt(DIN))
    b0 = jnp.zeros((DH,), dtype=jnp.float32)
    W1 = jax.random.normal(ks[3], (DH, DH), dtype=jnp.float32) * (1.0 / np.sqrt(DH))
    b1 = jnp.zeros((DH,), dtype=jnp.float32)
    W2 = jax.random.normal(ks[4], (DH, DOUT), dtype=jnp.float32) * (1.0 / np.sqrt(DH))
    b2 = jnp.zeros((DOUT,), dtype=jnp.float32)
    eps0 = jnp.zeros((), dtype=jnp.float32)
    eps1 = jnp.zeros((), dtype=jnp.float32)
    eps2 = jnp.zeros((), dtype=jnp.float32)
    g0 = jnp.ones((DH,), dtype=jnp.float32)
    be0 = jnp.zeros((DH,), dtype=jnp.float32)
    g1 = jnp.ones((DH,), dtype=jnp.float32)
    be1 = jnp.zeros((DH,), dtype=jnp.float32)
    return {"x": x, "edge_index": edge_index, "W0": W0, "b0": b0, "W1": W1, "b1": b1,
            "W2": W2, "b2": b2, "eps0": eps0, "eps1": eps1, "eps2": eps2,
            "g0": g0, "be0": be0, "g1": g1, "be1": be1}


def reference(x, edge_index, W0, b0, W1, b1, W2, b2, eps0, eps1, eps2, g0, be0, g1, be1):
    src = edge_index[0]
    dst = edge_index[1]

    def gin_conv(h, W, b, eps):
        # sum-aggregate neighbor features (gather + scatter-add), then (1+eps)*x + agg, then linear
        msgs = jnp.take(h, src, axis=0)
        agg = jax.ops.segment_sum(msgs, dst, num_segments=N)
        return ((1.0 + eps) * h + agg) @ W + b

    def bn_eval(h, g, be):
        # eval-mode BatchNorm1d with running_mean=0, running_var=1
        return h * (g / jnp.sqrt(1.0 + BN_EPS)) + be

    h = gin_conv(x, W0, b0, eps0)
    h = bn_eval(h, g0, be0)
    h = jax.nn.relu(h)
    # dropout is identity in eval mode
    h = gin_conv(h, W1, b1, eps1)
    h = bn_eval(h, g1, be1)
    h = jax.nn.relu(h)
    h = gin_conv(h, W2, b2, eps2)
    return jax.nn.log_softmax(h, axis=-1)

if __name__ == "__main__":
    import jax
    _d = setup_inputs()
    print(jax.jit(kernel)(*tuple(_d.values())))

</pallas_src>

<mosaic_0001>
#map = affine_map<(d0, d1) -> (0, 0)>
#map1 = affine_map<(d0, d1) -> (0, 0, 0, 0)>
#map2 = affine_map<(d0, d1) -> (0, 0, 0)>
module attributes {stable_mosaic.version = 14 : i64} {
  func.func @_sc_agg_body(%arg0: i32, %arg1: i32, %arg2: memref<10000x128xf32, #tpu.memory_space<hbm>>, %arg3: memref<32x10x8x128xi32, #tpu.memory_space<hbm>>, %arg4: memref<32x10x8x128xi32, #tpu.memory_space<hbm>>, %arg5: memref<2x10240x128xf32, #tpu.memory_space<hbm>>, %arg6: memref<8x128xi32, #tpu.memory_space<vmem>>, %arg7: memref<8x128xi32, #tpu.memory_space<vmem>>, %arg8: memref<8x128xi32, #tpu.memory_space<vmem>>, %arg9: memref<8x128xi32, #tpu.memory_space<vmem>>, %arg10: memref<128x128xf32, #tpu.memory_space<vmem>>, %arg11: memref<128x128xf32, #tpu.memory_space<vmem>>, %arg12: memref<10240x128xf32, #tpu.memory_space<vmem_shared>>, %arg13: memref<!tpu.dma_semaphore, #tpu.memory_space<semaphore_mem>>, %arg14: memref<!tpu.dma_semaphore, #tpu.memory_space<semaphore_mem>>, %arg15: memref<!tpu.dma_semaphore, #tpu.memory_space<semaphore_mem>>, %arg16: memref<!tpu.dma_semaphore, #tpu.memory_space<semaphore_mem>>, %arg17: memref<!tpu.dma_semaphore, #tpu.memory_space<semaphore_mem>>, %arg18: memref<!tpu.dma_semaphore, #tpu.memory_space<semaphore_mem>>) attributes {dimension_semantics = [#tpu.dimension_semantics<core_parallel>, #tpu.dimension_semantics<subcore_parallel>], iteration_bounds = array<i64: 2, 16>, scalar_prefetch = 0 : i64, scratch_operands = 13 : i64, tpu.core_type = #tpu.core_type<sc_vector_subcore>, window_params = [{transform_indices = #map}, {transform_indices = #map1}, {transform_indices = #map1}, {transform_indices = #map2}]} {
    %mul3A = arith.constant 2 : i32
    %mul3A_0 = arith.muli %arg1, %mul3A : i32
    %add3A = arith.addi %mul3A_0, %arg0 : i32
    %scan3A = arith.constant 0 : i32
    %scan3A_1 = arith.constant 0 : i32
    %scan3A_2 = arith.constant 128 : i32
    %scan3A_3 = arith.addi %scan3A_1, %scan3A_2 : i32
    %scan3A_4 = arith.constant 1 : i32
    scf.for %scan3A_135 = %scan3A_1 to %scan3A_3 step %scan3A_4  : i32 {
      %broadcast_in_dim3A = arith.constant 0.000000e+00 : f32
      %broadcast_in_dim3A_136 = vector.broadcast %broadcast_in_dim3A : f32 to vector<16xf32>
      %swap3A = arith.index_cast %scan3A_135 : i32 to index
      %swap3A_137 = arith.constant 0 : index
      %swap3A_138 = tpu.vector_load %arg10[%swap3A, %swap3A_137] {strides = array<i32>} : memref<128x128xf32, #tpu.memory_space<vmem>>, vector<1x16xf32>,
      %swap3A_139 = vector.shape_cast %swap3A_138 : vector<1x16xf32> to vector<16xf32>
      %swap3A_140 = vector.shape_cast %broadcast_in_dim3A_136 : vector<16xf32> to vector<1x16xf32>
      tpu.vector_store %arg10[%swap3A, %swap3A_137], %swap3A_140 {strides = array<i32>} : memref<128x128xf32, #tpu.memory_space<vmem>>, vector<1x16xf32>,
      %broadcast_in_dim3A_141 = arith.constant 0.000000e+00 : f32
      %broadcast_in_dim3A_142 = vector.broadcast %broadcast_in_dim3A_141 : f32 to vector<16xf32>
      %swap3A_143 = arith.index_cast %scan3A_135 : i32 to index
      %swap3A_144 = arith.constant 16 : index
      %swap3A_145 = tpu.vector_load %arg10[%swap3A_143, %swap3A_144] {strides = array<i32>} : memref<128x128xf32, #tpu.memory_space<vmem>>, vector<1x16xf32>,
      %swap3A_146 = vector.shape_cast %swap3A_145 : vector<1x16xf32> to vector<16xf32>
      %swap3A_147 = vector.shape_cast %broadcast_in_dim3A_142 : vector<16xf32> to vector<1x16xf32>
      tpu.vector_store %arg10[%swap3A_143, %swap3A_144], %swap3A_147 {strides = array<i32>} : memref<128x128xf32, #tpu.memory_space<vmem>>, vector<1x16xf32>,
      %broadcast_in_dim3A_148 = arith.constant 0.000000e+00 : f32
      %broadcast_in_dim3A_149 = vector.broadcast %broadcast_in_dim3A_148 : f32 to vector<16xf32>
      %swap3A_150 = arith.index_cast %scan3A_135 : i32 to index
      %swap3A_151 = arith.constant 32 : index
      %swap3A_152 = tpu.vector_load %arg10[%swap3A_150, %swap3A_151] {strides = array<i32>} : memref<128x128xf32, #tpu.memory_space<vmem>>, vector<1x16xf32>,
      %swap3A_153 = vector.shape_cast %swap3A_152 : vector<1x16xf32> to vector<16xf32>
      %swap3A_154 = vector.shape_cast %broadcast_in_dim3A_149 : vector<16xf32> to vector<1x16xf32>
      tpu.vector_store %arg10[%swap3A_150, %swap3A_151], %swap3A_154 {strides = array<i32>} : memref<128x128xf32, #tpu.memory_space<vmem>>, vector<1x16xf32>,
      %broadcast_in_dim3A_155 = arith.constant 0.000000e+00 : f32
      %broadcast_in_dim3A_156 = vector.broadcast %broadcast_in_dim3A_155 : f32 to vector<16xf32>
      %swap3A_157 = arith.index_cast %scan3A_135 : i32 to index
      %swap3A_158 = arith.constant 48 : index
      %swap3A_159 = tpu.vector_load %arg10[%swap3A_157, %swap3A_158] {strides = array<i32>} : memref<128x128xf32, #tpu.memory_space<vmem>>, vector<1x16xf32>,
      %swap3A_160 = vector.shape_cast %swap3A_159 : vector<1x16xf32> to vector<16xf32>
      %swap3A_161 = vector.shape_cast %broadcast_in_dim3A_156 : vector<16xf32> to vector<1x16xf32>
      tpu.vector_store %arg10[%swap3A_157, %swap3A_158], %swap3A_161 {strides = array<i32>} : memref<128x128xf32, #tpu.memory_space<vmem>>, vector<1x16xf32>,
      %broadcast_in_dim3A_162 = arith.constant 0.000000e+00 : f32
      %broadcast_in_dim3A_163 = vector.broadcast %broadcast_in_dim3A_162 : f32 to vector<16xf32>
      %swap3A_164 = arith.index_cast %scan3A_135 : i32 to index
      %swap3A_165 = arith.constant 64 : index
      %swap3A_166 = tpu.vector_load %arg10[%swap3A_164, %swap3A_165] {strides = array<i32>} : memref<128x128xf32, #tpu.memory_space<vmem>>, vector<1x16xf32>,
      %swap3A_167 = vector.shape_cast %swap3A_166 : vector<1x16xf32> to vector<16xf32>
      %swap3A_168 = vector.shape_cast %broadcast_in_dim3A_163 : vector<16xf32> to vector<1x16xf32>
      tpu.vector_store %arg10[%swap3A_164, %swap3A_165], %swap3A_168 {strides = array<i32>} : memref<128x128xf32, #tpu.memory_space<vmem>>, vector<1x16xf32>,
      %broadcast_in_dim3A_169 = arith.constant 0.000000e+00 : f32
      %broadcast_in_dim3A_170 = vector.broadcast %broadcast_in_dim3A_169 : f32 to vector<16xf32>
      %swap3A_171 = arith.index_cast %scan3A_135 : i32 to index
      %swap3A_172 = arith.constant 80 : index
      %swap3A_173 = tpu.vector_load %arg10[%swap3A_171, %swap3A_172] {strides = array<i32>} : memref<128x128xf32, #tpu.memory_space<vmem>>, vector<1x16xf32>,
      %swap3A_174 = vector.shape_cast %swap3A_173 : vector<1x16xf32> to vector<16xf32>
      %swap3A_175 = vector.shape_cast %broadcast_in_dim3A_170 : vector<16xf32> to vector<1x16xf32>
      tpu.vector_store %arg10[%swap3A_171, %swap3A_172], %swap3A_175 {strides = array<i32>} : memref<128x128xf32, #tpu.memory_space<vmem>>, vector<1x16xf32>,
      %broadcast_in_dim3A_176 = arith.constant 0.000000e+00 : f32
      %broadcast_in_dim3A_177 = vector.broadcast %broadcast_in_dim3A_176 : f32 to vector<16xf32>
      %swap3A_178 = arith.index_cast %scan3A_135 : i32 to index
      %swap3A_179 = arith.constant 96 : index
      %swap3A_180 = tpu.vector_load %arg10[%swap3A_178, %swap3A_179] {strides = array<i32>} : memref<128x128xf32, #tpu.memory_space<vmem>>, vector<1x16xf32>,
      %swap3A_181 = vector.shape_cast %swap3A_180 : vector<1x16xf32> to vector<16xf32>
      %swap3A_182 = vector.shape_cast %broadcast_in_dim3A_177 : vector<16xf32> to vector<1x16xf32>
      tpu.vector_store %arg10[%swap3A_178, %swap3A_179], %swap3A_182 {strides = array<i32>} : memref<128x128xf32, #tpu.memory_space<vmem>>, vector<1x16xf32>,
      %broadcast_in_dim3A_183 = arith.constant 0.000000e+00 : f32
      %broadcast_in_dim3A_184 = vector.broadcast %broadcast_in_dim3A_183 : f32 to vector<16xf32>
      %swap3A_185 = arith.index_cast %scan3A_135 : i32 to index
      %swap3A_186 = arith.constant 112 : index
      %swap3A_187 = tpu.vector_load %arg10[%swap3A_185, %swap3A_186] {strides = array<i32>} : memref<128x128xf32, #tpu.memory_space<vmem>>, vector<1x16xf32>,
      %swap3A_188 = vector.shape_cast %swap3A_187 : vector<1x16xf32> to vector<16xf32>
      %swap3A_189 = vector.shape_cast %broadcast_in_dim3A_184 : vector<16xf32> to vector<1x16xf32>
      tpu.vector_store %arg10[%swap3A_185, %swap3A_186], %swap3A_189 {strides = array<i32>} : memref<128x128xf32, #tpu.memory_space<vmem>>, vector<1x16xf32>,
    }
    %scan3A_5 = arith.constant 128 : i32
    %mul3A_6 = arith.constant 640 : i32
    %mul3A_7 = arith.muli %arg1, %mul3A_6 : i32
    %add3A_8 = arith.constant 0 : i32
    %add3A_9 = arith.addi %mul3A_7, %add3A_8 : i32
    "tpu.region"() ({
      %run_scoped3A = tpu.sem_alloc : memref<!tpu.dma_semaphore, #tpu.memory_space<semaphore_mem>>
      %dma_start3A_135 = arith.constant 0 : i32
      %dma_start3A_136 = tpu.memref_slice %arg12[%add3A_9, %dma_start3A_135] : memref<10240x128xf32, #tpu.memory_space<vmem_shared>> -> memref<128x128xf32, #tpu.memory_space<vmem_shared>>
      %dma_start3A_137 = arith.constant 0 : i32
      %dma_start3A_138 = tpu.memref_slice %arg12[%add3A_9, %dma_start3A_137] : memref<10240x128xf32, #tpu.memory_space<vmem_shared>> -> memref<128x128xf32, #tpu.memory_space<vmem_shared>>
      tpu.enqueue_dma source(%arg10 : memref<128x128xf32, #tpu.memory_space<vmem>>) target(%dma_start3A_138 : memref<128x128xf32, #tpu.memory_space<vmem_shared>>) target_semaphore(%run_scoped3A : memref<!tpu.dma_semaphore, #tpu.memory_space<semaphore_mem>>)
      %dma_wait3A_139 = arith.constant 0 : i32
      %dma_wait3A_140 = tpu.memref_slice %arg12[%add3A_9, %dma_wait3A_139] : memref<10240x128xf32, #tpu.memory_space<vmem_shared>> -> memref<128x128xf32, #tpu.memory_space<vmem_shared>>
      %dma_wait3A_141 = arith.constant 0 : i32
      %dma_wait3A_142 = tpu.memref_slice %arg12[%add3A_9, %dma_wait3A_141] : memref<10240x128xf32, #tpu.memory_space<vmem_shared>> -> memref<128x128xf32, #tpu.memory_space<vmem_shared>>
      tpu.wait_dma2 semaphore(%run_scoped3A : memref<!tpu.dma_semaphore, #tpu.memory_space<semaphore_mem>>) src(%arg10 : memref<128x128xf32, #tpu.memory_space<vmem>>) dst(%dma_wait3A_142 : memref<128x128xf32, #tpu.memory_space<vmem_shared>>)
      tpu.yield
    }) : () -> ()
    %mul3A_10 = arith.constant 640 : i32
    %mul3A_11 = arith.muli %arg1, %mul3A_10 : i32
    %add3A_12 = arith.constant 128 : i32
    %add3A_13 = arith.addi %mul3A_11, %add3A_12 : i32
    "tpu.region"() ({
      %run_scoped3A = tpu.sem_alloc : memref<!tpu.dma_semaphore, #tpu.memory_space<semaphore_mem>>
      %dma_start3A_135 = arith.constant 0 : i32
      %dma_start3A_136 = tpu.memref_slice %arg12[%add3A_13, %dma_start3A_135] : memref<10240x128xf32, #tpu.memory_space<vmem_shared>> -> memref<128x128xf32, #tpu.memory_space<vmem_shared>>
      %dma_start3A_137 = arith.constant 0 : i32
      %dma_start3A_138 = tpu.memref_slice %arg12[%add3A_13, %dma_start3A_137] : memref<10240x128xf32, #tpu.memory_space<vmem_shared>> -> memref<128x128xf32, #tpu.memory_space<vmem_shared>>
      tpu.enqueue_dma source(%arg10 : memref<128x128xf32, #tpu.memory_space<vmem>>) target(%dma_start3A_138 : memref<128x128xf32, #tpu.memory_space<vmem_shared>>) target_semaphore(%run_scoped3A : memref<!tpu.dma_semaphore, #tpu.memory_space<semaphore_mem>>)
      %dma_wait3A_139 = arith.constant 0 : i32
      %dma_wait3A_140 = tpu.memref_slice %arg12[%add3A_13, %dma_wait3A_139] : memref<10240x128xf32, #tpu.memory_space<vmem_shared>> -> memref<128x128xf32, #tpu.memory_space<vmem_shared>>
      %dma_wait3A_141 = arith.constant 0 : i32
      %dma_wait3A_142 = tpu.memref_slice %arg12[%add3A_13, %dma_wait3A_141] : memref<10240x128xf32, #tpu.memory_space<vmem_shared>> -> memref<128x128xf32, #tpu.memory_space<vmem_shared>>
      tpu.wait_dma2 semaphore(%run_scoped3A : memref<!tpu.dma_semaphore, #tpu.memory_space<semaphore_mem>>) src(%arg10 : memref<128x128xf32, #tpu.memory_space<vmem>>) dst(%dma_wait3A_142 : memref<128x128xf32, #tpu.memory_space<vmem_shared>>)
      tpu.yield
    }) : () -> ()
    %mul3A_14 = arith.constant 640 : i32
    %mul3A_15 = arith.muli %arg1, %mul3A_14 : i32
    %add3A_16 = arith.constant 256 : i32
    %add3A_17 = arith.addi %mul3A_15, %add3A_16 : i32
    "tpu.region"() ({
      %run_scoped3A = tpu.sem_alloc : memref<!tpu.dma_semaphore, #tpu.memory_space<semaphore_mem>>
      %dma_start3A_135 = arith.constant 0 : i32
      %dma_start3A_136 = tpu.memref_slice %arg12[%add3A_17, %dma_start3A_135] : memref<10240x128xf32, #tpu.memory_space<vmem_shared>> -> memref<128x128xf32, #tpu.memory_space<vmem_shared>>
      %dma_start3A_137 = arith.constant 0 : i32
      %dma_start3A_138 = tpu.memref_slice %arg12[%add3A_17, %dma_start3A_137] : memref<10240x128xf32, #tpu.memory_space<vmem_shared>> -> memref<128x128xf32, #tpu.memory_space<vmem_shared>>
      tpu.enqueue_dma source(%arg10 : memref<128x128xf32, #tpu.memory_space<vmem>>) target(%dma_start3A_138 : memref<128x128xf32, #tpu.memory_space<vmem_shared>>) target_semaphore(%run_scoped3A : memref<!tpu.dma_semaphore, #tpu.memory_space<semaphore_mem>>)
      %dma_wait3A_139 = arith.constant 0 : i32
      %dma_wait3A_140 = tpu.memref_slice %arg12[%add3A_17, %dma_wait3A_139] : memref<10240x128xf32, #tpu.memory_space<vmem_shared>> -> memref<128x128xf32, #tpu.memory_space<vmem_shared>>
      %dma_wait3A_141 = arith.constant 0 : i32
      %dma_wait3A_142 = tpu.memref_slice %arg12[%add3A_17, %dma_wait3A_141] : memref<10240x128xf32, #tpu.memory_space<vmem_shared>> -> memref<128x128xf32, #tpu.memory_space<vmem_shared>>
      tpu.wait_dma2 semaphore(%run_scoped3A : memref<!tpu.dma_semaphore, #tpu.memory_space<semaphore_mem>>) src(%arg10 : memref<128x128xf32, #tpu.memory_space<vmem>>) dst(%dma_wait3A_142 : memref<128x128xf32, #tpu.memory_space<vmem_shared>>)
      tpu.yield
    }) : () -> ()
    %mul3A_18 = arith.constant 640 : i32
    %mul3A_19 = arith.muli %arg1, %mul3A_18 : i32
    %add3A_20 = arith.constant 384 : i32
    %add3A_21 = arith.addi %mul3A_19, %add3A_20 : i32
    "tpu.region"() ({
      %run_scoped3A = tpu.sem_alloc : memref<!tpu.dma_semaphore, #tpu.memory_space<semaphore_mem>>
      %dma_start3A_135 = arith.constant 0 : i32
      %dma_start3A_136 = tpu.memref_slice %arg12[%add3A_21, %dma_start3A_135] : memref<10240x128xf32, #tpu.memory_space<vmem_shared>> -> memref<128x128xf32, #tpu.memory_space<vmem_shared>>
      %dma_start3A_137 = arith.constant 0 : i32
      %dma_start3A_138 = tpu.memref_slice %arg12[%add3A_21, %dma_start3A_137] : memref<10240x128xf32, #tpu.memory_space<vmem_shared>> -> memref<128x128xf32, #tpu.memory_space<vmem_shared>>
      tpu.enqueue_dma source(%arg10 : memref<128x128xf32, #tpu.memory_space<vmem>>) target(%dma_start3A_138 : memref<128x128xf32, #tpu.memory_space<vmem_shared>>) target_semaphore(%run_scoped3A : memref<!tpu.dma_semaphore, #tpu.memory_space<semaphore_mem>>)
      %dma_wait3A_139 = arith.constant 0 : i32
      %dma_wait3A_140 = tpu.memref_slice %arg12[%add3A_21, %dma_wait3A_139] : memref<10240x128xf32, #tpu.memory_space<vmem_shared>> -> memref<128x128xf32, #tpu.memory_space<vmem_shared>>
      %dma_wait3A_141 = arith.constant 0 : i32
      %dma_wait3A_142 = tpu.memref_slice %arg12[%add3A_21, %dma_wait3A_141] : memref<10240x128xf32, #tpu.memory_space<vmem_shared>> -> memref<128x128xf32, #tpu.memory_space<vmem_shared>>
      tpu.wait_dma2 semaphore(%run_scoped3A : memref<!tpu.dma_semaphore, #tpu.memory_space<semaphore_mem>>) src(%arg10 : memref<128x128xf32, #tpu.memory_space<vmem>>) dst(%dma_wait3A_142 : memref<128x128xf32, #tpu.memory_space<vmem_shared>>)
      tpu.yield
    }) : () -> ()
    %mul3A_22 = arith.constant 640 : i32
    %mul3A_23 = arith.muli %arg1, %mul3A_22 : i32
    %add3A_24 = arith.constant 512 : i32
    %add3A_25 = arith.addi %mul3A_23, %add3A_24 : i32
    "tpu.region"() ({
      %run_scoped3A = tpu.sem_alloc : memref<!tpu.dma_semaphore, #tpu.memory_space<semaphore_mem>>
      %dma_start3A_135 = arith.constant 0 : i32
      %dma_start3A_136 = tpu.memref_slice %arg12[%add3A_25, %dma_start3A_135] : memref<10240x128xf32, #tpu.memory_space<vmem_shared>> -> memref<128x128xf32, #tpu.memory_space<vmem_shared>>
      %dma_start3A_137 = arith.constant 0 : i32
      %dma_start3A_138 = tpu.memref_slice %arg12[%add3A_25, %dma_start3A_137] : memref<10240x128xf32, #tpu.memory_space<vmem_shared>> -> memref<128x128xf32, #tpu.memory_space<vmem_shared>>
      tpu.enqueue_dma source(%arg10 : memref<128x128xf32, #tpu.memory_space<vmem>>) target(%dma_start3A_138 : memref<128x128xf32, #tpu.memory_space<vmem_shared>>) target_semaphore(%run_scoped3A : memref<!tpu.dma_semaphore, #tpu.memory_space<semaphore_mem>>)
      %dma_wait3A_139 = arith.constant 0 : i32
      %dma_wait3A_140 = tpu.memref_slice %arg12[%add3A_25, %dma_wait3A_139] : memref<10240x128xf32, #tpu.memory_space<vmem_shared>> -> memref<128x128xf32, #tpu.memory_space<vmem_shared>>
      %dma_wait3A_141 = arith.constant 0 : i32
      %dma_wait3A_142 = tpu.memref_slice %arg12[%add3A_25, %dma_wait3A_141] : memref<10240x128xf32, #tpu.memory_space<vmem_shared>> -> memref<128x128xf32, #tpu.memory_space<vmem_shared>>
      tpu.wait_dma2 semaphore(%run_scoped3A : memref<!tpu.dma_semaphore, #tpu.memory_space<semaphore_mem>>) src(%arg10 : memref<128x128xf32, #tpu.memory_space<vmem>>) dst(%dma_wait3A_142 : memref<128x128xf32, #tpu.memory_space<vmem_shared>>)
      tpu.yield
    }) : () -> ()
    %barrier3A = arith.constant 0 : index
    tpu.barrier barrier_id(%barrier3A)
    %dma_start3A = arith.constant 0 : i32
    %dma_start3A_26 = arith.constant 0 : i32
    %dma_start3A_27 = arith.constant 0 : i32
    %dma_start3A_28 = tpu.memref_slice %arg3[%add3A, %dma_start3A, %dma_start3A_26, %dma_start3A_27] : memref<32x10x8x128xi32, #tpu.memory_space<hbm>> -> memref<1x1x8x128xi32, #tpu.memory_space<hbm>>
    %dma_start3A_29 = tpu.memref_squeeze %dma_start3A_28 : memref<1x1x8x128xi32, #tpu.memory_space<hbm>> -> memref<8x128xi32, #tpu.memory_space<hbm>>
    %dma_start3A_30 = arith.constant 0 : i32
    %dma_start3A_31 = arith.constant 0 : i32
    %dma_start3A_32 = tpu.memref_slice %arg3[%add3A, %dma_start3A, %dma_start3A_30, %dma_start3A_31] : memref<32x10x8x128xi32, #tpu.memory_space<hbm>> -> memref<1x1x8x128xi32, #tpu.memory_space<hbm>>
    %dma_start3A_33 = tpu.memref_squeeze %dma_start3A_32 : memref<1x1x8x128xi32, #tpu.memory_space<hbm>> -> memref<8x128xi32, #tpu.memory_space<hbm>>
    tpu.enqueue_dma source(%dma_start3A_33 : memref<8x128xi32, #tpu.memory_space<hbm>>) target(%arg6 : memref<8x128xi32, #tpu.memory_space<vmem>>) target_semaphore(%arg13 : memref<!tpu.dma_semaphore, #tpu.memory_space<semaphore_mem>>)
    %dma_start3A_34 = arith.constant 0 : i32
    %dma_start3A_35 = arith.constant 0 : i32
    %dma_start3A_36 = arith.constant 0 : i32
    %dma_start3A_37 = tpu.memref_slice %arg4[%add3A, %dma_start3A_34, %dma_start3A_35, %dma_start3A_36] : memref<32x10x8x128xi32, #tpu.memory_space<hbm>> -> memref<1x1x8x128xi32, #tpu.memory_space<hbm>>
    %dma_start3A_38 = tpu.memref_squeeze %dma_start3A_37 : memref<1x1x8x128xi32, #tpu.memory_space<hbm>> -> memref<8x128xi32, #tpu.memory_space<hbm>>
    %dma_start3A_39 = arith.constant 0 : i32
    %dma_start3A_40 = arith.constant 0 : i32
    %dma_start3A_41 = tpu.memref_slice %arg4[%add3A, %dma_start3A_34, %dma_start3A_39, %dma_start3A_40] : memref<32x10x8x128xi32, #tpu.memory_space<hbm>> -> memref<1x1x8x128xi32, #tpu.memory_space<hbm>>
    %dma_start3A_42 = tpu.memref_squeeze %dma_start3A_41 : memref<1x1x8x128xi32, #tpu.memory_space<hbm>> -> memref<8x128xi32, #tpu.memory_space<hbm>>
    tpu.enqueue_dma source(%dma_start3A_42 : memref<8x128xi32, #tpu.memory_space<hbm>>) target(%arg8 : memref<8x128xi32, #tpu.memory_space<vmem>>) target_semaphore(%arg15 : memref<!tpu.dma_semaphore, #tpu.memory_space<semaphore_mem>>)
    %dma_start3A_43 = arith.constant 1 : i32
    %dma_start3A_44 = arith.constant 0 : i32
    %dma_start3A_45 = arith.constant 0 : i32
    %dma_start3A_46 = tpu.memref_slice %arg3[%add3A, %dma_start3A_43, %dma_start3A_44, %dma_start3A_45] : memref<32x10x8x128xi32, #tpu.memory_space<hbm>> -> memref<1x1x8x128xi32, #tpu.memory_space<hbm>>
    %dma_start3A_47 = tpu.memref_squeeze %dma_start3A_46 : memref<1x1x8x128xi32, #tpu.memory_space<hbm>> -> memref<8x128xi32, #tpu.memory_space<hbm>>
    %dma_start3A_48 = arith.constant 0 : i32
    %dma_start3A_49 = arith.constant 0 : i32
    %dma_start3A_50 = tpu.memref_slice %arg3[%add3A, %dma_start3A_43, %dma_start3A_48, %dma_start3A_49] : memref<32x10x8x128xi32, #tpu.memory_space<hbm>> -> memref<1x1x8x128xi32, #tpu.memory_space<hbm>>
    %dma_start3A_51 = tpu.memref_squeeze %dma_start3A_50 : memref<1x1x8x128xi32, #tpu.memory_space<hbm>> -> memref<8x128xi32, #tpu.memory_space<hbm>>
    tpu.enqueue_dma source(%dma_start3A_51 : memref<8x128xi32, #tpu.memory_space<hbm>>) target(%arg7 : memref<8x128xi32, #tpu.memory_space<vmem>>) target_semaphore(%arg14 : memref<!tpu.dma_semaphore, #tpu.memory_space<semaphore_mem>>)
    %dma_start3A_52 = arith.constant 1 : i32
    %dma_start3A_53 = arith.constant 0 : i32
    %dma_start3A_54 = arith.constant 0 : i32
    %dma_start3A_55 = tpu.memref_slice %arg4[%add3A, %dma_start3A_52, %dma_start3A_53, %dma_start3A_54] : memref<32x10x8x128xi32, #tpu.memory_space<hbm>> -> memref<1x1x8x128xi32, #tpu.memory_space<hbm>>
    %dma_start3A_56 = tpu.memref_squeeze %dma_start3A_55 : memref<1x1x8x128xi32, #tpu.memory_space<hbm>> -> memref<8x128xi32, #tpu.memory_space<hbm>>
    %dma_start3A_57 = arith.constant 0 : i32
    %dma_start3A_58 = arith.constant 0 : i32
    %dma_start3A_59 = tpu.memref_slice %arg4[%add3A, %dma_start3A_52, %dma_start3A_57, %dma_start3A_58] : memref<32x10x8x128xi32, #tpu.memory_space<hbm>> -> memref<1x1x8x128xi32, #tpu.memory_space<hbm>>
    %dma_start3A_60 = tpu.memref_squeeze %dma_start3A_59 : memref<1x1x8x128xi32, #tpu.memory_space<hbm>> -> memref<8x128xi32, #tpu.memory_space<hbm>>
    tpu.enqueue_dma source(%dma_start3A_60 : memref<8x128xi32, #tpu.memory_space<hbm>>) target(%arg9 : memref<8x128xi32, #tpu.memory_space<vmem>>) target_semaphore(%arg16 : memref<!tpu.dma_semaphore, #tpu.memory_space<semaphore_mem>>)
    %dma_wait3A = arith.constant 0 : i32
    %dma_wait3A_61 = arith.constant 0 : i32
    %dma_wait3A_62 = arith.constant 0 : i32
    %dma_wait3A_63 = tpu.memref_slice %arg3[%add3A, %dma_wait3A, %dma_wait3A_61, %dma_wait3A_62] : memref<32x10x8x128xi32, #tpu.memory_space<hbm>> -> memref<1x1x8x128xi32, #tpu.memory_space<hbm>>
    %dma_wait3A_64 = tpu.memref_squeeze %dma_wait3A_63 : memref<1x1x8x128xi32, #tpu.memory_space<hbm>> -> memref<8x128xi32, #tpu.memory_space<hbm>>
    %dma_wait3A_65 = arith.constant 0 : i32
    %dma_wait3A_66 = arith.constant 0 : i32
    %dma_wait3A_67 = tpu.memref_slice %arg3[%add3A, %dma_wait3A, %dma_wait3A_65, %dma_wait3A_66] : memref<32x10x8x128xi32, #tpu.memory_space<hbm>> -> memref<1x1x8x128xi32, #tpu.memory_space<hbm>>
    %dma_wait3A_68 = tpu.memref_squeeze %dma_wait3A_67 : memref<1x1x8x128xi32, #tpu.memory_space<hbm>> -> memref<8x128xi32, #tpu.memory_space<hbm>>
    tpu.wait_dma2 semaphore(%arg13 : memref<!tpu.dma_semaphore, #tpu.memory_space<semaphore_mem>>) src(%dma_wait3A_68 : memref<8x128xi32, #tpu.memory_space<hbm>>) dst(%arg6 : memref<8x128xi32, #tpu.memory_space<vmem>>)
    %dma_start3A_69 = arith.constant 0 : i32
    %dma_start3A_70 = arith.constant 0 : i32
    %dma_start3A_71 = tpu.memref_slice %arg6[%dma_start3A_69, %dma_start3A_70] : memref<8x128xi32, #tpu.memory_space<vmem>> -> memref<1x128xi32, #tpu.memory_space<vmem>>
    %dma_start3A_72 = tpu.memref_squeeze %dma_start3A_71 : memref<1x128xi32, #tpu.memory_space<vmem>> -> memref<128xi32, #tpu.memory_space<vmem>>
    %dma_start3A_73 = arith.constant 0 : i32
    %dma_start3A_74 = arith.constant 0 : i32
    %dma_start3A_75 = tpu.memref_slice %arg2[%dma_start3A_73, %dma_start3A_74] : memref<10000x128xf32, #tpu.memory_space<hbm>> -> memref<10000x128xf32, #tpu.memory_space<hbm>>
    tpu.enqueue_indirect_dma source(%dma_start3A_75 : memref<10000x128xf32, #tpu.memory_space<hbm>>) target(%arg10 : memref<128x128xf32, #tpu.memory_space<vmem>>) offsets(%dma_start3A_72 : memref<128xi32, #tpu.memory_space<vmem>>) semaphore(%arg17 : memref<!tpu.dma_semaphore, #tpu.memory_space<semaphore_mem>>)
    %dma_start3A_76 = arith.constant 1 : i32
    %dma_start3A_77 = arith.constant 0 : i32
    %dma_start3A_78 = tpu.memref_slice %arg6[%dma_start3A_76, %dma_start3A_77] : memref<8x128xi32, #tpu.memory_space<vmem>> -> memref<1x128xi32, #tpu.memory_space<vmem>>
    %dma_start3A_79 = tpu.memref_squeeze %dma_start3A_78 : memref<1x128xi32, #tpu.memory_space<vmem>> -> memref<128xi32, #tpu.memory_space<vmem>>
    %dma_start3A_80 = arith.constant 0 : i32
    %dma_start3A_81 = arith.constant 0 : i32
    %dma_start3A_82 = tpu.memref_slice %arg2[%dma_start3A_80, %dma_start3A_81] : memref<10000x128xf32, #tpu.memory_space<hbm>> -> memref<10000x128xf32, #tpu.memory_space<hbm>>
    tpu.enqueue_indirect_dma source(%dma_start3A_82 : memref<10000x128xf32, #tpu.memory_space<hbm>>) target(%arg11 : memref<128x128xf32, #tpu.memory_space<vmem>>) offsets(%dma_start3A_79 : memref<128xi32, #tpu.memory_space<vmem>>) semaphore(%arg18 : memref<!tpu.dma_semaphore, #tpu.memory_space<semaphore_mem>>)
    %dma_wait3A_83 = arith.constant 0 : i32
    %dma_wait3A_84 = arith.constant 0 : i32
    %dma_wait3A_85 = arith.constant 0 : i32
    %dma_wait3A_86 = tpu.memref_slice %arg4[%add3A, %dma_wait3A_83, %dma_wait3A_84, %dma_wait3A_85] : memref<32x10x8x128xi32, #tpu.memory_space<hbm>> -> memref<1x1x8x128xi32, #tpu.memory_space<hbm>>
    %dma_wait3A_87 = tpu.memref_squeeze %dma_wait3A_86 : memref<1x1x8x128xi32, #tpu.memory_space<hbm>> -> memref<8x128xi32, #tpu.memory_space<hbm>>
    %dma_wait3A_88 = arith.constant 0 : i32
    %dma_wait3A_89 = arith.constant 0 : i32
    %dma_wait3A_90 = tpu.memref_slice %arg4[%add3A, %dma_wait3A_83, %dma_wait3A_88, %dma_wait3A_89] : memref<32x10x8x128xi32, #tpu.memory_space<hbm>> -> memref<1x1x8x128xi32, #tpu.memory_space<hbm>>
    %dma_wait3A_91 = tpu.memref_squeeze %dma_wait3A_90 : memref<1x1x8x128xi32, #tpu.memory_space<hbm>> -> memref<8x128xi32, #tpu.memory_space<hbm>>
    tpu.wait_dma2 semaphore(%arg15 : memref<!tpu.dma_semaphore, #tpu.memory_space<semaphore_mem>>) src(%dma_wait3A_91 : memref<8x128xi32, #tpu.memory_space<hbm>>) dst(%arg8 : memref<8x128xi32, #tpu.memory_space<vmem>>)
    %scan3A_92 = arith.constant 0 : i32
    %scan3A_93 = arith.constant 0 : i32
    %scan3A_94 = arith.constant 5 : i32
    %scan3A_95 = arith.addi %scan3A_93, %scan3A_94 : i32
    %scan3A_96 = arith.constant 1 : i32
    scf.for %scan3A_135 = %scan3A_93 to %scan3A_95 step %scan3A_96  : i32 {
      %mul3A_136 = arith.constant 2 : i32
      %mul3A_137 = arith.muli %mul3A_136, %scan3A_135 : i32
      %add3A_138 = arith.constant 2 : i32
      %add3A_139 = arith.addi %mul3A_137, %add3A_138 : i32
      %min3A = arith.constant 9 : i32
      %min3A_140 = arith.minsi %add3A_139, %min3A : i32
      %mul3A_141 = arith.constant 2 : i32
      %mul3A_142 = arith.muli %mul3A_141, %scan3A_135 : i32
      %add3A_143 = arith.constant 3 : i32
      %add3A_144 = arith.addi %mul3A_142, %add3A_143 : i32
      %min3A_145 = arith.constant 9 : i32
      %min3A_146 = arith.minsi %add3A_144, %min3A_145 : i32
      %dma_wait3A_147 = arith.constant 0 : i32
      %dma_wait3A_148 = arith.constant 0 : i32
      %dma_wait3A_149 = tpu.memref_slice %arg6[%dma_wait3A_147, %dma_wait3A_148] : memref<8x128xi32, #tpu.memory_space<vmem>> -> memref<1x128xi32, #tpu.memory_space<vmem>>
      %dma_wait3A_150 = tpu.memref_squeeze %dma_wait3A_149 : memref<1x128xi32, #tpu.memory_space<vmem>> -> memref<128xi32, #tpu.memory_space<vmem>>
      %dma_wait3A_151 = arith.constant 0 : i32
      %dma_wait3A_152 = arith.constant 0 : i32
      %dma_wait3A_153 = tpu.memref_slice %arg2[%dma_wait3A_151, %dma_wait3A_152] : memref<10000x128xf32, #tpu.memory_space<hbm>> -> memref<10000x128xf32, #tpu.memory_space<hbm>>
      tpu.wait_indirect_dma semaphore(%arg17 : memref<!tpu.dma_semaphore, #tpu.memory_space<semaphore_mem>>) src(%dma_wait3A_153 : memref<10000x128xf32, #tpu.memory_space<hbm>>) dst(%arg10 : memref<128x128xf32, #tpu.memory_space<vmem>>)
      %run_scoped3A = arith.constant 0 : i32
      "tpu.region"() ({
        %run_scoped3A_454 = tpu.sem_alloc : memref<!tpu.dma_semaphore, #tpu.memory_space<semaphore_mem>>
        %dma_start3A_455 = arith.constant 0 : i32
        %dma_start3A_456 = tpu.memref_slice %arg8[%run_scoped3A, %dma_start3A_455] : memref<8x128xi32, #tpu.memory_space<vmem>> -> memref<1x128xi32, #tpu.memory_space<vmem>>
        %dma_start3A_457 = tpu.memref_squeeze %dma_start3A_456 : memref<1x128xi32, #tpu.memory_space<vmem>> -> memref<128xi32, #tpu.memory_space<vmem>>
        %dma_start3A_458 = arith.constant 0 : i32
        %dma_start3A_459 = arith.constant 0 : i32
        %dma_start3A_460 = tpu.memref_slice %arg12[%dma_start3A_458, %dma_start3A_459] : memref<10240x128xf32, #tpu.memory_space<vmem_shared>> -> memref<10240x128xf32, #tpu.memory_space<vmem_shared>>
        tpu.enqueue_indirect_dma source(%arg10 : memref<128x128xf32, #tpu.memory_space<vmem>>) target(%dma_start3A_460 : memref<10240x128xf32, #tpu.memory_space<vmem_shared>>) offsets(%dma_start3A_457 : memref<128xi32, #tpu.memory_space<vmem>>) semaphore(%run_scoped3A_454 : memref<!tpu.dma_semaphore, #tpu.memory_space<semaphore_mem>>) {add = true}
        %dma_wait3A_461 = arith.constant 0 : i32
        %dma_wait3A_462 = tpu.memref_slice %arg8[%run_scoped3A, %dma_wait3A_461] : memref<8x128xi32, #tpu.memory_space<vmem>> -> memref<1x128xi32, #tpu.memory_space<vmem>>
        %dma_wait3A_463 = tpu.memref_squeeze %dma_wait3A_462 : memref<1x128xi32, #tpu.memory_space<vmem>> -> memref<128xi32, #tpu.memory_space<vmem>>
        %dma_wait3A_464 = arith.constant 0 : i32
        %dma_wait3A_465 = arith.constant 0 : i32
        %dma_wait3A_466 = tpu.memref_slice %arg12[%dma_wait3A_464, %dma_wait3A_465] : memref<10240x128xf32, #tpu.memory_space<vmem_shared>> -> memref<10240x128xf32, #tpu.memory_space<vmem_shared>>
        tpu.wait_indirect_dma semaphore(%run_scoped3A_454 : memref<!tpu.dma_semaphore, #tpu.memory_space<semaphore_mem>>) src(%arg10 : memref<128x128xf32, #tpu.memory_space<vmem>>) dst(%dma_wait3A_466 : memref<10240x128xf32, #tpu.memory_space<vmem_shared>>)
        tpu.yield
      }) : () -> ()
      %dma_start3A_154 = arith.constant 2 : i32
      %dma_start3A_155 = arith.constant 0 : i32
      %dma_start3A_156 = tpu.memref_slice %arg6[%dma_start3A_154, %dma_start3A_155] : memref<8x128xi32, #tpu.memory_space<vmem>> -> memref<1x128xi32, #tpu.memory_space<vmem>>
      %dma_start3A_157 = tpu.memref_squeeze %dma_start3A_156 : memref<1x128xi32, #tpu.memory_space<vmem>> -> memref<128xi32, #tpu.memory_space<vmem>>
      %dma_start3A_158 = arith.constant 0 : i32
      %dma_start3A_159 = arith.constant 0 : i32
      %dma_start3A_160 = tpu.memref_slice %arg2[%dma_start3A_158, %dma_start3A_159] : memref<10000x128xf32, #tpu.memory_space<hbm>> -> memref<10000x128xf32, #tpu.memory_space<hbm>>
      tpu.enqueue_indirect_dma source(%dma_start3A_160 : memref<10000x128xf32, #tpu.memory_space<hbm>>) target(%arg10 : memref<128x128xf32, #tpu.memory_space<vmem>>) offsets(%dma_start3A_157 : memref<128xi32, #tpu.memory_space<vmem>>) semaphore(%arg17 : memref<!tpu.dma_semaphore, #tpu.memory_space<semaphore_mem>>)
      %dma_wait3A_161 = arith.constant 1 : i32
      %dma_wait3A_162 = arith.constant 0 : i32
      %dma_wait3A_163 = tpu.memref_slice %arg6[%dma_wait3A_161, %dma_wait3A_162] : memref<8x128xi32, #tpu.memory_space<vmem>> -> memref<1x128xi32, #tpu.memory_space<vmem>>
      %dma_wait3A_164 = tpu.memref_squeeze %dma_wait3A_163 : memref<1x128xi32, #tpu.memory_space<vmem>> -> memref<128xi32, #tpu.memory_space<vmem>>
      %dma_wait3A_165 = arith.constant 0 : i32
      %dma_wait3A_166 = arith.constant 0 : i32
      %dma_wait3A_167 = tpu.memref_slice %arg2[%dma_wait3A_165, %dma_wait3A_166] : memref<10000x128xf32, #tpu.memory_space<hbm>> -> memref<10000x128xf32, #tpu.memory_space<hbm>>
      tpu.wait_indirect_dma semaphore(%arg18 : memref<!tpu.dma_semaphore, #tpu.memory_space<semaphore_mem>>) src(%dma_wait3A_167 : memref<10000x128xf32, #tpu.memory_space<hbm>>) dst(%arg11 : memref<128x128xf32, #tpu.memory_space<vmem>>)
      %run_scoped3A_168 = arith.constant 1 : i32
      "tpu.region"() ({
        %run_scoped3A_454 = tpu.sem_alloc : memref<!tpu.dma_semaphore, #tpu.memory_space<semaphore_mem>>
        %dma_start3A_455 = arith.constant 0 : i32
        %dma_start3A_456 = tpu.memref_slice %arg8[%run_scoped3A_168, %dma_start3A_455] : memref<8x128xi32, #tpu.memory_space<vmem>> -> memref<1x128xi32, #tpu.memory_space<vmem>>
        %dma_start3A_457 = tpu.memref_squeeze %dma_start3A_456 : memref<1x128xi32, #tpu.memory_space<vmem>> -> memref<128xi32, #tpu.memory_space<vmem>>
        %dma_start3A_458 = arith.constant 0 : i32
        %dma_start3A_459 = arith.constant 0 : i32
        %dma_start3A_460 = tpu.memref_slice %arg12[%dma_start3A_458, %dma_start3A_459] : memref<10240x128xf32, #tpu.memory_space<vmem_shared>> -> memref<10240x128xf32, #tpu.memory_space<vmem_shared>>
        tpu.enqueue_indirect_dma source(%arg11 : memref<128x128xf32, #tpu.memory_space<vmem>>) target(%dma_start3A_460 : memref<10240x128xf32, #tpu.memory_space<vmem_shared>>) offsets(%dma_start3A_457 : memref<128xi32, #tpu.memory_space<vmem>>) semaphore(%run_scoped3A_454 : memref<!tpu.dma_semaphore, #tpu.memory_space<semaphore_mem>>) {add = true}
        %dma_wait3A_461 = arith.constant 0 : i32
        %dma_wait3A_462 = tpu.memref_slice %arg8[%run_scoped3A_168, %dma_wait3A_461] : memref<8x128xi32, #tpu.memory_space<vmem>> -> memref<1x128xi32, #tpu.memory_space<vmem>>
        %dma_wait3A_463 = tpu.memref_squeeze %dma_wait3A_462 : memref<1x128xi32, #tpu.memory_space<vmem>> -> memref<128xi32, #tpu.memory_space<vmem>>
        %dma_wait3A_464 = arith.constant 0 : i32
        %dma_wait3A_465 = arith.constant 0 : i32
        %dma_wait3A_466 = tpu.memref_slice %arg12[%dma_wait3A_464, %dma_wait3A_465] : memref<10240x128xf32, #tpu.memory_space<vmem_shared>> -> memref<10240x128xf32, #tpu.memory_space<vmem_shared>>
        tpu.wait_indirect_dma semaphore(%run_scoped3A_454 : memref<!tpu.dma_semaphore, #tpu.memory_space<semaphore_mem>>) src(%arg11 : memref<128x128xf32, #tpu.memory_space<vmem>>) dst(%dma_wait3A_466 : memref<10240x128xf32, #tpu.memory_space<vmem_shared>>)
        tpu.yield
      }) : () -> ()
      %dma_start3A_169 = arith.constant 3 : i32
      %dma_start3A_170 = arith.constant 0 : i32
      %dma_start3A_171 = tpu.memref_slice %arg6[%dma_start3A_169, %dma_start3A_170] : memref<8x128xi32, #tpu.memory_space<vmem>> -> memref<1x128xi32, #tpu.memory_space<vmem>>
      %dma_start3A_172 = tpu.memref_squeeze %dma_start3A_171 : memref<1x128xi32, #tpu.memory_space<vmem>> -> memref<128xi32, #tpu.memory_space<vmem>>
      %dma_start3A_173 = arith.constant 0 : i32
      %dma_start3A_174 = arith.constant 0 : i32
      %dma_start3A_175 = tpu.memref_slice %arg2[%dma_start3A_173, %dma_start3A_174] : memref<10000x128xf32, #tpu.memory_space<hbm>> -> memref<10000x128xf32, #tpu.memory_space<hbm>>
      tpu.enqueue_indirect_dma source(%dma_start3A_175 : memref<10000x128xf32, #tpu.memory_space<hbm>>) target(%arg11 : memref<128x128xf32, #tpu.memory_space<vmem>>) offsets(%dma_start3A_172 : memref<128xi32, #tpu.memory_space<vmem>>) semaphore(%arg18 : memref<!tpu.dma_semaphore, #tpu.memory_space<semaphore_mem>>)
      %dma_wait3A_176 = arith.constant 2 : i32
      %dma_wait3A_177 = arith.constant 0 : i32
      %dma_wait3A_178 = tpu.memref_slice %arg6[%dma_wait3A_176, %dma_wait3A_177] : memref<8x128xi32, #tpu.memory_space<vmem>> -> memref<1x128xi32, #tpu.memory_space<vmem>>
      %dma_wait3A_179 = tpu.memref_squeeze %dma_wait3A_178 : memref<1x128xi32, #tpu.memory_space<vmem>> -> memref<128xi32, #tpu.memory_space<vmem>>
      %dma_wait3A_180 = arith.constant 0 : i32
      %dma_wait3A_181 = arith.constant 0 : i32
      %dma_wait3A_182 = tpu.memref_slice %arg2[%dma_wait3A_180, %dma_wait3A_181] : memref<10000x128xf32, #tpu.memory_space<hbm>> -> memref<10000x128xf32, #tpu.memory_space<hbm>>
      tpu.wait_indirect_dma semaphore(%arg17 : memref<!tpu.dma_semaphore, #tpu.memory_space<semaphore_mem>>) src(%dma_wait3A_182 : memref<10000x128xf32, #tpu.memory_space<hbm>>) dst(%arg10 : memref<128x128xf32, #tpu.memory_space<vmem>>)
      %run_scoped3A_183 = arith.constant 2 : i32
      "tpu.region"() ({
        %run_scoped3A_454 = tpu.sem_alloc : memref<!tpu.dma_semaphore, #tpu.memory_space<semaphore_mem>>
        %dma_start3A_455 = arith.constant 0 : i32
        %dma_start3A_456 = tpu.memref_slice %arg8[%run_scoped3A_183, %dma_start3A_455] : memref<8x128xi32, #tpu.memory_space<vmem>> -> memref<1x128xi32, #tpu.memory_space<vmem>>
        %dma_start3A_457 = tpu.memref_squeeze %dma_start3A_456 : memref<1x128xi32, #tpu.memory_space<vmem>> -> memref<128xi32, #tpu.memory_space<vmem>>
        %dma_start3A_458 = arith.constant 0 : i32
        %dma_start3A_459 = arith.constant 0 : i32
        %dma_start3A_460 = tpu.memref_slice %arg12[%dma_start3A_458, %dma_start3A_459] : memref<10240x128xf32, #tpu.memory_space<vmem_shared>> -> memref<10240x128xf32, #tpu.memory_space<vmem_shared>>
        tpu.enqueue_indirect_dma source(%arg10 : memref<128x128xf32, #tpu.memory_space<vmem>>) target(%dma_start3A_460 : memref<10240x128xf32, #tpu.memory_space<vmem_shared>>) offsets(%dma_start3A_457 : memref<128xi32, #tpu.memory_space<vmem>>) semaphore(%run_scoped3A_454 : memref<!tpu.dma_semaphore, #tpu.memory_space<semaphore_mem>>) {add = true}
        %dma_wait3A_461 = arith.constant 0 : i32
        %dma_wait3A_462 = tpu.memref_slice %arg8[%run_scoped3A_183, %dma_wait3A_461] : memref<8x128xi32, #tpu.memory_space<vmem>> -> memref<1x128xi32, #tpu.memory_space<vmem>>
        %dma_wait3A_463 = tpu.memref_squeeze %dma_wait3A_462 : memref<1x128xi32, #tpu.memory_space<vmem>> -> memref<128xi32, #tpu.memory_space<vmem>>
        %dma_wait3A_464 = arith.constant 0 : i32
        %dma_wait3A_465 = arith.constant 0 : i32
        %dma_wait3A_466 = tpu.memref_slice %arg12[%dma_wait3A_464, %dma_wait3A_465] : memref<10240x128xf32, #tpu.memory_space<vmem_shared>> -> memref<10240x128xf32, #tpu.memory_space<vmem_shared>>
        tpu.wait_indirect_dma semaphore(%run_scoped3A_454 : memref<!tpu.dma_semaphore, #tpu.memory_space<semaphore_mem>>) src(%arg10 : memref<128x128xf32, #tpu.memory_space<vmem>>) dst(%dma_wait3A_466 : memref<10240x128xf32, #tpu.memory_space<vmem_shared>>)
        tpu.yield
      }) : () -> ()
      %dma_start3A_184 = arith.constant 4 : i32
      %dma_start3A_185 = arith.constant 0 : i32
      %dma_start3A_186 = tpu.memref_slice %arg6[%dma_start3A_184, %dma_start3A_185] : memref<8x128xi32, #tpu.memory_space<vmem>> -> memref<1x128xi32, #tpu.memory_space<vmem>>
      %dma_start3A_187 = tpu.memref_squeeze %dma_start3A_186 : memref<1x128xi32, #tpu.memory_space<vmem>> -> memref<128xi32, #tpu.memory_space<vmem>>
      %dma_start3A_188 = arith.constant 0 : i32
      %dma_start3A_189 = arith.constant 0 : i32
      %dma_start3A_190 = tpu.memref_slice %arg2[%dma_start3A_188, %dma_start3A_189] : memref<10000x128xf32, #tpu.memory_space<hbm>> -> memref<10000x128xf32, #tpu.memory_space<hbm>>
      tpu.enqueue_indirect_dma source(%dma_start3A_190 : memref<10000x128xf32, #tpu.memory_space<hbm>>) target(%arg10 : memref<128x128xf32, #tpu.memory_space<vmem>>) offsets(%dma_start3A_187 : memref<128xi32, #tpu.memory_space<vmem>>) semaphore(%arg17 : memref<!tpu.dma_semaphore, #tpu.memory_space<semaphore_mem>>)
      %dma_wait3A_191 = arith.constant 3 : i32
      %dma_wait3A_192 = arith.constant 0 : i32
      %dma_wait3A_193 = tpu.memref_slice %arg6[%dma_wait3A_191, %dma_wait3A_192] : memref<8x128xi32, #tpu.memory_space<vmem>> -> memref<1x128xi32, #tpu.memory_space<vmem>>
      %dma_wait3A_194 = tpu.memref_squeeze %dma_wait3A_193 : memref<1x128xi32, #tpu.memory_space<vmem>> -> memref<128xi32, #tpu.memory_space<vmem>>
      %dma_wait3A_195 = arith.constant 0 : i32
      %dma_wait3A_196 = arith.constant 0 : i32
      %dma_wait3A_197 = tpu.memref_slice %arg2[%dma_wait3A_195, %dma_wait3A_196] : memref<10000x128xf32, #tpu.memory_space<hbm>> -> memref<10000x128xf32, #tpu.memory_space<hbm>>
      tpu.wait_indirect_dma semaphore(%arg18 : memref<!tpu.dma_semaphore, #tpu.memory_space<semaphore_mem>>) src(%dma_wait3A_197 : memref<10000x128xf32, #tpu.memory_space<hbm>>) dst(%arg11 : memref<128x128xf32, #tpu.memory_space<vmem>>)
      %run_scoped3A_198 = arith.constant 3 : i32
      "tpu.region"() ({
        %run_scoped3A_454 = tpu.sem_alloc : memref<!tpu.dma_semaphore, #tpu.memory_space<semaphore_mem>>
        %dma_start3A_455 = arith.constant 0 : i32
        %dma_start3A_456 = tpu.memref_slice %arg8[%run_scoped3A_198, %dma_start3A_455] : memref<8x128xi32, #tpu.memory_space<vmem>> -> memref<1x128xi32, #tpu.memory_space<vmem>>
        %dma_start3A_457 = tpu.memref_squeeze %dma_start3A_456 : memref<1x128xi32, #tpu.memory_space<vmem>> -> memref<128xi32, #tpu.memory_space<vmem>>
        %dma_start3A_458 = arith.constant 0 : i32
        %dma_start3A_459 = arith.constant 0 : i32
        %dma_start3A_460 = tpu.memref_slice %arg12[%dma_start3A_458, %dma_start3A_459] : memref<10240x128xf32, #tpu.memory_space<vmem_shared>> -> memref<10240x128xf32, #tpu.memory_space<vmem_shared>>
        tpu.enqueue_indirect_dma source(%arg11 : memref<128x128xf32, #tpu.memory_space<vmem>>) target(%dma_start3A_460 : memref<10240x128xf32, #tpu.memory_space<vmem_shared>>) offsets(%dma_start3A_457 : memref<128xi32, #tpu.memory_space<vmem>>) semaphore(%run_scoped3A_454 : memref<!tpu.dma_semaphore, #tpu.memory_space<semaphore_mem>>) {add = true}
        %dma_wait3A_461 = arith.constant 0 : i32
        %dma_wait3A_462 = tpu.memref_slice %arg8[%run_scoped3A_198, %dma_wait3A_461] : memref<8x128xi32, #tpu.memory_space<vmem>> -> memref<1x128xi32, #tpu.memory_space<vmem>>
        %dma_wait3A_463 = tpu.memref_squeeze %dma_wait3A_462 : memref<1x128xi32, #tpu.memory_space<vmem>> -> memref<128xi32, #tpu.memory_space<vmem>>
        %dma_wait3A_464 = arith.constant 0 : i32
        %dma_wait3A_465 = arith.constant 0 : i32
        %dma_wait3A_466 = tpu.memref_slice %arg12[%dma_wait3A_464, %dma_wait3A_465] : memref<10240x128xf32, #tpu.memory_space<vmem_shared>> -> memref<10240x128xf32, #tpu.memory_space<vmem_shared>>
        tpu.wait_indirect_dma semaphore(%run_scoped3A_454 : memref<!tpu.dma_semaphore, #tpu.memory_space<semaphore_mem>>) src(%arg11 : memref<128x128xf32, #tpu.memory_space<vmem>>) dst(%dma_wait3A_466 : memref<10240x128xf32, #tpu.memory_space<vmem_shared>>)
        tpu.yield
      }) : () -> ()
      %dma_start3A_199 = arith.constant 5 : i32
      %dma_start3A_200 = arith.constant 0 : i32
      %dma_start3A_201 = tpu.memref_slice %arg6[%dma_start3A_199, %dma_start3A_200] : memref<8x128xi32, #tpu.memory_space<vmem>> -> memref<1x128xi32, #tpu.memory_space<vmem>>
      %dma_start3A_202 = tpu.memref_squeeze %dma_start3A_201 : memref<1x128xi32, #tpu.memory_space<vmem>> -> memref<128xi32, #tpu.memory_space<vmem>>
      %dma_start3A_203 = arith.constant 0 : i32
      %dma_start3A_204 = arith.constant 0 : i32
      %dma_start3A_205 = tpu.memref_slice %arg2[%dma_start3A_203, %dma_start3A_204] : memref<10000x128xf32, #tpu.memory_space<hbm>> -> memref<10000x128xf32, #tpu.memory_space<hbm>>
      tpu.enqueue_indirect_dma source(%dma_start3A_205 : memref<10000x128xf32, #tpu.memory_space<hbm>>) target(%arg11 : memref<128x128xf32, #tpu.memory_space<vmem>>) offsets(%dma_start3A_202 : memref<128xi32, #tpu.memory_space<vmem>>) semaphore(%arg18 : memref<!tpu.dma_semaphore, #tpu.memory_space<semaphore_mem>>)
      %dma_wait3A_206 = arith.constant 4 : i32
      %dma_wait3A_207 = arith.constant 0 : i32
      %dma_wait3A_208 = tpu.memref_slice %arg6[%dma_wait3A_206, %dma_wait3A_207] : memref<8x128xi32, #tpu.memory_space<vmem>> -> memref<1x128xi32, #tpu.memory_space<vmem>>
      %dma_wait3A_209 = tpu.memref_squeeze %dma_wait3A_208 : memref<1x128xi32, #tpu.memory_space<vmem>> -> memref<128xi32, #tpu.memory_space<vmem>>
      %dma_wait3A_210 = arith.constant 0 : i32
      %dma_wait3A_211 = arith.constant 0 : i32
      %dma_wait3A_212 = tpu.memref_slice %arg2[%dma_wait3A_210, %dma_wait3A_211] : memref<10000x128xf32, #tpu.memory_space<hbm>> -> memref<10000x128xf32, #tpu.memory_space<hbm>>
      tpu.wait_indirect_dma semaphore(%arg17 : memref<!tpu.dma_semaphore, #tpu.memory_space<semaphore_mem>>) src(%dma_wait3A_212 : memref<10000x128xf32, #tpu.memory_space<hbm>>) dst(%arg10 : memref<128x128xf32, #tpu.memory_space<vmem>>)
      %run_scoped3A_213 = arith.constant 4 : i32
      "tpu.region"() ({
        %run_scoped3A_454 = tpu.sem_alloc : memref<!tpu.dma_semaphore, #tpu.memory_space<semaphore_mem>>
        %dma_start3A_455 = arith.constant 0 : i32
        %dma_start3A_456 = tpu.memref_slice %arg8[%run_scoped3A_213, %dma_start3A_455] : memref<8x128xi32, #tpu.memory_space<vmem>> -> memref<1x128xi32, #tpu.memory_space<vmem>>
        %dma_start3A_457 = tpu.memref_squeeze %dma_start3A_456 : memref<1x128xi32, #tpu.memory_space<vmem>> -> memref<128xi32, #tpu.memory_space<vmem>>
        %dma_start3A_458 = arith.constant 0 : i32
        %dma_start3A_459 = arith.constant 0 : i32
        %dma_start3A_460 = tpu.memref_slice %arg12[%dma_start3A_458, %dma_start3A_459] : memref<10240x128xf32, #tpu.memory_space<vmem_shared>> -> memref<10240x128xf32, #tpu.memory_space<vmem_shared>>
        tpu.enqueue_indirect_dma source(%arg10 : memref<128x128xf32, #tpu.memory_space<vmem>>) target(%dma_start3A_460 : memref<10240x128xf32, #tpu.memory_space<vmem_shared>>) offsets(%dma_start3A_457 : memref<128xi32, #tpu.memory_space<vmem>>) semaphore(%run_scoped3A_454 : memref<!tpu.dma_semaphore, #tpu.memory_space<semaphore_mem>>) {add = true}
        %dma_wait3A_461 = arith.constant 0 : i32
        %dma_wait3A_462 = tpu.memref_slice %arg8[%run_scoped3A_213, %dma_wait3A_461] : memref<8x128xi32, #tpu.memory_space<vmem>> -> memref<1x128xi32, #tpu.memory_space<vmem>>
        %dma_wait3A_463 = tpu.memref_squeeze %dma_wait3A_462 : memref<1x128xi32, #tpu.memory_space<vmem>> -> memref<128xi32, #tpu.memory_space<vmem>>
        %dma_wait3A_464 = arith.constant 0 : i32
        %dma_wait3A_465 = arith.constant 0 : i32
        %dma_wait3A_466 = tpu.memref_slice %arg12[%dma_wait3A_464, %dma_wait3A_465] : memref<10240x128xf32, #tpu.memory_space<vmem_shared>> -> memref<10240x128xf32, #tpu.memory_space<vmem_shared>>
        tpu.wait_indirect_dma semaphore(%run_scoped3A_454 : memref<!tpu.dma_semaphore, #tpu.memory_space<semaphore_mem>>) src(%arg10 : memref<128x128xf32, #tpu.memory_space<vmem>>) dst(%dma_wait3A_466 : memref<10240x128xf32, #tpu.memory_space<vmem_shared>>)
        tpu.yield
      }) : () -> ()
      %dma_start3A_214 = arith.constant 6 : i32
      %dma_start3A_215 = arith.constant 0 : i32
      %dma_start3A_216 = tpu.memref_slice %arg6[%dma_start3A_214, %dma_start3A_215] : memref<8x128xi32, #tpu.memory_space<vmem>> -> memref<1x128xi32, #tpu.memory_space<vmem>>
      %dma_start3A_217 = tpu.memref_squeeze %dma_start3A_216 : memref<1x128xi32, #tpu.memory_space<vmem>> -> memref<128xi32, #tpu.memory_space<vmem>>
      %dma_start3A_218 = arith.constant 0 : i32
      %dma_start3A_219 = arith.constant 0 : i32
      %dma_start3A_220 = tpu.memref_slice %arg2[%dma_start3A_218, %dma_start3A_219] : memref<10000x128xf32, #tpu.memory_space<hbm>> -> memref<10000x128xf32, #tpu.memory_space<hbm>>
      tpu.enqueue_indirect_dma source(%dma_start3A_220 : memref<10000x128xf32, #tpu.memory_space<hbm>>) target(%arg10 : memref<128x128xf32, #tpu.memory_space<vmem>>) offsets(%dma_start3A_217 : memref<128xi32, #tpu.memory_space<vmem>>) semaphore(%arg17 : memref<!tpu.dma_semaphore, #tpu.memory_space<semaphore_mem>>)
      %dma_wait3A_221 = arith.constant 5 : i32
      %dma_wait3A_222 = arith.constant 0 : i32
      %dma_wait3A_223 = tpu.memref_slice %arg6[%dma_wait3A_221, %dma_wait3A_222] : memref<8x128xi32, #tpu.memory_space<vmem>> -> memref<1x128xi32, #tpu.memory_space<vmem>>
      %dma_wait3A_224 = tpu.memref_squeeze %dma_wait3A_223 : memref<1x128xi32, #tpu.memory_space<vmem>> -> memref<128xi32, #tpu.memory_space<vmem>>
      %dma_wait3A_225 = arith.constant 0 : i32
      %dma_wait3A_226 = arith.constant 0 : i32
      %dma_wait3A_227 = tpu.memref_slice %arg2[%dma_wait3A_225, %dma_wait3A_226] : memref<10000x128xf32, #tpu.memory_space<hbm>> -> memref<10000x128xf32, #tpu.memory_space<hbm>>
      tpu.wait_indirect_dma semaphore(%arg18 : memref<!tpu.dma_semaphore, #tpu.memory_space<semaphore_mem>>) src(%dma_wait3A_227 : memref<10000x128xf32, #tpu.memory_space<hbm>>) dst(%arg11 : memref<128x128xf32, #tpu.memory_space<vmem>>)
      %run_scoped3A_228 = arith.constant 5 : i32
      "tpu.region"() ({
        %run_scoped3A_454 = tpu.sem_alloc : memref<!tpu.dma_semaphore, #tpu.memory_space<semaphore_mem>>
        %dma_start3A_455 = arith.constant 0 : i32
        %dma_start3A_456 = tpu.memref_slice %arg8[%run_scoped3A_228, %dma_start3A_455] : memref<8x128xi32, #tpu.memory_space<vmem>> -> memref<1x128xi32, #tpu.memory_space<vmem>>
        %dma_start3A_457 = tpu.memref_squeeze %dma_start3A_456 : memref<1x128xi32, #tpu.memory_space<vmem>> -> memref<128xi32, #tpu.memory_space<vmem>>
        %dma_start3A_458 = arith.constant 0 : i32
        %dma_start3A_459 = arith.constant 0 : i32
        %dma_start3A_460 = tpu.memref_slice %arg12[%dma_start3A_458, %dma_start3A_459] : memref<10240x128xf32, #tpu.memory_space<vmem_shared>> -> memref<10240x128xf32, #tpu.memory_space<vmem_shared>>
        tpu.enqueue_indirect_dma source(%arg11 : memref<128x128xf32, #tpu.memory_space<vmem>>) target(%dma_start3A_460 : memref<10240x128xf32, #tpu.memory_space<vmem_shared>>) offsets(%dma_start3A_457 : memref<128xi32, #tpu.memory_space<vmem>>) semaphore(%run_scoped3A_454 : memref<!tpu.dma_semaphore, #tpu.memory_space<semaphore_mem>>) {add = true}
        %dma_wait3A_461 = arith.constant 0 : i32
        %dma_wait3A_462 = tpu.memref_slice %arg8[%run_scoped3A_228, %dma_wait3A_461] : memref<8x128xi32, #tpu.memory_space<vmem>> -> memref<1x128xi32, #tpu.memory_space<vmem>>
        %dma_wait3A_463 = tpu.memref_squeeze %dma_wait3A_462 : memref<1x128xi32, #tpu.memory_space<vmem>> -> memref<128xi32, #tpu.memory_space<vmem>>
        %dma_wait3A_464 = arith.constant 0 : i32
        %dma_wait3A_465 = arith.constant 0 : i32
        %dma_wait3A_466 = tpu.memref_slice %arg12[%dma_wait3A_464, %dma_wait3A_465] : memref<10240x128xf32, #tpu.memory_space<vmem_shared>> -> memref<10240x128xf32, #tpu.memory_space<vmem_shared>>
        tpu.wait_indirect_dma semaphore(%run_scoped3A_454 : memref<!tpu.dma_semaphore, #tpu.memory_space<semaphore_mem>>) src(%arg11 : memref<128x128xf32, #tpu.memory_space<vmem>>) dst(%dma_wait3A_466 : memref<10240x128xf32, #tpu.memory_space<vmem_shared>>)
        tpu.yield
      }) : () -> ()
      %dma_start3A_229 = arith.constant 7 : i32
      %dma_start3A_230 = arith.constant 0 : i32
      %dma_start3A_231 = tpu.memref_slice %arg6[%dma_start3A_229, %dma_start3A_230] : memref<8x128xi32, #tpu.memory_space<vmem>> -> memref<1x128xi32, #tpu.memory_space<vmem>>
      %dma_start3A_232 = tpu.memref_squeeze %dma_start3A_231 : memref<1x128xi32, #tpu.memory_space<vmem>> -> memref<128xi32, #tpu.memory_space<vmem>>
      %dma_start3A_233 = arith.constant 0 : i32
      %dma_start3A_234 = arith.constant 0 : i32
      %dma_start3A_235 = tpu.memref_slice %arg2[%dma_start3A_233, %dma_start3A_234] : memref<10000x128xf32, #tpu.memory_space<hbm>> -> memref<10000x128xf32, #tpu.memory_space<hbm>>
      tpu.enqueue_indirect_dma source(%dma_start3A_235 : memref<10000x128xf32, #tpu.memory_space<hbm>>) target(%arg11 : memref<128x128xf32, #tpu.memory_space<vmem>>) offsets(%dma_start3A_232 : memref<128xi32, #tpu.memory_space<vmem>>) semaphore(%arg18 : memref<!tpu.dma_semaphore, #tpu.memory_space<semaphore_mem>>)
      %dma_wait3A_236 = arith.constant 6 : i32
      %dma_wait3A_237 = arith.constant 0 : i32
      %dma_wait3A_238 = tpu.memref_slice %arg6[%dma_wait3A_236, %dma_wait3A_237] : memref<8x128xi32, #tpu.memory_space<vmem>> -> memref<1x128xi32, #tpu.memory_space<vmem>>
      %dma_wait3A_239 = tpu.memref_squeeze %dma_wait3A_238 : memref<1x128xi32, #tpu.memory_space<vmem>> -> memref<128xi32, #tpu.memory_space<vmem>>
      %dma_wait3A_240 = arith.constant 0 : i32
      %dma_wait3A_241 = arith.constant 0 : i32
      %dma_wait3A_242 = tpu.memref_slice %arg2[%dma_wait3A_240, %dma_wait3A_241] : memref<10000x128xf32, #tpu.memory_space<hbm>> -> memref<10000x128xf32, #tpu.memory_space<hbm>>
      tpu.wait_indirect_dma semaphore(%arg17 : memref<!tpu.dma_semaphore, #tpu.memory_space<semaphore_mem>>) src(%dma_wait3A_242 : memref<10000x128xf32, #tpu.memory_space<hbm>>) dst(%arg10 : memref<128x128xf32, #tpu.memory_space<vmem>>)
      %run_scoped3A_243 = arith.constant 6 : i32
      "tpu.region"() ({
        %run_scoped3A_454 = tpu.sem_alloc : memref<!tpu.dma_semaphore, #tpu.memory_space<semaphore_mem>>
        %dma_start3A_455 = arith.constant 0 : i32
        %dma_start3A_456 = tpu.memref_slice %arg8[%run_scoped3A_243, %dma_start3A_455] : memref<8x128xi32, #tpu.memory_space<vmem>> -> memref<1x128xi32, #tpu.memory_space<vmem>>
        %dma_start3A_457 = tpu.memref_squeeze %dma_start3A_456 : memref<1x128xi32, #tpu.memory_space<vmem>> -> memref<128xi32, #tpu.memory_space<vmem>>
        %dma_start3A_458 = arith.constant 0 : i32
        %dma_start3A_459 = arith.constant 0 : i32
        %dma_start3A_460 = tpu.memref_slice %arg12[%dma_start3A_458, %dma_start3A_459] : memref<10240x128xf32, #tpu.memory_space<vmem_shared>> -> memref<10240x128xf32, #tpu.memory_space<vmem_shared>>
        tpu.enqueue_indirect_dma source(%arg10 : memref<128x128xf32, #tpu.memory_space<vmem>>) target(%dma_start3A_460 : memref<10240x128xf32, #tpu.memory_space<vmem_shared>>) offsets(%dma_start3A_457 : memref<128xi32, #tpu.memory_space<vmem>>) semaphore(%run_scoped3A_454 : memref<!tpu.dma_semaphore, #tpu.memory_space<semaphore_mem>>) {add = true}
        %dma_wait3A_461 = arith.constant 0 : i32
        %dma_wait3A_462 = tpu.memref_slice %arg8[%run_scoped3A_243, %dma_wait3A_461] : memref<8x128xi32, #tpu.memory_space<vmem>> -> memref<1x128xi32, #tpu.memory_space<vmem>>
        %dma_wait3A_463 = tpu.memref_squeeze %dma_wait3A_462 : memref<1x128xi32, #tpu.memory_space<vmem>> -> memref<128xi32, #tpu.memory_space<vmem>>
        %dma_wait3A_464 = arith.constant 0 : i32
        %dma_wait3A_465 = arith.constant 0 : i32
        %dma_wait3A_466 = tpu.memref_slice %arg12[%dma_wait3A_464, %dma_wait3A_465] : memref<10240x128xf32, #tpu.memory_space<vmem_shared>> -> memref<10240x128xf32, #tpu.memory_space<vmem_shared>>
        tpu.wait_indirect_dma semaphore(%run_scoped3A_454 : memref<!tpu.dma_semaphore, #tpu.memory_space<semaphore_mem>>) src(%arg10 : memref<128x128xf32, #tpu.memory_space<vmem>>) dst(%dma_wait3A_466 : memref<10240x128xf32, #tpu.memory_space<vmem_shared>>)
        tpu.yield
      }) : () -> ()
      %dma_wait3A_244 = arith.constant 0 : i32
      %dma_wait3A_245 = arith.constant 0 : i32
      %dma_wait3A_246 = arith.constant 0 : i32
      %dma_wait3A_247 = tpu.memref_slice %arg3[%add3A, %dma_wait3A_244, %dma_wait3A_245, %dma_wait3A_246] : memref<32x10x8x128xi32, #tpu.memory_space<hbm>> -> memref<1x1x8x128xi32, #tpu.memory_space<hbm>>
      %dma_wait3A_248 = tpu.memref_squeeze %dma_wait3A_247 : memref<1x1x8x128xi32, #tpu.memory_space<hbm>> -> memref<8x128xi32, #tpu.memory_space<hbm>>
      %dma_wait3A_249 = arith.constant 0 : i32
      %dma_wait3A_250 = arith.constant 0 : i32
      %dma_wait3A_251 = tpu.memref_slice %arg3[%add3A, %dma_wait3A_244, %dma_wait3A_249, %dma_wait3A_250] : memref<32x10x8x128xi32, #tpu.memory_space<hbm>> -> memref<1x1x8x128xi32, #tpu.memory_space<hbm>>
      %dma_wait3A_252 = tpu.memref_squeeze %dma_wait3A_251 : memref<1x1x8x128xi32, #tpu.memory_space<hbm>> -> memref<8x128xi32, #tpu.memory_space<hbm>>
      tpu.wait_dma2 semaphore(%arg14 : memref<!tpu.dma_semaphore, #tpu.memory_space<semaphore_mem>>) src(%dma_wait3A_252 : memref<8x128xi32, #tpu.memory_space<hbm>>) dst(%arg7 : memref<8x128xi32, #tpu.memory_space<vmem>>)
      %dma_start3A_253 = arith.constant 0 : i32
      %dma_start3A_254 = arith.constant 0 : i32
      %dma_start3A_255 = tpu.memref_slice %arg7[%dma_start3A_253, %dma_start3A_254] : memref<8x128xi32, #tpu.memory_space<vmem>> -> memref<1x128xi32, #tpu.memory_space<vmem>>
      %dma_start3A_256 = tpu.memref_squeeze %dma_start3A_255 : memref<1x128xi32, #tpu.memory_space<vmem>> -> memref<128xi32, #tpu.memory_space<vmem>>
      %dma_start3A_257 = arith.constant 0 : i32
      %dma_start3A_258 = arith.constant 0 : i32
      %dma_start3A_259 = tpu.memref_slice %arg2[%dma_start3A_257, %dma_start3A_258] : memref<10000x128xf32, #tpu.memory_space<hbm>> -> memref<10000x128xf32, #tpu.memory_space<hbm>>
      tpu.enqueue_indirect_dma source(%dma_start3A_259 : memref<10000x128xf32, #tpu.memory_space<hbm>>) target(%arg10 : memref<128x128xf32, #tpu.memory_space<vmem>>) offsets(%dma_start3A_256 : memref<128xi32, #tpu.memory_space<vmem>>) semaphore(%arg17 : memref<!tpu.dma_semaphore, #tpu.memory_space<semaphore_mem>>)
      %dma_wait3A_260 = arith.constant 7 : i32
      %dma_wait3A_261 = arith.constant 0 : i32
      %dma_wait3A_262 = tpu.memref_slice %arg6[%dma_wait3A_260, %dma_wait3A_261] : memref<8x128xi32, #tpu.memory_space<vmem>> -> memref<1x128xi32, #tpu.memory_space<vmem>>
      %dma_wait3A_263 = tpu.memref_squeeze %dma_wait3A_262 : memref<1x128xi32, #tpu.memory_space<vmem>> -> memref<128xi32, #tpu.memory_space<vmem>>
      %dma_wait3A_264 = arith.constant 0 : i32
      %dma_wait3A_265 = arith.constant 0 : i32
      %dma_wait3A_266 = tpu.memref_slice %arg2[%dma_wait3A_264, %dma_wait3A_265] : memref<10000x128xf32, #tpu.memory_space<hbm>> -> memref<10000x128xf32, #tpu.memory_space<hbm>>
      tpu.wait_indirect_dma semaphore(%arg18 : memref<!tpu.dma_semaphore, #tpu.memory_space<semaphore_mem>>) src(%dma_wait3A_266 : memref<10000x128xf32, #tpu.memory_space<hbm>>) dst(%arg11 : memref<128x128xf32, #tpu.memory_space<vmem>>)
      %run_scoped3A_267 = arith.constant 7 : i32
      "tpu.region"() ({
        %run_scoped3A_454 = tpu.sem_alloc : memref<!tpu.dma_semaphore, #tpu.memory_space<semaphore_mem>>
        %dma_start3A_455 = arith.constant 0 : i32
        %dma_start3A_456 = tpu.memref_slice %arg8[%run_scoped3A_267, %dma_start3A_455] : memref<8x128xi32, #tpu.memory_space<vmem>> -> memref<1x128xi32, #tpu.memory_space<vmem>>
        %dma_start3A_457 = tpu.memref_squeeze %dma_start3A_456 : memref<1x128xi32, #tpu.memory_space<vmem>> -> memref<128xi32, #tpu.memory_space<vmem>>
        %dma_start3A_458 = arith.constant 0 : i32
        %dma_start3A_459 = arith.constant 0 : i32
        %dma_start3A_460 = tpu.memref_slice %arg12[%dma_start3A_458, %dma_start3A_459] : memref<10240x128xf32, #tpu.memory_space<vmem_shared>> -> memref<10240x128xf32, #tpu.memory_space<vmem_shared>>
        tpu.enqueue_indirect_dma source(%arg11 : memref<128x128xf32, #tpu.memory_space<vmem>>) target(%dma_start3A_460 : memref<10240x128xf32, #tpu.memory_space<vmem_shared>>) offsets(%dma_start3A_457 : memref<128xi32, #tpu.memory_space<vmem>>) semaphore(%run_scoped3A_454 : memref<!tpu.dma_semaphore, #tpu.memory_space<semaphore_mem>>) {add = true}
        %dma_wait3A_461 = arith.constant 0 : i32
        %dma_wait3A_462 = tpu.memref_slice %arg8[%run_scoped3A_267, %dma_wait3A_461] : memref<8x128xi32, #tpu.memory_space<vmem>> -> memref<1x128xi32, #tpu.memory_space<vmem>>
        %dma_wait3A_463 = tpu.memref_squeeze %dma_wait3A_462 : memref<1x128xi32, #tpu.memory_space<vmem>> -> memref<128xi32, #tpu.memory_space<vmem>>
        %dma_wait3A_464 = arith.constant 0 : i32
        %dma_wait3A_465 = arith.constant 0 : i32
        %dma_wait3A_466 = tpu.memref_slice %arg12[%dma_wait3A_464, %dma_wait3A_465] : memref<10240x128xf32, #tpu.memory_space<vmem_shared>> -> memref<10240x128xf32, #tpu.memory_space<vmem_shared>>
        tpu.wait_indirect_dma semaphore(%run_scoped3A_454 : memref<!tpu.dma_semaphore, #tpu.memory_space<semaphore_mem>>) src(%arg11 : memref<128x128xf32, #tpu.memory_space<vmem>>) dst(%dma_wait3A_466 : memref<10240x128xf32, #tpu.memory_space<vmem_shared>>)
        tpu.yield
      }) : () -> ()
      %dma_start3A_268 = arith.constant 1 : i32
      %dma_start3A_269 = arith.constant 0 : i32
      %dma_start3A_270 = tpu.memref_slice %arg7[%dma_start3A_268, %dma_start3A_269] : memref<8x128xi32, #tpu.memory_space<vmem>> -> memref<1x128xi32, #tpu.memory_space<vmem>>
      %dma_start3A_271 = tpu.memref_squeeze %dma_start3A_270 : memref<1x128xi32, #tpu.memory_space<vmem>> -> memref<128xi32, #tpu.memory_space<vmem>>
      %dma_start3A_272 = arith.constant 0 : i32
      %dma_start3A_273 = arith.constant 0 : i32
      %dma_start3A_274 = tpu.memref_slice %arg2[%dma_start3A_272, %dma_start3A_273] : memref<10000x128xf32, #tpu.memory_space<hbm>> -> memref<10000x128xf32, #tpu.memory_space<hbm>>
      tpu.enqueue_indirect_dma source(%dma_start3A_274 : memref<10000x128xf32, #tpu.memory_space<hbm>>) target(%arg11 : memref<128x128xf32, #tpu.memory_space<vmem>>) offsets(%dma_start3A_271 : memref<128xi32, #tpu.memory_space<vmem>>) semaphore(%arg18 : memref<!tpu.dma_semaphore, #tpu.memory_space<semaphore_mem>>)
      %dma_start3A_275 = arith.constant 0 : i32
      %dma_start3A_276 = arith.constant 0 : i32
      %dma_start3A_277 = tpu.memref_slice %arg3[%add3A, %min3A_140, %dma_start3A_275, %dma_start3A_276] : memref<32x10x8x128xi32, #tpu.memory_space<hbm>> -> memref<1x1x8x128xi32, #tpu.memory_space<hbm>>
      %dma_start3A_278 = tpu.memref_squeeze %dma_start3A_277 : memref<1x1x8x128xi32, #tpu.memory_space<hbm>> -> memref<8x128xi32, #tpu.memory_space<hbm>>
      %dma_start3A_279 = arith.constant 0 : i32
      %dma_start3A_280 = arith.constant 0 : i32
      %dma_start3A_281 = tpu.memref_slice %arg3[%add3A, %min3A_140, %dma_start3A_279, %dma_start3A_280] : memref<32x10x8x128xi32, #tpu.memory_space<hbm>> -> memref<1x1x8x128xi32, #tpu.memory_space<hbm>>
      %dma_start3A_282 = tpu.memref_squeeze %dma_start3A_281 : memref<1x1x8x128xi32, #tpu.memory_space<hbm>> -> memref<8x128xi32, #tpu.memory_space<hbm>>
      tpu.enqueue_dma source(%dma_start3A_282 : memref<8x128xi32, #tpu.memory_space<hbm>>) target(%arg6 : memref<8x128xi32, #tpu.memory_space<vmem>>) target_semaphore(%arg13 : memref<!tpu.dma_semaphore, #tpu.memory_space<semaphore_mem>>)
      %dma_start3A_283 = arith.constant 0 : i32
      %dma_start3A_284 = arith.constant 0 : i32
      %dma_start3A_285 = tpu.memref_slice %arg4[%add3A, %min3A_140, %dma_start3A_283, %dma_start3A_284] : memref<32x10x8x128xi32, #tpu.memory_space<hbm>> -> memref<1x1x8x128xi32, #tpu.memory_space<hbm>>
      %dma_start3A_286 = tpu.memref_squeeze %dma_start3A_285 : memref<1x1x8x128xi32, #tpu.memory_space<hbm>> -> memref<8x128xi32, #tpu.memory_space<hbm>>
      %dma_start3A_287 = arith.constant 0 : i32
      %dma_start3A_288 = arith.constant 0 : i32
      %dma_start3A_289 = tpu.memref_slice %arg4[%add3A, %min3A_140, %dma_start3A_287, %dma_start3A_288] : memref<32x10x8x128xi32, #tpu.memory_space<hbm>> -> memref<1x1x8x128xi32, #tpu.memory_space<hbm>>
      %dma_start3A_290 = tpu.memref_squeeze %dma_start3A_289 : memref<1x1x8x128xi32, #tpu.memory_space<hbm>> -> memref<8x128xi32, #tpu.memory_space<hbm>>
      tpu.enqueue_dma source(%dma_start3A_290 : memref<8x128xi32, #tpu.memory_space<hbm>>) target(%arg8 : memref<8x128xi32, #tpu.memory_space<vmem>>) target_semaphore(%arg15 : memref<!tpu.dma_semaphore, #tpu.memory_space<semaphore_mem>>)
      %dma_wait3A_291 = arith.constant 1 : i32
      %dma_wait3A_292 = arith.constant 0 : i32
      %dma_wait3A_293 = arith.constant 0 : i32
      %dma_wait3A_294 = tpu.memref_slice %arg4[%add3A, %dma_wait3A_291, %dma_wait3A_292, %dma_wait3A_293] : memref<32x10x8x128xi32, #tpu.memory_space<hbm>> -> memref<1x1x8x128xi32, #tpu.memory_space<hbm>>
      %dma_wait3A_295 = tpu.memref_squeeze %dma_wait3A_294 : memref<1x1x8x128xi32, #tpu.memory_space<hbm>> -> memref<8x128xi32, #tpu.memory_space<hbm>>
      %dma_wait3A_296 = arith.constant 0 : i32
      %dma_wait3A_297 = arith.constant 0 : i32
      %dma_wait3A_298 = tpu.memref_slice %arg4[%add3A, %dma_wait3A_291, %dma_wait3A_296, %dma_wait3A_297] : memref<32x10x8x128xi32, #tpu.memory_space<hbm>> -> memref<1x1x8x128xi32, #tpu.memory_space<hbm>>
      %dma_wait3A_299 = tpu.memref_squeeze %dma_wait3A_298 : memref<1x1x8x128xi32, #tpu.memory_space<hbm>> -> memref<8x128xi32, #tpu.memory_space<hbm>>
      tpu.wait_dma2 semaphore(%arg16 : memref<!tpu.dma_semaphore, #tpu.memory_space<semaphore_mem>>) src(%dma_wait3A_299 : memref<8x128xi32, #tpu.memory_space<hbm>>) dst(%arg9 : memref<8x128xi32, #tpu.memory_space<vmem>>)
      %dma_wait3A_300 = arith.constant 0 : i32
      %dma_wait3A_301 = arith.constant 0 : i32
      %dma_wait3A_302 = tpu.memref_slice %arg7[%dma_wait3A_300, %dma_wait3A_301] : memref<8x128xi32, #tpu.memory_space<vmem>> -> memref<1x128xi32, #tpu.memory_space<vmem>>
      %dma_wait3A_303 = tpu.memref_squeeze %dma_wait3A_302 : memref<1x128xi32, #tpu.memory_space<vmem>> -> memref<128xi32, #tpu.memory_space<vmem>>
      %dma_wait3A_304 = arith.constant 0 : i32
      %dma_wait3A_305 = arith.constant 0 : i32
      %dma_wait3A_306 = tpu.memref_slice %arg2[%dma_wait3A_304, %dma_wait3A_305] : memref<10000x128xf32, #tpu.memory_space<hbm>> -> memref<10000x128xf32, #tpu.memory_space<hbm>>
      tpu.wait_indirect_dma semaphore(%arg17 : memref<!tpu.dma_semaphore, #tpu.memory_space<semaphore_mem>>) src(%dma_wait3A_306 : memref<10000x128xf32, #tpu.memory_space<hbm>>) dst(%arg10 : memref<128x128xf32, #tpu.memory_space<vmem>>)
      %run_scoped3A_307 = arith.constant 0 : i32
      "tpu.region"() ({
        %run_scoped3A_454 = tpu.sem_alloc : memref<!tpu.dma_semaphore, #tpu.memory_space<semaphore_mem>>
        %dma_start3A_455 = arith.constant 0 : i32
        %dma_start3A_456 = tpu.memref_slice %arg9[%run_scoped3A_307, %dma_start3A_455] : memref<8x128xi32, #tpu.memory_space<vmem>> -> memref<1x128xi32, #tpu.memory_space<vmem>>
        %dma_start3A_457 = tpu.memref_squeeze %dma_start3A_456 : memref<1x128xi32, #tpu.memory_space<vmem>> -> memref<128xi32, #tpu.memory_space<vmem>>
        %dma_start3A_458 = arith.constant 0 : i32
        %dma_start3A_459 = arith.constant 0 : i32
        %dma_start3A_460 = tpu.memref_slice %arg12[%dma_start3A_458, %dma_start3A_459] : memref<10240x128xf32, #tpu.memory_space<vmem_shared>> -> memref<10240x128xf32, #tpu.memory_space<vmem_shared>>
        tpu.enqueue_indirect_dma source(%arg10 : memref<128x128xf32, #tpu.memory_space<vmem>>) target(%dma_start3A_460 : memref<10240x128xf32, #tpu.memory_space<vmem_shared>>) offsets(%dma_start3A_457 : memref<128xi32, #tpu.memory_space<vmem>>) semaphore(%run_scoped3A_454 : memref<!tpu.dma_semaphore, #tpu.memory_space<semaphore_mem>>) {add = true}
        %dma_wait3A_461 = arith.constant 0 : i32
        %dma_wait3A_462 = tpu.memref_slice %arg9[%run_scoped3A_307, %dma_wait3A_461] : memref<8x128xi32, #tpu.memory_space<vmem>> -> memref<1x128xi32, #tpu.memory_space<vmem>>
        %dma_wait3A_463 = tpu.memref_squeeze %dma_wait3A_462 : memref<1x128xi32, #tpu.memory_space<vmem>> -> memref<128xi32, #tpu.memory_space<vmem>>
        %dma_wait3A_464 = arith.constant 0 : i32
        %dma_wait3A_465 = arith.constant 0 : i32
        %dma_wait3A_466 = tpu.memref_slice %arg12[%dma_wait3A_464, %dma_wait3A_465] : memref<10240x128xf32, #tpu.memory_space<vmem_shared>> -> memref<10240x128xf32, #tpu.memory_space<vmem_shared>>
        tpu.wait_indirect_dma semaphore(%run_scoped3A_454 : memref<!tpu.dma_semaphore, #tpu.memory_space<semaphore_mem>>) src(%arg10 : memref<128x128xf32, #tpu.memory_space<vmem>>) dst(%dma_wait3A_466 : memref<10240x128xf32, #tpu.memory_space<vmem_shared>>)
        tpu.yield
      }) : () -> ()
      %dma_start3A_308 = arith.constant 2 : i32
      %dma_start3A_309 = arith.constant 0 : i32
      %dma_start3A_310 = tpu.memref_slice %arg7[%dma_start3A_308, %dma_start3A_309] : memref<8x128xi32, #tpu.memory_space<vmem>> -> memref<1x128xi32, #tpu.memory_space<vmem>>
      %dma_start3A_311 = tpu.memref_squeeze %dma_start3A_310 : memref<1x128xi32, #tpu.memory_space<vmem>> -> memref<128xi32, #tpu.memory_space<vmem>>
      %dma_start3A_312 = arith.constant 0 : i32
      %dma_start3A_313 = arith.constant 0 : i32
      %dma_start3A_314 = tpu.memref_slice %arg2[%dma_start3A_312, %dma_start3A_313] : memref<10000x128xf32, #tpu.memory_space<hbm>> -> memref<10000x128xf32, #tpu.memory_space<hbm>>
      tpu.enqueue_indirect_dma source(%dma_start3A_314 : memref<10000x128xf32, #tpu.memory_space<hbm>>) target(%arg10 : memref<128x128xf32, #tpu.memory_space<vmem>>) offsets(%dma_start3A_311 : memref<128xi32, #tpu.memory_space<vmem>>) semaphore(%arg17 : memref<!tpu.dma_semaphore, #tpu.memory_space<semaphore_mem>>)
      %dma_wait3A_315 = arith.constant 1 : i32
      %dma_wait3A_316 = arith.constant 0 : i32
      %dma_wait3A_317 = tpu.memref_slice %arg7[%dma_wait3A_315, %dma_wait3A_316] : memref<8x128xi32, #tpu.memory_space<vmem>> -> memref<1x128xi32, #tpu.memory_space<vmem>>
      %dma_wait3A_318 = tpu.memref_squeeze %dma_wait3A_317 : memref<1x128xi32, #tpu.memory_space<vmem>> -> memref<128xi32, #tpu.memory_space<vmem>>
      %dma_wait3A_319 = arith.constant 0 : i32
      %dma_wait3A_320 = arith.constant 0 : i32
      %dma_wait3A_321 = tpu.memref_slice %arg2[%dma_wait3A_319, %dma_wait3A_320] : memref<10000x128xf32, #tpu.memory_space<hbm>> -> memref<10000x128xf32, #tpu.memory_space<hbm>>
      tpu.wait_indirect_dma semaphore(%arg18 : memref<!tpu.dma_semaphore, #tpu.memory_space<semaphore_mem>>) src(%dma_wait3A_321 : memref<10000x128xf32, #tpu.memory_space<hbm>>) dst(%arg11 : memref<128x128xf32, #tpu.memory_space<vmem>>)
      %run_scoped3A_322 = arith.constant 1 : i32
      "tpu.region"() ({
        %run_scoped3A_454 = tpu.sem_alloc : memref<!tpu.dma_semaphore, #tpu.memory_space<semaphore_mem>>
        %dma_start3A_455 = arith.constant 0 : i32
        %dma_start3A_456 = tpu.memref_slice %arg9[%run_scoped3A_322, %dma_start3A_455] : memref<8x128xi32, #tpu.memory_space<vmem>> -> memref<1x128xi32, #tpu.memory_space<vmem>>
        %dma_start3A_457 = tpu.memref_squeeze %dma_start3A_456 : memref<1x128xi32, #tpu.memory_space<vmem>> -> memref<128xi32, #tpu.memory_space<vmem>>
        %dma_start3A_458 = arith.constant 0 : i32
        %dma_start3A_459 = arith.constant 0 : i32
        %dma_start3A_460 = tpu.memref_slice %arg12[%dma_start3A_458, %dma_start3A_459] : memref<10240x128xf32, #tpu.memory_space<vmem_shared>> -> memref<10240x128xf32, #tpu.memory_space<vmem_shared>>
        tpu.enqueue_indirect_dma source(%arg11 : memref<128x128xf32, #tpu.memory_space<vmem>>) target(%dma_start3A_460 : memref<10240x128xf32, #tpu.memory_space<vmem_shared>>) offsets(%dma_start3A_457 : memref<128xi32, #tpu.memory_space<vmem>>) semaphore(%run_scoped3A_454 : memref<!tpu.dma_semaphore, #tpu.memory_space<semaphore_mem>>) {add = true}
        %dma_wait3A_461 = arith.constant 0 : i32
        %dma_wait3A_462 = tpu.memref_slice %arg9[%run_scoped3A_322, %dma_wait3A_461] : memref<8x128xi32, #tpu.memory_space<vmem>> -> memref<1x128xi32, #tpu.memory_space<vmem>>
        %dma_wait3A_463 = tpu.memref_squeeze %dma_wait3A_462 : memref<1x128xi32, #tpu.memory_space<vmem>> -> memref<128xi32, #tpu.memory_space<vmem>>
        %dma_wait3A_464 = arith.constant 0 : i32
        %dma_wait3A_465 = arith.constant 0 : i32
        %dma_wait3A_466 = tpu.memref_slice %arg12[%dma_wait3A_464, %dma_wait3A_465] : memref<10240x128xf32, #tpu.memory_space<vmem_shared>> -> memref<10240x128xf32, #tpu.memory_space<vmem_shared>>
        tpu.wait_indirect_dma semaphore(%run_scoped3A_454 : memref<!tpu.dma_semaphore, #tpu.memory_space<semaphore_mem>>) src(%arg11 : memref<128x128xf32, #tpu.memory_space<vmem>>) dst(%dma_wait3A_466 : memref<10240x128xf32, #tpu.memory_space<vmem_shared>>)
        tpu.yield
      }) : () -> ()
      %dma_start3A_323 = arith.constant 3 : i32
      %dma_start3A_324 = arith.constant 0 : i32
      %dma_start3A_325 = tpu.memref_slice %arg7[%dma_start3A_323, %dma_start3A_324] : memref<8x128xi32, #tpu.memory_space<vmem>> -> memref<1x128xi32, #tpu.memory_space<vmem>>
      %dma_start3A_326 = tpu.memref_squeeze %dma_start3A_325 : memref<1x128xi32, #tpu.memory_space<vmem>> -> memref<128xi32, #tpu.memory_space<vmem>>
      %dma_start3A_327 = arith.constant 0 : i32
      %dma_start3A_328 = arith.constant 0 : i32
      %dma_start3A_329 = tpu.memref_slice %arg2[%dma_start3A_327, %dma_start3A_328] : memref<10000x128xf32, #tpu.memory_space<hbm>> -> memref<10000x128xf32, #tpu.memory_space<hbm>>
      tpu.enqueue_indirect_dma source(%dma_start3A_329 : memref<10000x128xf32, #tpu.memory_space<hbm>>) target(%arg11 : memref<128x128xf32, #tpu.memory_space<vmem>>) offsets(%dma_start3A_326 : memref<128xi32, #tpu.memory_space<vmem>>) semaphore(%arg18 : memref<!tpu.dma_semaphore, #tpu.memory_space<semaphore_mem>>)
      %dma_wait3A_330 = arith.constant 2 : i32
      %dma_wait3A_331 = arith.constant 0 : i32
      %dma_wait3A_332 = tpu.memref_slice %arg7[%dma_wait3A_330, %dma_wait3A_331] : memref<8x128xi32, #tpu.memory_space<vmem>> -> memref<1x128xi32, #tpu.memory_space<vmem>>
      %dma_wait3A_333 = tpu.memref_squeeze %dma_wait3A_332 : memref<1x128xi32, #tpu.memory_space<vmem>> -> memref<128xi32, #tpu.memory_space<vmem>>
      %dma_wait3A_334 = arith.constant 0 : i32
      %dma_wait3A_335 = arith.constant 0 : i32
      %dma_wait3A_336 = tpu.memref_slice %arg2[%dma_wait3A_334, %dma_wait3A_335] : memref<10000x128xf32, #tpu.memory_space<hbm>> -> memref<10000x128xf32, #tpu.memory_space<hbm>>
      tpu.wait_indirect_dma semaphore(%arg17 : memref<!tpu.dma_semaphore, #tpu.memory_space<semaphore_mem>>) src(%dma_wait3A_336 : memref<10000x128xf32, #tpu.memory_space<hbm>>) dst(%arg10 : memref<128x128xf32, #tpu.memory_space<vmem>>)
      %run_scoped3A_337 = arith.constant 2 : i32
      "tpu.region"() ({
        %run_scoped3A_454 = tpu.sem_alloc : memref<!tpu.dma_semaphore, #tpu.memory_space<semaphore_mem>>
        %dma_start3A_455 = arith.constant 0 : i32
        %dma_start3A_456 = tpu.memref_slice %arg9[%run_scoped3A_337, %dma_start3A_455] : memref<8x128xi32, #tpu.memory_space<vmem>> -> memref<1x128xi32, #tpu.memory_space<vmem>>
        %dma_start3A_457 = tpu.memref_squeeze %dma_start3A_456 : memref<1x128xi32, #tpu.memory_space<vmem>> -> memref<128xi32, #tpu.memory_space<vmem>>
        %dma_start3A_458 = arith.constant 0 : i32
        %dma_start3A_459 = arith.constant 0 : i32
        %dma_start3A_460 = tpu.memref_slice %arg12[%dma_start3A_458, %dma_start3A_459] : memref<10240x128xf32, #tpu.memory_space<vmem_shared>> -> memref<10240x128xf32, #tpu.memory_space<vmem_shared>>
        tpu.enqueue_indirect_dma source(%arg10 : memref<128x128xf32, #tpu.memory_space<vmem>>) target(%dma_start3A_460 : memref<10240x128xf32, #tpu.memory_space<vmem_shared>>) offsets(%dma_start3A_457 : memref<128xi32, #tpu.memory_space<vmem>>) semaphore(%run_scoped3A_454 : memref<!tpu.dma_semaphore, #tpu.memory_space<semaphore_mem>>) {add = true}
        %dma_wait3A_461 = arith.constant 0 : i32
        %dma_wait3A_462 = tpu.memref_slice %arg9[%run_scoped3A_337, %dma_wait3A_461] : memref<8x128xi32, #tpu.memory_space<vmem>> -> memref<1x128xi32, #tpu.memory_space<vmem>>
        %dma_wait3A_463 = tpu.memref_squeeze %dma_wait3A_462 : memref<1x128xi32, #tpu.memory_space<vmem>> -> memref<128xi32, #tpu.memory_space<vmem>>
        %dma_wait3A_464 = arith.constant 0 : i32
        %dma_wait3A_465 = arith.constant 0 : i32
        %dma_wait3A_466 = tpu.memref_slice %arg12[%dma_wait3A_464, %dma_wait3A_465] : memref<10240x128xf32, #tpu.memory_space<vmem_shared>> -> memref<10240x128xf32, #tpu.memory_space<vmem_shared>>
        tpu.wait_indirect_dma semaphore(%run_scoped3A_454 : memref<!tpu.dma_semaphore, #tpu.memory_space<semaphore_mem>>) src(%arg10 : memref<128x128xf32, #tpu.memory_space<vmem>>) dst(%dma_wait3A_466 : memref<10240x128xf32, #tpu.memory_space<vmem_shared>>)
        tpu.yield
      }) : () -> ()
      %dma_start3A_338 = arith.constant 4 : i32
      %dma_start3A_339 = arith.constant 0 : i32
      %dma_start3A_340 = tpu.memref_slice %arg7[%dma_start3A_338, %dma_start3A_339] : memref<8x128xi32, #tpu.memory_space<vmem>> -> memref<1x128xi32, #tpu.memory_space<vmem>>
      %dma_start3A_341 = tpu.memref_squeeze %dma_start3A_340 : memref<1x128xi32, #tpu.memory_space<vmem>> -> memref<128xi32, #tpu.memory_space<vmem>>
      %dma_start3A_342 = arith.constant 0 : i32
      %dma_start3A_343 = arith.constant 0 : i32
      %dma_start3A_344 = tpu.memref_slice %arg2[%dma_start3A_342, %dma_start3A_343] : memref<10000x128xf32, #tpu.memory_space<hbm>> -> memref<10000x128xf32, #tpu.memory_space<hbm>>
      tpu.enqueue_indirect_dma source(%dma_start3A_344 : memref<10000x128xf32, #tpu.memory_space<hbm>>) target(%arg10 : memref<128x128xf32, #tpu.memory_space<vmem>>) offsets(%dma_start3A_341 : memref<128xi32, #tpu.memory_space<vmem>>) semaphore(%arg17 : memref<!tpu.dma_semaphore, #tpu.memory_space<semaphore_mem>>)
      %dma_wait3A_345 = arith.constant 3 : i32
      %dma_wait3A_346 = arith.constant 0 : i32
      %dma_wait3A_347 = tpu.memref_slice %arg7[%dma_wait3A_345, %dma_wait3A_346] : memref<8x128xi32, #tpu.memory_space<vmem>> -> memref<1x128xi32, #tpu.memory_space<vmem>>
      %dma_wait3A_348 = tpu.memref_squeeze %dma_wait3A_347 : memref<1x128xi32, #tpu.memory_space<vmem>> -> memref<128xi32, #tpu.memory_space<vmem>>
      %dma_wait3A_349 = arith.constant 0 : i32
      %dma_wait3A_350 = arith.constant 0 : i32
      %dma_wait3A_351 = tpu.memref_slice %arg2[%dma_wait3A_349, %dma_wait3A_350] : memref<10000x128xf32, #tpu.memory_space<hbm>> -> memref<10000x128xf32, #tpu.memory_space<hbm>>
      tpu.wait_indirect_dma semaphore(%arg18 : memref<!tpu.dma_semaphore, #tpu.memory_space<semaphore_mem>>) src(%dma_wait3A_351 : memref<10000x128xf32, #tpu.memory_space<hbm>>) dst(%arg11 : memref<128x128xf32, #tpu.memory_space<vmem>>)
      %run_scoped3A_352 = arith.constant 3 : i32
      "tpu.region"() ({
        %run_scoped3A_454 = tpu.sem_alloc : memref<!tpu.dma_semaphore, #tpu.memory_space<semaphore_mem>>
        %dma_start3A_455 = arith.constant 0 : i32
        %dma_start3A_456 = tpu.memref_slice %arg9[%run_scoped3A_352, %dma_start3A_455] : memref<8x128xi32, #tpu.memory_space<vmem>> -> memref<1x128xi32, #tpu.memory_space<vmem>>
        %dma_start3A_457 = tpu.memref_squeeze %dma_start3A_456 : memref<1x128xi32, #tpu.memory_space<vmem>> -> memref<128xi32, #tpu.memory_space<vmem>>
        %dma_start3A_458 = arith.constant 0 : i32
        %dma_start3A_459 = arith.constant 0 : i32
        %dma_start3A_460 = tpu.memref_slice %arg12[%dma_start3A_458, %dma_start3A_459] : memref<10240x128xf32, #tpu.memory_space<vmem_shared>> -> memref<10240x128xf32, #tpu.memory_space<vmem_shared>>
        tpu.enqueue_indirect_dma source(%arg11 : memref<128x128xf32, #tpu.memory_space<vmem>>) target(%dma_start3A_460 : memref<10240x128xf32, #tpu.memory_space<vmem_shared>>) offsets(%dma_start3A_457 : memref<128xi32, #tpu.memory_space<vmem>>) semaphore(%run_scoped3A_454 : memref<!tpu.dma_semaphore, #tpu.memory_space<semaphore_mem>>) {add = true}
        %dma_wait3A_461 = arith.constant 0 : i32
        %dma_wait3A_462 = tpu.memref_slice %arg9[%run_scoped3A_352, %dma_wait3A_461] : memref<8x128xi32, #tpu.memory_space<vmem>> -> memref<1x128xi32, #tpu.memory_space<vmem>>
        %dma_wait3A_463 = tpu.memref_squeeze %dma_wait3A_462 : memref<1x128xi32, #tpu.memory_space<vmem>> -> memref<128xi32, #tpu.memory_space<vmem>>
        %dma_wait3A_464 = arith.constant 0 : i32
        %dma_wait3A_465 = arith.constant 0 : i32
        %dma_wait3A_466 = tpu.memref_slice %arg12[%dma_wait3A_464, %dma_wait3A_465] : memref<10240x128xf32, #tpu.memory_space<vmem_shared>> -> memref<10240x128xf32, #tpu.memory_space<vmem_shared>>
        tpu.wait_indirect_dma semaphore(%run_scoped3A_454 : memref<!tpu.dma_semaphore, #tpu.memory_space<semaphore_mem>>) src(%arg11 : memref<128x128xf32, #tpu.memory_space<vmem>>) dst(%dma_wait3A_466 : memref<10240x128xf32, #tpu.memory_space<vmem_shared>>)
        tpu.yield
      }) : () -> ()
      %dma_start3A_353 = arith.constant 5 : i32
      %dma_start3A_354 = arith.constant 0 : i32
      %dma_start3A_355 = tpu.memref_slice %arg7[%dma_start3A_353, %dma_start3A_354] : memref<8x128xi32, #tpu.memory_space<vmem>> -> memref<1x128xi32, #tpu.memory_space<vmem>>
      %dma_start3A_356 = tpu.memref_squeeze %dma_start3A_355 : memref<1x128xi32, #tpu.memory_space<vmem>> -> memref<128xi32, #tpu.memory_space<vmem>>
      %dma_start3A_357 = arith.constant 0 : i32
      %dma_start3A_358 = arith.constant 0 : i32
      %dma_start3A_359 = tpu.memref_slice %arg2[%dma_start3A_357, %dma_start3A_358] : memref<10000x128xf32, #tpu.memory_space<hbm>> -> memref<10000x128xf32, #tpu.memory_space<hbm>>
      tpu.enqueue_indirect_dma source(%dma_start3A_359 : memref<10000x128xf32, #tpu.memory_space<hbm>>) target(%arg11 : memref<128x128xf32, #tpu.memory_space<vmem>>) offsets(%dma_start3A_356 : memref<128xi32, #tpu.memory_space<vmem>>) semaphore(%arg18 : memref<!tpu.dma_semaphore, #tpu.memory_space<semaphore_mem>>)
      %dma_wait3A_360 = arith.constant 4 : i32
      %dma_wait3A_361 = arith.constant 0 : i32
      %dma_wait3A_362 = tpu.memref_slice %arg7[%dma_wait3A_360, %dma_wait3A_361] : memref<8x128xi32, #tpu.memory_space<vmem>> -> memref<1x128xi32, #tpu.memory_space<vmem>>
      %dma_wait3A_363 = tpu.memref_squeeze %dma_wait3A_362 : memref<1x128xi32, #tpu.memory_space<vmem>> -> memref<128xi32, #tpu.memory_space<vmem>>
      %dma_wait3A_364 = arith.constant 0 : i32
      %dma_wait3A_365 = arith.constant 0 : i32
      %dma_wait3A_366 = tpu.memref_slice %arg2[%dma_wait3A_364, %dma_wait3A_365] : memref<10000x128xf32, #tpu.memory_space<hbm>> -> memref<10000x128xf32, #tpu.memory_space<hbm>>
      tpu.wait_indirect_dma semaphore(%arg17 : memref<!tpu.dma_semaphore, #tpu.memory_space<semaphore_mem>>) src(%dma_wait3A_366 : memref<10000x128xf32, #tpu.memory_space<hbm>>) dst(%arg10 : memref<128x128xf32, #tpu.memory_space<vmem>>)
      %run_scoped3A_367 = arith.constant 4 : i32
      "tpu.region"() ({
        %run_scoped3A_454 = tpu.sem_alloc : memref<!tpu.dma_semaphore, #tpu.memory_space<semaphore_mem>>
        %dma_start3A_455 = arith.constant 0 : i32
        %dma_start3A_456 = tpu.memref_slice %arg9[%run_scoped3A_367, %dma_start3A_455] : memref<8x128xi32, #tpu.memory_space<vmem>> -> memref<1x128xi32, #tpu.memory_space<vmem>>
        %dma_start3A_457 = tpu.memref_squeeze %dma_start3A_456 : memref<1x128xi32, #tpu.memory_space<vmem>> -> memref<128xi32, #tpu.memory_space<vmem>>
        %dma_start3A_458 = arith.constant 0 : i32
        %dma_start3A_459 = arith.constant 0 : i32
        %dma_start3A_460 = tpu.memref_slice %arg12[%dma_start3A_458, %dma_start3A_459] : memref<10240x128xf32, #tpu.memory_space<vmem_shared>> -> memref<10240x128xf32, #tpu.memory_space<vmem_shared>>
        tpu.enqueue_indirect_dma source(%arg10 : memref<128x128xf32, #tpu.memory_space<vmem>>) target(%dma_start3A_460 : memref<10240x128xf32, #tpu.memory_space<vmem_shared>>) offsets(%dma_start3A_457 : memref<128xi32, #tpu.memory_space<vmem>>) semaphore(%run_scoped3A_454 : memref<!tpu.dma_semaphore, #tpu.memory_space<semaphore_mem>>) {add = true}
        %dma_wait3A_461 = arith.constant 0 : i32
        %dma_wait3A_462 = tpu.memref_slice %arg9[%run_scoped3A_367, %dma_wait3A_461] : memref<8x128xi32, #tpu.memory_space<vmem>> -> memref<1x128xi32, #tpu.memory_space<vmem>>
        %dma_wait3A_463 = tpu.memref_squeeze %dma_wait3A_462 : memref<1x128xi32, #tpu.memory_space<vmem>> -> memref<128xi32, #tpu.memory_space<vmem>>
        %dma_wait3A_464 = arith.constant 0 : i32
        %dma_wait3A_465 = arith.constant 0 : i32
        %dma_wait3A_466 = tpu.memref_slice %arg12[%dma_wait3A_464, %dma_wait3A_465] : memref<10240x128xf32, #tpu.memory_space<vmem_shared>> -> memref<10240x128xf32, #tpu.memory_space<vmem_shared>>
        tpu.wait_indirect_dma semaphore(%run_scoped3A_454 : memref<!tpu.dma_semaphore, #tpu.memory_space<semaphore_mem>>) src(%arg10 : memref<128x128xf32, #tpu.memory_space<vmem>>) dst(%dma_wait3A_466 : memref<10240x128xf32, #tpu.memory_space<vmem_shared>>)
        tpu.yield
      }) : () -> ()
      %dma_start3A_368 = arith.constant 6 : i32
      %dma_start3A_369 = arith.constant 0 : i32
      %dma_start3A_370 = tpu.memref_slice %arg7[%dma_start3A_368, %dma_start3A_369] : memref<8x128xi32, #tpu.memory_space<vmem>> -> memref<1x128xi32, #tpu.memory_space<vmem>>
      %dma_start3A_371 = tpu.memref_squeeze %dma_start3A_370 : memref<1x128xi32, #tpu.memory_space<vmem>> -> memref<128xi32, #tpu.memory_space<vmem>>
      %dma_start3A_372 = arith.constant 0 : i32
      %dma_start3A_373 = arith.constant 0 : i32
      %dma_start3A_374 = tpu.memref_slice %arg2[%dma_start3A_372, %dma_start3A_373] : memref<10000x128xf32, #tpu.memory_space<hbm>> -> memref<10000x128xf32, #tpu.memory_space<hbm>>
      tpu.enqueue_indirect_dma source(%dma_start3A_374 : memref<10000x128xf32, #tpu.memory_space<hbm>>) target(%arg10 : memref<128x128xf32, #tpu.memory_space<vmem>>) offsets(%dma_start3A_371 : memref<128xi32, #tpu.memory_space<vmem>>) semaphore(%arg17 : memref<!tpu.dma_semaphore, #tpu.memory_space<semaphore_mem>>)
      %dma_wait3A_375 = arith.constant 5 : i32
      %dma_wait3A_376 = arith.constant 0 : i32
      %dma_wait3A_377 = tpu.memref_slice %arg7[%dma_wait3A_375, %dma_wait3A_376] : memref<8x128xi32, #tpu.memory_space<vmem>> -> memref<1x128xi32, #tpu.memory_space<vmem>>
      %dma_wait3A_378 = tpu.memref_squeeze %dma_wait3A_377 : memref<1x128xi32, #tpu.memory_space<vmem>> -> memref<128xi32, #tpu.memory_space<vmem>>
      %dma_wait3A_379 = arith.constant 0 : i32
      %dma_wait3A_380 = arith.constant 0 : i32
      %dma_wait3A_381 = tpu.memref_slice %arg2[%dma_wait3A_379, %dma_wait3A_380] : memref<10000x128xf32, #tpu.memory_space<hbm>> -> memref<10000x128xf32, #tpu.memory_space<hbm>>
      tpu.wait_indirect_dma semaphore(%arg18 : memref<!tpu.dma_semaphore, #tpu.memory_space<semaphore_mem>>) src(%dma_wait3A_381 : memref<10000x128xf32, #tpu.memory_space<hbm>>) dst(%arg11 : memref<128x128xf32, #tpu.memory_space<vmem>>)
      %run_scoped3A_382 = arith.constant 5 : i32
      "tpu.region"() ({
        %run_scoped3A_454 = tpu.sem_alloc : memref<!tpu.dma_semaphore, #tpu.memory_space<semaphore_mem>>
        %dma_start3A_455 = arith.constant 0 : i32
        %dma_start3A_456 = tpu.memref_slice %arg9[%run_scoped3A_382, %dma_start3A_455] : memref<8x128xi32, #tpu.memory_space<vmem>> -> memref<1x128xi32, #tpu.memory_space<vmem>>
        %dma_start3A_457 = tpu.memref_squeeze %dma_start3A_456 : memref<1x128xi32, #tpu.memory_space<vmem>> -> memref<128xi32, #tpu.memory_space<vmem>>
        %dma_start3A_458 = arith.constant 0 : i32
        %dma_start3A_459 = arith.constant 0 : i32
        %dma_start3A_460 = tpu.memref_slice %arg12[%dma_start3A_458, %dma_start3A_459] : memref<10240x128xf32, #tpu.memory_space<vmem_shared>> -> memref<10240x128xf32, #tpu.memory_space<vmem_shared>>
        tpu.enqueue_indirect_dma source(%arg11 : memref<128x128xf32, #tpu.memory_space<vmem>>) target(%dma_start3A_460 : memref<10240x128xf32, #tpu.memory_space<vmem_shared>>) offsets(%dma_start3A_457 : memref<128xi32, #tpu.memory_space<vmem>>) semaphore(%run_scoped3A_454 : memref<!tpu.dma_semaphore, #tpu.memory_space<semaphore_mem>>) {add = true}
        %dma_wait3A_461 = arith.constant 0 : i32
        %dma_wait3A_462 = tpu.memref_slice %arg9[%run_scoped3A_382, %dma_wait3A_461] : memref<8x128xi32, #tpu.memory_space<vmem>> -> memref<1x128xi32, #tpu.memory_space<vmem>>
        %dma_wait3A_463 = tpu.memref_squeeze %dma_wait3A_462 : memref<1x128xi32, #tpu.memory_space<vmem>> -> memref<128xi32, #tpu.memory_space<vmem>>
        %dma_wait3A_464 = arith.constant 0 : i32
        %dma_wait3A_465 = arith.constant 0 : i32
        %dma_wait3A_466 = tpu.memref_slice %arg12[%dma_wait3A_464, %dma_wait3A_465] : memref<10240x128xf32, #tpu.memory_space<vmem_shared>> -> memref<10240x128xf32, #tpu.memory_space<vmem_shared>>
        tpu.wait_indirect_dma semaphore(%run_scoped3A_454 : memref<!tpu.dma_semaphore, #tpu.memory_space<semaphore_mem>>) src(%arg11 : memref<128x128xf32, #tpu.memory_space<vmem>>) dst(%dma_wait3A_466 : memref<10240x128xf32, #tpu.memory_space<vmem_shared>>)
        tpu.yield
      }) : () -> ()
      %dma_start3A_383 = arith.constant 7 : i32
      %dma_start3A_384 = arith.constant 0 : i32
      %dma_start3A_385 = tpu.memref_slice %arg7[%dma_start3A_383, %dma_start3A_384] : memref<8x128xi32, #tpu.memory_space<vmem>> -> memref<1x128xi32, #tpu.memory_space<vmem>>
      %dma_start3A_386 = tpu.memref_squeeze %dma_start3A_385 : memref<1x128xi32, #tpu.memory_space<vmem>> -> memref<128xi32, #tpu.memory_space<vmem>>
      %dma_start3A_387 = arith.constant 0 : i32
      %dma_start3A_388 = arith.constant 0 : i32
      %dma_start3A_389 = tpu.memref_slice %arg2[%dma_start3A_387, %dma_start3A_388] : memref<10000x128xf32, #tpu.memory_space<hbm>> -> memref<10000x128xf32, #tpu.memory_space<hbm>>
      tpu.enqueue_indirect_dma source(%dma_start3A_389 : memref<10000x128xf32, #tpu.memory_space<hbm>>) target(%arg11 : memref<128x128xf32, #tpu.memory_space<vmem>>) offsets(%dma_start3A_386 : memref<128xi32, #tpu.memory_space<vmem>>) semaphore(%arg18 : memref<!tpu.dma_semaphore, #tpu.memory_space<semaphore_mem>>)
      %dma_wait3A_390 = arith.constant 6 : i32
      %dma_wait3A_391 = arith.constant 0 : i32
      %dma_wait3A_392 = tpu.memref_slice %arg7[%dma_wait3A_390, %dma_wait3A_391] : memref<8x128xi32, #tpu.memory_space<vmem>> -> memref<1x128xi32, #tpu.memory_space<vmem>>
      %dma_wait3A_393 = tpu.memref_squeeze %dma_wait3A_392 : memref<1x128xi32, #tpu.memory_space<vmem>> -> memref<128xi32, #tpu.memory_space<vmem>>
      %dma_wait3A_394 = arith.constant 0 : i32
      %dma_wait3A_395 = arith.constant 0 : i32
      %dma_wait3A_396 = tpu.memref_slice %arg2[%dma_wait3A_394, %dma_wait3A_395] : memref<10000x128xf32, #tpu.memory_space<hbm>> -> memref<10000x128xf32, #tpu.memory_space<hbm>>
      tpu.wait_indirect_dma semaphore(%arg17 : memref<!tpu.dma_semaphore, #tpu.memory_space<semaphore_mem>>) src(%dma_wait3A_396 : memref<10000x128xf32, #tpu.memory_space<hbm>>) dst(%arg10 : memref<128x128xf32, #tpu.memory_space<vmem>>)
      %run_scoped3A_397 = arith.constant 6 : i32
      "tpu.region"() ({
        %run_scoped3A_454 = tpu.sem_alloc : memref<!tpu.dma_semaphore, #tpu.memory_space<semaphore_mem>>
        %dma_start3A_455 = arith.constant 0 : i32
        %dma_start3A_456 = tpu.memref_slice %arg9[%run_scoped3A_397, %dma_start3A_455] : memref<8x128xi32, #tpu.memory_space<vmem>> -> memref<1x128xi32, #tpu.memory_space<vmem>>
        %dma_start3A_457 = tpu.memref_squeeze %dma_start3A_456 : memref<1x128xi32, #tpu.memory_space<vmem>> -> memref<128xi32, #tpu.memory_space<vmem>>
        %dma_start3A_458 = arith.constant 0 : i32
        %dma_start3A_459 = arith.constant 0 : i32
        %dma_start3A_460 = tpu.memref_slice %arg12[%dma_start3A_458, %dma_start3A_459] : memref<10240x128xf32, #tpu.memory_space<vmem_shared>> -> memref<10240x128xf32, #tpu.memory_space<vmem_shared>>
        tpu.enqueue_indirect_dma source(%arg10 : memref<128x128xf32, #tpu.memory_space<vmem>>) target(%dma_start3A_460 : memref<10240x128xf32, #tpu.memory_space<vmem_shared>>) offsets(%dma_start3A_457 : memref<128xi32, #tpu.memory_space<vmem>>) semaphore(%run_scoped3A_454 : memref<!tpu.dma_semaphore, #tpu.memory_space<semaphore_mem>>) {add = true}
        %dma_wait3A_461 = arith.constant 0 : i32
        %dma_wait3A_462 = tpu.memref_slice %arg9[%run_scoped3A_397, %dma_wait3A_461] : memref<8x128xi32, #tpu.memory_space<vmem>> -> memref<1x128xi32, #tpu.memory_space<vmem>>
        %dma_wait3A_463 = tpu.memref_squeeze %dma_wait3A_462 : memref<1x128xi32, #tpu.memory_space<vmem>> -> memref<128xi32, #tpu.memory_space<vmem>>
        %dma_wait3A_464 = arith.constant 0 : i32
        %dma_wait3A_465 = arith.constant 0 : i32
        %dma_wait3A_466 = tpu.memref_slice %arg12[%dma_wait3A_464, %dma_wait3A_465] : memref<10240x128xf32, #tpu.memory_space<vmem_shared>> -> memref<10240x128xf32, #tpu.memory_space<vmem_shared>>
        tpu.wait_indirect_dma semaphore(%run_scoped3A_454 : memref<!tpu.dma_semaphore, #tpu.memory_space<semaphore_mem>>) src(%arg10 : memref<128x128xf32, #tpu.memory_space<vmem>>) dst(%dma_wait3A_466 : memref<10240x128xf32, #tpu.memory_space<vmem_shared>>)
        tpu.yield
      }) : () -> ()
      %dma_wait3A_398 = arith.constant 0 : i32
      %dma_wait3A_399 = arith.constant 0 : i32
      %dma_wait3A_400 = arith.constant 0 : i32
      %dma_wait3A_401 = tpu.memref_slice %arg3[%add3A, %dma_wait3A_398, %dma_wait3A_399, %dma_wait3A_400] : memref<32x10x8x128xi32, #tpu.memory_space<hbm>> -> memref<1x1x8x128xi32, #tpu.memory_space<hbm>>
      %dma_wait3A_402 = tpu.memref_squeeze %dma_wait3A_401 : memref<1x1x8x128xi32, #tpu.memory_space<hbm>> -> memref<8x128xi32, #tpu.memory_space<hbm>>
      %dma_wait3A_403 = arith.constant 0 : i32
      %dma_wait3A_404 = arith.constant 0 : i32
      %dma_wait3A_405 = tpu.memref_slice %arg3[%add3A, %dma_wait3A_398, %dma_wait3A_403, %dma_wait3A_404] : memref<32x10x8x128xi32, #tpu.memory_space<hbm>> -> memref<1x1x8x128xi32, #tpu.memory_space<hbm>>
      %dma_wait3A_406 = tpu.memref_squeeze %dma_wait3A_405 : memref<1x1x8x128xi32, #tpu.memory_space<hbm>> -> memref<8x128xi32, #tpu.memory_space<hbm>>
      tpu.wait_dma2 semaphore(%arg13 : memref<!tpu.dma_semaphore, #tpu.memory_space<semaphore_mem>>) src(%dma_wait3A_406 : memref<8x128xi32, #tpu.memory_space<hbm>>) dst(%arg6 : memref<8x128xi32, #tpu.memory_space<vmem>>)
      %dma_start3A_407 = arith.constant 0 : i32
      %dma_start3A_408 = arith.constant 0 : i32
      %dma_start3A_409 = tpu.memref_slice %arg6[%dma_start3A_407, %dma_start3A_408] : memref<8x128xi32, #tpu.memory_space<vmem>> -> memref<1x128xi32, #tpu.memory_space<vmem>>
      %dma_start3A_410 = tpu.memref_squeeze %dma_start3A_409 : memref<1x128xi32, #tpu.memory_space<vmem>> -> memref<128xi32, #tpu.memory_space<vmem>>
      %dma_start3A_411 = arith.constant 0 : i32
      %dma_start3A_412 = arith.constant 0 : i32
      %dma_start3A_413 = tpu.memref_slice %arg2[%dma_start3A_411, %dma_start3A_412] : memref<10000x128xf32, #tpu.memory_space<hbm>> -> memref<10000x128xf32, #tpu.memory_space<hbm>>
      tpu.enqueue_indirect_dma source(%dma_start3A_413 : memref<10000x128xf32, #tpu.memory_space<hbm>>) target(%arg10 : memref<128x128xf32, #tpu.memory_space<vmem>>) offsets(%dma_start3A_410 : memref<128xi32, #tpu.memory_space<vmem>>) semaphore(%arg17 : memref<!tpu.dma_semaphore, #tpu.memory_space<semaphore_mem>>)
      %dma_wait3A_414 = arith.constant 7 : i32
      %dma_wait3A_415 = arith.constant 0 : i32
      %dma_wait3A_416 = tpu.memref_slice %arg7[%dma_wait3A_414, %dma_wait3A_415] : memref<8x128xi32, #tpu.memory_space<vmem>> -> memref<1x128xi32, #tpu.memory_space<vmem>>
      %dma_wait3A_417 = tpu.memref_squeeze %dma_wait3A_416 : memref<1x128xi32, #tpu.memory_space<vmem>> -> memref<128xi32, #tpu.memory_space<vmem>>
      %dma_wait3A_418 = arith.constant 0 : i32
      %dma_wait3A_419 = arith.constant 0 : i32
      %dma_wait3A_420 = tpu.memref_slice %arg2[%dma_wait3A_418, %dma_wait3A_419] : memref<10000x128xf32, #tpu.memory_space<hbm>> -> memref<10000x128xf32, #tpu.memory_space<hbm>>
      tpu.wait_indirect_dma semaphore(%arg18 : memref<!tpu.dma_semaphore, #tpu.memory_space<semaphore_mem>>) src(%dma_wait3A_420 : memref<10000x128xf32, #tpu.memory_space<hbm>>) dst(%arg11 : memref<128x128xf32, #tpu.memory_space<vmem>>)
      %run_scoped3A_421 = arith.constant 7 : i32
      "tpu.region"() ({
        %run_scoped3A_454 = tpu.sem_alloc : memref<!tpu.dma_semaphore, #tpu.memory_space<semaphore_mem>>
        %dma_start3A_455 = arith.constant 0 : i32
        %dma_start3A_456 = tpu.memref_slice %arg9[%run_scoped3A_421, %dma_start3A_455] : memref<8x128xi32, #tpu.memory_space<vmem>> -> memref<1x128xi32, #tpu.memory_space<vmem>>
        %dma_start3A_457 = tpu.memref_squeeze %dma_start3A_456 : memref<1x128xi32, #tpu.memory_space<vmem>> -> memref<128xi32, #tpu.memory_space<vmem>>
        %dma_start3A_458 = arith.constant 0 : i32
        %dma_start3A_459 = arith.constant 0 : i32
        %dma_start3A_460 = tpu.memref_slice %arg12[%dma_start3A_458, %dma_start3A_459] : memref<10240x128xf32, #tpu.memory_space<vmem_shared>> -> memref<10240x128xf32, #tpu.memory_space<vmem_shared>>
        tpu.enqueue_indirect_dma source(%arg11 : memref<128x128xf32, #tpu.memory_space<vmem>>) target(%dma_start3A_460 : memref<10240x128xf32, #tpu.memory_space<vmem_shared>>) offsets(%dma_start3A_457 : memref<128xi32, #tpu.memory_space<vmem>>) semaphore(%run_scoped3A_454 : memref<!tpu.dma_semaphore, #tpu.memory_space<semaphore_mem>>) {add = true}
        %dma_wait3A_461 = arith.constant 0 : i32
        %dma_wait3A_462 = tpu.memref_slice %arg9[%run_scoped3A_421, %dma_wait3A_461] : memref<8x128xi32, #tpu.memory_space<vmem>> -> memref<1x128xi32, #tpu.memory_space<vmem>>
        %dma_wait3A_463 = tpu.memref_squeeze %dma_wait3A_462 : memref<1x128xi32, #tpu.memory_space<vmem>> -> memref<128xi32, #tpu.memory_space<vmem>>
        %dma_wait3A_464 = arith.constant 0 : i32
        %dma_wait3A_465 = arith.constant 0 : i32
        %dma_wait3A_466 = tpu.memref_slice %arg12[%dma_wait3A_464, %dma_wait3A_465] : memref<10240x128xf32, #tpu.memory_space<vmem_shared>> -> memref<10240x128xf32, #tpu.memory_space<vmem_shared>>
        tpu.wait_indirect_dma semaphore(%run_scoped3A_454 : memref<!tpu.dma_semaphore, #tpu.memory_space<semaphore_mem>>) src(%arg11 : memref<128x128xf32, #tpu.memory_space<vmem>>) dst(%dma_wait3A_466 : memref<10240x128xf32, #tpu.memory_space<vmem_shared>>)
        tpu.yield
      }) : () -> ()
      %dma_start3A_422 = arith.constant 1 : i32
      %dma_start3A_423 = arith.constant 0 : i32
      %dma_start3A_424 = tpu.memref_slice %arg6[%dma_start3A_422, %dma_start3A_423] : memref<8x128xi32, #tpu.memory_space<vmem>> -> memref<1x128xi32, #tpu.memory_space<vmem>>
      %dma_start3A_425 = tpu.memref_squeeze %dma_start3A_424 : memref<1x128xi32, #tpu.memory_space<vmem>> -> memref<128xi32, #tpu.memory_space<vmem>>
      %dma_start3A_426 = arith.constant 0 : i32
      %dma_start3A_427 = arith.constant 0 : i32
      %dma_start3A_428 = tpu.memref_slice %arg2[%dma_start3A_426, %dma_start3A_427] : memref<10000x128xf32, #tpu.memory_space<hbm>> -> memref<10000x128xf32, #tpu.memory_space<hbm>>
      tpu.enqueue_indirect_dma source(%dma_start3A_428 : memref<10000x128xf32, #tpu.memory_space<hbm>>) target(%arg11 : memref<128x128xf32, #tpu.memory_space<vmem>>) offsets(%dma_start3A_425 : memref<128xi32, #tpu.memory_space<vmem>>) semaphore(%arg18 : memref<!tpu.dma_semaphore, #tpu.memory_space<semaphore_mem>>)
      %dma_start3A_429 = arith.constant 0 : i32
      %dma_start3A_430 = arith.constant 0 : i32
      %dma_start3A_431 = tpu.memref_slice %arg3[%add3A, %min3A_146, %dma_start3A_429, %dma_start3A_430] : memref<32x10x8x128xi32, #tpu.memory_space<hbm>> -> memref<1x1x8x128xi32, #tpu.memory_space<hbm>>
      %dma_start3A_432 = tpu.memref_squeeze %dma_start3A_431 : memref<1x1x8x128xi32, #tpu.memory_space<hbm>> -> memref<8x128xi32, #tpu.memory_space<hbm>>
      %dma_start3A_433 = arith.constant 0 : i32
      %dma_start3A_434 = arith.constant 0 : i32
      %dma_start3A_435 = tpu.memref_slice %arg3[%add3A, %min3A_146, %dma_start3A_433, %dma_start3A_434] : memref<32x10x8x128xi32, #tpu.memory_space<hbm>> -> memref<1x1x8x128xi32, #tpu.memory_space<hbm>>
      %dma_start3A_436 = tpu.memref_squeeze %dma_start3A_435 : memref<1x1x8x128xi32, #tpu.memory_space<hbm>> -> memref<8x128xi32, #tpu.memory_space<hbm>>
      tpu.enqueue_dma source(%dma_start3A_436 : memref<8x128xi32, #tpu.memory_space<hbm>>) target(%arg7 : memref<8x128xi32, #tpu.memory_space<vmem>>) target_semaphore(%arg14 : memref<!tpu.dma_semaphore, #tpu.memory_space<semaphore_mem>>)
      %dma_start3A_437 = arith.constant 0 : i32
      %dma_start3A_438 = arith.constant 0 : i32
      %dma_start3A_439 = tpu.memref_slice %arg4[%add3A, %min3A_146, %dma_start3A_437, %dma_start3A_438] : memref<32x10x8x128xi32, #tpu.memory_space<hbm>> -> memref<1x1x8x128xi32, #tpu.memory_space<hbm>>
      %dma_start3A_440 = tpu.memref_squeeze %dma_start3A_439 : memref<1x1x8x128xi32, #tpu.memory_space<hbm>> -> memref<8x128xi32, #tpu.memory_space<hbm>>
      %dma_start3A_441 = arith.constant 0 : i32
      %dma_start3A_442 = arith.constant 0 : i32
      %dma_start3A_443 = tpu.memref_slice %arg4[%add3A, %min3A_146, %dma_start3A_441, %dma_start3A_442] : memref<32x10x8x128xi32, #tpu.memory_space<hbm>> -> memref<1x1x8x128xi32, #tpu.memory_space<hbm>>
      %dma_start3A_444 = tpu.memref_squeeze %dma_start3A_443 : memref<1x1x8x128xi32, #tpu.memory_space<hbm>> -> memref<8x128xi32, #tpu.memory_space<hbm>>
      tpu.enqueue_dma source(%dma_start3A_444 : memref<8x128xi32, #tpu.memory_space<hbm>>) target(%arg9 : memref<8x128xi32, #tpu.memory_space<vmem>>) target_semaphore(%arg16 : memref<!tpu.dma_semaphore, #tpu.memory_space<semaphore_mem>>)
      %dma_wait3A_445 = arith.constant 0 : i32
      %dma_wait3A_446 = arith.constant 0 : i32
      %dma_wait3A_447 = arith.constant 0 : i32
      %dma_wait3A_448 = tpu.memref_slice %arg4[%add3A, %dma_wait3A_445, %dma_wait3A_446, %dma_wait3A_447] : memref<32x10x8x128xi32, #tpu.memory_space<hbm>> -> memref<1x1x8x128xi32, #tpu.memory_space<hbm>>
      %dma_wait3A_449 = tpu.memref_squeeze %dma_wait3A_448 : memref<1x1x8x128xi32, #tpu.memory_space<hbm>> -> memref<8x128xi32, #tpu.memory_space<hbm>>
      %dma_wait3A_450 = arith.constant 0 : i32
      %dma_wait3A_451 = arith.constant 0 : i32
      %dma_wait3A_452 = tpu.memref_slice %arg4[%add3A, %dma_wait3A_445, %dma_wait3A_450, %dma_wait3A_451] : memref<32x10x8x128xi32, #tpu.memory_space<hbm>> -> memref<1x1x8x128xi32, #tpu.memory_space<hbm>>
      %dma_wait3A_453 = tpu.memref_squeeze %dma_wait3A_452 : memref<1x1x8x128xi32, #tpu.memory_space<hbm>> -> memref<8x128xi32, #tpu.memory_space<hbm>>
      tpu.wait_dma2 semaphore(%arg15 : memref<!tpu.dma_semaphore, #tpu.memory_space<semaphore_mem>>) src(%dma_wait3A_453 : memref<8x128xi32, #tpu.memory_space<hbm>>) dst(%arg8 : memref<8x128xi32, #tpu.memory_space<vmem>>)
    }
    %scan3A_97 = arith.constant 5 : i32
    %dma_wait3A_98 = arith.constant 0 : i32
    %dma_wait3A_99 = arith.constant 0 : i32
    %dma_wait3A_100 = tpu.memref_slice %arg6[%dma_wait3A_98, %dma_wait3A_99] : memref<8x128xi32, #tpu.memory_space<vmem>> -> memref<1x128xi32, #tpu.memory_space<vmem>>
    %dma_wait3A_101 = tpu.memref_squeeze %dma_wait3A_100 : memref<1x128xi32, #tpu.memory_space<vmem>> -> memref<128xi32, #tpu.memory_space<vmem>>
    %dma_wait3A_102 = arith.constant 0 : i32
    %dma_wait3A_103 = arith.constant 0 : i32
    %dma_wait3A_104 = tpu.memref_slice %arg2[%dma_wait3A_102, %dma_wait3A_103] : memref<10000x128xf32, #tpu.memory_space<hbm>> -> memref<10000x128xf32, #tpu.memory_space<hbm>>
    tpu.wait_indirect_dma semaphore(%arg17 : memref<!tpu.dma_semaphore, #tpu.memory_space<semaphore_mem>>) src(%dma_wait3A_104 : memref<10000x128xf32, #tpu.memory_space<hbm>>) dst(%arg10 : memref<128x128xf32, #tpu.memory_space<vmem>>)
    %dma_wait3A_105 = arith.constant 0 : i32
    %dma_wait3A_106 = arith.constant 0 : i32
    %dma_wait3A_107 = tpu.memref_slice %arg6[%dma_wait3A_105, %dma_wait3A_106] : memref<8x128xi32, #tpu.memory_space<vmem>> -> memref<1x128xi32, #tpu.memory_space<vmem>>
    %dma_wait3A_108 = tpu.memref_squeeze %dma_wait3A_107 : memref<1x128xi32, #tpu.memory_space<vmem>> -> memref<128xi32, #tpu.memory_space<vmem>>
    %dma_wait3A_109 = arith.constant 0 : i32
    %dma_wait3A_110 = arith.constant 0 : i32
    %dma_wait3A_111 = tpu.memref_slice %arg2[%dma_wait3A_109, %dma_wait3A_110] : memref<10000x128xf32, #tpu.memory_space<hbm>> -> memref<10000x128xf32, #tpu.memory_space<hbm>>
    tpu.wait_indirect_dma semaphore(%arg18 : memref<!tpu.dma_semaphore, #tpu.memory_space<semaphore_mem>>) src(%dma_wait3A_111 : memref<10000x128xf32, #tpu.memory_space<hbm>>) dst(%arg11 : memref<128x128xf32, #tpu.memory_space<vmem>>)
    %dma_wait3A_112 = arith.constant 0 : i32
    %dma_wait3A_113 = arith.constant 0 : i32
    %dma_wait3A_114 = arith.constant 0 : i32
    %dma_wait3A_115 = tpu.memref_slice %arg3[%add3A, %dma_wait3A_112, %dma_wait3A_113, %dma_wait3A_114] : memref<32x10x8x128xi32, #tpu.memory_space<hbm>> -> memref<1x1x8x128xi32, #tpu.memory_space<hbm>>
    %dma_wait3A_116 = tpu.memref_squeeze %dma_wait3A_115 : memref<1x1x8x128xi32, #tpu.memory_space<hbm>> -> memref<8x128xi32, #tpu.memory_space<hbm>>
    %dma_wait3A_117 = arith.constant 0 : i32
    %dma_wait3A_118 = arith.constant 0 : i32
    %dma_wait3A_119 = tpu.memref_slice %arg3[%add3A, %dma_wait3A_112, %dma_wait3A_117, %dma_wait3A_118] : memref<32x10x8x128xi32, #tpu.memory_space<hbm>> -> memref<1x1x8x128xi32, #tpu.memory_space<hbm>>
    %dma_wait3A_120 = tpu.memref_squeeze %dma_wait3A_119 : memref<1x1x8x128xi32, #tpu.memory_space<hbm>> -> memref<8x128xi32, #tpu.memory_space<hbm>>
    tpu.wait_dma2 semaphore(%arg14 : memref<!tpu.dma_semaphore, #tpu.memory_space<semaphore_mem>>) src(%dma_wait3A_120 : memref<8x128xi32, #tpu.memory_space<hbm>>) dst(%arg7 : memref<8x128xi32, #tpu.memory_space<vmem>>)
    %dma_wait3A_121 = arith.constant 0 : i32
    %dma_wait3A_122 = arith.constant 0 : i32
    %dma_wait3A_123 = arith.constant 0 : i32
    %dma_wait3A_124 = tpu.memref_slice %arg4[%add3A, %dma_wait3A_121, %dma_wait3A_122, %dma_wait3A_123] : memref<32x10x8x128xi32, #tpu.memory_space<hbm>> -> memref<1x1x8x128xi32, #tpu.memory_space<hbm>>
    %dma_wait3A_125 = tpu.memref_squeeze %dma_wait3A_124 : memref<1x1x8x128xi32, #tpu.memory_space<hbm>> -> memref<8x128xi32, #tpu.memory_space<hbm>>
    %dma_wait3A_126 = arith.constant 0 : i32
    %dma_wait3A_127 = arith.constant 0 : i32
    %dma_wait3A_128 = tpu.memref_slice %arg4[%add3A, %dma_wait3A_121, %dma_wait3A_126, %dma_wait3A_127] : memref<32x10x8x128xi32, #tpu.memory_space<hbm>> -> memref<1x1x8x128xi32, #tpu.memory_space<hbm>>
    %dma_wait3A_129 = tpu.memref_squeeze %dma_wait3A_128 : memref<1x1x8x128xi32, #tpu.memory_space<hbm>> -> memref<8x128xi32, #tpu.memory_space<hbm>>
    tpu.wait_dma2 semaphore(%arg16 : memref<!tpu.dma_semaphore, #tpu.memory_space<semaphore_mem>>) src(%dma_wait3A_129 : memref<8x128xi32, #tpu.memory_space<hbm>>) dst(%arg9 : memref<8x128xi32, #tpu.memory_space<vmem>>)
    %barrier3A_130 = arith.constant 0 : index
    tpu.barrier barrier_id(%barrier3A_130)
    %mul3A_131 = arith.constant 640 : i32
    %mul3A_132 = arith.muli %arg1, %mul3A_131 : i32
    %mul3A_133 = arith.constant 640 : i32
    %mul3A_134 = arith.muli %arg1, %mul3A_133 : i32
    "tpu.region"() ({
      %run_scoped3A = tpu.sem_alloc : memref<!tpu.dma_semaphore, #tpu.memory_space<semaphore_mem>>
      %dma_start3A_135 = arith.constant 0 : i32
      %dma_start3A_136 = tpu.memref_slice %arg5[%arg0, %mul3A_134, %dma_start3A_135] : memref<2x10240x128xf32, #tpu.memory_space<hbm>> -> memref<1x640x128xf32, #tpu.memory_space<hbm>>
      %dma_start3A_137 = tpu.memref_squeeze %dma_start3A_136 : memref<1x640x128xf32, #tpu.memory_space<hbm>> -> memref<640x128xf32, #tpu.memory_space<hbm>>
      %dma_start3A_138 = arith.constant 0 : i32
      %dma_start3A_139 = tpu.memref_slice %arg12[%mul3A_132, %dma_start3A_138] : memref<10240x128xf32, #tpu.memory_space<vmem_shared>> -> memref<640x128xf32, #tpu.memory_space<vmem_shared>>
      tpu.enqueue_dma source(%dma_start3A_139 : memref<640x128xf32, #tpu.memory_space<vmem_shared>>) target(%dma_start3A_137 : memref<640x128xf32, #tpu.memory_space<hbm>>) target_semaphore(%run_scoped3A : memref<!tpu.dma_semaphore, #tpu.memory_space<semaphore_mem>>)
      %dma_wait3A_140 = arith.constant 0 : i32
      %dma_wait3A_141 = tpu.memref_slice %arg5[%arg0, %mul3A_134, %dma_wait3A_140] : memref<2x10240x128xf32, #tpu.memory_space<hbm>> -> memref<1x640x128xf32, #tpu.memory_space<hbm>>
      %dma_wait3A_142 = tpu.memref_squeeze %dma_wait3A_141 : memref<1x640x128xf32, #tpu.memory_space<hbm>> -> memref<640x128xf32, #tpu.memory_space<hbm>>
      %dma_wait3A_143 = arith.constant 0 : i32
      %dma_wait3A_144 = tpu.memref_slice %arg12[%mul3A_132, %dma_wait3A_143] : memref<10240x128xf32, #tpu.memory_space<vmem_shared>> -> memref<640x128xf32, #tpu.memory_space<vmem_shared>>
      tpu.wait_dma2 semaphore(%run_scoped3A : memref<!tpu.dma_semaphore, #tpu.memory_space<semaphore_mem>>) src(%dma_wait3A_144 : memref<640x128xf32, #tpu.memory_space<vmem_shared>>) dst(%dma_wait3A_142 : memref<640x128xf32, #tpu.memory_space<hbm>>)
      tpu.yield
    }) : () -> ()
    return
  }
}

#map = affine_map<(d0, d1) -> (0, 0)>
#map1 = affine_map<(d0, d1) -> (0, 0, 0, 0)>
#map2 = affine_map<(d0, d1) -> (0, 0, 0)>
module attributes {stable_mosaic.version = 14 : i64} {
  func.func @_sc_agg_body(%arg0: i32, %arg1: i32, %arg2: memref<10000x128xf32, #tpu.memory_space<hbm>>, %arg3: memref<32x10x8x128xi32, #tpu.memory_space<hbm>>, %arg4: memref<32x10x8x128xi32, #tpu.memory_space<hbm>>, %arg5: memref<2x10240x128xf32, #tpu.memory_space<hbm>>, %arg6: memref<8x128xi32, #tpu.memory_space<vmem>>, %arg7: memref<8x128xi32, #tpu.memory_space<vmem>>, %arg8: memref<8x128xi32, #tpu.memory_space<vmem>>, %arg9: memref<8x128xi32, #tpu.memory_space<vmem>>, %arg10: memref<128x128xf32, #tpu.memory_space<vmem>>, %arg11: memref<128x128xf32, #tpu.memory_space<vmem>>, %arg12: memref<10240x128xf32, #tpu.memory_space<vmem_shared>>, %arg13: memref<!tpu.dma_semaphore, #tpu.memory_space<semaphore_mem>>, %arg14: memref<!tpu.dma_semaphore, #tpu.memory_space<semaphore_mem>>, %arg15: memref<!tpu.dma_semaphore, #tpu.memory_space<semaphore_mem>>, %arg16: memref<!tpu.dma_semaphore, #tpu.memory_space<semaphore_mem>>, %arg17: memref<!tpu.dma_semaphore, #tpu.memory_space<semaphore_mem>>, %arg18: memref<!tpu.dma_semaphore, #tpu.memory_space<semaphore_mem>>) attributes {dimension_semantics = [#tpu.dimension_semantics<core_parallel>, #tpu.dimension_semantics<subcore_parallel>], iteration_bounds = array<i64: 2, 16>, scalar_prefetch = 0 : i64, scratch_operands = 13 : i64, tpu.core_type = #tpu.core_type<sc_vector_subcore>, window_params = [{transform_indices = #map}, {transform_indices = #map1}, {transform_indices = #map1}, {transform_indices = #map2}]} {
    %mul3A = arith.constant 2 : i32
    %mul3A_0 = arith.muli %arg1, %mul3A : i32
    %add3A = arith.addi %mul3A_0, %arg0 : i32
    %scan3A = arith.constant 0 : i32
    %scan3A_1 = arith.constant 0 : i32
    %scan3A_2 = arith.constant 128 : i32
    %scan3A_3 = arith.addi %scan3A_1, %scan3A_2 : i32
    %scan3A_4 = arith.constant 1 : i32
    scf.for %scan3A_135 = %scan3A_1 to %scan3A_3 step %scan3A_4  : i32 {
      %broadcast_in_dim3A = arith.constant 0.000000e+00 : f32
      %broadcast_in_dim3A_136 = vector.broadcast %broadcast_in_dim3A : f32 to vector<16xf32>
      %swap3A = arith.index_cast %scan3A_135 : i32 to index
      %swap3A_137 = arith.constant 0 : index
      %swap3A_138 = tpu.vector_load %arg10[%swap3A, %swap3A_137] {strides = array<i32>} : memref<128x128xf32, #tpu.memory_space<vmem>>, vector<1x16xf32>,
      %swap3A_139 = vector.shape_cast %swap3A_138 : vector<1x16xf32> to vector<16xf32>
      %swap3A_140 = vector.shape_cast %broadcast_in_dim3A_136 : vector<16xf32> to vector<1x16xf32>
      tpu.vector_store %arg10[%swap3A, %swap3A_137], %swap3A_140 {strides = array<i32>} : memref<128x128xf32, #tpu.memory_space<vmem>>, vector<1x16xf32>,
      %broadcast_in_dim3A_141 = arith.constant 0.000000e+00 : f32
      %broadcast_in_dim3A_142 = vector.broadcast %broadcast_in_dim3A_141 : f32 to vector<16xf32>
      %swap3A_143 = arith.index_cast %scan3A_135 : i32 to index
      %swap3A_144 = arith.constant 16 : index
      %swap3A_145 = tpu.vector_load %arg10[%swap3A_143, %swap3A_144] {strides = array<i32>} : memref<128x128xf32, #tpu.memory_space<vmem>>, vector<1x16xf32>,
      %swap3A_146 = vector.shape_cast %swap3A_145 : vector<1x16xf32> to vector<16xf32>
      %swap3A_147 = vector.shape_cast %broadcast_in_dim3A_142 : vector<16xf32> to vector<1x16xf32>
      tpu.vector_store %arg10[%swap3A_143, %swap3A_144], %swap3A_147 {strides = array<i32>} : memref<128x128xf32, #tpu.memory_space<vmem>>, vector<1x16xf32>,
      %broadcast_in_dim3A_148 = arith.constant 0.000000e+00 : f32
      %broadcast_in_dim3A_149 = vector.broadcast %broadcast_in_dim3A_148 : f32 to vector<16xf32>
      %swap3A_150 = arith.index_cast %scan3A_135 : i32 to index
      %swap3A_151 = arith.constant 32 : index
      %swap3A_152 = tpu.vector_load %arg10[%swap3A_150, %swap3A_151] {strides = array<i32>} : memref<128x128xf32, #tpu.memory_space<vmem>>, vector<1x16xf32>,
      %swap3A_153 = vector.shape_cast %swap3A_152 : vector<1x16xf32> to vector<16xf32>
      %swap3A_154 = vector.shape_cast %broadcast_in_dim3A_149 : vector<16xf32> to vector<1x16xf32>
      tpu.vector_store %arg10[%swap3A_150, %swap3A_151], %swap3A_154 {strides = array<i32>} : memref<128x128xf32, #tpu.memory_space<vmem>>, vector<1x16xf32>,
      %broadcast_in_dim3A_155 = arith.constant 0.000000e+00 : f32
      %broadcast_in_dim3A_156 = vector.broadcast %broadcast_in_dim3A_155 : f32 to vector<16xf32>
      %swap3A_157 = arith.index_cast %scan3A_135 : i32 to index
      %swap3A_158 = arith.constant 48 : index
      %swap3A_159 = tpu.vector_load %arg10[%swap3A_157, %swap3A_158] {strides = array<i32>} : memref<128x128xf32, #tpu.memory_space<vmem>>, vector<1x16xf32>,
      %swap3A_160 = vector.shape_cast %swap3A_159 : vector<1x16xf32> to vector<16xf32>
      %swap3A_161 = vector.shape_cast %broadcast_in_dim3A_156 : vector<16xf32> to vector<1x16xf32>
      tpu.vector_store %arg10[%swap3A_157, %swap3A_158], %swap3A_161 {strides = array<i32>} : memref<128x128xf32, #tpu.memory_space<vmem>>, vector<1x16xf32>,
      %broadcast_in_dim3A_162 = arith.constant 0.000000e+00 : f32
      %broadcast_in_dim3A_163 = vector.broadcast %broadcast_in_dim3A_162 : f32 to vector<16xf32>
      %swap3A_164 = arith.index_cast %scan3A_135 : i32 to index
      %swap3A_165 = arith.constant 64 : index
      %swap3A_166 = tpu.vector_load %arg10[%swap3A_164, %swap3A_165] {strides = array<i32>} : memref<128x128xf32, #tpu.memory_space<vmem>>, vector<1x16xf32>,
      %swap3A_167 = vector.shape_cast %swap3A_166 : vector<1x16xf32> to vector<16xf32>
      %swap3A_168 = vector.shape_cast %broadcast_in_dim3A_163 : vector<16xf32> to vector<1x16xf32>
      tpu.vector_store %arg10[%swap3A_164, %swap3A_165], %swap3A_168 {strides = array<i32>} : memref<128x128xf32, #tpu.memory_space<vmem>>, vector<1x16xf32>,
      %broadcast_in_dim3A_169 = arith.constant 0.000000e+00 : f32
      %broadcast_in_dim3A_170 = vector.broadcast %broadcast_in_dim3A_169 : f32 to vector<16xf32>
      %swap3A_171 = arith.index_cast %scan3A_135 : i32 to index
      %swap3A_172 = arith.constant 80 : index
      %swap3A_173 = tpu.vector_load %arg10[%swap3A_171, %swap3A_172] {strides = array<i32>} : memref<128x128xf32, #tpu.memory_space<vmem>>, vector<1x16xf32>,
      %swap3A_174 = vector.shape_cast %swap3A_173 : vector<1x16xf32> to vector<16xf32>
      %swap3A_175 = vector.shape_cast %broadcast_in_dim3A_170 : vector<16xf32> to vector<1x16xf32>
      tpu.vector_store %arg10[%swap3A_171, %swap3A_172], %swap3A_175 {strides = array<i32>} : memref<128x128xf32, #tpu.memory_space<vmem>>, vector<1x16xf32>,
      %broadcast_in_dim3A_176 = arith.constant 0.000000e+00 : f32
      %broadcast_in_dim3A_177 = vector.broadcast %broadcast_in_dim3A_176 : f32 to vector<16xf32>
      %swap3A_178 = arith.index_cast %scan3A_135 : i32 to index
      %swap3A_179 = arith.constant 96 : index
      %swap3A_180 = tpu.vector_load %arg10[%swap3A_178, %swap3A_179] {strides = array<i32>} : memref<128x128xf32, #tpu.memory_space<vmem>>, vector<1x16xf32>,
      %swap3A_181 = vector.shape_cast %swap3A_180 : vector<1x16xf32> to vector<16xf32>
      %swap3A_182 = vector.shape_cast %broadcast_in_dim3A_177 : vector<16xf32> to vector<1x16xf32>
      tpu.vector_store %arg10[%swap3A_178, %swap3A_179], %swap3A_182 {strides = array<i32>} : memref<128x128xf32, #tpu.memory_space<vmem>>, vector<1x16xf32>,
      %broadcast_in_dim3A_183 = arith.constant 0.000000e+00 : f32
      %broadcast_in_dim3A_184 = vector.broadcast %broadcast_in_dim3A_183 : f32 to vector<16xf32>
      %swap3A_185 = arith.index_cast %scan3A_135 : i32 to index
      %swap3A_186 = arith.constant 112 : index
      %swap3A_187 = tpu.vector_load %arg10[%swap3A_185, %swap3A_186] {strides = array<i32>} : memref<128x128xf32, #tpu.memory_space<vmem>>, vector<1x16xf32>,
      %swap3A_188 = vector.shape_cast %swap3A_187 : vector<1x16xf32> to vector<16xf32>
      %swap3A_189 = vector.shape_cast %broadcast_in_dim3A_184 : vector<16xf32> to vector<1x16xf32>
      tpu.vector_store %arg10[%swap3A_185, %swap3A_186], %swap3A_189 {strides = array<i32>} : memref<128x128xf32, #tpu.memory_space<vmem>>, vector<1x16xf32>,
    }
    %scan3A_5 = arith.constant 128 : i32
    %mul3A_6 = arith.constant 640 : i32
    %mul3A_7 = arith.muli %arg1, %mul3A_6 : i32
    %add3A_8 = arith.constant 0 : i32
    %add3A_9 = arith.addi %mul3A_7, %add3A_8 : i32
    "tpu.region"() ({
      %run_scoped3A = tpu.sem_alloc : memref<!tpu.dma_semaphore, #tpu.memory_space<semaphore_mem>>
      %dma_start3A_135 = arith.constant 0 : i32
      %dma_start3A_136 = tpu.memref_slice %arg12[%add3A_9, %dma_start3A_135] : memref<10240x128xf32, #tpu.memory_space<vmem_shared>> -> memref<128x128xf32, #tpu.memory_space<vmem_shared>>
      %dma_start3A_137 = arith.constant 0 : i32
      %dma_start3A_138 = tpu.memref_slice %arg12[%add3A_9, %dma_start3A_137] : memref<10240x128xf32, #tpu.memory_space<vmem_shared>> -> memref<128x128xf32, #tpu.memory_space<vmem_shared>>
      tpu.enqueue_dma source(%arg10 : memref<128x128xf32, #tpu.memory_space<vmem>>) target(%dma_start3A_138 : memref<128x128xf32, #tpu.memory_space<vmem_shared>>) target_semaphore(%run_scoped3A : memref<!tpu.dma_semaphore, #tpu.memory_space<semaphore_mem>>)
      %dma_wait3A_139 = arith.constant 0 : i32
      %dma_wait3A_140 = tpu.memref_slice %arg12[%add3A_9, %dma_wait3A_139] : memref<10240x128xf32, #tpu.memory_space<vmem_shared>> -> memref<128x128xf32, #tpu.memory_space<vmem_shared>>
      %dma_wait3A_141 = arith.constant 0 : i32
      %dma_wait3A_142 = tpu.memref_slice %arg12[%add3A_9, %dma_wait3A_141] : memref<10240x128xf32, #tpu.memory_space<vmem_shared>> -> memref<128x128xf32, #tpu.memory_space<vmem_shared>>
      tpu.wait_dma2 semaphore(%run_scoped3A : memref<!tpu.dma_semaphore, #tpu.memory_space<semaphore_mem>>) src(%arg10 : memref<128x128xf32, #tpu.memory_space<vmem>>) dst(%dma_wait3A_142 : memref<128x128xf32, #tpu.memory_space<vmem_shared>>)
      tpu.yield
    }) : () -> ()
    %mul3A_10 = arith.constant 640 : i32
    %mul3A_11 = arith.muli %arg1, %mul3A_10 : i32
    %add3A_12 = arith.constant 128 : i32
    %add3A_13 = arith.addi %mul3A_11, %add3A_12 : i32
    "tpu.region"() ({
      %run_scoped3A = tpu.sem_alloc : memref<!tpu.dma_semaphore, #tpu.memory_space<semaphore_mem>>
      %dma_start3A_135 = arith.constant 0 : i32
      %dma_start3A_136 = tpu.memref_slice %arg12[%add3A_13, %dma_start3A_135] : memref<10240x128xf32, #tpu.memory_space<vmem_shared>> -> memref<128x128xf32, #tpu.memory_space<vmem_shared>>
      %dma_start3A_137 = arith.constant 0 : i32
      %dma_start3A_138 = tpu.memref_slice %arg12[%add3A_13, %dma_start3A_137] : memref<10240x128xf32, #tpu.memory_space<vmem_shared>> -> memref<128x128xf32, #tpu.memory_space<vmem_shared>>
      tpu.enqueue_dma source(%arg10 : memref<128x128xf32, #tpu.memory_space<vmem>>) target(%dma_start3A_138 : memref<128x128xf32, #tpu.memory_space<vmem_shared>>) target_semaphore(%run_scoped3A : memref<!tpu.dma_semaphore, #tpu.memory_space<semaphore_mem>>)
      %dma_wait3A_139 = arith.constant 0 : i32
      %dma_wait3A_140 = tpu.memref_slice %arg12[%add3A_13, %dma_wait3A_139] : memref<10240x128xf32, #tpu.memory_space<vmem_shared>> -> memref<128x128xf32, #tpu.memory_space<vmem_shared>>
      %dma_wait3A_141 = arith.constant 0 : i32
      %dma_wait3A_142 = tpu.memref_slice %arg12[%add3A_13, %dma_wait3A_141] : memref<10240x128xf32, #tpu.memory_space<vmem_shared>> -> memref<128x128xf32, #tpu.memory_space<vmem_shared>>
      tpu.wait_dma2 semaphore(%run_scoped3A : memref<!tpu.dma_semaphore, #tpu.memory_space<semaphore_mem>>) src(%arg10 : memref<128x128xf32, #tpu.memory_space<vmem>>) dst(%dma_wait3A_142 : memref<128x128xf32, #tpu.memory_space<vmem_shared>>)
      tpu.yield
    }) : () -> ()
    %mul3A_14 = arith.constant 640 : i32
    %mul3A_15 = arith.muli %arg1, %mul3A_14 : i32
    %add3A_16 = arith.constant 256 : i32
    %add3A_17 = arith.addi %mul3A_15, %add3A_16 : i32
    "tpu.region"() ({
      %run_scoped3A = tpu.sem_alloc : memref<!tpu.dma_semaphore, #tpu.memory_space<semaphore_mem>>
      %dma_start3A_135 = arith.constant 0 : i32
      %dma_start3A_136 = tpu.memref_slice %arg12[%add3A_17, %dma_start3A_135] : memref<10240x128xf32, #tpu.memory_space<vmem_shared>> -> memref<128x128xf32, #tpu.memory_space<vmem_shared>>
      %dma_start3A_137 = arith.constant 0 : i32
      %dma_start3A_138 = tpu.memref_slice %arg12[%add3A_17, %dma_start3A_137] : memref<10240x128xf32, #tpu.memory_space<vmem_shared>> -> memref<128x128xf32, #tpu.memory_space<vmem_shared>>
      tpu.enqueue_dma source(%arg10 : memref<128x128xf32, #tpu.memory_space<vmem>>) target(%dma_start3A_138 : memref<128x128xf32, #tpu.memory_space<vmem_shared>>) target_semaphore(%run_scoped3A : memref<!tpu.dma_semaphore, #tpu.memory_space<semaphore_mem>>)
      %dma_wait3A_139 = arith.constant 0 : i32
      %dma_wait3A_140 = tpu.memref_slice %arg12[%add3A_17, %dma_wait3A_139] : memref<10240x128xf32, #tpu.memory_space<vmem_shared>> -> memref<128x128xf32, #tpu.memory_space<vmem_shared>>
      %dma_wait3A_141 = arith.constant 0 : i32
      %dma_wait3A_142 = tpu.memref_slice %arg12[%add3A_17, %dma_wait3A_141] : memref<10240x128xf32, #tpu.memory_space<vmem_shared>> -> memref<128x128xf32, #tpu.memory_space<vmem_shared>>
      tpu.wait_dma2 semaphore(%run_scoped3A : memref<!tpu.dma_semaphore, #tpu.memory_space<semaphore_mem>>) src(%arg10 : memref<128x128xf32, #tpu.memory_space<vmem>>) dst(%dma_wait3A_142 : memref<128x128xf32, #tpu.memory_space<vmem_shared>>)
      tpu.yield
    }) : () -> ()
    %mul3A_18 = arith.constant 640 : i32
    %mul3A_19 = arith.muli %arg1, %mul3A_18 : i32
    %add3A_20 = arith.constant 384 : i32
    %add3A_21 = arith.addi %mul3A_19, %add3A_20 : i32
    "tpu.region"() ({
      %run_scoped3A = tpu.sem_alloc : memref<!tpu.dma_semaphore, #tpu.memory_space<semaphore_mem>>
      %dma_start3A_135 = arith.constant 0 : i32
      %dma_start3A_136 = tpu.memref_slice %arg12[%add3A_21, %dma_start3A_135] : memref<10240x128xf32, #tpu.memory_space<vmem_shared>> -> memref<128x128xf32, #tpu.memory_space<vmem_shared>>
      %dma_start3A_137 = arith.constant 0 : i32
      %dma_start3A_138 = tpu.memref_slice %arg12[%add3A_21, %dma_start3A_137] : memref<10240x128xf32, #tpu.memory_space<vmem_shared>> -> memref<128x128xf32, #tpu.memory_space<vmem_shared>>
      tpu.enqueue_dma source(%arg10 : memref<128x128xf32, #tpu.memory_space<vmem>>) target(%dma_start3A_138 : memref<128x128xf32, #tpu.memory_space<vmem_shared>>) target_semaphore(%run_scoped3A : memref<!tpu.dma_semaphore, #tpu.memory_space<semaphore_mem>>)
      %dma_wait3A_139 = arith.constant 0 : i32
      %dma_wait3A_140 = tpu.memref_slice %arg12[%add3A_21, %dma_wait3A_139] : memref<10240x128xf32, #tpu.memory_space<vmem_shared>> -> memref<128x128xf32, #tpu.memory_space<vmem_shared>>
      %dma_wait3A_141 = arith.constant 0 : i32
      %dma_wait3A_142 = tpu.memref_slice %arg12[%add3A_21, %dma_wait3A_141] : memref<10240x128xf32, #tpu.memory_space<vmem_shared>> -> memref<128x128xf32, #tpu.memory_space<vmem_shared>>
      tpu.wait_dma2 semaphore(%run_scoped3A : memref<!tpu.dma_semaphore, #tpu.memory_space<semaphore_mem>>) src(%arg10 : memref<128x128xf32, #tpu.memory_space<vmem>>) dst(%dma_wait3A_142 : memref<128x128xf32, #tpu.memory_space<vmem_shared>>)
      tpu.yield
    }) : () -> ()
    %mul3A_22 = arith.constant 640 : i32
    %mul3A_23 = arith.muli %arg1, %mul3A_22 : i32
    %add3A_24 = arith.constant 512 : i32
    %add3A_25 = arith.addi %mul3A_23, %add3A_24 : i32
    "tpu.region"() ({
      %run_scoped3A = tpu.sem_alloc : memref<!tpu.dma_semaphore, #tpu.memory_space<semaphore_mem>>
      %dma_start3A_135 = arith.constant 0 : i32
      %dma_start3A_136 = tpu.memref_slice %arg12[%add3A_25, %dma_start3A_135] : memref<10240x128xf32, #tpu.memory_space<vmem_shared>> -> memref<128x128xf32, #tpu.memory_space<vmem_shared>>
      %dma_start3A_137 = arith.constant 0 : i32
      %dma_start3A_138 = tpu.memref_slice %arg12[%add3A_25, %dma_start3A_137] : memref<10240x128xf32, #tpu.memory_space<vmem_shared>> -> memref<128x128xf32, #tpu.memory_space<vmem_shared>>
      tpu.enqueue_dma source(%arg10 : memref<128x128xf32, #tpu.memory_space<vmem>>) target(%dma_start3A_138 : memref<128x128xf32, #tpu.memory_space<vmem_shared>>) target_semaphore(%run_scoped3A : memref<!tpu.dma_semaphore, #tpu.memory_space<semaphore_mem>>)
      %dma_wait3A_139 = arith.constant 0 : i32
      %dma_wait3A_140 = tpu.memref_slice %arg12[%add3A_25, %dma_wait3A_139] : memref<10240x128xf32, #tpu.memory_space<vmem_shared>> -> memref<128x128xf32, #tpu.memory_space<vmem_shared>>
      %dma_wait3A_141 = arith.constant 0 : i32
      %dma_wait3A_142 = tpu.memref_slice %arg12[%add3A_25, %dma_wait3A_141] : memref<10240x128xf32, #tpu.memory_space<vmem_shared>> -> memref<128x128xf32, #tpu.memory_space<vmem_shared>>
      tpu.wait_dma2 semaphore(%run_scoped3A : memref<!tpu.dma_semaphore, #tpu.memory_space<semaphore_mem>>) src(%arg10 : memref<128x128xf32, #tpu.memory_space<vmem>>) dst(%dma_wait3A_142 : memref<128x128xf32, #tpu.memory_space<vmem_shared>>)
      tpu.yield
    }) : () -> ()
    %barrier3A = arith.constant 0 : index
    tpu.barrier barrier_id(%barrier3A)
    %dma_start3A = arith.constant 0 : i32
    %dma_start3A_26 = arith.constant 0 : i32
    %dma_start3A_27 = arith.constant 0 : i32
    %dma_start3A_28 = tpu.memref_slice %arg3[%add3A, %dma_start3A, %dma_start3A_26, %dma_start3A_27] : memref<32x10x8x128xi32, #tpu.memory_space<hbm>> -> memref<1x1x8x128xi32, #tpu.memory_space<hbm>>
    %dma_start3A_29 = tpu.memref_squeeze %dma_start3A_28 : memref<1x1x8x128xi32, #tpu.memory_space<hbm>> -> memref<8x128xi32, #tpu.memory_space<hbm>>
    %dma_start3A_30 = arith.constant 0 : i32
    %dma_start3A_31 = arith.constant 0 : i32
    %dma_start3A_32 = tpu.memref_slice %arg3[%add3A, %dma_start3A, %dma_start3A_30, %dma_start3A_31] : memref<32x10x8x128xi32, #tpu.memory_space<hbm>> -> memref<1x1x8x128xi32, #tpu.memory_space<hbm>>
    %dma_start3A_33 = tpu.memref_squeeze %dma_start3A_32 : memref<1x1x8x128xi32, #tpu.memory_space<hbm>> -> memref<8x128xi32, #tpu.memory_space<hbm>>
    tpu.enqueue_dma source(%dma_start3A_33 : memref<8x128xi32, #tpu.memory_space<hbm>>) target(%arg6 : memref<8x128xi32, #tpu.memory_space<vmem>>) target_semaphore(%arg13 : memref<!tpu.dma_semaphore, #tpu.memory_space<semaphore_mem>>)
    %dma_start3A_34 = arith.constant 0 : i32
    %dma_start3A_35 = arith.constant 0 : i32
    %dma_start3A_36 = arith.constant 0 : i32
    %dma_start3A_37 = tpu.memref_slice %arg4[%add3A, %dma_start3A_34, %dma_start3A_35, %dma_start3A_36] : memref<32x10x8x128xi32, #tpu.memory_space<hbm>> -> memref<1x1x8x128xi32, #tpu.memory_space<hbm>>
    %dma_start3A_38 = tpu.memref_squeeze %dma_start3A_37 : memref<1x1x8x128xi32, #tpu.memory_space<hbm>> -> memref<8x128xi32, #tpu.memory_space<hbm>>
    %dma_start3A_39 = arith.constant 0 : i32
    %dma_start3A_40 = arith.constant 0 : i32
    %dma_start3A_41 = tpu.memref_slice %arg4[%add3A, %dma_start3A_34, %dma_start3A_39, %dma_start3A_40] : memref<32x10x8x128xi32, #tpu.memory_space<hbm>> -> memref<1x1x8x128xi32, #tpu.memory_space<hbm>>
    %dma_start3A_42 = tpu.memref_squeeze %dma_start3A_41 : memref<1x1x8x128xi32, #tpu.memory_space<hbm>> -> memref<8x128xi32, #tpu.memory_space<hbm>>
    tpu.enqueue_dma source(%dma_start3A_42 : memref<8x128xi32, #tpu.memory_space<hbm>>) target(%arg8 : memref<8x128xi32, #tpu.memory_space<vmem>>) target_semaphore(%arg15 : memref<!tpu.dma_semaphore, #tpu.memory_space<semaphore_mem>>)
    %dma_start3A_43 = arith.constant 1 : i32
    %dma_start3A_44 = arith.constant 0 : i32
    %dma_start3A_45 = arith.constant 0 : i32
    %dma_start3A_46 = tpu.memref_slice %arg3[%add3A, %dma_start3A_43, %dma_start3A_44, %dma_start3A_45] : memref<32x10x8x128xi32, #tpu.memory_space<hbm>> -> memref<1x1x8x128xi32, #tpu.memory_space<hbm>>
    %dma_start3A_47 = tpu.memref_squeeze %dma_start3A_46 : memref<1x1x8x128xi32, #tpu.memory_space<hbm>> -> memref<8x128xi32, #tpu.memory_space<hbm>>
    %dma_start3A_48 = arith.constant 0 : i32
    %dma_start3A_49 = arith.constant 0 : i32
    %dma_start3A_50 = tpu.memref_slice %arg3[%add3A, %dma_start3A_43, %dma_start3A_48, %dma_start3A_49] : memref<32x10x8x128xi32, #tpu.memory_space<hbm>> -> memref<1x1x8x128xi32, #tpu.memory_space<hbm>>
    %dma_start3A_51 = tpu.memref_squeeze %dma_start3A_50 : memref<1x1x8x128xi32, #tpu.memory_space<hbm>> -> memref<8x128xi32, #tpu.memory_space<hbm>>
    tpu.enqueue_dma source(%dma_start3A_51 : memref<8x128xi32, #tpu.memory_space<hbm>>) target(%arg7 : memref<8x128xi32, #tpu.memory_space<vmem>>) target_semaphore(%arg14 : memref<!tpu.dma_semaphore, #tpu.memory_space<semaphore_mem>>)
    %dma_start3A_52 = arith.constant 1 : i32
    %dma_start3A_53 = arith.constant 0 : i32
    %dma_start3A_54 = arith.constant 0 : i32
    %dma_start3A_55 = tpu.memref_slice %arg4[%add3A, %dma_start3A_52, %dma_start3A_53, %dma_start3A_54] : memref<32x10x8x128xi32, #tpu.memory_space<hbm>> -> memref<1x1x8x128xi32, #tpu.memory_space<hbm>>
    %dma_start3A_56 = tpu.memref_squeeze %dma_start3A_55 : memref<1x1x8x128xi32, #tpu.memory_space<hbm>> -> memref<8x128xi32, #tpu.memory_space<hbm>>
    %dma_start3A_57 = arith.constant 0 : i32
    %dma_start3A_58 = arith.constant 0 : i32
    %dma_start3A_59 = tpu.memref_slice %arg4[%add3A, %dma_start3A_52, %dma_start3A_57, %dma_start3A_58] : memref<32x10x8x128xi32, #tpu.memory_space<hbm>> -> memref<1x1x8x128xi32, #tpu.memory_space<hbm>>
    %dma_start3A_60 = tpu.memref_squeeze %dma_start3A_59 : memref<1x1x8x128xi32, #tpu.memory_space<hbm>> -> memref<8x128xi32, #tpu.memory_space<hbm>>
    tpu.enqueue_dma source(%dma_start3A_60 : memref<8x128xi32, #tpu.memory_space<hbm>>) target(%arg9 : memref<8x128xi32, #tpu.memory_space<vmem>>) target_semaphore(%arg16 : memref<!tpu.dma_semaphore, #tpu.memory_space<semaphore_mem>>)
    %dma_wait3A = arith.constant 0 : i32
    %dma_wait3A_61 = arith.constant 0 : i32
    %dma_wait3A_62 = arith.constant 0 : i32
    %dma_wait3A_63 = tpu.memref_slice %arg3[%add3A, %dma_wait3A, %dma_wait3A_61, %dma_wait3A_62] : memref<32x10x8x128xi32, #tpu.memory_space<hbm>> -> memref<1x1x8x128xi32, #tpu.memory_space<hbm>>
    %dma_wait3A_64 = tpu.memref_squeeze %dma_wait3A_63 : memref<1x1x8x128xi32, #tpu.memory_space<hbm>> -> memref<8x128xi32, #tpu.memory_space<hbm>>
    %dma_wait3A_65 = arith.constant 0 : i32
    %dma_wait3A_66 = arith.constant 0 : i32
    %dma_wait3A_67 = tpu.memref_slice %arg3[%add3A, %dma_wait3A, %dma_wait3A_65, %dma_wait3A_66] : memref<32x10x8x128xi32, #tpu.memory_space<hbm>> -> memref<1x1x8x128xi32, #tpu.memory_space<hbm>>
    %dma_wait3A_68 = tpu.memref_squeeze %dma_wait3A_67 : memref<1x1x8x128xi32, #tpu.memory_space<hbm>> -> memref<8x128xi32, #tpu.memory_space<hbm>>
    tpu.wait_dma2 semaphore(%arg13 : memref<!tpu.dma_semaphore, #tpu.memory_space<semaphore_mem>>) src(%dma_wait3A_68 : memref<8x128xi32, #tpu.memory_space<hbm>>) dst(%arg6 : memref<8x128xi32, #tpu.memory_space<vmem>>)
    %dma_start3A_69 = arith.constant 0 : i32
    %dma_start3A_70 = arith.constant 0 : i32
    %dma_start3A_71 = tpu.memref_slice %arg6[%dma_start3A_69, %dma_start3A_70] : memref<8x128xi32, #tpu.memory_space<vmem>> -> memref<1x128xi32, #tpu.memory_space<vmem>>
    %dma_start3A_72 = tpu.memref_squeeze %dma_start3A_71 : memref<1x128xi32, #tpu.memory_space<vmem>> -> memref<128xi32, #tpu.memory_space<vmem>>
    %dma_start3A_73 = arith.constant 0 : i32
    %dma_start3A_74 = arith.constant 0 : i32
    %dma_start3A_75 = tpu.memref_slice %arg2[%dma_start3A_73, %dma_start3A_74] : memref<10000x128xf32, #tpu.memory_space<hbm>> -> memref<10000x128xf32, #tpu.memory_space<hbm>>
    tpu.enqueue_indirect_dma source(%dma_start3A_75 : memref<10000x128xf32, #tpu.memory_space<hbm>>) target(%arg10 : memref<128x128xf32, #tpu.memory_space<vmem>>) offsets(%dma_start3A_72 : memref<128xi32, #tpu.memory_space<vmem>>) semaphore(%arg17 : memref<!tpu.dma_semaphore, #tpu.memory_space<semaphore_mem>>)
    %dma_start3A_76 = arith.constant 1 : i32
    %dma_start3A_77 = arith.constant 0 : i32
    %dma_start3A_78 = tpu.memref_slice %arg6[%dma_start3A_76, %dma_start3A_77] : memref<8x128xi32, #tpu.memory_space<vmem>> -> memref<1x128xi32, #tpu.memory_space<vmem>>
    %dma_start3A_79 = tpu.memref_squeeze %dma_start3A_78 : memref<1x128xi32, #tpu.memory_space<vmem>> -> memref<128xi32, #tpu.memory_space<vmem>>
    %dma_start3A_80 = arith.constant 0 : i32
    %dma_start3A_81 = arith.constant 0 : i32
    %dma_start3A_82 = tpu.memref_slice %arg2[%dma_start3A_80, %dma_start3A_81] : memref<10000x128xf32, #tpu.memory_space<hbm>> -> memref<10000x128xf32, #tpu.memory_space<hbm>>
    tpu.enqueue_indirect_dma source(%dma_start3A_82 : memref<10000x128xf32, #tpu.memory_space<hbm>>) target(%arg11 : memref<128x128xf32, #tpu.memory_space<vmem>>) offsets(%dma_start3A_79 : memref<128xi32, #tpu.memory_space<vmem>>) semaphore(%arg18 : memref<!tpu.dma_semaphore, #tpu.memory_space<semaphore_mem>>)
    %dma_wait3A_83 = arith.constant 0 : i32
    %dma_wait3A_84 = arith.constant 0 : i32
    %dma_wait3A_85 = arith.constant 0 : i32
    %dma_wait3A_86 = tpu.memref_slice %arg4[%add3A, %dma_wait3A_83, %dma_wait3A_84, %dma_wait3A_85] : memref<32x10x8x128xi32, #tpu.memory_space<hbm>> -> memref<1x1x8x128xi32, #tpu.memory_space<hbm>>
    %dma_wait3A_87 = tpu.memref_squeeze %dma_wait3A_86 : memref<1x1x8x128xi32, #tpu.memory_space<hbm>> -> memref<8x128xi32, #tpu.memory_space<hbm>>
    %dma_wait3A_88 = arith.constant 0 : i32
    %dma_wait3A_89 = arith.constant 0 : i32
    %dma_wait3A_90 = tpu.memref_slice %arg4[%add3A, %dma_wait3A_83, %dma_wait3A_88, %dma_wait3A_89] : memref<32x10x8x128xi32, #tpu.memory_space<hbm>> -> memref<1x1x8x128xi32, #tpu.memory_space<hbm>>
    %dma_wait3A_91 = tpu.memref_squeeze %dma_wait3A_90 : memref<1x1x8x128xi32, #tpu.memory_space<hbm>> -> memref<8x128xi32, #tpu.memory_space<hbm>>
    tpu.wait_dma2 semaphore(%arg15 : memref<!tpu.dma_semaphore, #tpu.memory_space<semaphore_mem>>) src(%dma_wait3A_91 : memref<8x128xi32, #tpu.memory_space<hbm>>) dst(%arg8 : memref<8x128xi32, #tpu.memory_space<vmem>>)
    %scan3A_92 = arith.constant 0 : i32
    %scan3A_93 = arith.constant 0 : i32
    %scan3A_94 = arith.constant 5 : i32
    %scan3A_95 = arith.addi %scan3A_93, %scan3A_94 : i32
    %scan3A_96 = arith.constant 1 : i32
    scf.for %scan3A_135 = %scan3A_93 to %scan3A_95 step %scan3A_96  : i32 {
      %mul3A_136 = arith.constant 2 : i32
      %mul3A_137 = arith.muli %mul3A_136, %scan3A_135 : i32
      %add3A_138 = arith.constant 2 : i32
      %add3A_139 = arith.addi %mul3A_137, %add3A_138 : i32
      %min3A = arith.constant 9 : i32
      %min3A_140 = arith.minsi %add3A_139, %min3A : i32
      %mul3A_141 = arith.constant 2 : i32
      %mul3A_142 = arith.muli %mul3A_141, %scan3A_135 : i32
      %add3A_143 = arith.constant 3 : i32
      %add3A_144 = arith.addi %mul3A_142, %add3A_143 : i32
      %min3A_145 = arith.constant 9 : i32
      %min3A_146 = arith.minsi %add3A_144, %min3A_145 : i32
      %dma_wait3A_147 = arith.constant 0 : i32
      %dma_wait3A_148 = arith.constant 0 : i32
      %dma_wait3A_149 = tpu.memref_slice %arg6[%dma_wait3A_147, %dma_wait3A_148] : memref<8x128xi32, #tpu.memory_space<vmem>> -> memref<1x128xi32, #tpu.memory_space<vmem>>
      %dma_wait3A_150 = tpu.memref_squeeze %dma_wait3A_149 : memref<1x128xi32, #tpu.memory_space<vmem>> -> memref<128xi32, #tpu.memory_space<vmem>>
      %dma_wait3A_151 = arith.constant 0 : i32
      %dma_wait3A_152 = arith.constant 0 : i32
      %dma_wait3A_153 = tpu.memref_slice %arg2[%dma_wait3A_151, %dma_wait3A_152] : memref<10000x128xf32, #tpu.memory_space<hbm>> -> memref<10000x128xf32, #tpu.memory_space<hbm>>
      tpu.wait_indirect_dma semaphore(%arg17 : memref<!tpu.dma_semaphore, #tpu.memory_space<semaphore_mem>>) src(%dma_wait3A_153 : memref<10000x128xf32, #tpu.memory_space<hbm>>) dst(%arg10 : memref<128x128xf32, #tpu.memory_space<vmem>>)
      %run_scoped3A = arith.constant 0 : i32
      "tpu.region"() ({
        %run_scoped3A_454 = tpu.sem_alloc : memref<!tpu.dma_semaphore, #tpu.memory_space<semaphore_mem>>
        %dma_start3A_455 = arith.constant 0 : i32
        %dma_start3A_456 = tpu.memref_slice %arg8[%run_scoped3A, %dma_start3A_455] : memref<8x128xi32, #tpu.memory_space<vmem>> -> memref<1x128xi32, #tpu.memory_space<vmem>>
        %dma_start3A_457 = tpu.memref_squeeze %dma_start3A_456 : memref<1x128xi32, #tpu.memory_space<vmem>> -> memref<128xi32, #tpu.memory_space<vmem>>
        %dma_start3A_458 = arith.constant 0 : i32
        %dma_start3A_459 = arith.constant 0 : i32
        %dma_start3A_460 = tpu.memref_slice %arg12[%dma_start3A_458, %dma_start3A_459] : memref<10240x128xf32, #tpu.memory_space<vmem_shared>> -> memref<10240x128xf32, #tpu.memory_space<vmem_shared>>
        tpu.enqueue_indirect_dma source(%arg10 : memref<128x128xf32, #tpu.memory_space<vmem>>) target(%dma_start3A_460 : memref<10240x128xf32, #tpu.memory_space<vmem_shared>>) offsets(%dma_start3A_457 : memref<128xi32, #tpu.memory_space<vmem>>) semaphore(%run_scoped3A_454 : memref<!tpu.dma_semaphore, #tpu.memory_space<semaphore_mem>>) {add = true}
        %dma_wait3A_461 = arith.constant 0 : i32
        %dma_wait3A_462 = tpu.memref_slice %arg8[%run_scoped3A, %dma_wait3A_461] : memref<8x128xi32, #tpu.memory_space<vmem>> -> memref<1x128xi32, #tpu.memory_space<vmem>>
        %dma_wait3A_463 = tpu.memref_squeeze %dma_wait3A_462 : memref<1x128xi32, #tpu.memory_space<vmem>> -> memref<128xi32, #tpu.memory_space<vmem>>
        %dma_wait3A_464 = arith.constant 0 : i32
        %dma_wait3A_465 = arith.constant 0 : i32
        %dma_wait3A_466 = tpu.memref_slice %arg12[%dma_wait3A_464, %dma_wait3A_465] : memref<10240x128xf32, #tpu.memory_space<vmem_shared>> -> memref<10240x128xf32, #tpu.memory_space<vmem_shared>>
        tpu.wait_indirect_dma semaphore(%run_scoped3A_454 : memref<!tpu.dma_semaphore, #tpu.memory_space<semaphore_mem>>) src(%arg10 : memref<128x128xf32, #tpu.memory_space<vmem>>) dst(%dma_wait3A_466 : memref<10240x128xf32, #tpu.memory_space<vmem_shared>>)
        tpu.yield
      }) : () -> ()
      %dma_start3A_154 = arith.constant 2 : i32
      %dma_start3A_155 = arith.constant 0 : i32
      %dma_start3A_156 = tpu.memref_slice %arg6[%dma_start3A_154, %dma_start3A_155] : memref<8x128xi32, #tpu.memory_space<vmem>> -> memref<1x128xi32, #tpu.memory_space<vmem>>
      %dma_start3A_157 = tpu.memref_squeeze %dma_start3A_156 : memref<1x128xi32, #tpu.memory_space<vmem>> -> memref<128xi32, #tpu.memory_space<vmem>>
      %dma_start3A_158 = arith.constant 0 : i32
      %dma_start3A_159 = arith.constant 0 : i32
      %dma_start3A_160 = tpu.memref_slice %arg2[%dma_start3A_158, %dma_start3A_159] : memref<10000x128xf32, #tpu.memory_space<hbm>> -> memref<10000x128xf32, #tpu.memory_space<hbm>>
      tpu.enqueue_indirect_dma source(%dma_start3A_160 : memref<10000x128xf32, #tpu.memory_space<hbm>>) target(%arg10 : memref<128x128xf32, #tpu.memory_space<vmem>>) offsets(%dma_start3A_157 : memref<128xi32, #tpu.memory_space<vmem>>) semaphore(%arg17 : memref<!tpu.dma_semaphore, #tpu.memory_space<semaphore_mem>>)
      %dma_wait3A_161 = arith.constant 1 : i32
      %dma_wait3A_162 = arith.constant 0 : i32
      %dma_wait3A_163 = tpu.memref_slice %arg6[%dma_wait3A_161, %dma_wait3A_162] : memref<8x128xi32, #tpu.memory_space<vmem>> -> memref<1x128xi32, #tpu.memory_space<vmem>>
      %dma_wait3A_164 = tpu.memref_squeeze %dma_wait3A_163 : memref<1x128xi32, #tpu.memory_space<vmem>> -> memref<128xi32, #tpu.memory_space<vmem>>
      %dma_wait3A_165 = arith.constant 0 : i32
      %dma_wait3A_166 = arith.constant 0 : i32
      %dma_wait3A_167 = tpu.memref_slice %arg2[%dma_wait3A_165, %dma_wait3A_166] : memref<10000x128xf32, #tpu.memory_space<hbm>> -> memref<10000x128xf32, #tpu.memory_space<hbm>>
      tpu.wait_indirect_dma semaphore(%arg18 : memref<!tpu.dma_semaphore, #tpu.memory_space<semaphore_mem>>) src(%dma_wait3A_167 : memref<10000x128xf32, #tpu.memory_space<hbm>>) dst(%arg11 : memref<128x128xf32, #tpu.memory_space<vmem>>)
      %run_scoped3A_168 = arith.constant 1 : i32
      "tpu.region"() ({
        %run_scoped3A_454 = tpu.sem_alloc : memref<!tpu.dma_semaphore, #tpu.memory_space<semaphore_mem>>
        %dma_start3A_455 = arith.constant 0 : i32
        %dma_start3A_456 = tpu.memref_slice %arg8[%run_scoped3A_168, %dma_start3A_455] : memref<8x128xi32, #tpu.memory_space<vmem>> -> memref<1x128xi32, #tpu.memory_space<vmem>>
        %dma_start3A_457 = tpu.memref_squeeze %dma_start3A_456 : memref<1x128xi32, #tpu.memory_space<vmem>> -> memref<128xi32, #tpu.memory_space<vmem>>
        %dma_start3A_458 = arith.constant 0 : i32
        %dma_start3A_459 = arith.constant 0 : i32
        %dma_start3A_460 = tpu.memref_slice %arg12[%dma_start3A_458, %dma_start3A_459] : memref<10240x128xf32, #tpu.memory_space<vmem_shared>> -> memref<10240x128xf32, #tpu.memory_space<vmem_shared>>
        tpu.enqueue_indirect_dma source(%arg11 : memref<128x128xf32, #tpu.memory_space<vmem>>) target(%dma_start3A_460 : memref<10240x128xf32, #tpu.memory_space<vmem_shared>>) offsets(%dma_start3A_457 : memref<128xi32, #tpu.memory_space<vmem>>) semaphore(%run_scoped3A_454 : memref<!tpu.dma_semaphore, #tpu.memory_space<semaphore_mem>>) {add = true}
        %dma_wait3A_461 = arith.constant 0 : i32
        %dma_wait3A_462 = tpu.memref_slice %arg8[%run_scoped3A_168, %dma_wait3A_461] : memref<8x128xi32, #tpu.memory_space<vmem>> -> memref<1x128xi32, #tpu.memory_space<vmem>>
        %dma_wait3A_463 = tpu.memref_squeeze %dma_wait3A_462 : memref<1x128xi32, #tpu.memory_space<vmem>> -> memref<128xi32, #tpu.memory_space<vmem>>
        %dma_wait3A_464 = arith.constant 0 : i32
        %dma_wait3A_465 = arith.constant 0 : i32
        %dma_wait3A_466 = tpu.memref_slice %arg12[%dma_wait3A_464, %dma_wait3A_465] : memref<10240x128xf32, #tpu.memory_space<vmem_shared>> -> memref<10240x128xf32, #tpu.memory_space<vmem_shared>>
        tpu.wait_indirect_dma semaphore(%run_scoped3A_454 : memref<!tpu.dma_semaphore, #tpu.memory_space<semaphore_mem>>) src(%arg11 : memref<128x128xf32, #tpu.memory_space<vmem>>) dst(%dma_wait3A_466 : memref<10240x128xf32, #tpu.memory_space<vmem_shared>>)
        tpu.yield
      }) : () -> ()
      %dma_start3A_169 = arith.constant 3 : i32
      %dma_start3A_170 = arith.constant 0 : i32
      %dma_start3A_171 = tpu.memref_slice %arg6[%dma_start3A_169, %dma_start3A_170] : memref<8x128xi32, #tpu.memory_space<vmem>> -> memref<1x128xi32, #tpu.memory_space<vmem>>
      %dma_start3A_172 = tpu.memref_squeeze %dma_start3A_171 : memref<1x128xi32, #tpu.memory_space<vmem>> -> memref<128xi32, #tpu.memory_space<vmem>>
      %dma_start3A_173 = arith.constant 0 : i32
      %dma_start3A_174 = arith.constant 0 : i32
      %dma_start3A_175 = tpu.memref_slice %arg2[%dma_start3A_173, %dma_start3A_174] : memref<10000x128xf32, #tpu.memory_space<hbm>> -> memref<10000x128xf32, #tpu.memory_space<hbm>>
      tpu.enqueue_indirect_dma source(%dma_start3A_175 : memref<10000x128xf32, #tpu.memory_space<hbm>>) target(%arg11 : memref<128x128xf32, #tpu.memory_space<vmem>>) offsets(%dma_start3A_172 : memref<128xi32, #tpu.memory_space<vmem>>) semaphore(%arg18 : memref<!tpu.dma_semaphore, #tpu.memory_space<semaphore_mem>>)
      %dma_wait3A_176 = arith.constant 2 : i32
      %dma_wait3A_177 = arith.constant 0 : i32
      %dma_wait3A_178 = tpu.memref_slice %arg6[%dma_wait3A_176, %dma_wait3A_177] : memref<8x128xi32, #tpu.memory_space<vmem>> -> memref<1x128xi32, #tpu.memory_space<vmem>>
      %dma_wait3A_179 = tpu.memref_squeeze %dma_wait3A_178 : memref<1x128xi32, #tpu.memory_space<vmem>> -> memref<128xi32, #tpu.memory_space<vmem>>
      %dma_wait3A_180 = arith.constant 0 : i32
      %dma_wait3A_181 = arith.constant 0 : i32
      %dma_wait3A_182 = tpu.memref_slice %arg2[%dma_wait3A_180, %dma_wait3A_181] : memref<10000x128xf32, #tpu.memory_space<hbm>> -> memref<10000x128xf32, #tpu.memory_space<hbm>>
      tpu.wait_indirect_dma semaphore(%arg17 : memref<!tpu.dma_semaphore, #tpu.memory_space<semaphore_mem>>) src(%dma_wait3A_182 : memref<10000x128xf32, #tpu.memory_space<hbm>>) dst(%arg10 : memref<128x128xf32, #tpu.memory_space<vmem>>)
      %run_scoped3A_183 = arith.constant 2 : i32
      "tpu.region"() ({
        %run_scoped3A_454 = tpu.sem_alloc : memref<!tpu.dma_semaphore, #tpu.memory_space<semaphore_mem>>
        %dma_start3A_455 = arith.constant 0 : i32
        %dma_start3A_456 = tpu.memref_slice %arg8[%run_scoped3A_183, %dma_start3A_455] : memref<8x128xi32, #tpu.memory_space<vmem>> -> memref<1x128xi32, #tpu.memory_space<vmem>>
        %dma_start3A_457 = tpu.memref_squeeze %dma_start3A_456 : memref<1x128xi32, #tpu.memory_space<vmem>> -> memref<128xi32, #tpu.memory_space<vmem>>
        %dma_start3A_458 = arith.constant 0 : i32
        %dma_start3A_459 = arith.constant 0 : i32
        %dma_start3A_460 = tpu.memref_slice %arg12[%dma_start3A_458, %dma_start3A_459] : memref<10240x128xf32, #tpu.memory_space<vmem_shared>> -> memref<10240x128xf32, #tpu.memory_space<vmem_shared>>
        tpu.enqueue_indirect_dma source(%arg10 : memref<128x128xf32, #tpu.memory_space<vmem>>) target(%dma_start3A_460 : memref<10240x128xf32, #tpu.memory_space<vmem_shared>>) offsets(%dma_start3A_457 : memref<128xi32, #tpu.memory_space<vmem>>) semaphore(%run_scoped3A_454 : memref<!tpu.dma_semaphore, #tpu.memory_space<semaphore_mem>>) {add = true}
        %dma_wait3A_461 = arith.constant 0 : i32
        %dma_wait3A_462 = tpu.memref_slice %arg8[%run_scoped3A_183, %dma_wait3A_461] : memref<8x128xi32, #tpu.memory_space<vmem>> -> memref<1x128xi32, #tpu.memory_space<vmem>>
        %dma_wait3A_463 = tpu.memref_squeeze %dma_wait3A_462 : memref<1x128xi32, #tpu.memory_space<vmem>> -> memref<128xi32, #tpu.memory_space<vmem>>
        %dma_wait3A_464 = arith.constant 0 : i32
        %dma_wait3A_465 = arith.constant 0 : i32
        %dma_wait3A_466 = tpu.memref_slice %arg12[%dma_wait3A_464, %dma_wait3A_465] : memref<10240x128xf32, #tpu.memory_space<vmem_shared>> -> memref<10240x128xf32, #tpu.memory_space<vmem_shared>>
        tpu.wait_indirect_dma semaphore(%run_scoped3A_454 : memref<!tpu.dma_semaphore, #tpu.memory_space<semaphore_mem>>) src(%arg10 : memref<128x128xf32, #tpu.memory_space<vmem>>) dst(%dma_wait3A_466 : memref<10240x128xf32, #tpu.memory_space<vmem_shared>>)
        tpu.yield
      }) : () -> ()
      %dma_start3A_184 = arith.constant 4 : i32
      %dma_start3A_185 = arith.constant 0 : i32
      %dma_start3A_186 = tpu.memref_slice %arg6[%dma_start3A_184, %dma_start3A_185] : memref<8x128xi32, #tpu.memory_space<vmem>> -> memref<1x128xi32, #tpu.memory_space<vmem>>
      %dma_start3A_187 = tpu.memref_squeeze %dma_start3A_186 : memref<1x128xi32, #tpu.memory_space<vmem>> -> memref<128xi32, #tpu.memory_space<vmem>>
      %dma_start3A_188 = arith.constant 0 : i32
      %dma_start3A_189 = arith.constant 0 : i32
      %dma_start3A_190 = tpu.memref_slice %arg2[%dma_start3A_188, %dma_start3A_189] : memref<10000x128xf32, #tpu.memory_space<hbm>> -> memref<10000x128xf32, #tpu.memory_space<hbm>>
      tpu.enqueue_indirect_dma source(%dma_start3A_190 : memref<10000x128xf32, #tpu.memory_space<hbm>>) target(%arg10 : memref<128x128xf32, #tpu.memory_space<vmem>>) offsets(%dma_start3A_187 : memref<128xi32, #tpu.memory_space<vmem>>) semaphore(%arg17 : memref<!tpu.dma_semaphore, #tpu.memory_space<semaphore_mem>>)
      %dma_wait3A_191 = arith.constant 3 : i32
      %dma_wait3A_192 = arith.constant 0 : i32
      %dma_wait3A_193 = tpu.memref_slice %arg6[%dma_wait3A_191, %dma_wait3A_192] : memref<8x128xi32, #tpu.memory_space<vmem>> -> memref<1x128xi32, #tpu.memory_space<vmem>>
      %dma_wait3A_194 = tpu.memref_squeeze %dma_wait3A_193 : memref<1x128xi32, #tpu.memory_space<vmem>> -> memref<128xi32, #tpu.memory_space<vmem>>
      %dma_wait3A_195 = arith.constant 0 : i32
      %dma_wait3A_196 = arith.constant 0 : i32
      %dma_wait3A_197 = tpu.memref_slice %arg2[%dma_wait3A_195, %dma_wait3A_196] : memref<10000x128xf32, #tpu.memory_space<hbm>> -> memref<10000x128xf32, #tpu.memory_space<hbm>>
      tpu.wait_indirect_dma semaphore(%arg18 : memref<!tpu.dma_semaphore, #tpu.memory_space<semaphore_mem>>) src(%dma_wait3A_197 : memref<10000x128xf32, #tpu.memory_space<hbm>>) dst(%arg11 : memref<128x128xf32, #tpu.memory_space<vmem>>)
      %run_scoped3A_198 = arith.constant 3 : i32
      "tpu.region"() ({
        %run_scoped3A_454 = tpu.sem_alloc : memref<!tpu.dma_semaphore, #tpu.memory_space<semaphore_mem>>
        %dma_start3A_455 = arith.constant 0 : i32
        %dma_start3A_456 = tpu.memref_slice %arg8[%run_scoped3A_198, %dma_start3A_455] : memref<8x128xi32, #tpu.memory_space<vmem>> -> memref<1x128xi32, #tpu.memory_space<vmem>>
        %dma_start3A_457 = tpu.memref_squeeze %dma_start3A_456 : memref<1x128xi32, #tpu.memory_space<vmem>> -> memref<128xi32, #tpu.memory_space<vmem>>
        %dma_start3A_458 = arith.constant 0 : i32
        %dma_start3A_459 = arith.constant 0 : i32
        %dma_start3A_460 = tpu.memref_slice %arg12[%dma_start3A_458, %dma_start3A_459] : memref<10240x128xf32, #tpu.memory_space<vmem_shared>> -> memref<10240x128xf32, #tpu.memory_space<vmem_shared>>
        tpu.enqueue_indirect_dma source(%arg11 : memref<128x128xf32, #tpu.memory_space<vmem>>) target(%dma_start3A_460 : memref<10240x128xf32, #tpu.memory_space<vmem_shared>>) offsets(%dma_start3A_457 : memref<128xi32, #tpu.memory_space<vmem>>) semaphore(%run_scoped3A_454 : memref<!tpu.dma_semaphore, #tpu.memory_space<semaphore_mem>>) {add = true}
        %dma_wait3A_461 = arith.constant 0 : i32
        %dma_wait3A_462 = tpu.memref_slice %arg8[%run_scoped3A_198, %dma_wait3A_461] : memref<8x128xi32, #tpu.memory_space<vmem>> -> memref<1x128xi32, #tpu.memory_space<vmem>>
        %dma_wait3A_463 = tpu.memref_squeeze %dma_wait3A_462 : memref<1x128xi32, #tpu.memory_space<vmem>> -> memref<128xi32, #tpu.memory_space<vmem>>
        %dma_wait3A_464 = arith.constant 0 : i32
        %dma_wait3A_465 = arith.constant 0 : i32
        %dma_wait3A_466 = tpu.memref_slice %arg12[%dma_wait3A_464, %dma_wait3A_465] : memref<10240x128xf32, #tpu.memory_space<vmem_shared>> -> memref<10240x128xf32, #tpu.memory_space<vmem_shared>>
        tpu.wait_indirect_dma semaphore(%run_scoped3A_454 : memref<!tpu.dma_semaphore, #tpu.memory_space<semaphore_mem>>) src(%arg11 : memref<128x128xf32, #tpu.memory_space<vmem>>) dst(%dma_wait3A_466 : memref<10240x128xf32, #tpu.memory_space<vmem_shared>>)
        tpu.yield
      }) : () -> ()
      %dma_start3A_199 = arith.constant 5 : i32
      %dma_start3A_200 = arith.constant 0 : i32
      %dma_start3A_201 = tpu.memref_slice %arg6[%dma_start3A_199, %dma_start3A_200] : memref<8x128xi32, #tpu.memory_space<vmem>> -> memref<1x128xi32, #tpu.memory_space<vmem>>
      %dma_start3A_202 = tpu.memref_squeeze %dma_start3A_201 : memref<1x128xi32, #tpu.memory_space<vmem>> -> memref<128xi32, #tpu.memory_space<vmem>>
      %dma_start3A_203 = arith.constant 0 : i32
      %dma_start3A_204 = arith.constant 0 : i32
      %dma_start3A_205 = tpu.memref_slice %arg2[%dma_start3A_203, %dma_start3A_204] : memref<10000x128xf32, #tpu.memory_space<hbm>> -> memref<10000x128xf32, #tpu.memory_space<hbm>>
      tpu.enqueue_indirect_dma source(%dma_start3A_205 : memref<10000x128xf32, #tpu.memory_space<hbm>>) target(%arg11 : memref<128x128xf32, #tpu.memory_space<vmem>>) offsets(%dma_start3A_202 : memref<128xi32, #tpu.memory_space<vmem>>) semaphore(%arg18 : memref<!tpu.dma_semaphore, #tpu.memory_space<semaphore_mem>>)
      %dma_wait3A_206 = arith.constant 4 : i32
      %dma_wait3A_207 = arith.constant 0 : i32
      %dma_wait3A_208 = tpu.memref_slice %arg6[%dma_wait3A_206, %dma_wait3A_207] : memref<8x128xi32, #tpu.memory_space<vmem>> -> memref<1x128xi32, #tpu.memory_space<vmem>>
      %dma_wait3A_209 = tpu.memref_squeeze %dma_wait3A_208 : memref<1x128xi32, #tpu.memory_space<vmem>> -> memref<128xi32, #tpu.memory_space<vmem>>
      %dma_wait3A_210 = arith.constant 0 : i32
      %dma_wait3A_211 = arith.constant 0 : i32
      %dma_wait3A_212 = tpu.memref_slice %arg2[%dma_wait3A_210, %dma_wait3A_211] : memref<10000x128xf32, #tpu.memory_space<hbm>> -> memref<10000x128xf32, #tpu.memory_space<hbm>>
      tpu.wait_indirect_dma semaphore(%arg17 : memref<!tpu.dma_semaphore, #tpu.memory_space<semaphore_mem>>) src(%dma_wait3A_212 : memref<10000x128xf32, #tpu.memory_space<hbm>>) dst(%arg10 : memref<128x128xf32, #tpu.memory_space<vmem>>)
      %run_scoped3A_213 = arith.constant 4 : i32
      "tpu.region"() ({
        %run_scoped3A_454 = tpu.sem_alloc : memref<!tpu.dma_semaphore, #tpu.memory_space<semaphore_mem>>
        %dma_start3A_455 = arith.constant 0 : i32
        %dma_start3A_456 = tpu.memref_slice %arg8[%run_scoped3A_213, %dma_start3A_455] : memref<8x128xi32, #tpu.memory_space<vmem>> -> memref<1x128xi32, #tpu.memory_space<vmem>>
        %dma_start3A_457 = tpu.memref_squeeze %dma_start3A_456 : memref<1x128xi32, #tpu.memory_space<vmem>> -> memref<128xi32, #tpu.memory_space<vmem>>
        %dma_start3A_458 = arith.constant 0 : i32
        %dma_start3A_459 = arith.constant 0 : i32
        %dma_start3A_460 = tpu.memref_slice %arg12[%dma_start3A_458, %dma_start3A_459] : memref<10240x128xf32, #tpu.memory_space<vmem_shared>> -> memref<10240x128xf32, #tpu.memory_space<vmem_shared>>
        tpu.enqueue_indirect_dma source(%arg10 : memref<128x128xf32, #tpu.memory_space<vmem>>) target(%dma_start3A_460 : memref<10240x128xf32, #tpu.memory_space<vmem_shared>>) offsets(%dma_start3A_457 : memref<128xi32, #tpu.memory_space<vmem>>) semaphore(%run_scoped3A_454 : memref<!tpu.dma_semaphore, #tpu.memory_space<semaphore_mem>>) {add = true}
        %dma_wait3A_461 = arith.constant 0 : i32
        %dma_wait3A_462 = tpu.memref_slice %arg8[%run_scoped3A_213, %dma_wait3A_461] : memref<8x128xi32, #tpu.memory_space<vmem>> -> memref<1x128xi32, #tpu.memory_space<vmem>>
        %dma_wait3A_463 = tpu.memref_squeeze %dma_wait3A_462 : memref<1x128xi32, #tpu.memory_space<vmem>> -> memref<128xi32, #tpu.memory_space<vmem>>
        %dma_wait3A_464 = arith.constant 0 : i32
        %dma_wait3A_465 = arith.constant 0 : i32
        %dma_wait3A_466 = tpu.memref_slice %arg12[%dma_wait3A_464, %dma_wait3A_465] : memref<10240x128xf32, #tpu.memory_space<vmem_shared>> -> memref<10240x128xf32, #tpu.memory_space<vmem_shared>>
        tpu.wait_indirect_dma semaphore(%run_scoped3A_454 : memref<!tpu.dma_semaphore, #tpu.memory_space<semaphore_mem>>) src(%arg10 : memref<128x128xf32, #tpu.memory_space<vmem>>) dst(%dma_wait3A_466 : memref<10240x128xf32, #tpu.memory_space<vmem_shared>>)
        tpu.yield
      }) : () -> ()
      %dma_start3A_214 = arith.constant 6 : i32
      %dma_start3A_215 = arith.constant 0 : i32
      %dma_start3A_216 = tpu.memref_slice %arg6[%dma_start3A_214, %dma_start3A_215] : memref<8x128xi32, #tpu.memory_space<vmem>> -> memref<1x128xi32, #tpu.memory_space<vmem>>
      %dma_start3A_217 = tpu.memref_squeeze %dma_start3A_216 : memref<1x128xi32, #tpu.memory_space<vmem>> -> memref<128xi32, #tpu.memory_space<vmem>>
      %dma_start3A_218 = arith.constant 0 : i32
      %dma_start3A_219 = arith.constant 0 : i32
      %dma_start3A_220 = tpu.memref_slice %arg2[%dma_start3A_218, %dma_start3A_219] : memref<10000x128xf32, #tpu.memory_space<hbm>> -> memref<10000x128xf32, #tpu.memory_space<hbm>>
      tpu.enqueue_indirect_dma source(%dma_start3A_220 : memref<10000x128xf32, #tpu.memory_space<hbm>>) target(%arg10 : memref<128x128xf32, #tpu.memory_space<vmem>>) offsets(%dma_start3A_217 : memref<128xi32, #tpu.memory_space<vmem>>) semaphore(%arg17 : memref<!tpu.dma_semaphore, #tpu.memory_space<semaphore_mem>>)
      %dma_wait3A_221 = arith.constant 5 : i32
      %dma_wait3A_222 = arith.constant 0 : i32
      %dma_wait3A_223 = tpu.memref_slice %arg6[%dma_wait3A_221, %dma_wait3A_222] : memref<8x128xi32, #tpu.memory_space<vmem>> -> memref<1x128xi32, #tpu.memory_space<vmem>>
      %dma_wait3A_224 = tpu.memref_squeeze %dma_wait3A_223 : memref<1x128xi32, #tpu.memory_space<vmem>> -> memref<128xi32, #tpu.memory_space<vmem>>
      %dma_wait3A_225 = arith.constant 0 : i32
      %dma_wait3A_226 = arith.constant 0 : i32
      %dma_wait3A_227 = tpu.memref_slice %arg2[%dma_wait3A_225, %dma_wait3A_226] : memref<10000x128xf32, #tpu.memory_space<hbm>> -> memref<10000x128xf32, #tpu.memory_space<hbm>>
      tpu.wait_indirect_dma semaphore(%arg18 : memref<!tpu.dma_semaphore, #tpu.memory_space<semaphore_mem>>) src(%dma_wait3A_227 : memref<10000x128xf32, #tpu.memory_space<hbm>>) dst(%arg11 : memref<128x128xf32, #tpu.memory_space<vmem>>)
      %run_scoped3A_228 = arith.constant 5 : i32
      "tpu.region"() ({
        %run_scoped3A_454 = tpu.sem_alloc : memref<!tpu.dma_semaphore, #tpu.memory_space<semaphore_mem>>
        %dma_start3A_455 = arith.constant 0 : i32
        %dma_start3A_456 = tpu.memref_slice %arg8[%run_scoped3A_228, %dma_start3A_455] : memref<8x128xi32, #tpu.memory_space<vmem>> -> memref<1x128xi32, #tpu.memory_space<vmem>>
        %dma_start3A_457 = tpu.memref_squeeze %dma_start3A_456 : memref<1x128xi32, #tpu.memory_space<vmem>> -> memref<128xi32, #tpu.memory_space<vmem>>
        %dma_start3A_458 = arith.constant 0 : i32
        %dma_start3A_459 = arith.constant 0 : i32
        %dma_start3A_460 = tpu.memref_slice %arg12[%dma_start3A_458, %dma_start3A_459] : memref<10240x128xf32, #tpu.memory_space<vmem_shared>> -> memref<10240x128xf32, #tpu.memory_space<vmem_shared>>
        tpu.enqueue_indirect_dma source(%arg11 : memref<128x128xf32, #tpu.memory_space<vmem>>) target(%dma_start3A_460 : memref<10240x128xf32, #tpu.memory_space<vmem_shared>>) offsets(%dma_start3A_457 : memref<128xi32, #tpu.memory_space<vmem>>) semaphore(%run_scoped3A_454 : memref<!tpu.dma_semaphore, #tpu.memory_space<semaphore_mem>>) {add = true}
        %dma_wait3A_461 = arith.constant 0 : i32
        %dma_wait3A_462 = tpu.memref_slice %arg8[%run_scoped3A_228, %dma_wait3A_461] : memref<8x128xi32, #tpu.memory_space<vmem>> -> memref<1x128xi32, #tpu.memory_space<vmem>>
        %dma_wait3A_463 = tpu.memref_squeeze %dma_wait3A_462 : memref<1x128xi32, #tpu.memory_space<vmem>> -> memref<128xi32, #tpu.memory_space<vmem>>
        %dma_wait3A_464 = arith.constant 0 : i32
        %dma_wait3A_465 = arith.constant 0 : i32
        %dma_wait3A_466 = tpu.memref_slice %arg12[%dma_wait3A_464, %dma_wait3A_465] : memref<10240x128xf32, #tpu.memory_space<vmem_shared>> -> memref<10240x128xf32, #tpu.memory_space<vmem_shared>>
        tpu.wait_indirect_dma semaphore(%run_scoped3A_454 : memref<!tpu.dma_semaphore, #tpu.memory_space<semaphore_mem>>) src(%arg11 : memref<128x128xf32, #tpu.memory_space<vmem>>) dst(%dma_wait3A_466 : memref<10240x128xf32, #tpu.memory_space<vmem_shared>>)
        tpu.yield
      }) : () -> ()
      %dma_start3A_229 = arith.constant 7 : i32
      %dma_start3A_230 = arith.constant 0 : i32
      %dma_start3A_231 = tpu.memref_slice %arg6[%dma_start3A_229, %dma_start3A_230] : memref<8x128xi32, #tpu.memory_space<vmem>> -> memref<1x128xi32, #tpu.memory_space<vmem>>
      %dma_start3A_232 = tpu.memref_squeeze %dma_start3A_231 : memref<1x128xi32, #tpu.memory_space<vmem>> -> memref<128xi32, #tpu.memory_space<vmem>>
      %dma_start3A_233 = arith.constant 0 : i32
      %dma_start3A_234 = arith.constant 0 : i32
      %dma_start3A_235 = tpu.memref_slice %arg2[%dma_start3A_233, %dma_start3A_234] : memref<10000x128xf32, #tpu.memory_space<hbm>> -> memref<10000x128xf32, #tpu.memory_space<hbm>>
      tpu.enqueue_indirect_dma source(%dma_start3A_235 : memref<10000x128xf32, #tpu.memory_space<hbm>>) target(%arg11 : memref<128x128xf32, #tpu.memory_space<vmem>>) offsets(%dma_start3A_232 : memref<128xi32, #tpu.memory_space<vmem>>) semaphore(%arg18 : memref<!tpu.dma_semaphore, #tpu.memory_space<semaphore_mem>>)
      %dma_wait3A_236 = arith.constant 6 : i32
      %dma_wait3A_237 = arith.constant 0 : i32
      %dma_wait3A_238 = tpu.memref_slice %arg6[%dma_wait3A_236, %dma_wait3A_237] : memref<8x128xi32, #tpu.memory_space<vmem>> -> memref<1x128xi32, #tpu.memory_space<vmem>>
      %dma_wait3A_239 = tpu.memref_squeeze %dma_wait3A_238 : memref<1x128xi32, #tpu.memory_space<vmem>> -> memref<128xi32, #tpu.memory_space<vmem>>
      %dma_wait3A_240 = arith.constant 0 : i32
      %dma_wait3A_241 = arith.constant 0 : i32
      %dma_wait3A_242 = tpu.memref_slice %arg2[%dma_wait3A_240, %dma_wait3A_241] : memref<10000x128xf32, #tpu.memory_space<hbm>> -> memref<10000x128xf32, #tpu.memory_space<hbm>>
      tpu.wait_indirect_dma semaphore(%arg17 : memref<!tpu.dma_semaphore, #tpu.memory_space<semaphore_mem>>) src(%dma_wait3A_242 : memref<10000x128xf32, #tpu.memory_space<hbm>>) dst(%arg10 : memref<128x128xf32, #tpu.memory_space<vmem>>)
      %run_scoped3A_243 = arith.constant 6 : i32
      "tpu.region"() ({
        %run_scoped3A_454 = tpu.sem_alloc : memref<!tpu.dma_semaphore, #tpu.memory_space<semaphore_mem>>
        %dma_start3A_455 = arith.constant 0 : i32
        %dma_start3A_456 = tpu.memref_slice %arg8[%run_scoped3A_243, %dma_start3A_455] : memref<8x128xi32, #tpu.memory_space<vmem>> -> memref<1x128xi32, #tpu.memory_space<vmem>>
        %dma_start3A_457 = tpu.memref_squeeze %dma_start3A_456 : memref<1x128xi32, #tpu.memory_space<vmem>> -> memref<128xi32, #tpu.memory_space<vmem>>
        %dma_start3A_458 = arith.constant 0 : i32
        %dma_start3A_459 = arith.constant 0 : i32
        %dma_start3A_460 = tpu.memref_slice %arg12[%dma_start3A_458, %dma_start3A_459] : memref<10240x128xf32, #tpu.memory_space<vmem_shared>> -> memref<10240x128xf32, #tpu.memory_space<vmem_shared>>
        tpu.enqueue_indirect_dma source(%arg10 : memref<128x128xf32, #tpu.memory_space<vmem>>) target(%dma_start3A_460 : memref<10240x128xf32, #tpu.memory_space<vmem_shared>>) offsets(%dma_start3A_457 : memref<128xi32, #tpu.memory_space<vmem>>) semaphore(%run_scoped3A_454 : memref<!tpu.dma_semaphore, #tpu.memory_space<semaphore_mem>>) {add = true}
        %dma_wait3A_461 = arith.constant 0 : i32
        %dma_wait3A_462 = tpu.memref_slice %arg8[%run_scoped3A_243, %dma_wait3A_461] : memref<8x128xi32, #tpu.memory_space<vmem>> -> memref<1x128xi32, #tpu.memory_space<vmem>>
        %dma_wait3A_463 = tpu.memref_squeeze %dma_wait3A_462 : memref<1x128xi32, #tpu.memory_space<vmem>> -> memref<128xi32, #tpu.memory_space<vmem>>
        %dma_wait3A_464 = arith.constant 0 : i32
        %dma_wait3A_465 = arith.constant 0 : i32
        %dma_wait3A_466 = tpu.memref_slice %arg12[%dma_wait3A_464, %dma_wait3A_465] : memref<10240x128xf32, #tpu.memory_space<vmem_shared>> -> memref<10240x128xf32, #tpu.memory_space<vmem_shared>>
        tpu.wait_indirect_dma semaphore(%run_scoped3A_454 : memref<!tpu.dma_semaphore, #tpu.memory_space<semaphore_mem>>) src(%arg10 : memref<128x128xf32, #tpu.memory_space<vmem>>) dst(%dma_wait3A_466 : memref<10240x128xf32, #tpu.memory_space<vmem_shared>>)
        tpu.yield
      }) : () -> ()
      %dma_wait3A_244 = arith.constant 0 : i32
      %dma_wait3A_245 = arith.constant 0 : i32
      %dma_wait3A_246 = arith.constant 0 : i32
      %dma_wait3A_247 = tpu.memref_slice %arg3[%add3A, %dma_wait3A_244, %dma_wait3A_245, %dma_wait3A_246] : memref<32x10x8x128xi32, #tpu.memory_space<hbm>> -> memref<1x1x8x128xi32, #tpu.memory_space<hbm>>
      %dma_wait3A_248 = tpu.memref_squeeze %dma_wait3A_247 : memref<1x1x8x128xi32, #tpu.memory_space<hbm>> -> memref<8x128xi32, #tpu.memory_space<hbm>>
      %dma_wait3A_249 = arith.constant 0 : i32
      %dma_wait3A_250 = arith.constant 0 : i32
      %dma_wait3A_251 = tpu.memref_slice %arg3[%add3A, %dma_wait3A_244, %dma_wait3A_249, %dma_wait3A_250] : memref<32x10x8x128xi32, #tpu.memory_space<hbm>> -> memref<1x1x8x128xi32, #tpu.memory_space<hbm>>
      %dma_wait3A_252 = tpu.memref_squeeze %dma_wait3A_251 : memref<1x1x8x128xi32, #tpu.memory_space<hbm>> -> memref<8x128xi32, #tpu.memory_space<hbm>>
      tpu.wait_dma2 semaphore(%arg14 : memref<!tpu.dma_semaphore, #tpu.memory_space<semaphore_mem>>) src(%dma_wait3A_252 : memref<8x128xi32, #tpu.memory_space<hbm>>) dst(%arg7 : memref<8x128xi32, #tpu.memory_space<vmem>>)
      %dma_start3A_253 = arith.constant 0 : i32
      %dma_start3A_254 = arith.constant 0 : i32
      %dma_start3A_255 = tpu.memref_slice %arg7[%dma_start3A_253, %dma_start3A_254] : memref<8x128xi32, #tpu.memory_space<vmem>> -> memref<1x128xi32, #tpu.memory_space<vmem>>
      %dma_start3A_256 = tpu.memref_squeeze %dma_start3A_255 : memref<1x128xi32, #tpu.memory_space<vmem>> -> memref<128xi32, #tpu.memory_space<vmem>>
      %dma_start3A_257 = arith.constant 0 : i32
      %dma_start3A_258 = arith.constant 0 : i32
      %dma_start3A_259 = tpu.memref_slice %arg2[%dma_start3A_257, %dma_start3A_258] : memref<10000x128xf32, #tpu.memory_space<hbm>> -> memref<10000x128xf32, #tpu.memory_space<hbm>>
      tpu.enqueue_indirect_dma source(%dma_start3A_259 : memref<10000x128xf32, #tpu.memory_space<hbm>>) target(%arg10 : memref<128x128xf32, #tpu.memory_space<vmem>>) offsets(%dma_start3A_256 : memref<128xi32, #tpu.memory_space<vmem>>) semaphore(%arg17 : memref<!tpu.dma_semaphore, #tpu.memory_space<semaphore_mem>>)
      %dma_wait3A_260 = arith.constant 7 : i32
      %dma_wait3A_261 = arith.constant 0 : i32
      %dma_wait3A_262 = tpu.memref_slice %arg6[%dma_wait3A_260, %dma_wait3A_261] : memref<8x128xi32, #tpu.memory_space<vmem>> -> memref<1x128xi32, #tpu.memory_space<vmem>>
      %dma_wait3A_263 = tpu.memref_squeeze %dma_wait3A_262 : memref<1x128xi32, #tpu.memory_space<vmem>> -> memref<128xi32, #tpu.memory_space<vmem>>
      %dma_wait3A_264 = arith.constant 0 : i32
      %dma_wait3A_265 = arith.constant 0 : i32
      %dma_wait3A_266 = tpu.memref_slice %arg2[%dma_wait3A_264, %dma_wait3A_265] : memref<10000x128xf32, #tpu.memory_space<hbm>> -> memref<10000x128xf32, #tpu.memory_space<hbm>>
      tpu.wait_indirect_dma semaphore(%arg18 : memref<!tpu.dma_semaphore, #tpu.memory_space<semaphore_mem>>) src(%dma_wait3A_266 : memref<10000x128xf32, #tpu.memory_space<hbm>>) dst(%arg11 : memref<128x128xf32, #tpu.memory_space<vmem>>)
      %run_scoped3A_267 = arith.constant 7 : i32
      "tpu.region"() ({
        %run_scoped3A_454 = tpu.sem_alloc : memref<!tpu.dma_semaphore, #tpu.memory_space<semaphore_mem>>
        %dma_start3A_455 = arith.constant 0 : i32
        %dma_start3A_456 = tpu.memref_slice %arg8[%run_scoped3A_267, %dma_start3A_455] : memref<8x128xi32, #tpu.memory_space<vmem>> -> memref<1x128xi32, #tpu.memory_space<vmem>>
        %dma_start3A_457 = tpu.memref_squeeze %dma_start3A_456 : memref<1x128xi32, #tpu.memory_space<vmem>> -> memref<128xi32, #tpu.memory_space<vmem>>
        %dma_start3A_458 = arith.constant 0 : i32
        %dma_start3A_459 = arith.constant 0 : i32
        %dma_start3A_460 = tpu.memref_slice %arg12[%dma_start3A_458, %dma_start3A_459] : memref<10240x128xf32, #tpu.memory_space<vmem_shared>> -> memref<10240x128xf32, #tpu.memory_space<vmem_shared>>
        tpu.enqueue_indirect_dma source(%arg11 : memref<128x128xf32, #tpu.memory_space<vmem>>) target(%dma_start3A_460 : memref<10240x128xf32, #tpu.memory_space<vmem_shared>>) offsets(%dma_start3A_457 : memref<128xi32, #tpu.memory_space<vmem>>) semaphore(%run_scoped3A_454 : memref<!tpu.dma_semaphore, #tpu.memory_space<semaphore_mem>>) {add = true}
        %dma_wait3A_461 = arith.constant 0 : i32
        %dma_wait3A_462 = tpu.memref_slice %arg8[%run_scoped3A_267, %dma_wait3A_461] : memref<8x128xi32, #tpu.memory_space<vmem>> -> memref<1x128xi32, #tpu.memory_space<vmem>>
        %dma_wait3A_463 = tpu.memref_squeeze %dma_wait3A_462 : memref<1x128xi32, #tpu.memory_space<vmem>> -> memref<128xi32, #tpu.memory_space<vmem>>
        %dma_wait3A_464 = arith.constant 0 : i32
        %dma_wait3A_465 = arith.constant 0 : i32
        %dma_wait3A_466 = tpu.memref_slice %arg12[%dma_wait3A_464, %dma_wait3A_465] : memref<10240x128xf32, #tpu.memory_space<vmem_shared>> -> memref<10240x128xf32, #tpu.memory_space<vmem_shared>>
        tpu.wait_indirect_dma semaphore(%run_scoped3A_454 : memref<!tpu.dma_semaphore, #tpu.memory_space<semaphore_mem>>) src(%arg11 : memref<128x128xf32, #tpu.memory_space<vmem>>) dst(%dma_wait3A_466 : memref<10240x128xf32, #tpu.memory_space<vmem_shared>>)
        tpu.yield
      }) : () -> ()
      %dma_start3A_268 = arith.constant 1 : i32
      %dma_start3A_269 = arith.constant 0 : i32
      %dma_start3A_270 = tpu.memref_slice %arg7[%dma_start3A_268, %dma_start3A_269] : memref<8x128xi32, #tpu.memory_space<vmem>> -> memref<1x128xi32, #tpu.memory_space<vmem>>
      %dma_start3A_271 = tpu.memref_squeeze %dma_start3A_270 : memref<1x128xi32, #tpu.memory_space<vmem>> -> memref<128xi32, #tpu.memory_space<vmem>>
      %dma_start3A_272 = arith.constant 0 : i32
      %dma_start3A_273 = arith.constant 0 : i32
      %dma_start3A_274 = tpu.memref_slice %arg2[%dma_start3A_272, %dma_start3A_273] : memref<10000x128xf32, #tpu.memory_space<hbm>> -> memref<10000x128xf32, #tpu.memory_space<hbm>>
      tpu.enqueue_indirect_dma source(%dma_start3A_274 : memref<10000x128xf32, #tpu.memory_space<hbm>>) target(%arg11 : memref<128x128xf32, #tpu.memory_space<vmem>>) offsets(%dma_start3A_271 : memref<128xi32, #tpu.memory_space<vmem>>) semaphore(%arg18 : memref<!tpu.dma_semaphore, #tpu.memory_space<semaphore_mem>>)
      %dma_start3A_275 = arith.constant 0 : i32
      %dma_start3A_276 = arith.constant 0 : i32
      %dma_start3A_277 = tpu.memref_slice %arg3[%add3A, %min3A_140, %dma_start3A_275, %dma_start3A_276] : memref<32x10x8x128xi32, #tpu.memory_space<hbm>> -> memref<1x1x8x128xi32, #tpu.memory_space<hbm>>
      %dma_start3A_278 = tpu.memref_squeeze %dma_start3A_277 : memref<1x1x8x128xi32, #tpu.memory_space<hbm>> -> memref<8x128xi32, #tpu.memory_space<hbm>>
      %dma_start3A_279 = arith.constant 0 : i32
      %dma_start3A_280 = arith.constant 0 : i32
      %dma_start3A_281 = tpu.memref_slice %arg3[%add3A, %min3A_140, %dma_start3A_279, %dma_start3A_280] : memref<32x10x8x128xi32, #tpu.memory_space<hbm>> -> memref<1x1x8x128xi32, #tpu.memory_space<hbm>>
      %dma_start3A_282 = tpu.memref_squeeze %dma_start3A_281 : memref<1x1x8x128xi32, #tpu.memory_space<hbm>> -> memref<8x128xi32, #tpu.memory_space<hbm>>
      tpu.enqueue_dma source(%dma_start3A_282 : memref<8x128xi32, #tpu.memory_space<hbm>>) target(%arg6 : memref<8x128xi32, #tpu.memory_space<vmem>>) target_semaphore(%arg13 : memref<!tpu.dma_semaphore, #tpu.memory_space<semaphore_mem>>)
      %dma_start3A_283 = arith.constant 0 : i32
      %dma_start3A_284 = arith.constant 0 : i32
      %dma_start3A_285 = tpu.memref_slice %arg4[%add3A, %min3A_140, %dma_start3A_283, %dma_start3A_284] : memref<32x10x8x128xi32, #tpu.memory_space<hbm>> -> memref<1x1x8x128xi32, #tpu.memory_space<hbm>>
      %dma_start3A_286 = tpu.memref_squeeze %dma_start3A_285 : memref<1x1x8x128xi32, #tpu.memory_space<hbm>> -> memref<8x128xi32, #tpu.memory_space<hbm>>
      %dma_start3A_287 = arith.constant 0 : i32
      %dma_start3A_288 = arith.constant 0 : i32
      %dma_start3A_289 = tpu.memref_slice %arg4[%add3A, %min3A_140, %dma_start3A_287, %dma_start3A_288] : memref<32x10x8x128xi32, #tpu.memory_space<hbm>> -> memref<1x1x8x128xi32, #tpu.memory_space<hbm>>
      %dma_start3A_290 = tpu.memref_squeeze %dma_start3A_289 : memref<1x1x8x128xi32, #tpu.memory_space<hbm>> -> memref<8x128xi32, #tpu.memory_space<hbm>>
      tpu.enqueue_dma source(%dma_start3A_290 : memref<8x128xi32, #tpu.memory_space<hbm>>) target(%arg8 : memref<8x128xi32, #tpu.memory_space<vmem>>) target_semaphore(%arg15 : memref<!tpu.dma_semaphore, #tpu.memory_space<semaphore_mem>>)
      %dma_wait3A_291 = arith.constant 1 : i32
      %dma_wait3A_292 = arith.constant 0 : i32
      %dma_wait3A_293 = arith.constant 0 : i32
      %dma_wait3A_294 = tpu.memref_slice %arg4[%add3A, %dma_wait3A_291, %dma_wait3A_292, %dma_wait3A_293] : memref<32x10x8x128xi32, #tpu.memory_space<hbm>> -> memref<1x1x8x128xi32, #tpu.memory_space<hbm>>
      %dma_wait3A_295 = tpu.memref_squeeze %dma_wait3A_294 : memref<1x1x8x128xi32, #tpu.memory_space<hbm>> -> memref<8x128xi32, #tpu.memory_space<hbm>>
      %dma_wait3A_296 = arith.constant 0 : i32
      %dma_wait3A_297 = arith.constant 0 : i32
      %dma_wait3A_298 = tpu.memref_slice %arg4[%add3A, %dma_wait3A_291, %dma_wait3A_296, %dma_wait3A_297] : memref<32x10x8x128xi32, #tpu.memory_space<hbm>> -> memref<1x1x8x128xi32, #tpu.memory_space<hbm>>
      %dma_wait3A_299 = tpu.memref_squeeze %dma_wait3A_298 : memref<1x1x8x128xi32, #tpu.memory_space<hbm>> -> memref<8x128xi32, #tpu.memory_space<hbm>>
      tpu.wait_dma2 semaphore(%arg16 : memref<!tpu.dma_semaphore, #tpu.memory_space<semaphore_mem>>) src(%dma_wait3A_299 : memref<8x128xi32, #tpu.memory_space<hbm>>) dst(%arg9 : memref<8x128xi32, #tpu.memory_space<vmem>>)
      %dma_wait3A_300 = arith.constant 0 : i32
      %dma_wait3A_301 = arith.constant 0 : i32
      %dma_wait3A_302 = tpu.memref_slice %arg7[%dma_wait3A_300, %dma_wait3A_301] : memref<8x128xi32, #tpu.memory_space<vmem>> -> memref<1x128xi32, #tpu.memory_space<vmem>>
      %dma_wait3A_303 = tpu.memref_squeeze %dma_wait3A_302 : memref<1x128xi32, #tpu.memory_space<vmem>> -> memref<128xi32, #tpu.memory_space<vmem>>
      %dma_wait3A_304 = arith.constant 0 : i32
      %dma_wait3A_305 = arith.constant 0 : i32
      %dma_wait3A_306 = tpu.memref_slice %arg2[%dma_wait3A_304, %dma_wait3A_305] : memref<10000x128xf32, #tpu.memory_space<hbm>> -> memref<10000x128xf32, #tpu.memory_space<hbm>>
      tpu.wait_indirect_dma semaphore(%arg17 : memref<!tpu.dma_semaphore, #tpu.memory_space<semaphore_mem>>) src(%dma_wait3A_306 : memref<10000x128xf32, #tpu.memory_space<hbm>>) dst(%arg10 : memref<128x128xf32, #tpu.memory_space<vmem>>)
      %run_scoped3A_307 = arith.constant 0 : i32
      "tpu.region"() ({
        %run_scoped3A_454 = tpu.sem_alloc : memref<!tpu.dma_semaphore, #tpu.memory_space<semaphore_mem>>
        %dma_start3A_455 = arith.constant 0 : i32
        %dma_start3A_456 = tpu.memref_slice %arg9[%run_scoped3A_307, %dma_start3A_455] : memref<8x128xi32, #tpu.memory_space<vmem>> -> memref<1x128xi32, #tpu.memory_space<vmem>>
        %dma_start3A_457 = tpu.memref_squeeze %dma_start3A_456 : memref<1x128xi32, #tpu.memory_space<vmem>> -> memref<128xi32, #tpu.memory_space<vmem>>
        %dma_start3A_458 = arith.constant 0 : i32
        %dma_start3A_459 = arith.constant 0 : i32
        %dma_start3A_460 = tpu.memref_slice %arg12[%dma_start3A_458, %dma_start3A_459] : memref<10240x128xf32, #tpu.memory_space<vmem_shared>> -> memref<10240x128xf32, #tpu.memory_space<vmem_shared>>
        tpu.enqueue_indirect_dma source(%arg10 : memref<128x128xf32, #tpu.memory_space<vmem>>) target(%dma_start3A_460 : memref<10240x128xf32, #tpu.memory_space<vmem_shared>>) offsets(%dma_start3A_457 : memref<128xi32, #tpu.memory_space<vmem>>) semaphore(%run_scoped3A_454 : memref<!tpu.dma_semaphore, #tpu.memory_space<semaphore_mem>>) {add = true}
        %dma_wait3A_461 = arith.constant 0 : i32
        %dma_wait3A_462 = tpu.memref_slice %arg9[%run_scoped3A_307, %dma_wait3A_461] : memref<8x128xi32, #tpu.memory_space<vmem>> -> memref<1x128xi32, #tpu.memory_space<vmem>>
        %dma_wait3A_463 = tpu.memref_squeeze %dma_wait3A_462 : memref<1x128xi32, #tpu.memory_space<vmem>> -> memref<128xi32, #tpu.memory_space<vmem>>
        %dma_wait3A_464 = arith.constant 0 : i32
        %dma_wait3A_465 = arith.constant 0 : i32
        %dma_wait3A_466 = tpu.memref_slice %arg12[%dma_wait3A_464, %dma_wait3A_465] : memref<10240x128xf32, #tpu.memory_space<vmem_shared>> -> memref<10240x128xf32, #tpu.memory_space<vmem_shared>>
        tpu.wait_indirect_dma semaphore(%run_scoped3A_454 : memref<!tpu.dma_semaphore, #tpu.memory_space<semaphore_mem>>) src(%arg10 : memref<128x128xf32, #tpu.memory_space<vmem>>) dst(%dma_wait3A_466 : memref<10240x128xf32, #tpu.memory_space<vmem_shared>>)
        tpu.yield
      }) : () -> ()
      %dma_start3A_308 = arith.constant 2 : i32
      %dma_start3A_309 = arith.constant 0 : i32
      %dma_start3A_310 = tpu.memref_slice %arg7[%dma_start3A_308, %dma_start3A_309] : memref<8x128xi32, #tpu.memory_space<vmem>> -> memref<1x128xi32, #tpu.memory_space<vmem>>
      %dma_start3A_311 = tpu.memref_squeeze %dma_start3A_310 : memref<1x128xi32, #tpu.memory_space<vmem>> -> memref<128xi32, #tpu.memory_space<vmem>>
      %dma_start3A_312 = arith.constant 0 : i32
      %dma_start3A_313 = arith.constant 0 : i32
      %dma_start3A_314 = tpu.memref_slice %arg2[%dma_start3A_312, %dma_start3A_313] : memref<10000x128xf32, #tpu.memory_space<hbm>> -> memref<10000x128xf32, #tpu.memory_space<hbm>>
      tpu.enqueue_indirect_dma source(%dma_start3A_314 : memref<10000x128xf32, #tpu.memory_space<hbm>>) target(%arg10 : memref<128x128xf32, #tpu.memory_space<vmem>>) offsets(%dma_start3A_311 : memref<128xi32, #tpu.memory_space<vmem>>) semaphore(%arg17 : memref<!tpu.dma_semaphore, #tpu.memory_space<semaphore_mem>>)
      %dma_wait3A_315 = arith.constant 1 : i32
      %dma_wait3A_316 = arith.constant 0 : i32
      %dma_wait3A_317 = tpu.memref_slice %arg7[%dma_wait3A_315, %dma_wait3A_316] : memref<8x128xi32, #tpu.memory_space<vmem>> -> memref<1x128xi32, #tpu.memory_space<vmem>>
      %dma_wait3A_318 = tpu.memref_squeeze %dma_wait3A_317 : memref<1x128xi32, #tpu.memory_space<vmem>> -> memref<128xi32, #tpu.memory_space<vmem>>
      %dma_wait3A_319 = arith.constant 0 : i32
      %dma_wait3A_320 = arith.constant 0 : i32
      %dma_wait3A_321 = tpu.memref_slice %arg2[%dma_wait3A_319, %dma_wait3A_320] : memref<10000x128xf32, #tpu.memory_space<hbm>> -> memref<10000x128xf32, #tpu.memory_space<hbm>>
      tpu.wait_indirect_dma semaphore(%arg18 : memref<!tpu.dma_semaphore, #tpu.memory_space<semaphore_mem>>) src(%dma_wait3A_321 : memref<10000x128xf32, #tpu.memory_space<hbm>>) dst(%arg11 : memref<128x128xf32, #tpu.memory_space<vmem>>)
      %run_scoped3A_322 = arith.constant 1 : i32
      "tpu.region"() ({
        %run_scoped3A_454 = tpu.sem_alloc : memref<!tpu.dma_semaphore, #tpu.memory_space<semaphore_mem>>
        %dma_start3A_455 = arith.constant 0 : i32
        %dma_start3A_456 = tpu.memref_slice %arg9[%run_scoped3A_322, %dma_start3A_455] : memref<8x128xi32, #tpu.memory_space<vmem>> -> memref<1x128xi32, #tpu.memory_space<vmem>>
        %dma_start3A_457 = tpu.memref_squeeze %dma_start3A_456 : memref<1x128xi32, #tpu.memory_space<vmem>> -> memref<128xi32, #tpu.memory_space<vmem>>
        %dma_start3A_458 = arith.constant 0 : i32
        %dma_start3A_459 = arith.constant 0 : i32
        %dma_start3A_460 = tpu.memref_slice %arg12[%dma_start3A_458, %dma_start3A_459] : memref<10240x128xf32, #tpu.memory_space<vmem_shared>> -> memref<10240x128xf32, #tpu.memory_space<vmem_shared>>
        tpu.enqueue_indirect_dma source(%arg11 : memref<128x128xf32, #tpu.memory_space<vmem>>) target(%dma_start3A_460 : memref<10240x128xf32, #tpu.memory_space<vmem_shared>>) offsets(%dma_start3A_457 : memref<128xi32, #tpu.memory_space<vmem>>) semaphore(%run_scoped3A_454 : memref<!tpu.dma_semaphore, #tpu.memory_space<semaphore_mem>>) {add = true}
        %dma_wait3A_461 = arith.constant 0 : i32
        %dma_wait3A_462 = tpu.memref_slice %arg9[%run_scoped3A_322, %dma_wait3A_461] : memref<8x128xi32, #tpu.memory_space<vmem>> -> memref<1x128xi32, #tpu.memory_space<vmem>>
        %dma_wait3A_463 = tpu.memref_squeeze %dma_wait3A_462 : memref<1x128xi32, #tpu.memory_space<vmem>> -> memref<128xi32, #tpu.memory_space<vmem>>
        %dma_wait3A_464 = arith.constant 0 : i32
        %dma_wait3A_465 = arith.constant 0 : i32
        %dma_wait3A_466 = tpu.memref_slice %arg12[%dma_wait3A_464, %dma_wait3A_465] : memref<10240x128xf32, #tpu.memory_space<vmem_shared>> -> memref<10240x128xf32, #tpu.memory_space<vmem_shared>>
        tpu.wait_indirect_dma semaphore(%run_scoped3A_454 : memref<!tpu.dma_semaphore, #tpu.memory_space<semaphore_mem>>) src(%arg11 : memref<128x128xf32, #tpu.memory_space<vmem>>) dst(%dma_wait3A_466 : memref<10240x128xf32, #tpu.memory_space<vmem_shared>>)
        tpu.yield
      }) : () -> ()
      %dma_start3A_323 = arith.constant 3 : i32
      %dma_start3A_324 = arith.constant 0 : i32
      %dma_start3A_325 = tpu.memref_slice %arg7[%dma_start3A_323, %dma_start3A_324] : memref<8x128xi32, #tpu.memory_space<vmem>> -> memref<1x128xi32, #tpu.memory_space<vmem>>
      %dma_start3A_326 = tpu.memref_squeeze %dma_start3A_325 : memref<1x128xi32, #tpu.memory_space<vmem>> -> memref<128xi32, #tpu.memory_space<vmem>>
      %dma_start3A_327 = arith.constant 0 : i32
      %dma_start3A_328 = arith.constant 0 : i32
      %dma_start3A_329 = tpu.memref_slice %arg2[%dma_start3A_327, %dma_start3A_328] : memref<10000x128xf32, #tpu.memory_space<hbm>> -> memref<10000x128xf32, #tpu.memory_space<hbm>>
      tpu.enqueue_indirect_dma source(%dma_start3A_329 : memref<10000x128xf32, #tpu.memory_space<hbm>>) target(%arg11 : memref<128x128xf32, #tpu.memory_space<vmem>>) offsets(%dma_start3A_326 : memref<128xi32, #tpu.memory_space<vmem>>) semaphore(%arg18 : memref<!tpu.dma_semaphore, #tpu.memory_space<semaphore_mem>>)
      %dma_wait3A_330 = arith.constant 2 : i32
      %dma_wait3A_331 = arith.constant 0 : i32
      %dma_wait3A_332 = tpu.memref_slice %arg7[%dma_wait3A_330, %dma_wait3A_331] : memref<8x128xi32, #tpu.memory_space<vmem>> -> memref<1x128xi32, #tpu.memory_space<vmem>>
      %dma_wait3A_333 = tpu.memref_squeeze %dma_wait3A_332 : memref<1x128xi32, #tpu.memory_space<vmem>> -> memref<128xi32, #tpu.memory_space<vmem>>
      %dma_wait3A_334 = arith.constant 0 : i32
      %dma_wait3A_335 = arith.constant 0 : i32
      %dma_wait3A_336 = tpu.memref_slice %arg2[%dma_wait3A_334, %dma_wait3A_335] : memref<10000x128xf32, #tpu.memory_space<hbm>> -> memref<10000x128xf32, #tpu.memory_space<hbm>>
      tpu.wait_indirect_dma semaphore(%arg17 : memref<!tpu.dma_semaphore, #tpu.memory_space<semaphore_mem>>) src(%dma_wait3A_336 : memref<10000x128xf32, #tpu.memory_space<hbm>>) dst(%arg10 : memref<128x128xf32, #tpu.memory_space<vmem>>)
      %run_scoped3A_337 = arith.constant 2 : i32
      "tpu.region"() ({
        %run_scoped3A_454 = tpu.sem_alloc : memref<!tpu.dma_semaphore, #tpu.memory_space<semaphore_mem>>
        %dma_start3A_455 = arith.constant 0 : i32
        %dma_start3A_456 = tpu.memref_slice %arg9[%run_scoped3A_337, %dma_start3A_455] : memref<8x128xi32, #tpu.memory_space<vmem>> -> memref<1x128xi32, #tpu.memory_space<vmem>>
        %dma_start3A_457 = tpu.memref_squeeze %dma_start3A_456 : memref<1x128xi32, #tpu.memory_space<vmem>> -> memref<128xi32, #tpu.memory_space<vmem>>
        %dma_start3A_458 = arith.constant 0 : i32
        %dma_start3A_459 = arith.constant 0 : i32
        %dma_start3A_460 = tpu.memref_slice %arg12[%dma_start3A_458, %dma_start3A_459] : memref<10240x128xf32, #tpu.memory_space<vmem_shared>> -> memref<10240x128xf32, #tpu.memory_space<vmem_shared>>
        tpu.enqueue_indirect_dma source(%arg10 : memref<128x128xf32, #tpu.memory_space<vmem>>) target(%dma_start3A_460 : memref<10240x128xf32, #tpu.memory_space<vmem_shared>>) offsets(%dma_start3A_457 : memref<128xi32, #tpu.memory_space<vmem>>) semaphore(%run_scoped3A_454 : memref<!tpu.dma_semaphore, #tpu.memory_space<semaphore_mem>>) {add = true}
        %dma_wait3A_461 = arith.constant 0 : i32
        %dma_wait3A_462 = tpu.memref_slice %arg9[%run_scoped3A_337, %dma_wait3A_461] : memref<8x128xi32, #tpu.memory_space<vmem>> -> memref<1x128xi32, #tpu.memory_space<vmem>>
        %dma_wait3A_463 = tpu.memref_squeeze %dma_wait3A_462 : memref<1x128xi32, #tpu.memory_space<vmem>> -> memref<128xi32, #tpu.memory_space<vmem>>
        %dma_wait3A_464 = arith.constant 0 : i32
        %dma_wait3A_465 = arith.constant 0 : i32
        %dma_wait3A_466 = tpu.memref_slice %arg12[%dma_wait3A_464, %dma_wait3A_465] : memref<10240x128xf32, #tpu.memory_space<vmem_shared>> -> memref<10240x128xf32, #tpu.memory_space<vmem_shared>>
        tpu.wait_indirect_dma semaphore(%run_scoped3A_454 : memref<!tpu.dma_semaphore, #tpu.memory_space<semaphore_mem>>) src(%arg10 : memref<128x128xf32, #tpu.memory_space<vmem>>) dst(%dma_wait3A_466 : memref<10240x128xf32, #tpu.memory_space<vmem_shared>>)
        tpu.yield
      }) : () -> ()
      %dma_start3A_338 = arith.constant 4 : i32
      %dma_start3A_339 = arith.constant 0 : i32
      %dma_start3A_340 = tpu.memref_slice %arg7[%dma_start3A_338, %dma_start3A_339] : memref<8x128xi32, #tpu.memory_space<vmem>> -> memref<1x128xi32, #tpu.memory_space<vmem>>
      %dma_start3A_341 = tpu.memref_squeeze %dma_start3A_340 : memref<1x128xi32, #tpu.memory_space<vmem>> -> memref<128xi32, #tpu.memory_space<vmem>>
      %dma_start3A_342 = arith.constant 0 : i32
      %dma_start3A_343 = arith.constant 0 : i32
      %dma_start3A_344 = tpu.memref_slice %arg2[%dma_start3A_342, %dma_start3A_343] : memref<10000x128xf32, #tpu.memory_space<hbm>> -> memref<10000x128xf32, #tpu.memory_space<hbm>>
      tpu.enqueue_indirect_dma source(%dma_start3A_344 : memref<10000x128xf32, #tpu.memory_space<hbm>>) target(%arg10 : memref<128x128xf32, #tpu.memory_space<vmem>>) offsets(%dma_start3A_341 : memref<128xi32, #tpu.memory_space<vmem>>) semaphore(%arg17 : memref<!tpu.dma_semaphore, #tpu.memory_space<semaphore_mem>>)
      %dma_wait3A_345 = arith.constant 3 : i32
      %dma_wait3A_346 = arith.constant 0 : i32
      %dma_wait3A_347 = tpu.memref_slice %arg7[%dma_wait3A_345, %dma_wait3A_346] : memref<8x128xi32, #tpu.memory_space<vmem>> -> memref<1x128xi32, #tpu.memory_space<vmem>>
      %dma_wait3A_348 = tpu.memref_squeeze %dma_wait3A_347 : memref<1x128xi32, #tpu.memory_space<vmem>> -> memref<128xi32, #tpu.memory_space<vmem>>
      %dma_wait3A_349 = arith.constant 0 : i32
      %dma_wait3A_350 = arith.constant 0 : i32
      %dma_wait3A_351 = tpu.memref_slice %arg2[%dma_wait3A_349, %dma_wait3A_350] : memref<10000x128xf32, #tpu.memory_space<hbm>> -> memref<10000x128xf32, #tpu.memory_space<hbm>>
      tpu.wait_indirect_dma semaphore(%arg18 : memref<!tpu.dma_semaphore, #tpu.memory_space<semaphore_mem>>) src(%dma_wait3A_351 : memref<10000x128xf32, #tpu.memory_space<hbm>>) dst(%arg11 : memref<128x128xf32, #tpu.memory_space<vmem>>)
      %run_scoped3A_352 = arith.constant 3 : i32
      "tpu.region"() ({
        %run_scoped3A_454 = tpu.sem_alloc : memref<!tpu.dma_semaphore, #tpu.memory_space<semaphore_mem>>
        %dma_start3A_455 = arith.constant 0 : i32
        %dma_start3A_456 = tpu.memref_slice %arg9[%run_scoped3A_352, %dma_start3A_455] : memref<8x128xi32, #tpu.memory_space<vmem>> -> memref<1x128xi32, #tpu.memory_space<vmem>>
        %dma_start3A_457 = tpu.memref_squeeze %dma_start3A_456 : memref<1x128xi32, #tpu.memory_space<vmem>> -> memref<128xi32, #tpu.memory_space<vmem>>
        %dma_start3A_458 = arith.constant 0 : i32
        %dma_start3A_459 = arith.constant 0 : i32
        %dma_start3A_460 = tpu.memref_slice %arg12[%dma_start3A_458, %dma_start3A_459] : memref<10240x128xf32, #tpu.memory_space<vmem_shared>> -> memref<10240x128xf32, #tpu.memory_space<vmem_shared>>
        tpu.enqueue_indirect_dma source(%arg11 : memref<128x128xf32, #tpu.memory_space<vmem>>) target(%dma_start3A_460 : memref<10240x128xf32, #tpu.memory_space<vmem_shared>>) offsets(%dma_start3A_457 : memref<128xi32, #tpu.memory_space<vmem>>) semaphore(%run_scoped3A_454 : memref<!tpu.dma_semaphore, #tpu.memory_space<semaphore_mem>>) {add = true}
        %dma_wait3A_461 = arith.constant 0 : i32
        %dma_wait3A_462 = tpu.memref_slice %arg9[%run_scoped3A_352, %dma_wait3A_461] : memref<8x128xi32, #tpu.memory_space<vmem>> -> memref<1x128xi32, #tpu.memory_space<vmem>>
        %dma_wait3A_463 = tpu.memref_squeeze %dma_wait3A_462 : memref<1x128xi32, #tpu.memory_space<vmem>> -> memref<128xi32, #tpu.memory_space<vmem>>
        %dma_wait3A_464 = arith.constant 0 : i32
        %dma_wait3A_465 = arith.constant 0 : i32
        %dma_wait3A_466 = tpu.memref_slice %arg12[%dma_wait3A_464, %dma_wait3A_465] : memref<10240x128xf32, #tpu.memory_space<vmem_shared>> -> memref<10240x128xf32, #tpu.memory_space<vmem_shared>>
        tpu.wait_indirect_dma semaphore(%run_scoped3A_454 : memref<!tpu.dma_semaphore, #tpu.memory_space<semaphore_mem>>) src(%arg11 : memref<128x128xf32, #tpu.memory_space<vmem>>) dst(%dma_wait3A_466 : memref<10240x128xf32, #tpu.memory_space<vmem_shared>>)
        tpu.yield
      }) : () -> ()
      %dma_start3A_353 = arith.constant 5 : i32
      %dma_start3A_354 = arith.constant 0 : i32
      %dma_start3A_355 = tpu.memref_slice %arg7[%dma_start3A_353, %dma_start3A_354] : memref<8x128xi32, #tpu.memory_space<vmem>> -> memref<1x128xi32, #tpu.memory_space<vmem>>
      %dma_start3A_356 = tpu.memref_squeeze %dma_start3A_355 : memref<1x128xi32, #tpu.memory_space<vmem>> -> memref<128xi32, #tpu.memory_space<vmem>>
      %dma_start3A_357 = arith.constant 0 : i32
      %dma_start3A_358 = arith.constant 0 : i32
      %dma_start3A_359 = tpu.memref_slice %arg2[%dma_start3A_357, %dma_start3A_358] : memref<10000x128xf32, #tpu.memory_space<hbm>> -> memref<10000x128xf32, #tpu.memory_space<hbm>>
      tpu.enqueue_indirect_dma source(%dma_start3A_359 : memref<10000x128xf32, #tpu.memory_space<hbm>>) target(%arg11 : memref<128x128xf32, #tpu.memory_space<vmem>>) offsets(%dma_start3A_356 : memref<128xi32, #tpu.memory_space<vmem>>) semaphore(%arg18 : memref<!tpu.dma_semaphore, #tpu.memory_space<semaphore_mem>>)
      %dma_wait3A_360 = arith.constant 4 : i32
      %dma_wait3A_361 = arith.constant 0 : i32
      %dma_wait3A_362 = tpu.memref_slice %arg7[%dma_wait3A_360, %dma_wait3A_361] : memref<8x128xi32, #tpu.memory_space<vmem>> -> memref<1x128xi32, #tpu.memory_space<vmem>>
      %dma_wait3A_363 = tpu.memref_squeeze %dma_wait3A_362 : memref<1x128xi32, #tpu.memory_space<vmem>> -> memref<128xi32, #tpu.memory_space<vmem>>
      %dma_wait3A_364 = arith.constant 0 : i32
      %dma_wait3A_365 = arith.constant 0 : i32
      %dma_wait3A_366 = tpu.memref_slice %arg2[%dma_wait3A_364, %dma_wait3A_365] : memref<10000x128xf32, #tpu.memory_space<hbm>> -> memref<10000x128xf32, #tpu.memory_space<hbm>>
      tpu.wait_indirect_dma semaphore(%arg17 : memref<!tpu.dma_semaphore, #tpu.memory_space<semaphore_mem>>) src(%dma_wait3A_366 : memref<10000x128xf32, #tpu.memory_space<hbm>>) dst(%arg10 : memref<128x128xf32, #tpu.memory_space<vmem>>)
      %run_scoped3A_367 = arith.constant 4 : i32
      "tpu.region"() ({
        %run_scoped3A_454 = tpu.sem_alloc : memref<!tpu.dma_semaphore, #tpu.memory_space<semaphore_mem>>
        %dma_start3A_455 = arith.constant 0 : i32
        %dma_start3A_456 = tpu.memref_slice %arg9[%run_scoped3A_367, %dma_start3A_455] : memref<8x128xi32, #tpu.memory_space<vmem>> -> memref<1x128xi32, #tpu.memory_space<vmem>>
        %dma_start3A_457 = tpu.memref_squeeze %dma_start3A_456 : memref<1x128xi32, #tpu.memory_space<vmem>> -> memref<128xi32, #tpu.memory_space<vmem>>
        %dma_start3A_458 = arith.constant 0 : i32
        %dma_start3A_459 = arith.constant 0 : i32
        %dma_start3A_460 = tpu.memref_slice %arg12[%dma_start3A_458, %dma_start3A_459] : memref<10240x128xf32, #tpu.memory_space<vmem_shared>> -> memref<10240x128xf32, #tpu.memory_space<vmem_shared>>
        tpu.enqueue_indirect_dma source(%arg10 : memref<128x128xf32, #tpu.memory_space<vmem>>) target(%dma_start3A_460 : memref<10240x128xf32, #tpu.memory_space<vmem_shared>>) offsets(%dma_start3A_457 : memref<128xi32, #tpu.memory_space<vmem>>) semaphore(%run_scoped3A_454 : memref<!tpu.dma_semaphore, #tpu.memory_space<semaphore_mem>>) {add = true}
        %dma_wait3A_461 = arith.constant 0 : i32
        %dma_wait3A_462 = tpu.memref_slice %arg9[%run_scoped3A_367, %dma_wait3A_461] : memref<8x128xi32, #tpu.memory_space<vmem>> -> memref<1x128xi32, #tpu.memory_space<vmem>>
        %dma_wait3A_463 = tpu.memref_squeeze %dma_wait3A_462 : memref<1x128xi32, #tpu.memory_space<vmem>> -> memref<128xi32, #tpu.memory_space<vmem>>
        %dma_wait3A_464 = arith.constant 0 : i32
        %dma_wait3A_465 = arith.constant 0 : i32
        %dma_wait3A_466 = tpu.memref_slice %arg12[%dma_wait3A_464, %dma_wait3A_465] : memref<10240x128xf32, #tpu.memory_space<vmem_shared>> -> memref<10240x128xf32, #tpu.memory_space<vmem_shared>>
        tpu.wait_indirect_dma semaphore(%run_scoped3A_454 : memref<!tpu.dma_semaphore, #tpu.memory_space<semaphore_mem>>) src(%arg10 : memref<128x128xf32, #tpu.memory_space<vmem>>) dst(%dma_wait3A_466 : memref<10240x128xf32, #tpu.memory_space<vmem_shared>>)
        tpu.yield
      }) : () -> ()
      %dma_start3A_368 = arith.constant 6 : i32
      %dma_start3A_369 = arith.constant 0 : i32
      %dma_start3A_370 = tpu.memref_slice %arg7[%dma_start3A_368, %dma_start3A_369] : memref<8x128xi32, #tpu.memory_space<vmem>> -> memref<1x128xi32, #tpu.memory_space<vmem>>
      %dma_start3A_371 = tpu.memref_squeeze %dma_start3A_370 : memref<1x128xi32, #tpu.memory_space<vmem>> -> memref<128xi32, #tpu.memory_space<vmem>>
      %dma_start3A_372 = arith.constant 0 : i32
      %dma_start3A_373 = arith.constant 0 : i32
      %dma_start3A_374 = tpu.memref_slice %arg2[%dma_start3A_372, %dma_start3A_373] : memref<10000x128xf32, #tpu.memory_space<hbm>> -> memref<10000x128xf32, #tpu.memory_space<hbm>>
      tpu.enqueue_indirect_dma source(%dma_start3A_374 : memref<10000x128xf32, #tpu.memory_space<hbm>>) target(%arg10 : memref<128x128xf32, #tpu.memory_space<vmem>>) offsets(%dma_start3A_371 : memref<128xi32, #tpu.memory_space<vmem>>) semaphore(%arg17 : memref<!tpu.dma_semaphore, #tpu.memory_space<semaphore_mem>>)
      %dma_wait3A_375 = arith.constant 5 : i32
      %dma_wait3A_376 = arith.constant 0 : i32
      %dma_wait3A_377 = tpu.memref_slice %arg7[%dma_wait3A_375, %dma_wait3A_376] : memref<8x128xi32, #tpu.memory_space<vmem>> -> memref<1x128xi32, #tpu.memory_space<vmem>>
      %dma_wait3A_378 = tpu.memref_squeeze %dma_wait3A_377 : memref<1x128xi32, #tpu.memory_space<vmem>> -> memref<128xi32, #tpu.memory_space<vmem>>
      %dma_wait3A_379 = arith.constant 0 : i32
      %dma_wait3A_380 = arith.constant 0 : i32
      %dma_wait3A_381 = tpu.memref_slice %arg2[%dma_wait3A_379, %dma_wait3A_380] : memref<10000x128xf32, #tpu.memory_space<hbm>> -> memref<10000x128xf32, #tpu.memory_space<hbm>>
      tpu.wait_indirect_dma semaphore(%arg18 : memref<!tpu.dma_semaphore, #tpu.memory_space<semaphore_mem>>) src(%dma_wait3A_381 : memref<10000x128xf32, #tpu.memory_space<hbm>>) dst(%arg11 : memref<128x128xf32, #tpu.memory_space<vmem>>)
      %run_scoped3A_382 = arith.constant 5 : i32
      "tpu.region"() ({
        %run_scoped3A_454 = tpu.sem_alloc : memref<!tpu.dma_semaphore, #tpu.memory_space<semaphore_mem>>
        %dma_start3A_455 = arith.constant 0 : i32
        %dma_start3A_456 = tpu.memref_slice %arg9[%run_scoped3A_382, %dma_start3A_455] : memref<8x128xi32, #tpu.memory_space<vmem>> -> memref<1x128xi32, #tpu.memory_space<vmem>>
        %dma_start3A_457 = tpu.memref_squeeze %dma_start3A_456 : memref<1x128xi32, #tpu.memory_space<vmem>> -> memref<128xi32, #tpu.memory_space<vmem>>
        %dma_start3A_458 = arith.constant 0 : i32
        %dma_start3A_459 = arith.constant 0 : i32
        %dma_start3A_460 = tpu.memref_slice %arg12[%dma_start3A_458, %dma_start3A_459] : memref<10240x128xf32, #tpu.memory_space<vmem_shared>> -> memref<10240x128xf32, #tpu.memory_space<vmem_shared>>
        tpu.enqueue_indirect_dma source(%arg11 : memref<128x128xf32, #tpu.memory_space<vmem>>) target(%dma_start3A_460 : memref<10240x128xf32, #tpu.memory_space<vmem_shared>>) offsets(%dma_start3A_457 : memref<128xi32, #tpu.memory_space<vmem>>) semaphore(%run_scoped3A_454 : memref<!tpu.dma_semaphore, #tpu.memory_space<semaphore_mem>>) {add = true}
        %dma_wait3A_461 = arith.constant 0 : i32
        %dma_wait3A_462 = tpu.memref_slice %arg9[%run_scoped3A_382, %dma_wait3A_461] : memref<8x128xi32, #tpu.memory_space<vmem>> -> memref<1x128xi32, #tpu.memory_space<vmem>>
        %dma_wait3A_463 = tpu.memref_squeeze %dma_wait3A_462 : memref<1x128xi32, #tpu.memory_space<vmem>> -> memref<128xi32, #tpu.memory_space<vmem>>
        %dma_wait3A_464 = arith.constant 0 : i32
        %dma_wait3A_465 = arith.constant 0 : i32
        %dma_wait3A_466 = tpu.memref_slice %arg12[%dma_wait3A_464, %dma_wait3A_465] : memref<10240x128xf32, #tpu.memory_space<vmem_shared>> -> memref<10240x128xf32, #tpu.memory_space<vmem_shared>>
        tpu.wait_indirect_dma semaphore(%run_scoped3A_454 : memref<!tpu.dma_semaphore, #tpu.memory_space<semaphore_mem>>) src(%arg11 : memref<128x128xf32, #tpu.memory_space<vmem>>) dst(%dma_wait3A_466 : memref<10240x128xf32, #tpu.memory_space<vmem_shared>>)
        tpu.yield
      }) : () -> ()
      %dma_start3A_383 = arith.constant 7 : i32
      %dma_start3A_384 = arith.constant 0 : i32
      %dma_start3A_385 = tpu.memref_slice %arg7[%dma_start3A_383, %dma_start3A_384] : memref<8x128xi32, #tpu.memory_space<vmem>> -> memref<1x128xi32, #tpu.memory_space<vmem>>
      %dma_start3A_386 = tpu.memref_squeeze %dma_start3A_385 : memref<1x128xi32, #tpu.memory_space<vmem>> -> memref<128xi32, #tpu.memory_space<vmem>>
      %dma_start3A_387 = arith.constant 0 : i32
      %dma_start3A_388 = arith.constant 0 : i32
      %dma_start3A_389 = tpu.memref_slice %arg2[%dma_start3A_387, %dma_start3A_388] : memref<10000x128xf32, #tpu.memory_space<hbm>> -> memref<10000x128xf32, #tpu.memory_space<hbm>>
      tpu.enqueue_indirect_dma source(%dma_start3A_389 : memref<10000x128xf32, #tpu.memory_space<hbm>>) target(%arg11 : memref<128x128xf32, #tpu.memory_space<vmem>>) offsets(%dma_start3A_386 : memref<128xi32, #tpu.memory_space<vmem>>) semaphore(%arg18 : memref<!tpu.dma_semaphore, #tpu.memory_space<semaphore_mem>>)
      %dma_wait3A_390 = arith.constant 6 : i32
      %dma_wait3A_391 = arith.constant 0 : i32
      %dma_wait3A_392 = tpu.memref_slice %arg7[%dma_wait3A_390, %dma_wait3A_391] : memref<8x128xi32, #tpu.memory_space<vmem>> -> memref<1x128xi32, #tpu.memory_space<vmem>>
      %dma_wait3A_393 = tpu.memref_squeeze %dma_wait3A_392 : memref<1x128xi32, #tpu.memory_space<vmem>> -> memref<128xi32, #tpu.memory_space<vmem>>
      %dma_wait3A_394 = arith.constant 0 : i32
      %dma_wait3A_395 = arith.constant 0 : i32
      %dma_wait3A_396 = tpu.memref_slice %arg2[%dma_wait3A_394, %dma_wait3A_395] : memref<10000x128xf32, #tpu.memory_space<hbm>> -> memref<10000x128xf32, #tpu.memory_space<hbm>>
      tpu.wait_indirect_dma semaphore(%arg17 : memref<!tpu.dma_semaphore, #tpu.memory_space<semaphore_mem>>) src(%dma_wait3A_396 : memref<10000x128xf32, #tpu.memory_space<hbm>>) dst(%arg10 : memref<128x128xf32, #tpu.memory_space<vmem>>)
      %run_scoped3A_397 = arith.constant 6 : i32
      "tpu.region"() ({
        %run_scoped3A_454 = tpu.sem_alloc : memref<!tpu.dma_semaphore, #tpu.memory_space<semaphore_mem>>
        %dma_start3A_455 = arith.constant 0 : i32
        %dma_start3A_456 = tpu.memref_slice %arg9[%run_scoped3A_397, %dma_start3A_455] : memref<8x128xi32, #tpu.memory_space<vmem>> -> memref<1x128xi32, #tpu.memory_space<vmem>>
        %dma_start3A_457 = tpu.memref_squeeze %dma_start3A_456 : memref<1x128xi32, #tpu.memory_space<vmem>> -> memref<128xi32, #tpu.memory_space<vmem>>
        %dma_start3A_458 = arith.constant 0 : i32
        %dma_start3A_459 = arith.constant 0 : i32
        %dma_start3A_460 = tpu.memref_slice %arg12[%dma_start3A_458, %dma_start3A_459] : memref<10240x128xf32, #tpu.memory_space<vmem_shared>> -> memref<10240x128xf32, #tpu.memory_space<vmem_shared>>
        tpu.enqueue_indirect_dma source(%arg10 : memref<128x128xf32, #tpu.memory_space<vmem>>) target(%dma_start3A_460 : memref<10240x128xf32, #tpu.memory_space<vmem_shared>>) offsets(%dma_start3A_457 : memref<128xi32, #tpu.memory_space<vmem>>) semaphore(%run_scoped3A_454 : memref<!tpu.dma_semaphore, #tpu.memory_space<semaphore_mem>>) {add = true}
        %dma_wait3A_461 = arith.constant 0 : i32
        %dma_wait3A_462 = tpu.memref_slice %arg9[%run_scoped3A_397, %dma_wait3A_461] : memref<8x128xi32, #tpu.memory_space<vmem>> -> memref<1x128xi32, #tpu.memory_space<vmem>>
        %dma_wait3A_463 = tpu.memref_squeeze %dma_wait3A_462 : memref<1x128xi32, #tpu.memory_space<vmem>> -> memref<128xi32, #tpu.memory_space<vmem>>
        %dma_wait3A_464 = arith.constant 0 : i32
        %dma_wait3A_465 = arith.constant 0 : i32
        %dma_wait3A_466 = tpu.memref_slice %arg12[%dma_wait3A_464, %dma_wait3A_465] : memref<10240x128xf32, #tpu.memory_space<vmem_shared>> -> memref<10240x128xf32, #tpu.memory_space<vmem_shared>>
        tpu.wait_indirect_dma semaphore(%run_scoped3A_454 : memref<!tpu.dma_semaphore, #tpu.memory_space<semaphore_mem>>) src(%arg10 : memref<128x128xf32, #tpu.memory_space<vmem>>) dst(%dma_wait3A_466 : memref<10240x128xf32, #tpu.memory_space<vmem_shared>>)
        tpu.yield
      }) : () -> ()
      %dma_wait3A_398 = arith.constant 0 : i32
      %dma_wait3A_399 = arith.constant 0 : i32
      %dma_wait3A_400 = arith.constant 0 : i32
      %dma_wait3A_401 = tpu.memref_slice %arg3[%add3A, %dma_wait3A_398, %dma_wait3A_399, %dma_wait3A_400] : memref<32x10x8x128xi32, #tpu.memory_space<hbm>> -> memref<1x1x8x128xi32, #tpu.memory_space<hbm>>
      %dma_wait3A_402 = tpu.memref_squeeze %dma_wait3A_401 : memref<1x1x8x128xi32, #tpu.memory_space<hbm>> -> memref<8x128xi32, #tpu.memory_space<hbm>>
      %dma_wait3A_403 = arith.constant 0 : i32
      %dma_wait3A_404 = arith.constant 0 : i32
      %dma_wait3A_405 = tpu.memref_slice %arg3[%add3A, %dma_wait3A_398, %dma_wait3A_403, %dma_wait3A_404] : memref<32x10x8x128xi32, #tpu.memory_space<hbm>> -> memref<1x1x8x128xi32, #tpu.memory_space<hbm>>
      %dma_wait3A_406 = tpu.memref_squeeze %dma_wait3A_405 : memref<1x1x8x128xi32, #tpu.memory_space<hbm>> -> memref<8x128xi32, #tpu.memory_space<hbm>>
      tpu.wait_dma2 semaphore(%arg13 : memref<!tpu.dma_semaphore, #tpu.memory_space<semaphore_mem>>) src(%dma_wait3A_406 : memref<8x128xi32, #tpu.memory_space<hbm>>) dst(%arg6 : memref<8x128xi32, #tpu.memory_space<vmem>>)
      %dma_start3A_407 = arith.constant 0 : i32
      %dma_start3A_408 = arith.constant 0 : i32
      %dma_start3A_409 = tpu.memref_slice %arg6[%dma_start3A_407, %dma_start3A_408] : memref<8x128xi32, #tpu.memory_space<vmem>> -> memref<1x128xi32, #tpu.memory_space<vmem>>
      %dma_start3A_410 = tpu.memref_squeeze %dma_start3A_409 : memref<1x128xi32, #tpu.memory_space<vmem>> -> memref<128xi32, #tpu.memory_space<vmem>>
      %dma_start3A_411 = arith.constant 0 : i32
      %dma_start3A_412 = arith.constant 0 : i32
      %dma_start3A_413 = tpu.memref_slice %arg2[%dma_start3A_411, %dma_start3A_412] : memref<10000x128xf32, #tpu.memory_space<hbm>> -> memref<10000x128xf32, #tpu.memory_space<hbm>>
      tpu.enqueue_indirect_dma source(%dma_start3A_413 : memref<10000x128xf32, #tpu.memory_space<hbm>>) target(%arg10 : memref<128x128xf32, #tpu.memory_space<vmem>>) offsets(%dma_start3A_410 : memref<128xi32, #tpu.memory_space<vmem>>) semaphore(%arg17 : memref<!tpu.dma_semaphore, #tpu.memory_space<semaphore_mem>>)
      %dma_wait3A_414 = arith.constant 7 : i32
      %dma_wait3A_415 = arith.constant 0 : i32
      %dma_wait3A_416 = tpu.memref_slice %arg7[%dma_wait3A_414, %dma_wait3A_415] : memref<8x128xi32, #tpu.memory_space<vmem>> -> memref<1x128xi32, #tpu.memory_space<vmem>>
      %dma_wait3A_417 = tpu.memref_squeeze %dma_wait3A_416 : memref<1x128xi32, #tpu.memory_space<vmem>> -> memref<128xi32, #tpu.memory_space<vmem>>
      %dma_wait3A_418 = arith.constant 0 : i32
      %dma_wait3A_419 = arith.constant 0 : i32
      %dma_wait3A_420 = tpu.memref_slice %arg2[%dma_wait3A_418, %dma_wait3A_419] : memref<10000x128xf32, #tpu.memory_space<hbm>> -> memref<10000x128xf32, #tpu.memory_space<hbm>>
      tpu.wait_indirect_dma semaphore(%arg18 : memref<!tpu.dma_semaphore, #tpu.memory_space<semaphore_mem>>) src(%dma_wait3A_420 : memref<10000x128xf32, #tpu.memory_space<hbm>>) dst(%arg11 : memref<128x128xf32, #tpu.memory_space<vmem>>)
      %run_scoped3A_421 = arith.constant 7 : i32
      "tpu.region"() ({
        %run_scoped3A_454 = tpu.sem_alloc : memref<!tpu.dma_semaphore, #tpu.memory_space<semaphore_mem>>
        %dma_start3A_455 = arith.constant 0 : i32
        %dma_start3A_456 = tpu.memref_slice %arg9[%run_scoped3A_421, %dma_start3A_455] : memref<8x128xi32, #tpu.memory_space<vmem>> -> memref<1x128xi32, #tpu.memory_space<vmem>>
        %dma_start3A_457 = tpu.memref_squeeze %dma_start3A_456 : memref<1x128xi32, #tpu.memory_space<vmem>> -> memref<128xi32, #tpu.memory_space<vmem>>
        %dma_start3A_458 = arith.constant 0 : i32
        %dma_start3A_459 = arith.constant 0 : i32
        %dma_start3A_460 = tpu.memref_slice %arg12[%dma_start3A_458, %dma_start3A_459] : memref<10240x128xf32, #tpu.memory_space<vmem_shared>> -> memref<10240x128xf32, #tpu.memory_space<vmem_shared>>
        tpu.enqueue_indirect_dma source(%arg11 : memref<128x128xf32, #tpu.memory_space<vmem>>) target(%dma_start3A_460 : memref<10240x128xf32, #tpu.memory_space<vmem_shared>>) offsets(%dma_start3A_457 : memref<128xi32, #tpu.memory_space<vmem>>) semaphore(%run_scoped3A_454 : memref<!tpu.dma_semaphore, #tpu.memory_space<semaphore_mem>>) {add = true}
        %dma_wait3A_461 = arith.constant 0 : i32
        %dma_wait3A_462 = tpu.memref_slice %arg9[%run_scoped3A_421, %dma_wait3A_461] : memref<8x128xi32, #tpu.memory_space<vmem>> -> memref<1x128xi32, #tpu.memory_space<vmem>>
        %dma_wait3A_463 = tpu.memref_squeeze %dma_wait3A_462 : memref<1x128xi32, #tpu.memory_space<vmem>> -> memref<128xi32, #tpu.memory_space<vmem>>
        %dma_wait3A_464 = arith.constant 0 : i32
        %dma_wait3A_465 = arith.constant 0 : i32
        %dma_wait3A_466 = tpu.memref_slice %arg12[%dma_wait3A_464, %dma_wait3A_465] : memref<10240x128xf32, #tpu.memory_space<vmem_shared>> -> memref<10240x128xf32, #tpu.memory_space<vmem_shared>>
        tpu.wait_indirect_dma semaphore(%run_scoped3A_454 : memref<!tpu.dma_semaphore, #tpu.memory_space<semaphore_mem>>) src(%arg11 : memref<128x128xf32, #tpu.memory_space<vmem>>) dst(%dma_wait3A_466 : memref<10240x128xf32, #tpu.memory_space<vmem_shared>>)
        tpu.yield
      }) : () -> ()
      %dma_start3A_422 = arith.constant 1 : i32
      %dma_start3A_423 = arith.constant 0 : i32
      %dma_start3A_424 = tpu.memref_slice %arg6[%dma_start3A_422, %dma_start3A_423] : memref<8x128xi32, #tpu.memory_space<vmem>> -> memref<1x128xi32, #tpu.memory_space<vmem>>
      %dma_start3A_425 = tpu.memref_squeeze %dma_start3A_424 : memref<1x128xi32, #tpu.memory_space<vmem>> -> memref<128xi32, #tpu.memory_space<vmem>>
      %dma_start3A_426 = arith.constant 0 : i32
      %dma_start3A_427 = arith.constant 0 : i32
      %dma_start3A_428 = tpu.memref_slice %arg2[%dma_start3A_426, %dma_start3A_427] : memref<10000x128xf32, #tpu.memory_space<hbm>> -> memref<10000x128xf32, #tpu.memory_space<hbm>>
      tpu.enqueue_indirect_dma source(%dma_start3A_428 : memref<10000x128xf32, #tpu.memory_space<hbm>>) target(%arg11 : memref<128x128xf32, #tpu.memory_space<vmem>>) offsets(%dma_start3A_425 : memref<128xi32, #tpu.memory_space<vmem>>) semaphore(%arg18 : memref<!tpu.dma_semaphore, #tpu.memory_space<semaphore_mem>>)
      %dma_start3A_429 = arith.constant 0 : i32
      %dma_start3A_430 = arith.constant 0 : i32
      %dma_start3A_431 = tpu.memref_slice %arg3[%add3A, %min3A_146, %dma_start3A_429, %dma_start3A_430] : memref<32x10x8x128xi32, #tpu.memory_space<hbm>> -> memref<1x1x8x128xi32, #tpu.memory_space<hbm>>
      %dma_start3A_432 = tpu.memref_squeeze %dma_start3A_431 : memref<1x1x8x128xi32, #tpu.memory_space<hbm>> -> memref<8x128xi32, #tpu.memory_space<hbm>>
      %dma_start3A_433 = arith.constant 0 : i32
      %dma_start3A_434 = arith.constant 0 : i32
      %dma_start3A_435 = tpu.memref_slice %arg3[%add3A, %min3A_146, %dma_start3A_433, %dma_start3A_434] : memref<32x10x8x128xi32, #tpu.memory_space<hbm>> -> memref<1x1x8x128xi32, #tpu.memory_space<hbm>>
      %dma_start3A_436 = tpu.memref_squeeze %dma_start3A_435 : memref<1x1x8x128xi32, #tpu.memory_space<hbm>> -> memref<8x128xi32, #tpu.memory_space<hbm>>
      tpu.enqueue_dma source(%dma_start3A_436 : memref<8x128xi32, #tpu.memory_space<hbm>>) target(%arg7 : memref<8x128xi32, #tpu.memory_space<vmem>>) target_semaphore(%arg14 : memref<!tpu.dma_semaphore, #tpu.memory_space<semaphore_mem>>)
      %dma_start3A_437 = arith.constant 0 : i32
      %dma_start3A_438 = arith.constant 0 : i32
      %dma_start3A_439 = tpu.memref_slice %arg4[%add3A, %min3A_146, %dma_start3A_437, %dma_start3A_438] : memref<32x10x8x128xi32, #tpu.memory_space<hbm>> -> memref<1x1x8x128xi32, #tpu.memory_space<hbm>>
      %dma_start3A_440 = tpu.memref_squeeze %dma_start3A_439 : memref<1x1x8x128xi32, #tpu.memory_space<hbm>> -> memref<8x128xi32, #tpu.memory_space<hbm>>
      %dma_start3A_441 = arith.constant 0 : i32
      %dma_start3A_442 = arith.constant 0 : i32
      %dma_start3A_443 = tpu.memref_slice %arg4[%add3A, %min3A_146, %dma_start3A_441, %dma_start3A_442] : memref<32x10x8x128xi32, #tpu.memory_space<hbm>> -> memref<1x1x8x128xi32, #tpu.memory_space<hbm>>
      %dma_start3A_444 = tpu.memref_squeeze %dma_start3A_443 : memref<1x1x8x128xi32, #tpu.memory_space<hbm>> -> memref<8x128xi32, #tpu.memory_space<hbm>>
      tpu.enqueue_dma source(%dma_start3A_444 : memref<8x128xi32, #tpu.memory_space<hbm>>) target(%arg9 : memref<8x128xi32, #tpu.memory_space<vmem>>) target_semaphore(%arg16 : memref<!tpu.dma_semaphore, #tpu.memory_space<semaphore_mem>>)
      %dma_wait3A_445 = arith.constant 0 : i32
      %dma_wait3A_446 = arith.constant 0 : i32
      %dma_wait3A_447 = arith.constant 0 : i32
      %dma_wait3A_448 = tpu.memref_slice %arg4[%add3A, %dma_wait3A_445, %dma_wait3A_446, %dma_wait3A_447] : memref<32x10x8x128xi32, #tpu.memory_space<hbm>> -> memref<1x1x8x128xi32, #tpu.memory_space<hbm>>
      %dma_wait3A_449 = tpu.memref_squeeze %dma_wait3A_448 : memref<1x1x8x128xi32, #tpu.memory_space<hbm>> -> memref<8x128xi32, #tpu.memory_space<hbm>>
      %dma_wait3A_450 = arith.constant 0 : i32
      %dma_wait3A_451 = arith.constant 0 : i32
      %dma_wait3A_452 = tpu.memref_slice %arg4[%add3A, %dma_wait3A_445, %dma_wait3A_450, %dma_wait3A_451] : memref<32x10x8x128xi32, #tpu.memory_space<hbm>> -> memref<1x1x8x128xi32, #tpu.memory_space<hbm>>
      %dma_wait3A_453 = tpu.memref_squeeze %dma_wait3A_452 : memref<1x1x8x128xi32, #tpu.memory_space<hbm>> -> memref<8x128xi32, #tpu.memory_space<hbm>>
      tpu.wait_dma2 semaphore(%arg15 : memref<!tpu.dma_semaphore, #tpu.memory_space<semaphore_mem>>) src(%dma_wait3A_453 : memref<8x128xi32, #tpu.memory_space<hbm>>) dst(%arg8 : memref<8x128xi32, #tpu.memory_space<vmem>>)
    }
    %scan3A_97 = arith.constant 5 : i32
    %dma_wait3A_98 = arith.constant 0 : i32
    %dma_wait3A_99 = arith.constant 0 : i32
    %dma_wait3A_100 = tpu.memref_slice %arg6[%dma_wait3A_98, %dma_wait3A_99] : memref<8x128xi32, #tpu.memory_space<vmem>> -> memref<1x128xi32, #tpu.memory_space<vmem>>
    %dma_wait3A_101 = tpu.memref_squeeze %dma_wait3A_100 : memref<1x128xi32, #tpu.memory_space<vmem>> -> memref<128xi32, #tpu.memory_space<vmem>>
    %dma_wait3A_102 = arith.constant 0 : i32
    %dma_wait3A_103 = arith.constant 0 : i32
    %dma_wait3A_104 = tpu.memref_slice %arg2[%dma_wait3A_102, %dma_wait3A_103] : memref<10000x128xf32, #tpu.memory_space<hbm>> -> memref<10000x128xf32, #tpu.memory_space<hbm>>
    tpu.wait_indirect_dma semaphore(%arg17 : memref<!tpu.dma_semaphore, #tpu.memory_space<semaphore_mem>>) src(%dma_wait3A_104 : memref<10000x128xf32, #tpu.memory_space<hbm>>) dst(%arg10 : memref<128x128xf32, #tpu.memory_space<vmem>>)
    %dma_wait3A_105 = arith.constant 0 : i32
    %dma_wait3A_106 = arith.constant 0 : i32
    %dma_wait3A_107 = tpu.memref_slice %arg6[%dma_wait3A_105, %dma_wait3A_106] : memref<8x128xi32, #tpu.memory_space<vmem>> -> memref<1x128xi32, #tpu.memory_space<vmem>>
    %dma_wait3A_108 = tpu.memref_squeeze %dma_wait3A_107 : memref<1x128xi32, #tpu.memory_space<vmem>> -> memref<128xi32, #tpu.memory_space<vmem>>
    %dma_wait3A_109 = arith.constant 0 : i32
    %dma_wait3A_110 = arith.constant 0 : i32
    %dma_wait3A_111 = tpu.memref_slice %arg2[%dma_wait3A_109, %dma_wait3A_110] : memref<10000x128xf32, #tpu.memory_space<hbm>> -> memref<10000x128xf32, #tpu.memory_space<hbm>>
    tpu.wait_indirect_dma semaphore(%arg18 : memref<!tpu.dma_semaphore, #tpu.memory_space<semaphore_mem>>) src(%dma_wait3A_111 : memref<10000x128xf32, #tpu.memory_space<hbm>>) dst(%arg11 : memref<128x128xf32, #tpu.memory_space<vmem>>)
    %dma_wait3A_112 = arith.constant 0 : i32
    %dma_wait3A_113 = arith.constant 0 : i32
    %dma_wait3A_114 = arith.constant 0 : i32
    %dma_wait3A_115 = tpu.memref_slice %arg3[%add3A, %dma_wait3A_112, %dma_wait3A_113, %dma_wait3A_114] : memref<32x10x8x128xi32, #tpu.memory_space<hbm>> -> memref<1x1x8x128xi32, #tpu.memory_space<hbm>>
    %dma_wait3A_116 = tpu.memref_squeeze %dma_wait3A_115 : memref<1x1x8x128xi32, #tpu.memory_space<hbm>> -> memref<8x128xi32, #tpu.memory_space<hbm>>
    %dma_wait3A_117 = arith.constant 0 : i32
    %dma_wait3A_118 = arith.constant 0 : i32
    %dma_wait3A_119 = tpu.memref_slice %arg3[%add3A, %dma_wait3A_112, %dma_wait3A_117, %dma_wait3A_118] : memref<32x10x8x128xi32, #tpu.memory_space<hbm>> -> memref<1x1x8x128xi32, #tpu.memory_space<hbm>>
    %dma_wait3A_120 = tpu.memref_squeeze %dma_wait3A_119 : memref<1x1x8x128xi32, #tpu.memory_space<hbm>> -> memref<8x128xi32, #tpu.memory_space<hbm>>
    tpu.wait_dma2 semaphore(%arg14 : memref<!tpu.dma_semaphore, #tpu.memory_space<semaphore_mem>>) src(%dma_wait3A_120 : memref<8x128xi32, #tpu.memory_space<hbm>>) dst(%arg7 : memref<8x128xi32, #tpu.memory_space<vmem>>)
    %dma_wait3A_121 = arith.constant 0 : i32
    %dma_wait3A_122 = arith.constant 0 : i32
    %dma_wait3A_123 = arith.constant 0 : i32
    %dma_wait3A_124 = tpu.memref_slice %arg4[%add3A, %dma_wait3A_121, %dma_wait3A_122, %dma_wait3A_123] : memref<32x10x8x128xi32, #tpu.memory_space<hbm>> -> memref<1x1x8x128xi32, #tpu.memory_space<hbm>>
    %dma_wait3A_125 = tpu.memref_squeeze %dma_wait3A_124 : memref<1x1x8x128xi32, #tpu.memory_space<hbm>> -> memref<8x128xi32, #tpu.memory_space<hbm>>
    %dma_wait3A_126 = arith.constant 0 : i32
    %dma_wait3A_127 = arith.constant 0 : i32
    %dma_wait3A_128 = tpu.memref_slice %arg4[%add3A, %dma_wait3A_121, %dma_wait3A_126, %dma_wait3A_127] : memref<32x10x8x128xi32, #tpu.memory_space<hbm>> -> memref<1x1x8x128xi32, #tpu.memory_space<hbm>>
    %dma_wait3A_129 = tpu.memref_squeeze %dma_wait3A_128 : memref<1x1x8x128xi32, #tpu.memory_space<hbm>> -> memref<8x128xi32, #tpu.memory_space<hbm>>
    tpu.wait_dma2 semaphore(%arg16 : memref<!tpu.dma_semaphore, #tpu.memory_space<semaphore_mem>>) src(%dma_wait3A_129 : memref<8x128xi32, #tpu.memory_space<hbm>>) dst(%arg9 : memref<8x128xi32, #tpu.memory_space<vmem>>)
    %barrier3A_130 = arith.constant 0 : index
    tpu.barrier barrier_id(%barrier3A_130)
    %mul3A_131 = arith.constant 640 : i32
    %mul3A_132 = arith.muli %arg1, %mul3A_131 : i32
    %mul3A_133 = arith.constant 640 : i32
    %mul3A_134 = arith.muli %arg1, %mul3A_133 : i32
    "tpu.region"() ({
      %run_scoped3A = tpu.sem_alloc : memref<!tpu.dma_semaphore, #tpu.memory_space<semaphore_mem>>
      %dma_start3A_135 = arith.constant 0 : i32
      %dma_start3A_136 = tpu.memref_slice %arg5[%arg0, %mul3A_134, %dma_start3A_135] : memref<2x10240x128xf32, #tpu.memory_space<hbm>> -> memref<1x640x128xf32, #tpu.memory_space<hbm>>
      %dma_start3A_137 = tpu.memref_squeeze %dma_start3A_136 : memref<1x640x128xf32, #tpu.memory_space<hbm>> -> memref<640x128xf32, #tpu.memory_space<hbm>>
      %dma_start3A_138 = arith.constant 0 : i32
      %dma_start3A_139 = tpu.memref_slice %arg12[%mul3A_132, %dma_start3A_138] : memref<10240x128xf32, #tpu.memory_space<vmem_shared>> -> memref<640x128xf32, #tpu.memory_space<vmem_shared>>
      tpu.enqueue_dma source(%dma_start3A_139 : memref<640x128xf32, #tpu.memory_space<vmem_shared>>) target(%dma_start3A_137 : memref<640x128xf32, #tpu.memory_space<hbm>>) target_semaphore(%run_scoped3A : memref<!tpu.dma_semaphore, #tpu.memory_space<semaphore_mem>>)
      %dma_wait3A_140 = arith.constant 0 : i32
      %dma_wait3A_141 = tpu.memref_slice %arg5[%arg0, %mul3A_134, %dma_wait3A_140] : memref<2x10240x128xf32, #tpu.memory_space<hbm>> -> memref<1x640x128xf32, #tpu.memory_space<hbm>>
      %dma_wait3A_142 = tpu.memref_squeeze %dma_wait3A_141 : memref<1x640x128xf32, #tpu.memory_space<hbm>> -> memref<640x128xf32, #tpu.memory_space<hbm>>
      %dma_wait3A_143 = arith.constant 0 : i32
      %dma_wait3A_144 = tpu.memref_slice %arg12[%mul3A_132, %dma_wait3A_143] : memref<10240x128xf32, #tpu.memory_space<vmem_shared>> -> memref<640x128xf32, #tpu.memory_space<vmem_shared>>
      tpu.wait_dma2 semaphore(%run_scoped3A : memref<!tpu.dma_semaphore, #tpu.memory_space<semaphore_mem>>) src(%dma_wait3A_144 : memref<640x128xf32, #tpu.memory_space<vmem_shared>>) dst(%dma_wait3A_142 : memref<640x128xf32, #tpu.memory_space<hbm>>)
      tpu.yield
    }) : () -> ()
    return
  }
}

#map = affine_map<(d0, d1) -> (0, 0)>
#map1 = affine_map<(d0, d1) -> (0, 0, 0, 0)>
#map2 = affine_map<(d0, d1) -> (0, 0, 0)>
module attributes {stable_mosaic.version = 14 : i64} {
  func.func @_sc_agg_body(%arg0: i32, %arg1: i32, %arg2: memref<10000x128xf32, #tpu.memory_space<hbm>>, %arg3: memref<32x10x8x128xi32, #tpu.memory_space<hbm>>, %arg4: memref<32x10x8x128xi32, #tpu.memory_space<hbm>>, %arg5: memref<2x10240x128xf32, #tpu.memory_space<hbm>>, %arg6: memref<8x128xi32, #tpu.memory_space<vmem>>, %arg7: memref<8x128xi32, #tpu.memory_space<vmem>>, %arg8: memref<8x128xi32, #tpu.memory_space<vmem>>, %arg9: memref<8x128xi32, #tpu.memory_space<vmem>>, %arg10: memref<128x128xf32, #tpu.memory_space<vmem>>, %arg11: memref<128x128xf32, #tpu.memory_space<vmem>>, %arg12: memref<10240x128xf32, #tpu.memory_space<vmem_shared>>, %arg13: memref<!tpu.dma_semaphore, #tpu.memory_space<semaphore_mem>>, %arg14: memref<!tpu.dma_semaphore, #tpu.memory_space<semaphore_mem>>, %arg15: memref<!tpu.dma_semaphore, #tpu.memory_space<semaphore_mem>>, %arg16: memref<!tpu.dma_semaphore, #tpu.memory_space<semaphore_mem>>, %arg17: memref<!tpu.dma_semaphore, #tpu.memory_space<semaphore_mem>>, %arg18: memref<!tpu.dma_semaphore, #tpu.memory_space<semaphore_mem>>) attributes {dimension_semantics = [#tpu.dimension_semantics<core_parallel>, #tpu.dimension_semantics<subcore_parallel>], iteration_bounds = array<i64: 2, 16>, scalar_prefetch = 0 : i64, scratch_operands = 13 : i64, tpu.core_type = #tpu.core_type<sc_vector_subcore>, window_params = [{transform_indices = #map}, {transform_indices = #map1}, {transform_indices = #map1}, {transform_indices = #map2}]} {
    %mul3A = arith.constant 2 : i32
    %mul3A_0 = arith.muli %arg1, %mul3A : i32
    %add3A = arith.addi %mul3A_0, %arg0 : i32
    %scan3A = arith.constant 0 : i32
    %scan3A_1 = arith.constant 0 : i32
    %scan3A_2 = arith.constant 128 : i32
    %scan3A_3 = arith.addi %scan3A_1, %scan3A_2 : i32
    %scan3A_4 = arith.constant 1 : i32
    scf.for %scan3A_135 = %scan3A_1 to %scan3A_3 step %scan3A_4  : i32 {
      %broadcast_in_dim3A = arith.constant 0.000000e+00 : f32
      %broadcast_in_dim3A_136 = vector.broadcast %broadcast_in_dim3A : f32 to vector<16xf32>
      %swap3A = arith.index_cast %scan3A_135 : i32 to index
      %swap3A_137 = arith.constant 0 : index
      %swap3A_138 = tpu.vector_load %arg10[%swap3A, %swap3A_137] {strides = array<i32>} : memref<128x128xf32, #tpu.memory_space<vmem>>, vector<1x16xf32>,
      %swap3A_139 = vector.shape_cast %swap3A_138 : vector<1x16xf32> to vector<16xf32>
      %swap3A_140 = vector.shape_cast %broadcast_in_dim3A_136 : vector<16xf32> to vector<1x16xf32>
      tpu.vector_store %arg10[%swap3A, %swap3A_137], %swap3A_140 {strides = array<i32>} : memref<128x128xf32, #tpu.memory_space<vmem>>, vector<1x16xf32>,
      %broadcast_in_dim3A_141 = arith.constant 0.000000e+00 : f32
      %broadcast_in_dim3A_142 = vector.broadcast %broadcast_in_dim3A_141 : f32 to vector<16xf32>
      %swap3A_143 = arith.index_cast %scan3A_135 : i32 to index
      %swap3A_144 = arith.constant 16 : index
      %swap3A_145 = tpu.vector_load %arg10[%swap3A_143, %swap3A_144] {strides = array<i32>} : memref<128x128xf32, #tpu.memory_space<vmem>>, vector<1x16xf32>,
      %swap3A_146 = vector.shape_cast %swap3A_145 : vector<1x16xf32> to vector<16xf32>
      %swap3A_147 = vector.shape_cast %broadcast_in_dim3A_142 : vector<16xf32> to vector<1x16xf32>
      tpu.vector_store %arg10[%swap3A_143, %swap3A_144], %swap3A_147 {strides = array<i32>} : memref<128x128xf32, #tpu.memory_space<vmem>>, vector<1x16xf32>,
      %broadcast_in_dim3A_148 = arith.constant 0.000000e+00 : f32
      %broadcast_in_dim3A_149 = vector.broadcast %broadcast_in_dim3A_148 : f32 to vector<16xf32>
      %swap3A_150 = arith.index_cast %scan3A_135 : i32 to index
      %swap3A_151 = arith.constant 32 : index
      %swap3A_152 = tpu.vector_load %arg10[%swap3A_150, %swap3A_151] {strides = array<i32>} : memref<128x128xf32, #tpu.memory_space<vmem>>, vector<1x16xf32>,
      %swap3A_153 = vector.shape_cast %swap3A_152 : vector<1x16xf32> to vector<16xf32>
      %swap3A_154 = vector.shape_cast %broadcast_in_dim3A_149 : vector<16xf32> to vector<1x16xf32>
      tpu.vector_store %arg10[%swap3A_150, %swap3A_151], %swap3A_154 {strides = array<i32>} : memref<128x128xf32, #tpu.memory_space<vmem>>, vector<1x16xf32>,
      %broadcast_in_dim3A_155 = arith.constant 0.000000e+00 : f32
      %broadcast_in_dim3A_156 = vector.broadcast %broadcast_in_dim3A_155 : f32 to vector<16xf32>
      %swap3A_157 = arith.index_cast %scan3A_135 : i32 to index
      %swap3A_158 = arith.constant 48 : index
      %swap3A_159 = tpu.vector_load %arg10[%swap3A_157, %swap3A_158] {strides = array<i32>} : memref<128x128xf32, #tpu.memory_space<vmem>>, vector<1x16xf32>,
      %swap3A_160 = vector.shape_cast %swap3A_159 : vector<1x16xf32> to vector<16xf32>
      %swap3A_161 = vector.shape_cast %broadcast_in_dim3A_156 : vector<16xf32> to vector<1x16xf32>
      tpu.vector_store %arg10[%swap3A_157, %swap3A_158], %swap3A_161 {strides = array<i32>} : memref<128x128xf32, #tpu.memory_space<vmem>>, vector<1x16xf32>,
      %broadcast_in_dim3A_162 = arith.constant 0.000000e+00 : f32
      %broadcast_in_dim3A_163 = vector.broadcast %broadcast_in_dim3A_162 : f32 to vector<16xf32>
      %swap3A_164 = arith.index_cast %scan3A_135 : i32 to index
      %swap3A_165 = arith.constant 64 : index
      %swap3A_166 = tpu.vector_load %arg10[%swap3A_164, %swap3A_165] {strides = array<i32>} : memref<128x128xf32, #tpu.memory_space<vmem>>, vector<1x16xf32>,
      %swap3A_167 = vector.shape_cast %swap3A_166 : vector<1x16xf32> to vector<16xf32>
      %swap3A_168 = vector.shape_cast %broadcast_in_dim3A_163 : vector<16xf32> to vector<1x16xf32>
      tpu.vector_store %arg10[%swap3A_164, %swap3A_165], %swap3A_168 {strides = array<i32>} : memref<128x128xf32, #tpu.memory_space<vmem>>, vector<1x16xf32>,
      %broadcast_in_dim3A_169 = arith.constant 0.000000e+00 : f32
      %broadcast_in_dim3A_170 = vector.broadcast %broadcast_in_dim3A_169 : f32 to vector<16xf32>
      %swap3A_171 = arith.index_cast %scan3A_135 : i32 to index
      %swap3A_172 = arith.constant 80 : index
      %swap3A_173 = tpu.vector_load %arg10[%swap3A_171, %swap3A_172] {strides = array<i32>} : memref<128x128xf32, #tpu.memory_space<vmem>>, vector<1x16xf32>,
      %swap3A_174 = vector.shape_cast %swap3A_173 : vector<1x16xf32> to vector<16xf32>
      %swap3A_175 = vector.shape_cast %broadcast_in_dim3A_170 : vector<16xf32> to vector<1x16xf32>
      tpu.vector_store %arg10[%swap3A_171, %swap3A_172], %swap3A_175 {strides = array<i32>} : memref<128x128xf32, #tpu.memory_space<vmem>>, vector<1x16xf32>,
      %broadcast_in_dim3A_176 = arith.constant 0.000000e+00 : f32
      %broadcast_in_dim3A_177 = vector.broadcast %broadcast_in_dim3A_176 : f32 to vector<16xf32>
      %swap3A_178 = arith.index_cast %scan3A_135 : i32 to index
      %swap3A_179 = arith.constant 96 : index
      %swap3A_180 = tpu.vector_load %arg10[%swap3A_178, %swap3A_179] {strides = array<i32>} : memref<128x128xf32, #tpu.memory_space<vmem>>, vector<1x16xf32>,
      %swap3A_181 = vector.shape_cast %swap3A_180 : vector<1x16xf32> to vector<16xf32>
      %swap3A_182 = vector.shape_cast %broadcast_in_dim3A_177 : vector<16xf32> to vector<1x16xf32>
      tpu.vector_store %arg10[%swap3A_178, %swap3A_179], %swap3A_182 {strides = array<i32>} : memref<128x128xf32, #tpu.memory_space<vmem>>, vector<1x16xf32>,
      %broadcast_in_dim3A_183 = arith.constant 0.000000e+00 : f32
      %broadcast_in_dim3A_184 = vector.broadcast %broadcast_in_dim3A_183 : f32 to vector<16xf32>
      %swap3A_185 = arith.index_cast %scan3A_135 : i32 to index
      %swap3A_186 = arith.constant 112 : index
      %swap3A_187 = tpu.vector_load %arg10[%swap3A_185, %swap3A_186] {strides = array<i32>} : memref<128x128xf32, #tpu.memory_space<vmem>>, vector<1x16xf32>,
      %swap3A_188 = vector.shape_cast %swap3A_187 : vector<1x16xf32> to vector<16xf32>
      %swap3A_189 = vector.shape_cast %broadcast_in_dim3A_184 : vector<16xf32> to vector<1x16xf32>
      tpu.vector_store %arg10[%swap3A_185, %swap3A_186], %swap3A_189 {strides = array<i32>} : memref<128x128xf32, #tpu.memory_space<vmem>>, vector<1x16xf32>,
    }
    %scan3A_5 = arith.constant 128 : i32
    %mul3A_6 = arith.constant 640 : i32
    %mul3A_7 = arith.muli %arg1, %mul3A_6 : i32
    %add3A_8 = arith.constant 0 : i32
    %add3A_9 = arith.addi %mul3A_7, %add3A_8 : i32
    "tpu.region"() ({
      %run_scoped3A = tpu.sem_alloc : memref<!tpu.dma_semaphore, #tpu.memory_space<semaphore_mem>>
      %dma_start3A_135 = arith.constant 0 : i32
      %dma_start3A_136 = tpu.memref_slice %arg12[%add3A_9, %dma_start3A_135] : memref<10240x128xf32, #tpu.memory_space<vmem_shared>> -> memref<128x128xf32, #tpu.memory_space<vmem_shared>>
      %dma_start3A_137 = arith.constant 0 : i32
      %dma_start3A_138 = tpu.memref_slice %arg12[%add3A_9, %dma_start3A_137] : memref<10240x128xf32, #tpu.memory_space<vmem_shared>> -> memref<128x128xf32, #tpu.memory_space<vmem_shared>>
      tpu.enqueue_dma source(%arg10 : memref<128x128xf32, #tpu.memory_space<vmem>>) target(%dma_start3A_138 : memref<128x128xf32, #tpu.memory_space<vmem_shared>>) target_semaphore(%run_scoped3A : memref<!tpu.dma_semaphore, #tpu.memory_space<semaphore_mem>>)
      %dma_wait3A_139 = arith.constant 0 : i32
      %dma_wait3A_140 = tpu.memref_slice %arg12[%add3A_9, %dma_wait3A_139] : memref<10240x128xf32, #tpu.memory_space<vmem_shared>> -> memref<128x128xf32, #tpu.memory_space<vmem_shared>>
      %dma_wait3A_141 = arith.constant 0 : i32
      %dma_wait3A_142 = tpu.memref_slice %arg12[%add3A_9, %dma_wait3A_141] : memref<10240x128xf32, #tpu.memory_space<vmem_shared>> -> memref<128x128xf32, #tpu.memory_space<vmem_shared>>
      tpu.wait_dma2 semaphore(%run_scoped3A : memref<!tpu.dma_semaphore, #tpu.memory_space<semaphore_mem>>) src(%arg10 : memref<128x128xf32, #tpu.memory_space<vmem>>) dst(%dma_wait3A_142 : memref<128x128xf32, #tpu.memory_space<vmem_shared>>)
      tpu.yield
    }) : () -> ()
    %mul3A_10 = arith.constant 640 : i32
    %mul3A_11 = arith.muli %arg1, %mul3A_10 : i32
    %add3A_12 = arith.constant 128 : i32
    %add3A_13 = arith.addi %mul3A_11, %add3A_12 : i32
    "tpu.region"() ({
      %run_scoped3A = tpu.sem_alloc : memref<!tpu.dma_semaphore, #tpu.memory_space<semaphore_mem>>
      %dma_start3A_135 = arith.constant 0 : i32
      %dma_start3A_136 = tpu.memref_slice %arg12[%add3A_13, %dma_start3A_135] : memref<10240x128xf32, #tpu.memory_space<vmem_shared>> -> memref<128x128xf32, #tpu.memory_space<vmem_shared>>
      %dma_start3A_137 = arith.constant 0 : i32
      %dma_start3A_138 = tpu.memref_slice %arg12[%add3A_13, %dma_start3A_137] : memref<10240x128xf32, #tpu.memory_space<vmem_shared>> -> memref<128x128xf32, #tpu.memory_space<vmem_shared>>
      tpu.enqueue_dma source(%arg10 : memref<128x128xf32, #tpu.memory_space<vmem>>) target(%dma_start3A_138 : memref<128x128xf32, #tpu.memory_space<vmem_shared>>) target_semaphore(%run_scoped3A : memref<!tpu.dma_semaphore, #tpu.memory_space<semaphore_mem>>)
      %dma_wait3A_139 = arith.constant 0 : i32
      %dma_wait3A_140 = tpu.memref_slice %arg12[%add3A_13, %dma_wait3A_139] : memref<10240x128xf32, #tpu.memory_space<vmem_shared>> -> memref<128x128xf32, #tpu.memory_space<vmem_shared>>
      %dma_wait3A_141 = arith.constant 0 : i32
      %dma_wait3A_142 = tpu.memref_slice %arg12[%add3A_13, %dma_wait3A_141] : memref<10240x128xf32, #tpu.memory_space<vmem_shared>> -> memref<128x128xf32, #tpu.memory_space<vmem_shared>>
      tpu.wait_dma2 semaphore(%run_scoped3A : memref<!tpu.dma_semaphore, #tpu.memory_space<semaphore_mem>>) src(%arg10 : memref<128x128xf32, #tpu.memory_space<vmem>>) dst(%dma_wait3A_142 : memref<128x128xf32, #tpu.memory_space<vmem_shared>>)
      tpu.yield
    }) : () -> ()
    %mul3A_14 = arith.constant 640 : i32
    %mul3A_15 = arith.muli %arg1, %mul3A_14 : i32
    %add3A_16 = arith.constant 256 : i32
    %add3A_17 = arith.addi %mul3A_15, %add3A_16 : i32
    "tpu.region"() ({
      %run_scoped3A = tpu.sem_alloc : memref<!tpu.dma_semaphore, #tpu.memory_space<semaphore_mem>>
      %dma_start3A_135 = arith.constant 0 : i32
      %dma_start3A_136 = tpu.memref_slice %arg12[%add3A_17, %dma_start3A_135] : memref<10240x128xf32, #tpu.memory_space<vmem_shared>> -> memref<128x128xf32, #tpu.memory_space<vmem_shared>>
      %dma_start3A_137 = arith.constant 0 : i32
      %dma_start3A_138 = tpu.memref_slice %arg12[%add3A_17, %dma_start3A_137] : memref<10240x128xf32, #tpu.memory_space<vmem_shared>> -> memref<128x128xf32, #tpu.memory_space<vmem_shared>>
      tpu.enqueue_dma source(%arg10 : memref<128x128xf32, #tpu.memory_space<vmem>>) target(%dma_start3A_138 : memref<128x128xf32, #tpu.memory_space<vmem_shared>>) target_semaphore(%run_scoped3A : memref<!tpu.dma_semaphore, #tpu.memory_space<semaphore_mem>>)
      %dma_wait3A_139 = arith.constant 0 : i32
      %dma_wait3A_140 = tpu.memref_slice %arg12[%add3A_17, %dma_wait3A_139] : memref<10240x128xf32, #tpu.memory_space<vmem_shared>> -> memref<128x128xf32, #tpu.memory_space<vmem_shared>>
      %dma_wait3A_141 = arith.constant 0 : i32
      %dma_wait3A_142 = tpu.memref_slice %arg12[%add3A_17, %dma_wait3A_141] : memref<10240x128xf32, #tpu.memory_space<vmem_shared>> -> memref<128x128xf32, #tpu.memory_space<vmem_shared>>
      tpu.wait_dma2 semaphore(%run_scoped3A : memref<!tpu.dma_semaphore, #tpu.memory_space<semaphore_mem>>) src(%arg10 : memref<128x128xf32, #tpu.memory_space<vmem>>) dst(%dma_wait3A_142 : memref<128x128xf32, #tpu.memory_space<vmem_shared>>)
      tpu.yield
    }) : () -> ()
    %mul3A_18 = arith.constant 640 : i32
    %mul3A_19 = arith.muli %arg1, %mul3A_18 : i32
    %add3A_20 = arith.constant 384 : i32
    %add3A_21 = arith.addi %mul3A_19, %add3A_20 : i32
    "tpu.region"() ({
      %run_scoped3A = tpu.sem_alloc : memref<!tpu.dma_semaphore, #tpu.memory_space<semaphore_mem>>
      %dma_start3A_135 = arith.constant 0 : i32
      %dma_start3A_136 = tpu.memref_slice %arg12[%add3A_21, %dma_start3A_135] : memref<10240x128xf32, #tpu.memory_space<vmem_shared>> -> memref<128x128xf32, #tpu.memory_space<vmem_shared>>
      %dma_start3A_137 = arith.constant 0 : i32
      %dma_start3A_138 = tpu.memref_slice %arg12[%add3A_21, %dma_start3A_137] : memref<10240x128xf32, #tpu.memory_space<vmem_shared>> -> memref<128x128xf32, #tpu.memory_space<vmem_shared>>
      tpu.enqueue_dma source(%arg10 : memref<128x128xf32, #tpu.memory_space<vmem>>) target(%dma_start3A_138 : memref<128x128xf32, #tpu.memory_space<vmem_shared>>) target_semaphore(%run_scoped3A : memref<!tpu.dma_semaphore, #tpu.memory_space<semaphore_mem>>)
      %dma_wait3A_139 = arith.constant 0 : i32
      %dma_wait3A_140 = tpu.memref_slice %arg12[%add3A_21, %dma_wait3A_139] : memref<10240x128xf32, #tpu.memory_space<vmem_shared>> -> memref<128x128xf32, #tpu.memory_space<vmem_shared>>
      %dma_wait3A_141 = arith.constant 0 : i32
      %dma_wait3A_142 = tpu.memref_slice %arg12[%add3A_21, %dma_wait3A_141] : memref<10240x128xf32, #tpu.memory_space<vmem_shared>> -> memref<128x128xf32, #tpu.memory_space<vmem_shared>>
      tpu.wait_dma2 semaphore(%run_scoped3A : memref<!tpu.dma_semaphore, #tpu.memory_space<semaphore_mem>>) src(%arg10 : memref<128x128xf32, #tpu.memory_space<vmem>>) dst(%dma_wait3A_142 : memref<128x128xf32, #tpu.memory_space<vmem_shared>>)
      tpu.yield
    }) : () -> ()
    %mul3A_22 = arith.constant 640 : i32
    %mul3A_23 = arith.muli %arg1, %mul3A_22 : i32
    %add3A_24 = arith.constant 512 : i32
    %add3A_25 = arith.addi %mul3A_23, %add3A_24 : i32
    "tpu.region"() ({
      %run_scoped3A = tpu.sem_alloc : memref<!tpu.dma_semaphore, #tpu.memory_space<semaphore_mem>>
      %dma_start3A_135 = arith.constant 0 : i32
      %dma_start3A_136 = tpu.memref_slice %arg12[%add3A_25, %dma_start3A_135] : memref<10240x128xf32, #tpu.memory_space<vmem_shared>> -> memref<128x128xf32, #tpu.memory_space<vmem_shared>>
      %dma_start3A_137 = arith.constant 0 : i32
      %dma_start3A_138 = tpu.memref_slice %arg12[%add3A_25, %dma_start3A_137] : memref<10240x128xf32, #tpu.memory_space<vmem_shared>> -> memref<128x128xf32, #tpu.memory_space<vmem_shared>>
      tpu.enqueue_dma source(%arg10 : memref<128x128xf32, #tpu.memory_space<vmem>>) target(%dma_start3A_138 : memref<128x128xf32, #tpu.memory_space<vmem_shared>>) target_semaphore(%run_scoped3A : memref<!tpu.dma_semaphore, #tpu.memory_space<semaphore_mem>>)
      %dma_wait3A_139 = arith.constant 0 : i32
      %dma_wait3A_140 = tpu.memref_slice %arg12[%add3A_25, %dma_wait3A_139] : memref<10240x128xf32, #tpu.memory_space<vmem_shared>> -> memref<128x128xf32, #tpu.memory_space<vmem_shared>>
      %dma_wait3A_141 = arith.constant 0 : i32
      %dma_wait3A_142 = tpu.memref_slice %arg12[%add3A_25, %dma_wait3A_141] : memref<10240x128xf32, #tpu.memory_space<vmem_shared>> -> memref<128x128xf32, #tpu.memory_space<vmem_shared>>
      tpu.wait_dma2 semaphore(%run_scoped3A : memref<!tpu.dma_semaphore, #tpu.memory_space<semaphore_mem>>) src(%arg10 : memref<128x128xf32, #tpu.memory_space<vmem>>) dst(%dma_wait3A_142 : memref<128x128xf32, #tpu.memory_space<vmem_shared>>)
      tpu.yield
    }) : () -> ()
    %barrier3A = arith.constant 0 : index
    tpu.barrier barrier_id(%barrier3A)
    %dma_start3A = arith.constant 0 : i32
    %dma_start3A_26 = arith.constant 0 : i32
    %dma_start3A_27 = arith.constant 0 : i32
    %dma_start3A_28 = tpu.memref_slice %arg3[%add3A, %dma_start3A, %dma_start3A_26, %dma_start3A_27] : memref<32x10x8x128xi32, #tpu.memory_space<hbm>> -> memref<1x1x8x128xi32, #tpu.memory_space<hbm>>
    %dma_start3A_29 = tpu.memref_squeeze %dma_start3A_28 : memref<1x1x8x128xi32, #tpu.memory_space<hbm>> -> memref<8x128xi32, #tpu.memory_space<hbm>>
    %dma_start3A_30 = arith.constant 0 : i32
    %dma_start3A_31 = arith.constant 0 : i32
    %dma_start3A_32 = tpu.memref_slice %arg3[%add3A, %dma_start3A, %dma_start3A_30, %dma_start3A_31] : memref<32x10x8x128xi32, #tpu.memory_space<hbm>> -> memref<1x1x8x128xi32, #tpu.memory_space<hbm>>
    %dma_start3A_33 = tpu.memref_squeeze %dma_start3A_32 : memref<1x1x8x128xi32, #tpu.memory_space<hbm>> -> memref<8x128xi32, #tpu.memory_space<hbm>>
    tpu.enqueue_dma source(%dma_start3A_33 : memref<8x128xi32, #tpu.memory_space<hbm>>) target(%arg6 : memref<8x128xi32, #tpu.memory_space<vmem>>) target_semaphore(%arg13 : memref<!tpu.dma_semaphore, #tpu.memory_space<semaphore_mem>>)
    %dma_start3A_34 = arith.constant 0 : i32
    %dma_start3A_35 = arith.constant 0 : i32
    %dma_start3A_36 = arith.constant 0 : i32
    %dma_start3A_37 = tpu.memref_slice %arg4[%add3A, %dma_start3A_34, %dma_start3A_35, %dma_start3A_36] : memref<32x10x8x128xi32, #tpu.memory_space<hbm>> -> memref<1x1x8x128xi32, #tpu.memory_space<hbm>>
    %dma_start3A_38 = tpu.memref_squeeze %dma_start3A_37 : memref<1x1x8x128xi32, #tpu.memory_space<hbm>> -> memref<8x128xi32, #tpu.memory_space<hbm>>
    %dma_start3A_39 = arith.constant 0 : i32
    %dma_start3A_40 = arith.constant 0 : i32
    %dma_start3A_41 = tpu.memref_slice %arg4[%add3A, %dma_start3A_34, %dma_start3A_39, %dma_start3A_40] : memref<32x10x8x128xi32, #tpu.memory_space<hbm>> -> memref<1x1x8x128xi32, #tpu.memory_space<hbm>>
    %dma_start3A_42 = tpu.memref_squeeze %dma_start3A_41 : memref<1x1x8x128xi32, #tpu.memory_space<hbm>> -> memref<8x128xi32, #tpu.memory_space<hbm>>
    tpu.enqueue_dma source(%dma_start3A_42 : memref<8x128xi32, #tpu.memory_space<hbm>>) target(%arg8 : memref<8x128xi32, #tpu.memory_space<vmem>>) target_semaphore(%arg15 : memref<!tpu.dma_semaphore, #tpu.memory_space<semaphore_mem>>)
    %dma_start3A_43 = arith.constant 1 : i32
    %dma_start3A_44 = arith.constant 0 : i32
    %dma_start3A_45 = arith.constant 0 : i32
    %dma_start3A_46 = tpu.memref_slice %arg3[%add3A, %dma_start3A_43, %dma_start3A_44, %dma_start3A_45] : memref<32x10x8x128xi32, #tpu.memory_space<hbm>> -> memref<1x1x8x128xi32, #tpu.memory_space<hbm>>
    %dma_start3A_47 = tpu.memref_squeeze %dma_start3A_46 : memref<1x1x8x128xi32, #tpu.memory_space<hbm>> -> memref<8x128xi32, #tpu.memory_space<hbm>>
    %dma_start3A_48 = arith.constant 0 : i32
    %dma_start3A_49 = arith.constant 0 : i32
    %dma_start3A_50 = tpu.memref_slice %arg3[%add3A, %dma_start3A_43, %dma_start3A_48, %dma_start3A_49] : memref<32x10x8x128xi32, #tpu.memory_space<hbm>> -> memref<1x1x8x128xi32, #tpu.memory_space<hbm>>
    %dma_start3A_51 = tpu.memref_squeeze %dma_start3A_50 : memref<1x1x8x128xi32, #tpu.memory_space<hbm>> -> memref<8x128xi32, #tpu.memory_space<hbm>>
    tpu.enqueue_dma source(%dma_start3A_51 : memref<8x128xi32, #tpu.memory_space<hbm>>) target(%arg7 : memref<8x128xi32, #tpu.memory_space<vmem>>) target_semaphore(%arg14 : memref<!tpu.dma_semaphore, #tpu.memory_space<semaphore_mem>>)
    %dma_start3A_52 = arith.constant 1 : i32
    %dma_start3A_53 = arith.constant 0 : i32
    %dma_start3A_54 = arith.constant 0 : i32
    %dma_start3A_55 = tpu.memref_slice %arg4[%add3A, %dma_start3A_52, %dma_start3A_53, %dma_start3A_54] : memref<32x10x8x128xi32, #tpu.memory_space<hbm>> -> memref<1x1x8x128xi32, #tpu.memory_space<hbm>>
    %dma_start3A_56 = tpu.memref_squeeze %dma_start3A_55 : memref<1x1x8x128xi32, #tpu.memory_space<hbm>> -> memref<8x128xi32, #tpu.memory_space<hbm>>
    %dma_start3A_57 = arith.constant 0 : i32
    %dma_start3A_58 = arith.constant 0 : i32
    %dma_start3A_59 = tpu.memref_slice %arg4[%add3A, %dma_start3A_52, %dma_start3A_57, %dma_start3A_58] : memref<32x10x8x128xi32, #tpu.memory_space<hbm>> -> memref<1x1x8x128xi32, #tpu.memory_space<hbm>>
    %dma_start3A_60 = tpu.memref_squeeze %dma_start3A_59 : memref<1x1x8x128xi32, #tpu.memory_space<hbm>> -> memref<8x128xi32, #tpu.memory_space<hbm>>
    tpu.enqueue_dma source(%dma_start3A_60 : memref<8x128xi32, #tpu.memory_space<hbm>>) target(%arg9 : memref<8x128xi32, #tpu.memory_space<vmem>>) target_semaphore(%arg16 : memref<!tpu.dma_semaphore, #tpu.memory_space<semaphore_mem>>)
    %dma_wait3A = arith.constant 0 : i32
    %dma_wait3A_61 = arith.constant 0 : i32
    %dma_wait3A_62 = arith.constant 0 : i32
    %dma_wait3A_63 = tpu.memref_slice %arg3[%add3A, %dma_wait3A, %dma_wait3A_61, %dma_wait3A_62] : memref<32x10x8x128xi32, #tpu.memory_space<hbm>> -> memref<1x1x8x128xi32, #tpu.memory_space<hbm>>
    %dma_wait3A_64 = tpu.memref_squeeze %dma_wait3A_63 : memref<1x1x8x128xi32, #tpu.memory_space<hbm>> -> memref<8x128xi32, #tpu.memory_space<hbm>>
    %dma_wait3A_65 = arith.constant 0 : i32
    %dma_wait3A_66 = arith.constant 0 : i32
    %dma_wait3A_67 = tpu.memref_slice %arg3[%add3A, %dma_wait3A, %dma_wait3A_65, %dma_wait3A_66] : memref<32x10x8x128xi32, #tpu.memory_space<hbm>> -> memref<1x1x8x128xi32, #tpu.memory_space<hbm>>
    %dma_wait3A_68 = tpu.memref_squeeze %dma_wait3A_67 : memref<1x1x8x128xi32, #tpu.memory_space<hbm>> -> memref<8x128xi32, #tpu.memory_space<hbm>>
    tpu.wait_dma2 semaphore(%arg13 : memref<!tpu.dma_semaphore, #tpu.memory_space<semaphore_mem>>) src(%dma_wait3A_68 : memref<8x128xi32, #tpu.memory_space<hbm>>) dst(%arg6 : memref<8x128xi32, #tpu.memory_space<vmem>>)
    %dma_start3A_69 = arith.constant 0 : i32
    %dma_start3A_70 = arith.constant 0 : i32
    %dma_start3A_71 = tpu.memref_slice %arg6[%dma_start3A_69, %dma_start3A_70] : memref<8x128xi32, #tpu.memory_space<vmem>> -> memref<1x128xi32, #tpu.memory_space<vmem>>
    %dma_start3A_72 = tpu.memref_squeeze %dma_start3A_71 : memref<1x128xi32, #tpu.memory_space<vmem>> -> memref<128xi32, #tpu.memory_space<vmem>>
    %dma_start3A_73 = arith.constant 0 : i32
    %dma_start3A_74 = arith.constant 0 : i32
    %dma_start3A_75 = tpu.memref_slice %arg2[%dma_start3A_73, %dma_start3A_74] : memref<10000x128xf32, #tpu.memory_space<hbm>> -> memref<10000x128xf32, #tpu.memory_space<hbm>>
    tpu.enqueue_indirect_dma source(%dma_start3A_75 : memref<10000x128xf32, #tpu.memory_space<hbm>>) target(%arg10 : memref<128x128xf32, #tpu.memory_space<vmem>>) offsets(%dma_start3A_72 : memref<128xi32, #tpu.memory_space<vmem>>) semaphore(%arg17 : memref<!tpu.dma_semaphore, #tpu.memory_space<semaphore_mem>>)
    %dma_start3A_76 = arith.constant 1 : i32
    %dma_start3A_77 = arith.constant 0 : i32
    %dma_start3A_78 = tpu.memref_slice %arg6[%dma_start3A_76, %dma_start3A_77] : memref<8x128xi32, #tpu.memory_space<vmem>> -> memref<1x128xi32, #tpu.memory_space<vmem>>
    %dma_start3A_79 = tpu.memref_squeeze %dma_start3A_78 : memref<1x128xi32, #tpu.memory_space<vmem>> -> memref<128xi32, #tpu.memory_space<vmem>>
    %dma_start3A_80 = arith.constant 0 : i32
    %dma_start3A_81 = arith.constant 0 : i32
    %dma_start3A_82 = tpu.memref_slice %arg2[%dma_start3A_80, %dma_start3A_81] : memref<10000x128xf32, #tpu.memory_space<hbm>> -> memref<10000x128xf32, #tpu.memory_space<hbm>>
    tpu.enqueue_indirect_dma source(%dma_start3A_82 : memref<10000x128xf32, #tpu.memory_space<hbm>>) target(%arg11 : memref<128x128xf32, #tpu.memory_space<vmem>>) offsets(%dma_start3A_79 : memref<128xi32, #tpu.memory_space<vmem>>) semaphore(%arg18 : memref<!tpu.dma_semaphore, #tpu.memory_space<semaphore_mem>>)
    %dma_wait3A_83 = arith.constant 0 : i32
    %dma_wait3A_84 = arith.constant 0 : i32
    %dma_wait3A_85 = arith.constant 0 : i32
    %dma_wait3A_86 = tpu.memref_slice %arg4[%add3A, %dma_wait3A_83, %dma_wait3A_84, %dma_wait3A_85] : memref<32x10x8x128xi32, #tpu.memory_space<hbm>> -> memref<1x1x8x128xi32, #tpu.memory_space<hbm>>
    %dma_wait3A_87 = tpu.memref_squeeze %dma_wait3A_86 : memref<1x1x8x128xi32, #tpu.memory_space<hbm>> -> memref<8x128xi32, #tpu.memory_space<hbm>>
    %dma_wait3A_88 = arith.constant 0 : i32
    %dma_wait3A_89 = arith.constant 0 : i32
    %dma_wait3A_90 = tpu.memref_slice %arg4[%add3A, %dma_wait3A_83, %dma_wait3A_88, %dma_wait3A_89] : memref<32x10x8x128xi32, #tpu.memory_space<hbm>> -> memref<1x1x8x128xi32, #tpu.memory_space<hbm>>
    %dma_wait3A_91 = tpu.memref_squeeze %dma_wait3A_90 : memref<1x1x8x128xi32, #tpu.memory_space<hbm>> -> memref<8x128xi32, #tpu.memory_space<hbm>>
    tpu.wait_dma2 semaphore(%arg15 : memref<!tpu.dma_semaphore, #tpu.memory_space<semaphore_mem>>) src(%dma_wait3A_91 : memref<8x128xi32, #tpu.memory_space<hbm>>) dst(%arg8 : memref<8x128xi32, #tpu.memory_space<vmem>>)
    %scan3A_92 = arith.constant 0 : i32
    %scan3A_93 = arith.constant 0 : i32
    %scan3A_94 = arith.constant 5 : i32
    %scan3A_95 = arith.addi %scan3A_93, %scan3A_94 : i32
    %scan3A_96 = arith.constant 1 : i32
    scf.for %scan3A_135 = %scan3A_93 to %scan3A_95 step %scan3A_96  : i32 {
      %mul3A_136 = arith.constant 2 : i32
      %mul3A_137 = arith.muli %mul3A_136, %scan3A_135 : i32
      %add3A_138 = arith.constant 2 : i32
      %add3A_139 = arith.addi %mul3A_137, %add3A_138 : i32
      %min3A = arith.constant 9 : i32
      %min3A_140 = arith.minsi %add3A_139, %min3A : i32
      %mul3A_141 = arith.constant 2 : i32
      %mul3A_142 = arith.muli %mul3A_141, %scan3A_135 : i32
      %add3A_143 = arith.constant 3 : i32
      %add3A_144 = arith.addi %mul3A_142, %add3A_143 : i32
      %min3A_145 = arith.constant 9 : i32
      %min3A_146 = arith.minsi %add3A_144, %min3A_145 : i32
      %dma_wait3A_147 = arith.constant 0 : i32
      %dma_wait3A_148 = arith.constant 0 : i32
      %dma_wait3A_149 = tpu.memref_slice %arg6[%dma_wait3A_147, %dma_wait3A_148] : memref<8x128xi32, #tpu.memory_space<vmem>> -> memref<1x128xi32, #tpu.memory_space<vmem>>
      %dma_wait3A_150 = tpu.memref_squeeze %dma_wait3A_149 : memref<1x128xi32, #tpu.memory_space<vmem>> -> memref<128xi32, #tpu.memory_space<vmem>>
      %dma_wait3A_151 = arith.constant 0 : i32
      %dma_wait3A_152 = arith.constant 0 : i32
      %dma_wait3A_153 = tpu.memref_slice %arg2[%dma_wait3A_151, %dma_wait3A_152] : memref<10000x128xf32, #tpu.memory_space<hbm>> -> memref<10000x128xf32, #tpu.memory_space<hbm>>
      tpu.wait_indirect_dma semaphore(%arg17 : memref<!tpu.dma_semaphore, #tpu.memory_space<semaphore_mem>>) src(%dma_wait3A_153 : memref<10000x128xf32, #tpu.memory_space<hbm>>) dst(%arg10 : memref<128x128xf32, #tpu.memory_space<vmem>>)
      %run_scoped3A = arith.constant 0 : i32
      "tpu.region"() ({
        %run_scoped3A_454 = tpu.sem_alloc : memref<!tpu.dma_semaphore, #tpu.memory_space<semaphore_mem>>
        %dma_start3A_455 = arith.constant 0 : i32
        %dma_start3A_456 = tpu.memref_slice %arg8[%run_scoped3A, %dma_start3A_455] : memref<8x128xi32, #tpu.memory_space<vmem>> -> memref<1x128xi32, #tpu.memory_space<vmem>>
        %dma_start3A_457 = tpu.memref_squeeze %dma_start3A_456 : memref<1x128xi32, #tpu.memory_space<vmem>> -> memref<128xi32, #tpu.memory_space<vmem>>
        %dma_start3A_458 = arith.constant 0 : i32
        %dma_start3A_459 = arith.constant 0 : i32
        %dma_start3A_460 = tpu.memref_slice %arg12[%dma_start3A_458, %dma_start3A_459] : memref<10240x128xf32, #tpu.memory_space<vmem_shared>> -> memref<10240x128xf32, #tpu.memory_space<vmem_shared>>
        tpu.enqueue_indirect_dma source(%arg10 : memref<128x128xf32, #tpu.memory_space<vmem>>) target(%dma_start3A_460 : memref<10240x128xf32, #tpu.memory_space<vmem_shared>>) offsets(%dma_start3A_457 : memref<128xi32, #tpu.memory_space<vmem>>) semaphore(%run_scoped3A_454 : memref<!tpu.dma_semaphore, #tpu.memory_space<semaphore_mem>>) {add = true}
        %dma_wait3A_461 = arith.constant 0 : i32
        %dma_wait3A_462 = tpu.memref_slice %arg8[%run_scoped3A, %dma_wait3A_461] : memref<8x128xi32, #tpu.memory_space<vmem>> -> memref<1x128xi32, #tpu.memory_space<vmem>>
        %dma_wait3A_463 = tpu.memref_squeeze %dma_wait3A_462 : memref<1x128xi32, #tpu.memory_space<vmem>> -> memref<128xi32, #tpu.memory_space<vmem>>
        %dma_wait3A_464 = arith.constant 0 : i32
        %dma_wait3A_465 = arith.constant 0 : i32
        %dma_wait3A_466 = tpu.memref_slice %arg12[%dma_wait3A_464, %dma_wait3A_465] : memref<10240x128xf32, #tpu.memory_space<vmem_shared>> -> memref<10240x128xf32, #tpu.memory_space<vmem_shared>>
        tpu.wait_indirect_dma semaphore(%run_scoped3A_454 : memref<!tpu.dma_semaphore, #tpu.memory_space<semaphore_mem>>) src(%arg10 : memref<128x128xf32, #tpu.memory_space<vmem>>) dst(%dma_wait3A_466 : memref<10240x128xf32, #tpu.memory_space<vmem_shared>>)
        tpu.yield
      }) : () -> ()
      %dma_start3A_154 = arith.constant 2 : i32
      %dma_start3A_155 = arith.constant 0 : i32
      %dma_start3A_156 = tpu.memref_slice %arg6[%dma_start3A_154, %dma_start3A_155] : memref<8x128xi32, #tpu.memory_space<vmem>> -> memref<1x128xi32, #tpu.memory_space<vmem>>
      %dma_start3A_157 = tpu.memref_squeeze %dma_start3A_156 : memref<1x128xi32, #tpu.memory_space<vmem>> -> memref<128xi32, #tpu.memory_space<vmem>>
      %dma_start3A_158 = arith.constant 0 : i32
      %dma_start3A_159 = arith.constant 0 : i32
      %dma_start3A_160 = tpu.memref_slice %arg2[%dma_start3A_158, %dma_start3A_159] : memref<10000x128xf32, #tpu.memory_space<hbm>> -> memref<10000x128xf32, #tpu.memory_space<hbm>>
      tpu.enqueue_indirect_dma source(%dma_start3A_160 : memref<10000x128xf32, #tpu.memory_space<hbm>>) target(%arg10 : memref<128x128xf32, #tpu.memory_space<vmem>>) offsets(%dma_start3A_157 : memref<128xi32, #tpu.memory_space<vmem>>) semaphore(%arg17 : memref<!tpu.dma_semaphore, #tpu.memory_space<semaphore_mem>>)
      %dma_wait3A_161 = arith.constant 1 : i32
      %dma_wait3A_162 = arith.constant 0 : i32
      %dma_wait3A_163 = tpu.memref_slice %arg6[%dma_wait3A_161, %dma_wait3A_162] : memref<8x128xi32, #tpu.memory_space<vmem>> -> memref<1x128xi32, #tpu.memory_space<vmem>>
      %dma_wait3A_164 = tpu.memref_squeeze %dma_wait3A_163 : memref<1x128xi32, #tpu.memory_space<vmem>> -> memref<128xi32, #tpu.memory_space<vmem>>
      %dma_wait3A_165 = arith.constant 0 : i32
      %dma_wait3A_166 = arith.constant 0 : i32
      %dma_wait3A_167 = tpu.memref_slice %arg2[%dma_wait3A_165, %dma_wait3A_166] : memref<10000x128xf32, #tpu.memory_space<hbm>> -> memref<10000x128xf32, #tpu.memory_space<hbm>>
      tpu.wait_indirect_dma semaphore(%arg18 : memref<!tpu.dma_semaphore, #tpu.memory_space<semaphore_mem>>) src(%dma_wait3A_167 : memref<10000x128xf32, #tpu.memory_space<hbm>>) dst(%arg11 : memref<128x128xf32, #tpu.memory_space<vmem>>)
      %run_scoped3A_168 = arith.constant 1 : i32
      "tpu.region"() ({
        %run_scoped3A_454 = tpu.sem_alloc : memref<!tpu.dma_semaphore, #tpu.memory_space<semaphore_mem>>
        %dma_start3A_455 = arith.constant 0 : i32
        %dma_start3A_456 = tpu.memref_slice %arg8[%run_scoped3A_168, %dma_start3A_455] : memref<8x128xi32, #tpu.memory_space<vmem>> -> memref<1x128xi32, #tpu.memory_space<vmem>>
        %dma_start3A_457 = tpu.memref_squeeze %dma_start3A_456 : memref<1x128xi32, #tpu.memory_space<vmem>> -> memref<128xi32, #tpu.memory_space<vmem>>
        %dma_start3A_458 = arith.constant 0 : i32
        %dma_start3A_459 = arith.constant 0 : i32
        %dma_start3A_460 = tpu.memref_slice %arg12[%dma_start3A_458, %dma_start3A_459] : memref<10240x128xf32, #tpu.memory_space<vmem_shared>> -> memref<10240x128xf32, #tpu.memory_space<vmem_shared>>
        tpu.enqueue_indirect_dma source(%arg11 : memref<128x128xf32, #tpu.memory_space<vmem>>) target(%dma_start3A_460 : memref<10240x128xf32, #tpu.memory_space<vmem_shared>>) offsets(%dma_start3A_457 : memref<128xi32, #tpu.memory_space<vmem>>) semaphore(%run_scoped3A_454 : memref<!tpu.dma_semaphore, #tpu.memory_space<semaphore_mem>>) {add = true}
        %dma_wait3A_461 = arith.constant 0 : i32
        %dma_wait3A_462 = tpu.memref_slice %arg8[%run_scoped3A_168, %dma_wait3A_461] : memref<8x128xi32, #tpu.memory_space<vmem>> -> memref<1x128xi32, #tpu.memory_space<vmem>>
        %dma_wait3A_463 = tpu.memref_squeeze %dma_wait3A_462 : memref<1x128xi32, #tpu.memory_space<vmem>> -> memref<128xi32, #tpu.memory_space<vmem>>
        %dma_wait3A_464 = arith.constant 0 : i32
        %dma_wait3A_465 = arith.constant 0 : i32
        %dma_wait3A_466 = tpu.memref_slice %arg12[%dma_wait3A_464, %dma_wait3A_465] : memref<10240x128xf32, #tpu.memory_space<vmem_shared>> -> memref<10240x128xf32, #tpu.memory_space<vmem_shared>>
        tpu.wait_indirect_dma semaphore(%run_scoped3A_454 : memref<!tpu.dma_semaphore, #tpu.memory_space<semaphore_mem>>) src(%arg11 : memref<128x128xf32, #tpu.memory_space<vmem>>) dst(%dma_wait3A_466 : memref<10240x128xf32, #tpu.memory_space<vmem_shared>>)
        tpu.yield
      }) : () -> ()
      %dma_start3A_169 = arith.constant 3 : i32
      %dma_start3A_170 = arith.constant 0 : i32
      %dma_start3A_171 = tpu.memref_slice %arg6[%dma_start3A_169, %dma_start3A_170] : memref<8x128xi32, #tpu.memory_space<vmem>> -> memref<1x128xi32, #tpu.memory_space<vmem>>
      %dma_start3A_172 = tpu.memref_squeeze %dma_start3A_171 : memref<1x128xi32, #tpu.memory_space<vmem>> -> memref<128xi32, #tpu.memory_space<vmem>>
      %dma_start3A_173 = arith.constant 0 : i32
      %dma_start3A_174 = arith.constant 0 : i32
      %dma_start3A_175 = tpu.memref_slice %arg2[%dma_start3A_173, %dma_start3A_174] : memref<10000x128xf32, #tpu.memory_space<hbm>> -> memref<10000x128xf32, #tpu.memory_space<hbm>>
      tpu.enqueue_indirect_dma source(%dma_start3A_175 : memref<10000x128xf32, #tpu.memory_space<hbm>>) target(%arg11 : memref<128x128xf32, #tpu.memory_space<vmem>>) offsets(%dma_start3A_172 : memref<128xi32, #tpu.memory_space<vmem>>) semaphore(%arg18 : memref<!tpu.dma_semaphore, #tpu.memory_space<semaphore_mem>>)
      %dma_wait3A_176 = arith.constant 2 : i32
      %dma_wait3A_177 = arith.constant 0 : i32
      %dma_wait3A_178 = tpu.memref_slice %arg6[%dma_wait3A_176, %dma_wait3A_177] : memref<8x128xi32, #tpu.memory_space<vmem>> -> memref<1x128xi32, #tpu.memory_space<vmem>>
      %dma_wait3A_179 = tpu.memref_squeeze %dma_wait3A_178 : memref<1x128xi32, #tpu.memory_space<vmem>> -> memref<128xi32, #tpu.memory_space<vmem>>
      %dma_wait3A_180 = arith.constant 0 : i32
      %dma_wait3A_181 = arith.constant 0 : i32
      %dma_wait3A_182 = tpu.memref_slice %arg2[%dma_wait3A_180, %dma_wait3A_181] : memref<10000x128xf32, #tpu.memory_space<hbm>> -> memref<10000x128xf32, #tpu.memory_space<hbm>>
      tpu.wait_indirect_dma semaphore(%arg17 : memref<!tpu.dma_semaphore, #tpu.memory_space<semaphore_mem>>) src(%dma_wait3A_182 : memref<10000x128xf32, #tpu.memory_space<hbm>>) dst(%arg10 : memref<128x128xf32, #tpu.memory_space<vmem>>)
      %run_scoped3A_183 = arith.constant 2 : i32
      "tpu.region"() ({
        %run_scoped3A_454 = tpu.sem_alloc : memref<!tpu.dma_semaphore, #tpu.memory_space<semaphore_mem>>
        %dma_start3A_455 = arith.constant 0 : i32
        %dma_start3A_456 = tpu.memref_slice %arg8[%run_scoped3A_183, %dma_start3A_455] : memref<8x128xi32, #tpu.memory_space<vmem>> -> memref<1x128xi32, #tpu.memory_space<vmem>>
        %dma_start3A_457 = tpu.memref_squeeze %dma_start3A_456 : memref<1x128xi32, #tpu.memory_space<vmem>> -> memref<128xi32, #tpu.memory_space<vmem>>
        %dma_start3A_458 = arith.constant 0 : i32
        %dma_start3A_459 = arith.constant 0 : i32
        %dma_start3A_460 = tpu.memref_slice %arg12[%dma_start3A_458, %dma_start3A_459] : memref<10240x128xf32, #tpu.memory_space<vmem_shared>> -> memref<10240x128xf32, #tpu.memory_space<vmem_shared>>
        tpu.enqueue_indirect_dma source(%arg10 : memref<128x128xf32, #tpu.memory_space<vmem>>) target(%dma_start3A_460 : memref<10240x128xf32, #tpu.memory_space<vmem_shared>>) offsets(%dma_start3A_457 : memref<128xi32, #tpu.memory_space<vmem>>) semaphore(%run_scoped3A_454 : memref<!tpu.dma_semaphore, #tpu.memory_space<semaphore_mem>>) {add = true}
        %dma_wait3A_461 = arith.constant 0 : i32
        %dma_wait3A_462 = tpu.memref_slice %arg8[%run_scoped3A_183, %dma_wait3A_461] : memref<8x128xi32, #tpu.memory_space<vmem>> -> memref<1x128xi32, #tpu.memory_space<vmem>>
        %dma_wait3A_463 = tpu.memref_squeeze %dma_wait3A_462 : memref<1x128xi32, #tpu.memory_space<vmem>> -> memref<128xi32, #tpu.memory_space<vmem>>
        %dma_wait3A_464 = arith.constant 0 : i32
        %dma_wait3A_465 = arith.constant 0 : i32
        %dma_wait3A_466 = tpu.memref_slice %arg12[%dma_wait3A_464, %dma_wait3A_465] : memref<10240x128xf32, #tpu.memory_space<vmem_shared>> -> memref<10240x128xf32, #tpu.memory_space<vmem_shared>>
        tpu.wait_indirect_dma semaphore(%run_scoped3A_454 : memref<!tpu.dma_semaphore, #tpu.memory_space<semaphore_mem>>) src(%arg10 : memref<128x128xf32, #tpu.memory_space<vmem>>) dst(%dma_wait3A_466 : memref<10240x128xf32, #tpu.memory_space<vmem_shared>>)
        tpu.yield
      }) : () -> ()
      %dma_start3A_184 = arith.constant 4 : i32
      %dma_start3A_185 = arith.constant 0 : i32
      %dma_start3A_186 = tpu.memref_slice %arg6[%dma_start3A_184, %dma_start3A_185] : memref<8x128xi32, #tpu.memory_space<vmem>> -> memref<1x128xi32, #tpu.memory_space<vmem>>
      %dma_start3A_187 = tpu.memref_squeeze %dma_start3A_186 : memref<1x128xi32, #tpu.memory_space<vmem>> -> memref<128xi32, #tpu.memory_space<vmem>>
      %dma_start3A_188 = arith.constant 0 : i32
      %dma_start3A_189 = arith.constant 0 : i32
      %dma_start3A_190 = tpu.memref_slice %arg2[%dma_start3A_188, %dma_start3A_189] : memref<10000x128xf32, #tpu.memory_space<hbm>> -> memref<10000x128xf32, #tpu.memory_space<hbm>>
      tpu.enqueue_indirect_dma source(%dma_start3A_190 : memref<10000x128xf32, #tpu.memory_space<hbm>>) target(%arg10 : memref<128x128xf32, #tpu.memory_space<vmem>>) offsets(%dma_start3A_187 : memref<128xi32, #tpu.memory_space<vmem>>) semaphore(%arg17 : memref<!tpu.dma_semaphore, #tpu.memory_space<semaphore_mem>>)
      %dma_wait3A_191 = arith.constant 3 : i32
      %dma_wait3A_192 = arith.constant 0 : i32
      %dma_wait3A_193 = tpu.memref_slice %arg6[%dma_wait3A_191, %dma_wait3A_192] : memref<8x128xi32, #tpu.memory_space<vmem>> -> memref<1x128xi32, #tpu.memory_space<vmem>>
      %dma_wait3A_194 = tpu.memref_squeeze %dma_wait3A_193 : memref<1x128xi32, #tpu.memory_space<vmem>> -> memref<128xi32, #tpu.memory_space<vmem>>
      %dma_wait3A_195 = arith.constant 0 : i32
      %dma_wait3A_196 = arith.constant 0 : i32
      %dma_wait3A_197 = tpu.memref_slice %arg2[%dma_wait3A_195, %dma_wait3A_196] : memref<10000x128xf32, #tpu.memory_space<hbm>> -> memref<10000x128xf32, #tpu.memory_space<hbm>>
      tpu.wait_indirect_dma semaphore(%arg18 : memref<!tpu.dma_semaphore, #tpu.memory_space<semaphore_mem>>) src(%dma_wait3A_197 : memref<10000x128xf32, #tpu.memory_space<hbm>>) dst(%arg11 : memref<128x128xf32, #tpu.memory_space<vmem>>)
      %run_scoped3A_198 = arith.constant 3 : i32
      "tpu.region"() ({
        %run_scoped3A_454 = tpu.sem_alloc : memref<!tpu.dma_semaphore, #tpu.memory_space<semaphore_mem>>
        %dma_start3A_455 = arith.constant 0 : i32
        %dma_start3A_456 = tpu.memref_slice %arg8[%run_scoped3A_198, %dma_start3A_455] : memref<8x128xi32, #tpu.memory_space<vmem>> -> memref<1x128xi32, #tpu.memory_space<vmem>>
        %dma_start3A_457 = tpu.memref_squeeze %dma_start3A_456 : memref<1x128xi32, #tpu.memory_space<vmem>> -> memref<128xi32, #tpu.memory_space<vmem>>
        %dma_start3A_458 = arith.constant 0 : i32
        %dma_start3A_459 = arith.constant 0 : i32
        %dma_start3A_460 = tpu.memref_slice %arg12[%dma_start3A_458, %dma_start3A_459] : memref<10240x128xf32, #tpu.memory_space<vmem_shared>> -> memref<10240x128xf32, #tpu.memory_space<vmem_shared>>
        tpu.enqueue_indirect_dma source(%arg11 : memref<128x128xf32, #tpu.memory_space<vmem>>) target(%dma_start3A_460 : memref<10240x128xf32, #tpu.memory_space<vmem_shared>>) offsets(%dma_start3A_457 : memref<128xi32, #tpu.memory_space<vmem>>) semaphore(%run_scoped3A_454 : memref<!tpu.dma_semaphore, #tpu.memory_space<semaphore_mem>>) {add = true}
        %dma_wait3A_461 = arith.constant 0 : i32
        %dma_wait3A_462 = tpu.memref_slice %arg8[%run_scoped3A_198, %dma_wait3A_461] : memref<8x128xi32, #tpu.memory_space<vmem>> -> memref<1x128xi32, #tpu.memory_space<vmem>>
        %dma_wait3A_463 = tpu.memref_squeeze %dma_wait3A_462 : memref<1x128xi32, #tpu.memory_space<vmem>> -> memref<128xi32, #tpu.memory_space<vmem>>
        %dma_wait3A_464 = arith.constant 0 : i32
        %dma_wait3A_465 = arith.constant 0 : i32
        %dma_wait3A_466 = tpu.memref_slice %arg12[%dma_wait3A_464, %dma_wait3A_465] : memref<10240x128xf32, #tpu.memory_space<vmem_shared>> -> memref<10240x128xf32, #tpu.memory_space<vmem_shared>>
        tpu.wait_indirect_dma semaphore(%run_scoped3A_454 : memref<!tpu.dma_semaphore, #tpu.memory_space<semaphore_mem>>) src(%arg11 : memref<128x128xf32, #tpu.memory_space<vmem>>) dst(%dma_wait3A_466 : memref<10240x128xf32, #tpu.memory_space<vmem_shared>>)
        tpu.yield
      }) : () -> ()
      %dma_start3A_199 = arith.constant 5 : i32
      %dma_start3A_200 = arith.constant 0 : i32
      %dma_start3A_201 = tpu.memref_slice %arg6[%dma_start3A_199, %dma_start3A_200] : memref<8x128xi32, #tpu.memory_space<vmem>> -> memref<1x128xi32, #tpu.memory_space<vmem>>
      %dma_start3A_202 = tpu.memref_squeeze %dma_start3A_201 : memref<1x128xi32, #tpu.memory_space<vmem>> -> memref<128xi32, #tpu.memory_space<vmem>>
      %dma_start3A_203 = arith.constant 0 : i32
      %dma_start3A_204 = arith.constant 0 : i32
      %dma_start3A_205 = tpu.memref_slice %arg2[%dma_start3A_203, %dma_start3A_204] : memref<10000x128xf32, #tpu.memory_space<hbm>> -> memref<10000x128xf32, #tpu.memory_space<hbm>>
      tpu.enqueue_indirect_dma source(%dma_start3A_205 : memref<10000x128xf32, #tpu.memory_space<hbm>>) target(%arg11 : memref<128x128xf32, #tpu.memory_space<vmem>>) offsets(%dma_start3A_202 : memref<128xi32, #tpu.memory_space<vmem>>) semaphore(%arg18 : memref<!tpu.dma_semaphore, #tpu.memory_space<semaphore_mem>>)
      %dma_wait3A_206 = arith.constant 4 : i32
      %dma_wait3A_207 = arith.constant 0 : i32
      %dma_wait3A_208 = tpu.memref_slice %arg6[%dma_wait3A_206, %dma_wait3A_207] : memref<8x128xi32, #tpu.memory_space<vmem>> -> memref<1x128xi32, #tpu.memory_space<vmem>>
      %dma_wait3A_209 = tpu.memref_squeeze %dma_wait3A_208 : memref<1x128xi32, #tpu.memory_space<vmem>> -> memref<128xi32, #tpu.memory_space<vmem>>
      %dma_wait3A_210 = arith.constant 0 : i32
      %dma_wait3A_211 = arith.constant 0 : i32
      %dma_wait3A_212 = tpu.memref_slice %arg2[%dma_wait3A_210, %dma_wait3A_211] : memref<10000x128xf32, #tpu.memory_space<hbm>> -> memref<10000x128xf32, #tpu.memory_space<hbm>>
      tpu.wait_indirect_dma semaphore(%arg17 : memref<!tpu.dma_semaphore, #tpu.memory_space<semaphore_mem>>) src(%dma_wait3A_212 : memref<10000x128xf32, #tpu.memory_space<hbm>>) dst(%arg10 : memref<128x128xf32, #tpu.memory_space<vmem>>)
      %run_scoped3A_213 = arith.constant 4 : i32
      "tpu.region"() ({
        %run_scoped3A_454 = tpu.sem_alloc : memref<!tpu.dma_semaphore, #tpu.memory_space<semaphore_mem>>
        %dma_start3A_455 = arith.constant 0 : i32
        %dma_start3A_456 = tpu.memref_slice %arg8[%run_scoped3A_213, %dma_start3A_455] : memref<8x128xi32, #tpu.memory_space<vmem>> -> memref<1x128xi32, #tpu.memory_space<vmem>>
        %dma_start3A_457 = tpu.memref_squeeze %dma_start3A_456 : memref<1x128xi32, #tpu.memory_space<vmem>> -> memref<128xi32, #tpu.memory_space<vmem>>
        %dma_start3A_458 = arith.constant 0 : i32
        %dma_start3A_459 = arith.constant 0 : i32
        %dma_start3A_460 = tpu.memref_slice %arg12[%dma_start3A_458, %dma_start3A_459] : memref<10240x128xf32, #tpu.memory_space<vmem_shared>> -> memref<10240x128xf32, #tpu.memory_space<vmem_shared>>
        tpu.enqueue_indirect_dma source(%arg10 : memref<128x128xf32, #tpu.memory_space<vmem>>) target(%dma_start3A_460 : memref<10240x128xf32, #tpu.memory_space<vmem_shared>>) offsets(%dma_start3A_457 : memref<128xi32, #tpu.memory_space<vmem>>) semaphore(%run_scoped3A_454 : memref<!tpu.dma_semaphore, #tpu.memory_space<semaphore_mem>>) {add = true}
        %dma_wait3A_461 = arith.constant 0 : i32
        %dma_wait3A_462 = tpu.memref_slice %arg8[%run_scoped3A_213, %dma_wait3A_461] : memref<8x128xi32, #tpu.memory_space<vmem>> -> memref<1x128xi32, #tpu.memory_space<vmem>>
        %dma_wait3A_463 = tpu.memref_squeeze %dma_wait3A_462 : memref<1x128xi32, #tpu.memory_space<vmem>> -> memref<128xi32, #tpu.memory_space<vmem>>
        %dma_wait3A_464 = arith.constant 0 : i32
        %dma_wait3A_465 = arith.constant 0 : i32
        %dma_wait3A_466 = tpu.memref_slice %arg12[%dma_wait3A_464, %dma_wait3A_465] : memref<10240x128xf32, #tpu.memory_space<vmem_shared>> -> memref<10240x128xf32, #tpu.memory_space<vmem_shared>>
        tpu.wait_indirect_dma semaphore(%run_scoped3A_454 : memref<!tpu.dma_semaphore, #tpu.memory_space<semaphore_mem>>) src(%arg10 : memref<128x128xf32, #tpu.memory_space<vmem>>) dst(%dma_wait3A_466 : memref<10240x128xf32, #tpu.memory_space<vmem_shared>>)
        tpu.yield
      }) : () -> ()
      %dma_start3A_214 = arith.constant 6 : i32
      %dma_start3A_215 = arith.constant 0 : i32
      %dma_start3A_216 = tpu.memref_slice %arg6[%dma_start3A_214, %dma_start3A_215] : memref<8x128xi32, #tpu.memory_space<vmem>> -> memref<1x128xi32, #tpu.memory_space<vmem>>
      %dma_start3A_217 = tpu.memref_squeeze %dma_start3A_216 : memref<1x128xi32, #tpu.memory_space<vmem>> -> memref<128xi32, #tpu.memory_space<vmem>>
      %dma_start3A_218 = arith.constant 0 : i32
      %dma_start3A_219 = arith.constant 0 : i32
      %dma_start3A_220 = tpu.memref_slice %arg2[%dma_start3A_218, %dma_start3A_219] : memref<10000x128xf32, #tpu.memory_space<hbm>> -> memref<10000x128xf32, #tpu.memory_space<hbm>>
      tpu.enqueue_indirect_dma source(%dma_start3A_220 : memref<10000x128xf32, #tpu.memory_space<hbm>>) target(%arg10 : memref<128x128xf32, #tpu.memory_space<vmem>>) offsets(%dma_start3A_217 : memref<128xi32, #tpu.memory_space<vmem>>) semaphore(%arg17 : memref<!tpu.dma_semaphore, #tpu.memory_space<semaphore_mem>>)
      %dma_wait3A_221 = arith.constant 5 : i32
      %dma_wait3A_222 = arith.constant 0 : i32
      %dma_wait3A_223 = tpu.memref_slice %arg6[%dma_wait3A_221, %dma_wait3A_222] : memref<8x128xi32, #tpu.memory_space<vmem>> -> memref<1x128xi32, #tpu.memory_space<vmem>>
      %dma_wait3A_224 = tpu.memref_squeeze %dma_wait3A_223 : memref<1x128xi32, #tpu.memory_space<vmem>> -> memref<128xi32, #tpu.memory_space<vmem>>
      %dma_wait3A_225 = arith.constant 0 : i32
      %dma_wait3A_226 = arith.constant 0 : i32
      %dma_wait3A_227 = tpu.memref_slice %arg2[%dma_wait3A_225, %dma_wait3A_226] : memref<10000x128xf32, #tpu.memory_space<hbm>> -> memref<10000x128xf32, #tpu.memory_space<hbm>>
      tpu.wait_indirect_dma semaphore(%arg18 : memref<!tpu.dma_semaphore, #tpu.memory_space<semaphore_mem>>) src(%dma_wait3A_227 : memref<10000x128xf32, #tpu.memory_space<hbm>>) dst(%arg11 : memref<128x128xf32, #tpu.memory_space<vmem>>)
      %run_scoped3A_228 = arith.constant 5 : i32
      "tpu.region"() ({
        %run_scoped3A_454 = tpu.sem_alloc : memref<!tpu.dma_semaphore, #tpu.memory_space<semaphore_mem>>
        %dma_start3A_455 = arith.constant 0 : i32
        %dma_start3A_456 = tpu.memref_slice %arg8[%run_scoped3A_228, %dma_start3A_455] : memref<8x128xi32, #tpu.memory_space<vmem>> -> memref<1x128xi32, #tpu.memory_space<vmem>>
        %dma_start3A_457 = tpu.memref_squeeze %dma_start3A_456 : memref<1x128xi32, #tpu.memory_space<vmem>> -> memref<128xi32, #tpu.memory_space<vmem>>
        %dma_start3A_458 = arith.constant 0 : i32
        %dma_start3A_459 = arith.constant 0 : i32
        %dma_start3A_460 = tpu.memref_slice %arg12[%dma_start3A_458, %dma_start3A_459] : memref<10240x128xf32, #tpu.memory_space<vmem_shared>> -> memref<10240x128xf32, #tpu.memory_space<vmem_shared>>
        tpu.enqueue_indirect_dma source(%arg11 : memref<128x128xf32, #tpu.memory_space<vmem>>) target(%dma_start3A_460 : memref<10240x128xf32, #tpu.memory_space<vmem_shared>>) offsets(%dma_start3A_457 : memref<128xi32, #tpu.memory_space<vmem>>) semaphore(%run_scoped3A_454 : memref<!tpu.dma_semaphore, #tpu.memory_space<semaphore_mem>>) {add = true}
        %dma_wait3A_461 = arith.constant 0 : i32
        %dma_wait3A_462 = tpu.memref_slice %arg8[%run_scoped3A_228, %dma_wait3A_461] : memref<8x128xi32, #tpu.memory_space<vmem>> -> memref<1x128xi32, #tpu.memory_space<vmem>>
        %dma_wait3A_463 = tpu.memref_squeeze %dma_wait3A_462 : memref<1x128xi32, #tpu.memory_space<vmem>> -> memref<128xi32, #tpu.memory_space<vmem>>
        %dma_wait3A_464 = arith.constant 0 : i32
        %dma_wait3A_465 = arith.constant 0 : i32
        %dma_wait3A_466 = tpu.memref_slice %arg12[%dma_wait3A_464, %dma_wait3A_465] : memref<10240x128xf32, #tpu.memory_space<vmem_shared>> -> memref<10240x128xf32, #tpu.memory_space<vmem_shared>>
        tpu.wait_indirect_dma semaphore(%run_scoped3A_454 : memref<!tpu.dma_semaphore, #tpu.memory_space<semaphore_mem>>) src(%arg11 : memref<128x128xf32, #tpu.memory_space<vmem>>) dst(%dma_wait3A_466 : memref<10240x128xf32, #tpu.memory_space<vmem_shared>>)
        tpu.yield
      }) : () -> ()
      %dma_start3A_229 = arith.constant 7 : i32
      %dma_start3A_230 = arith.constant 0 : i32
      %dma_start3A_231 = tpu.memref_slice %arg6[%dma_start3A_229, %dma_start3A_230] : memref<8x128xi32, #tpu.memory_space<vmem>> -> memref<1x128xi32, #tpu.memory_space<vmem>>
      %dma_start3A_232 = tpu.memref_squeeze %dma_start3A_231 : memref<1x128xi32, #tpu.memory_space<vmem>> -> memref<128xi32, #tpu.memory_space<vmem>>
      %dma_start3A_233 = arith.constant 0 : i32
      %dma_start3A_234 = arith.constant 0 : i32
      %dma_start3A_235 = tpu.memref_slice %arg2[%dma_start3A_233, %dma_start3A_234] : memref<10000x128xf32, #tpu.memory_space<hbm>> -> memref<10000x128xf32, #tpu.memory_space<hbm>>
      tpu.enqueue_indirect_dma source(%dma_start3A_235 : memref<10000x128xf32, #tpu.memory_space<hbm>>) target(%arg11 : memref<128x128xf32, #tpu.memory_space<vmem>>) offsets(%dma_start3A_232 : memref<128xi32, #tpu.memory_space<vmem>>) semaphore(%arg18 : memref<!tpu.dma_semaphore, #tpu.memory_space<semaphore_mem>>)
      %dma_wait3A_236 = arith.constant 6 : i32
      %dma_wait3A_237 = arith.constant 0 : i32
      %dma_wait3A_238 = tpu.memref_slice %arg6[%dma_wait3A_236, %dma_wait3A_237] : memref<8x128xi32, #tpu.memory_space<vmem>> -> memref<1x128xi32, #tpu.memory_space<vmem>>
      %dma_wait3A_239 = tpu.memref_squeeze %dma_wait3A_238 : memref<1x128xi32, #tpu.memory_space<vmem>> -> memref<128xi32, #tpu.memory_space<vmem>>
      %dma_wait3A_240 = arith.constant 0 : i32
      %dma_wait3A_241 = arith.constant 0 : i32
      %dma_wait3A_242 = tpu.memref_slice %arg2[%dma_wait3A_240, %dma_wait3A_241] : memref<10000x128xf32, #tpu.memory_space<hbm>> -> memref<10000x128xf32, #tpu.memory_space<hbm>>
      tpu.wait_indirect_dma semaphore(%arg17 : memref<!tpu.dma_semaphore, #tpu.memory_space<semaphore_mem>>) src(%dma_wait3A_242 : memref<10000x128xf32, #tpu.memory_space<hbm>>) dst(%arg10 : memref<128x128xf32, #tpu.memory_space<vmem>>)
      %run_scoped3A_243 = arith.constant 6 : i32
      "tpu.region"() ({
        %run_scoped3A_454 = tpu.sem_alloc : memref<!tpu.dma_semaphore, #tpu.memory_space<semaphore_mem>>
        %dma_start3A_455 = arith.constant 0 : i32
        %dma_start3A_456 = tpu.memref_slice %arg8[%run_scoped3A_243, %dma_start3A_455] : memref<8x128xi32, #tpu.memory_space<vmem>> -> memref<1x128xi32, #tpu.memory_space<vmem>>
        %dma_start3A_457 = tpu.memref_squeeze %dma_start3A_456 : memref<1x128xi32, #tpu.memory_space<vmem>> -> memref<128xi32, #tpu.memory_space<vmem>>
        %dma_start3A_458 = arith.constant 0 : i32
        %dma_start3A_459 = arith.constant 0 : i32
        %dma_start3A_460 = tpu.memref_slice %arg12[%dma_start3A_458, %dma_start3A_459] : memref<10240x128xf32, #tpu.memory_space<vmem_shared>> -> memref<10240x128xf32, #tpu.memory_space<vmem_shared>>
        tpu.enqueue_indirect_dma source(%arg10 : memref<128x128xf32, #tpu.memory_space<vmem>>) target(%dma_start3A_460 : memref<10240x128xf32, #tpu.memory_space<vmem_shared>>) offsets(%dma_start3A_457 : memref<128xi32, #tpu.memory_space<vmem>>) semaphore(%run_scoped3A_454 : memref<!tpu.dma_semaphore, #tpu.memory_space<semaphore_mem>>) {add = true}
        %dma_wait3A_461 = arith.constant 0 : i32
        %dma_wait3A_462 = tpu.memref_slice %arg8[%run_scoped3A_243, %dma_wait3A_461] : memref<8x128xi32, #tpu.memory_space<vmem>> -> memref<1x128xi32, #tpu.memory_space<vmem>>
        %dma_wait3A_463 = tpu.memref_squeeze %dma_wait3A_462 : memref<1x128xi32, #tpu.memory_space<vmem>> -> memref<128xi32, #tpu.memory_space<vmem>>
        %dma_wait3A_464 = arith.constant 0 : i32
        %dma_wait3A_465 = arith.constant 0 : i32
        %dma_wait3A_466 = tpu.memref_slice %arg12[%dma_wait3A_464, %dma_wait3A_465] : memref<10240x128xf32, #tpu.memory_space<vmem_shared>> -> memref<10240x128xf32, #tpu.memory_space<vmem_shared>>
        tpu.wait_indirect_dma semaphore(%run_scoped3A_454 : memref<!tpu.dma_semaphore, #tpu.memory_space<semaphore_mem>>) src(%arg10 : memref<128x128xf32, #tpu.memory_space<vmem>>) dst(%dma_wait3A_466 : memref<10240x128xf32, #tpu.memory_space<vmem_shared>>)
        tpu.yield
      }) : () -> ()
      %dma_wait3A_244 = arith.constant 0 : i32
      %dma_wait3A_245 = arith.constant 0 : i32
      %dma_wait3A_246 = arith.constant 0 : i32
      %dma_wait3A_247 = tpu.memref_slice %arg3[%add3A, %dma_wait3A_244, %dma_wait3A_245, %dma_wait3A_246] : memref<32x10x8x128xi32, #tpu.memory_space<hbm>> -> memref<1x1x8x128xi32, #tpu.memory_space<hbm>>
      %dma_wait3A_248 = tpu.memref_squeeze %dma_wait3A_247 : memref<1x1x8x128xi32, #tpu.memory_space<hbm>> -> memref<8x128xi32, #tpu.memory_space<hbm>>
      %dma_wait3A_249 = arith.constant 0 : i32
      %dma_wait3A_250 = arith.constant 0 : i32
      %dma_wait3A_251 = tpu.memref_slice %arg3[%add3A, %dma_wait3A_244, %dma_wait3A_249, %dma_wait3A_250] : memref<32x10x8x128xi32, #tpu.memory_space<hbm>> -> memref<1x1x8x128xi32, #tpu.memory_space<hbm>>
      %dma_wait3A_252 = tpu.memref_squeeze %dma_wait3A_251 : memref<1x1x8x128xi32, #tpu.memory_space<hbm>> -> memref<8x128xi32, #tpu.memory_space<hbm>>
      tpu.wait_dma2 semaphore(%arg14 : memref<!tpu.dma_semaphore, #tpu.memory_space<semaphore_mem>>) src(%dma_wait3A_252 : memref<8x128xi32, #tpu.memory_space<hbm>>) dst(%arg7 : memref<8x128xi32, #tpu.memory_space<vmem>>)
      %dma_start3A_253 = arith.constant 0 : i32
      %dma_start3A_254 = arith.constant 0 : i32
      %dma_start3A_255 = tpu.memref_slice %arg7[%dma_start3A_253, %dma_start3A_254] : memref<8x128xi32, #tpu.memory_space<vmem>> -> memref<1x128xi32, #tpu.memory_space<vmem>>
      %dma_start3A_256 = tpu.memref_squeeze %dma_start3A_255 : memref<1x128xi32, #tpu.memory_space<vmem>> -> memref<128xi32, #tpu.memory_space<vmem>>
      %dma_start3A_257 = arith.constant 0 : i32
      %dma_start3A_258 = arith.constant 0 : i32
      %dma_start3A_259 = tpu.memref_slice %arg2[%dma_start3A_257, %dma_start3A_258] : memref<10000x128xf32, #tpu.memory_space<hbm>> -> memref<10000x128xf32, #tpu.memory_space<hbm>>
      tpu.enqueue_indirect_dma source(%dma_start3A_259 : memref<10000x128xf32, #tpu.memory_space<hbm>>) target(%arg10 : memref<128x128xf32, #tpu.memory_space<vmem>>) offsets(%dma_start3A_256 : memref<128xi32, #tpu.memory_space<vmem>>) semaphore(%arg17 : memref<!tpu.dma_semaphore, #tpu.memory_space<semaphore_mem>>)
      %dma_wait3A_260 = arith.constant 7 : i32
      %dma_wait3A_261 = arith.constant 0 : i32
      %dma_wait3A_262 = tpu.memref_slice %arg6[%dma_wait3A_260, %dma_wait3A_261] : memref<8x128xi32, #tpu.memory_space<vmem>> -> memref<1x128xi32, #tpu.memory_space<vmem>>
      %dma_wait3A_263 = tpu.memref_squeeze %dma_wait3A_262 : memref<1x128xi32, #tpu.memory_space<vmem>> -> memref<128xi32, #tpu.memory_space<vmem>>
      %dma_wait3A_264 = arith.constant 0 : i32
      %dma_wait3A_265 = arith.constant 0 : i32
      %dma_wait3A_266 = tpu.memref_slice %arg2[%dma_wait3A_264, %dma_wait3A_265] : memref<10000x128xf32, #tpu.memory_space<hbm>> -> memref<10000x128xf32, #tpu.memory_space<hbm>>
      tpu.wait_indirect_dma semaphore(%arg18 : memref<!tpu.dma_semaphore, #tpu.memory_space<semaphore_mem>>) src(%dma_wait3A_266 : memref<10000x128xf32, #tpu.memory_space<hbm>>) dst(%arg11 : memref<128x128xf32, #tpu.memory_space<vmem>>)
      %run_scoped3A_267 = arith.constant 7 : i32
      "tpu.region"() ({
        %run_scoped3A_454 = tpu.sem_alloc : memref<!tpu.dma_semaphore, #tpu.memory_space<semaphore_mem>>
        %dma_start3A_455 = arith.constant 0 : i32
        %dma_start3A_456 = tpu.memref_slice %arg8[%run_scoped3A_267, %dma_start3A_455] : memref<8x128xi32, #tpu.memory_space<vmem>> -> memref<1x128xi32, #tpu.memory_space<vmem>>
        %dma_start3A_457 = tpu.memref_squeeze %dma_start3A_456 : memref<1x128xi32, #tpu.memory_space<vmem>> -> memref<128xi32, #tpu.memory_space<vmem>>
        %dma_start3A_458 = arith.constant 0 : i32
        %dma_start3A_459 = arith.constant 0 : i32
        %dma_start3A_460 = tpu.memref_slice %arg12[%dma_start3A_458, %dma_start3A_459] : memref<10240x128xf32, #tpu.memory_space<vmem_shared>> -> memref<10240x128xf32, #tpu.memory_space<vmem_shared>>
        tpu.enqueue_indirect_dma source(%arg11 : memref<128x128xf32, #tpu.memory_space<vmem>>) target(%dma_start3A_460 : memref<10240x128xf32, #tpu.memory_space<vmem_shared>>) offsets(%dma_start3A_457 : memref<128xi32, #tpu.memory_space<vmem>>) semaphore(%run_scoped3A_454 : memref<!tpu.dma_semaphore, #tpu.memory_space<semaphore_mem>>) {add = true}
        %dma_wait3A_461 = arith.constant 0 : i32
        %dma_wait3A_462 = tpu.memref_slice %arg8[%run_scoped3A_267, %dma_wait3A_461] : memref<8x128xi32, #tpu.memory_space<vmem>> -> memref<1x128xi32, #tpu.memory_space<vmem>>
        %dma_wait3A_463 = tpu.memref_squeeze %dma_wait3A_462 : memref<1x128xi32, #tpu.memory_space<vmem>> -> memref<128xi32, #tpu.memory_space<vmem>>
        %dma_wait3A_464 = arith.constant 0 : i32
        %dma_wait3A_465 = arith.constant 0 : i32
        %dma_wait3A_466 = tpu.memref_slice %arg12[%dma_wait3A_464, %dma_wait3A_465] : memref<10240x128xf32, #tpu.memory_space<vmem_shared>> -> memref<10240x128xf32, #tpu.memory_space<vmem_shared>>
        tpu.wait_indirect_dma semaphore(%run_scoped3A_454 : memref<!tpu.dma_semaphore, #tpu.memory_space<semaphore_mem>>) src(%arg11 : memref<128x128xf32, #tpu.memory_space<vmem>>) dst(%dma_wait3A_466 : memref<10240x128xf32, #tpu.memory_space<vmem_shared>>)
        tpu.yield
      }) : () -> ()
      %dma_start3A_268 = arith.constant 1 : i32
      %dma_start3A_269 = arith.constant 0 : i32
      %dma_start3A_270 = tpu.memref_slice %arg7[%dma_start3A_268, %dma_start3A_269] : memref<8x128xi32, #tpu.memory_space<vmem>> -> memref<1x128xi32, #tpu.memory_space<vmem>>
      %dma_start3A_271 = tpu.memref_squeeze %dma_start3A_270 : memref<1x128xi32, #tpu.memory_space<vmem>> -> memref<128xi32, #tpu.memory_space<vmem>>
      %dma_start3A_272 = arith.constant 0 : i32
      %dma_start3A_273 = arith.constant 0 : i32
      %dma_start3A_274 = tpu.memref_slice %arg2[%dma_start3A_272, %dma_start3A_273] : memref<10000x128xf32, #tpu.memory_space<hbm>> -> memref<10000x128xf32, #tpu.memory_space<hbm>>
      tpu.enqueue_indirect_dma source(%dma_start3A_274 : memref<10000x128xf32, #tpu.memory_space<hbm>>) target(%arg11 : memref<128x128xf32, #tpu.memory_space<vmem>>) offsets(%dma_start3A_271 : memref<128xi32, #tpu.memory_space<vmem>>) semaphore(%arg18 : memref<!tpu.dma_semaphore, #tpu.memory_space<semaphore_mem>>)
      %dma_start3A_275 = arith.constant 0 : i32
      %dma_start3A_276 = arith.constant 0 : i32
      %dma_start3A_277 = tpu.memref_slice %arg3[%add3A, %min3A_140, %dma_start3A_275, %dma_start3A_276] : memref<32x10x8x128xi32, #tpu.memory_space<hbm>> -> memref<1x1x8x128xi32, #tpu.memory_space<hbm>>
      %dma_start3A_278 = tpu.memref_squeeze %dma_start3A_277 : memref<1x1x8x128xi32, #tpu.memory_space<hbm>> -> memref<8x128xi32, #tpu.memory_space<hbm>>
      %dma_start3A_279 = arith.constant 0 : i32
      %dma_start3A_280 = arith.constant 0 : i32
      %dma_start3A_281 = tpu.memref_slice %arg3[%add3A, %min3A_140, %dma_start3A_279, %dma_start3A_280] : memref<32x10x8x128xi32, #tpu.memory_space<hbm>> -> memref<1x1x8x128xi32, #tpu.memory_space<hbm>>
      %dma_start3A_282 = tpu.memref_squeeze %dma_start3A_281 : memref<1x1x8x128xi32, #tpu.memory_space<hbm>> -> memref<8x128xi32, #tpu.memory_space<hbm>>
      tpu.enqueue_dma source(%dma_start3A_282 : memref<8x128xi32, #tpu.memory_space<hbm>>) target(%arg6 : memref<8x128xi32, #tpu.memory_space<vmem>>) target_semaphore(%arg13 : memref<!tpu.dma_semaphore, #tpu.memory_space<semaphore_mem>>)
      %dma_start3A_283 = arith.constant 0 : i32
      %dma_start3A_284 = arith.constant 0 : i32
      %dma_start3A_285 = tpu.memref_slice %arg4[%add3A, %min3A_140, %dma_start3A_283, %dma_start3A_284] : memref<32x10x8x128xi32, #tpu.memory_space<hbm>> -> memref<1x1x8x128xi32, #tpu.memory_space<hbm>>
      %dma_start3A_286 = tpu.memref_squeeze %dma_start3A_285 : memref<1x1x8x128xi32, #tpu.memory_space<hbm>> -> memref<8x128xi32, #tpu.memory_space<hbm>>
      %dma_start3A_287 = arith.constant 0 : i32
      %dma_start3A_288 = arith.constant 0 : i32
      %dma_start3A_289 = tpu.memref_slice %arg4[%add3A, %min3A_140, %dma_start3A_287, %dma_start3A_288] : memref<32x10x8x128xi32, #tpu.memory_space<hbm>> -> memref<1x1x8x128xi32, #tpu.memory_space<hbm>>
      %dma_start3A_290 = tpu.memref_squeeze %dma_start3A_289 : memref<1x1x8x128xi32, #tpu.memory_space<hbm>> -> memref<8x128xi32, #tpu.memory_space<hbm>>
      tpu.enqueue_dma source(%dma_start3A_290 : memref<8x128xi32, #tpu.memory_space<hbm>>) target(%arg8 : memref<8x128xi32, #tpu.memory_space<vmem>>) target_semaphore(%arg15 : memref<!tpu.dma_semaphore, #tpu.memory_space<semaphore_mem>>)
      %dma_wait3A_291 = arith.constant 1 : i32
      %dma_wait3A_292 = arith.constant 0 : i32
      %dma_wait3A_293 = arith.constant 0 : i32
      %dma_wait3A_294 = tpu.memref_slice %arg4[%add3A, %dma_wait3A_291, %dma_wait3A_292, %dma_wait3A_293] : memref<32x10x8x128xi32, #tpu.memory_space<hbm>> -> memref<1x1x8x128xi32, #tpu.memory_space<hbm>>
      %dma_wait3A_295 = tpu.memref_squeeze %dma_wait3A_294 : memref<1x1x8x128xi32, #tpu.memory_space<hbm>> -> memref<8x128xi32, #tpu.memory_space<hbm>>
      %dma_wait3A_296 = arith.constant 0 : i32
      %dma_wait3A_297 = arith.constant 0 : i32
      %dma_wait3A_298 = tpu.memref_slice %arg4[%add3A, %dma_wait3A_291, %dma_wait3A_296, %dma_wait3A_297] : memref<32x10x8x128xi32, #tpu.memory_space<hbm>> -> memref<1x1x8x128xi32, #tpu.memory_space<hbm>>
      %dma_wait3A_299 = tpu.memref_squeeze %dma_wait3A_298 : memref<1x1x8x128xi32, #tpu.memory_space<hbm>> -> memref<8x128xi32, #tpu.memory_space<hbm>>
      tpu.wait_dma2 semaphore(%arg16 : memref<!tpu.dma_semaphore, #tpu.memory_space<semaphore_mem>>) src(%dma_wait3A_299 : memref<8x128xi32, #tpu.memory_space<hbm>>) dst(%arg9 : memref<8x128xi32, #tpu.memory_space<vmem>>)
      %dma_wait3A_300 = arith.constant 0 : i32
      %dma_wait3A_301 = arith.constant 0 : i32
      %dma_wait3A_302 = tpu.memref_slice %arg7[%dma_wait3A_300, %dma_wait3A_301] : memref<8x128xi32, #tpu.memory_space<vmem>> -> memref<1x128xi32, #tpu.memory_space<vmem>>
      %dma_wait3A_303 = tpu.memref_squeeze %dma_wait3A_302 : memref<1x128xi32, #tpu.memory_space<vmem>> -> memref<128xi32, #tpu.memory_space<vmem>>
      %dma_wait3A_304 = arith.constant 0 : i32
      %dma_wait3A_305 = arith.constant 0 : i32
      %dma_wait3A_306 = tpu.memref_slice %arg2[%dma_wait3A_304, %dma_wait3A_305] : memref<10000x128xf32, #tpu.memory_space<hbm>> -> memref<10000x128xf32, #tpu.memory_space<hbm>>
      tpu.wait_indirect_dma semaphore(%arg17 : memref<!tpu.dma_semaphore, #tpu.memory_space<semaphore_mem>>) src(%dma_wait3A_306 : memref<10000x128xf32, #tpu.memory_space<hbm>>) dst(%arg10 : memref<128x128xf32, #tpu.memory_space<vmem>>)
      %run_scoped3A_307 = arith.constant 0 : i32
      "tpu.region"() ({
        %run_scoped3A_454 = tpu.sem_alloc : memref<!tpu.dma_semaphore, #tpu.memory_space<semaphore_mem>>
        %dma_start3A_455 = arith.constant 0 : i32
        %dma_start3A_456 = tpu.memref_slice %arg9[%run_scoped3A_307, %dma_start3A_455] : memref<8x128xi32, #tpu.memory_space<vmem>> -> memref<1x128xi32, #tpu.memory_space<vmem>>
        %dma_start3A_457 = tpu.memref_squeeze %dma_start3A_456 : memref<1x128xi32, #tpu.memory_space<vmem>> -> memref<128xi32, #tpu.memory_space<vmem>>
        %dma_start3A_458 = arith.constant 0 : i32
        %dma_start3A_459 = arith.constant 0 : i32
        %dma_start3A_460 = tpu.memref_slice %arg12[%dma_start3A_458, %dma_start3A_459] : memref<10240x128xf32, #tpu.memory_space<vmem_shared>> -> memref<10240x128xf32, #tpu.memory_space<vmem_shared>>
        tpu.enqueue_indirect_dma source(%arg10 : memref<128x128xf32, #tpu.memory_space<vmem>>) target(%dma_start3A_460 : memref<10240x128xf32, #tpu.memory_space<vmem_shared>>) offsets(%dma_start3A_457 : memref<128xi32, #tpu.memory_space<vmem>>) semaphore(%run_scoped3A_454 : memref<!tpu.dma_semaphore, #tpu.memory_space<semaphore_mem>>) {add = true}
        %dma_wait3A_461 = arith.constant 0 : i32
        %dma_wait3A_462 = tpu.memref_slice %arg9[%run_scoped3A_307, %dma_wait3A_461] : memref<8x128xi32, #tpu.memory_space<vmem>> -> memref<1x128xi32, #tpu.memory_space<vmem>>
        %dma_wait3A_463 = tpu.memref_squeeze %dma_wait3A_462 : memref<1x128xi32, #tpu.memory_space<vmem>> -> memref<128xi32, #tpu.memory_space<vmem>>
        %dma_wait3A_464 = arith.constant 0 : i32
        %dma_wait3A_465 = arith.constant 0 : i32
        %dma_wait3A_466 = tpu.memref_slice %arg12[%dma_wait3A_464, %dma_wait3A_465] : memref<10240x128xf32, #tpu.memory_space<vmem_shared>> -> memref<10240x128xf32, #tpu.memory_space<vmem_shared>>
        tpu.wait_indirect_dma semaphore(%run_scoped3A_454 : memref<!tpu.dma_semaphore, #tpu.memory_space<semaphore_mem>>) src(%arg10 : memref<128x128xf32, #tpu.memory_space<vmem>>) dst(%dma_wait3A_466 : memref<10240x128xf32, #tpu.memory_space<vmem_shared>>)
        tpu.yield
      }) : () -> ()
      %dma_start3A_308 = arith.constant 2 : i32
      %dma_start3A_309 = arith.constant 0 : i32
      %dma_start3A_310 = tpu.memref_slice %arg7[%dma_start3A_308, %dma_start3A_309] : memref<8x128xi32, #tpu.memory_space<vmem>> -> memref<1x128xi32, #tpu.memory_space<vmem>>
      %dma_start3A_311 = tpu.memref_squeeze %dma_start3A_310 : memref<1x128xi32, #tpu.memory_space<vmem>> -> memref<128xi32, #tpu.memory_space<vmem>>
      %dma_start3A_312 = arith.constant 0 : i32
      %dma_start3A_313 = arith.constant 0 : i32
      %dma_start3A_314 = tpu.memref_slice %arg2[%dma_start3A_312, %dma_start3A_313] : memref<10000x128xf32, #tpu.memory_space<hbm>> -> memref<10000x128xf32, #tpu.memory_space<hbm>>
      tpu.enqueue_indirect_dma source(%dma_start3A_314 : memref<10000x128xf32, #tpu.memory_space<hbm>>) target(%arg10 : memref<128x128xf32, #tpu.memory_space<vmem>>) offsets(%dma_start3A_311 : memref<128xi32, #tpu.memory_space<vmem>>) semaphore(%arg17 : memref<!tpu.dma_semaphore, #tpu.memory_space<semaphore_mem>>)
      %dma_wait3A_315 = arith.constant 1 : i32
      %dma_wait3A_316 = arith.constant 0 : i32
      %dma_wait3A_317 = tpu.memref_slice %arg7[%dma_wait3A_315, %dma_wait3A_316] : memref<8x128xi32, #tpu.memory_space<vmem>> -> memref<1x128xi32, #tpu.memory_space<vmem>>
      %dma_wait3A_318 = tpu.memref_squeeze %dma_wait3A_317 : memref<1x128xi32, #tpu.memory_space<vmem>> -> memref<128xi32, #tpu.memory_space<vmem>>
      %dma_wait3A_319 = arith.constant 0 : i32
      %dma_wait3A_320 = arith.constant 0 : i32
      %dma_wait3A_321 = tpu.memref_slice %arg2[%dma_wait3A_319, %dma_wait3A_320] : memref<10000x128xf32, #tpu.memory_space<hbm>> -> memref<10000x128xf32, #tpu.memory_space<hbm>>
      tpu.wait_indirect_dma semaphore(%arg18 : memref<!tpu.dma_semaphore, #tpu.memory_space<semaphore_mem>>) src(%dma_wait3A_321 : memref<10000x128xf32, #tpu.memory_space<hbm>>) dst(%arg11 : memref<128x128xf32, #tpu.memory_space<vmem>>)
      %run_scoped3A_322 = arith.constant 1 : i32
      "tpu.region"() ({
        %run_scoped3A_454 = tpu.sem_alloc : memref<!tpu.dma_semaphore, #tpu.memory_space<semaphore_mem>>
        %dma_start3A_455 = arith.constant 0 : i32
        %dma_start3A_456 = tpu.memref_slice %arg9[%run_scoped3A_322, %dma_start3A_455] : memref<8x128xi32, #tpu.memory_space<vmem>> -> memref<1x128xi32, #tpu.memory_space<vmem>>
        %dma_start3A_457 = tpu.memref_squeeze %dma_start3A_456 : memref<1x128xi32, #tpu.memory_space<vmem>> -> memref<128xi32, #tpu.memory_space<vmem>>
        %dma_start3A_458 = arith.constant 0 : i32
        %dma_start3A_459 = arith.constant 0 : i32
        %dma_start3A_460 = tpu.memref_slice %arg12[%dma_start3A_458, %dma_start3A_459] : memref<10240x128xf32, #tpu.memory_space<vmem_shared>> -> memref<10240x128xf32, #tpu.memory_space<vmem_shared>>
        tpu.enqueue_indirect_dma source(%arg11 : memref<128x128xf32, #tpu.memory_space<vmem>>) target(%dma_start3A_460 : memref<10240x128xf32, #tpu.memory_space<vmem_shared>>) offsets(%dma_start3A_457 : memref<128xi32, #tpu.memory_space<vmem>>) semaphore(%run_scoped3A_454 : memref<!tpu.dma_semaphore, #tpu.memory_space<semaphore_mem>>) {add = true}
        %dma_wait3A_461 = arith.constant 0 : i32
        %dma_wait3A_462 = tpu.memref_slice %arg9[%run_scoped3A_322, %dma_wait3A_461] : memref<8x128xi32, #tpu.memory_space<vmem>> -> memref<1x128xi32, #tpu.memory_space<vmem>>
        %dma_wait3A_463 = tpu.memref_squeeze %dma_wait3A_462 : memref<1x128xi32, #tpu.memory_space<vmem>> -> memref<128xi32, #tpu.memory_space<vmem>>
        %dma_wait3A_464 = arith.constant 0 : i32
        %dma_wait3A_465 = arith.constant 0 : i32
        %dma_wait3A_466 = tpu.memref_slice %arg12[%dma_wait3A_464, %dma_wait3A_465] : memref<10240x128xf32, #tpu.memory_space<vmem_shared>> -> memref<10240x128xf32, #tpu.memory_space<vmem_shared>>
        tpu.wait_indirect_dma semaphore(%run_scoped3A_454 : memref<!tpu.dma_semaphore, #tpu.memory_space<semaphore_mem>>) src(%arg11 : memref<128x128xf32, #tpu.memory_space<vmem>>) dst(%dma_wait3A_466 : memref<10240x128xf32, #tpu.memory_space<vmem_shared>>)
        tpu.yield
      }) : () -> ()
      %dma_start3A_323 = arith.constant 3 : i32
      %dma_start3A_324 = arith.constant 0 : i32
      %dma_start3A_325 = tpu.memref_slice %arg7[%dma_start3A_323, %dma_start3A_324] : memref<8x128xi32, #tpu.memory_space<vmem>> -> memref<1x128xi32, #tpu.memory_space<vmem>>
      %dma_start3A_326 = tpu.memref_squeeze %dma_start3A_325 : memref<1x128xi32, #tpu.memory_space<vmem>> -> memref<128xi32, #tpu.memory_space<vmem>>
      %dma_start3A_327 = arith.constant 0 : i32
      %dma_start3A_328 = arith.constant 0 : i32
      %dma_start3A_329 = tpu.memref_slice %arg2[%dma_start3A_327, %dma_start3A_328] : memref<10000x128xf32, #tpu.memory_space<hbm>> -> memref<10000x128xf32, #tpu.memory_space<hbm>>
      tpu.enqueue_indirect_dma source(%dma_start3A_329 : memref<10000x128xf32, #tpu.memory_space<hbm>>) target(%arg11 : memref<128x128xf32, #tpu.memory_space<vmem>>) offsets(%dma_start3A_326 : memref<128xi32, #tpu.memory_space<vmem>>) semaphore(%arg18 : memref<!tpu.dma_semaphore, #tpu.memory_space<semaphore_mem>>)
      %dma_wait3A_330 = arith.constant 2 : i32
      %dma_wait3A_331 = arith.constant 0 : i32
      %dma_wait3A_332 = tpu.memref_slice %arg7[%dma_wait3A_330, %dma_wait3A_331] : memref<8x128xi32, #tpu.memory_space<vmem>> -> memref<1x128xi32, #tpu.memory_space<vmem>>
      %dma_wait3A_333 = tpu.memref_squeeze %dma_wait3A_332 : memref<1x128xi32, #tpu.memory_space<vmem>> -> memref<128xi32, #tpu.memory_space<vmem>>
      %dma_wait3A_334 = arith.constant 0 : i32
      %dma_wait3A_335 = arith.constant 0 : i32
      %dma_wait3A_336 = tpu.memref_slice %arg2[%dma_wait3A_334, %dma_wait3A_335] : memref<10000x128xf32, #tpu.memory_space<hbm>> -> memref<10000x128xf32, #tpu.memory_space<hbm>>
      tpu.wait_indirect_dma semaphore(%arg17 : memref<!tpu.dma_semaphore, #tpu.memory_space<semaphore_mem>>) src(%dma_wait3A_336 : memref<10000x128xf32, #tpu.memory_space<hbm>>) dst(%arg10 : memref<128x128xf32, #tpu.memory_space<vmem>>)
      %run_scoped3A_337 = arith.constant 2 : i32
      "tpu.region"() ({
        %run_scoped3A_454 = tpu.sem_alloc : memref<!tpu.dma_semaphore, #tpu.memory_space<semaphore_mem>>
        %dma_start3A_455 = arith.constant 0 : i32
        %dma_start3A_456 = tpu.memref_slice %arg9[%run_scoped3A_337, %dma_start3A_455] : memref<8x128xi32, #tpu.memory_space<vmem>> -> memref<1x128xi32, #tpu.memory_space<vmem>>
        %dma_start3A_457 = tpu.memref_squeeze %dma_start3A_456 : memref<1x128xi32, #tpu.memory_space<vmem>> -> memref<128xi32, #tpu.memory_space<vmem>>
        %dma_start3A_458 = arith.constant 0 : i32
        %dma_start3A_459 = arith.constant 0 : i32
        %dma_start3A_460 = tpu.memref_slice %arg12[%dma_start3A_458, %dma_start3A_459] : memref<10240x128xf32, #tpu.memory_space<vmem_shared>> -> memref<10240x128xf32, #tpu.memory_space<vmem_shared>>
        tpu.enqueue_indirect_dma source(%arg10 : memref<128x128xf32, #tpu.memory_space<vmem>>) target(%dma_start3A_460 : memref<10240x128xf32, #tpu.memory_space<vmem_shared>>) offsets(%dma_start3A_457 : memref<128xi32, #tpu.memory_space<vmem>>) semaphore(%run_scoped3A_454 : memref<!tpu.dma_semaphore, #tpu.memory_space<semaphore_mem>>) {add = true}
        %dma_wait3A_461 = arith.constant 0 : i32
        %dma_wait3A_462 = tpu.memref_slice %arg9[%run_scoped3A_337, %dma_wait3A_461] : memref<8x128xi32, #tpu.memory_space<vmem>> -> memref<1x128xi32, #tpu.memory_space<vmem>>
        %dma_wait3A_463 = tpu.memref_squeeze %dma_wait3A_462 : memref<1x128xi32, #tpu.memory_space<vmem>> -> memref<128xi32, #tpu.memory_space<vmem>>
        %dma_wait3A_464 = arith.constant 0 : i32
        %dma_wait3A_465 = arith.constant 0 : i32
        %dma_wait3A_466 = tpu.memref_slice %arg12[%dma_wait3A_464, %dma_wait3A_465] : memref<10240x128xf32, #tpu.memory_space<vmem_shared>> -> memref<10240x128xf32, #tpu.memory_space<vmem_shared>>
        tpu.wait_indirect_dma semaphore(%run_scoped3A_454 : memref<!tpu.dma_semaphore, #tpu.memory_space<semaphore_mem>>) src(%arg10 : memref<128x128xf32, #tpu.memory_space<vmem>>) dst(%dma_wait3A_466 : memref<10240x128xf32, #tpu.memory_space<vmem_shared>>)
        tpu.yield
      }) : () -> ()
      %dma_start3A_338 = arith.constant 4 : i32
      %dma_start3A_339 = arith.constant 0 : i32
      %dma_start3A_340 = tpu.memref_slice %arg7[%dma_start3A_338, %dma_start3A_339] : memref<8x128xi32, #tpu.memory_space<vmem>> -> memref<1x128xi32, #tpu.memory_space<vmem>>
      %dma_start3A_341 = tpu.memref_squeeze %dma_start3A_340 : memref<1x128xi32, #tpu.memory_space<vmem>> -> memref<128xi32, #tpu.memory_space<vmem>>
      %dma_start3A_342 = arith.constant 0 : i32
      %dma_start3A_343 = arith.constant 0 : i32
      %dma_start3A_344 = tpu.memref_slice %arg2[%dma_start3A_342, %dma_start3A_343] : memref<10000x128xf32, #tpu.memory_space<hbm>> -> memref<10000x128xf32, #tpu.memory_space<hbm>>
      tpu.enqueue_indirect_dma source(%dma_start3A_344 : memref<10000x128xf32, #tpu.memory_space<hbm>>) target(%arg10 : memref<128x128xf32, #tpu.memory_space<vmem>>) offsets(%dma_start3A_341 : memref<128xi32, #tpu.memory_space<vmem>>) semaphore(%arg17 : memref<!tpu.dma_semaphore, #tpu.memory_space<semaphore_mem>>)
      %dma_wait3A_345 = arith.constant 3 : i32
      %dma_wait3A_346 = arith.constant 0 : i32
      %dma_wait3A_347 = tpu.memref_slice %arg7[%dma_wait3A_345, %dma_wait3A_346] : memref<8x128xi32, #tpu.memory_space<vmem>> -> memref<1x128xi32, #tpu.memory_space<vmem>>
      %dma_wait3A_348 = tpu.memref_squeeze %dma_wait3A_347 : memref<1x128xi32, #tpu.memory_space<vmem>> -> memref<128xi32, #tpu.memory_space<vmem>>
      %dma_wait3A_349 = arith.constant 0 : i32
      %dma_wait3A_350 = arith.constant 0 : i32
      %dma_wait3A_351 = tpu.memref_slice %arg2[%dma_wait3A_349, %dma_wait3A_350] : memref<10000x128xf32, #tpu.memory_space<hbm>> -> memref<10000x128xf32, #tpu.memory_space<hbm>>
      tpu.wait_indirect_dma semaphore(%arg18 : memref<!tpu.dma_semaphore, #tpu.memory_space<semaphore_mem>>) src(%dma_wait3A_351 : memref<10000x128xf32, #tpu.memory_space<hbm>>) dst(%arg11 : memref<128x128xf32, #tpu.memory_space<vmem>>)
      %run_scoped3A_352 = arith.constant 3 : i32
      "tpu.region"() ({
        %run_scoped3A_454 = tpu.sem_alloc : memref<!tpu.dma_semaphore, #tpu.memory_space<semaphore_mem>>
        %dma_start3A_455 = arith.constant 0 : i32
        %dma_start3A_456 = tpu.memref_slice %arg9[%run_scoped3A_352, %dma_start3A_455] : memref<8x128xi32, #tpu.memory_space<vmem>> -> memref<1x128xi32, #tpu.memory_space<vmem>>
        %dma_start3A_457 = tpu.memref_squeeze %dma_start3A_456 : memref<1x128xi32, #tpu.memory_space<vmem>> -> memref<128xi32, #tpu.memory_space<vmem>>
        %dma_start3A_458 = arith.constant 0 : i32
        %dma_start3A_459 = arith.constant 0 : i32
        %dma_start3A_460 = tpu.memref_slice %arg12[%dma_start3A_458, %dma_start3A_459] : memref<10240x128xf32, #tpu.memory_space<vmem_shared>> -> memref<10240x128xf32, #tpu.memory_space<vmem_shared>>
        tpu.enqueue_indirect_dma source(%arg11 : memref<128x128xf32, #tpu.memory_space<vmem>>) target(%dma_start3A_460 : memref<10240x128xf32, #tpu.memory_space<vmem_shared>>) offsets(%dma_start3A_457 : memref<128xi32, #tpu.memory_space<vmem>>) semaphore(%run_scoped3A_454 : memref<!tpu.dma_semaphore, #tpu.memory_space<semaphore_mem>>) {add = true}
        %dma_wait3A_461 = arith.constant 0 : i32
        %dma_wait3A_462 = tpu.memref_slice %arg9[%run_scoped3A_352, %dma_wait3A_461] : memref<8x128xi32, #tpu.memory_space<vmem>> -> memref<1x128xi32, #tpu.memory_space<vmem>>
        %dma_wait3A_463 = tpu.memref_squeeze %dma_wait3A_462 : memref<1x128xi32, #tpu.memory_space<vmem>> -> memref<128xi32, #tpu.memory_space<vmem>>
        %dma_wait3A_464 = arith.constant 0 : i32
        %dma_wait3A_465 = arith.constant 0 : i32
        %dma_wait3A_466 = tpu.memref_slice %arg12[%dma_wait3A_464, %dma_wait3A_465] : memref<10240x128xf32, #tpu.memory_space<vmem_shared>> -> memref<10240x128xf32, #tpu.memory_space<vmem_shared>>
        tpu.wait_indirect_dma semaphore(%run_scoped3A_454 : memref<!tpu.dma_semaphore, #tpu.memory_space<semaphore_mem>>) src(%arg11 : memref<128x128xf32, #tpu.memory_space<vmem>>) dst(%dma_wait3A_466 : memref<10240x128xf32, #tpu.memory_space<vmem_shared>>)
        tpu.yield
      }) : () -> ()
      %dma_start3A_353 = arith.constant 5 : i32
      %dma_start3A_354 = arith.constant 0 : i32
      %dma_start3A_355 = tpu.memref_slice %arg7[%dma_start3A_353, %dma_start3A_354] : memref<8x128xi32, #tpu.memory_space<vmem>> -> memref<1x128xi32, #tpu.memory_space<vmem>>
      %dma_start3A_356 = tpu.memref_squeeze %dma_start3A_355 : memref<1x128xi32, #tpu.memory_space<vmem>> -> memref<128xi32, #tpu.memory_space<vmem>>
      %dma_start3A_357 = arith.constant 0 : i32
      %dma_start3A_358 = arith.constant 0 : i32
      %dma_start3A_359 = tpu.memref_slice %arg2[%dma_start3A_357, %dma_start3A_358] : memref<10000x128xf32, #tpu.memory_space<hbm>> -> memref<10000x128xf32, #tpu.memory_space<hbm>>
      tpu.enqueue_indirect_dma source(%dma_start3A_359 : memref<10000x128xf32, #tpu.memory_space<hbm>>) target(%arg11 : memref<128x128xf32, #tpu.memory_space<vmem>>) offsets(%dma_start3A_356 : memref<128xi32, #tpu.memory_space<vmem>>) semaphore(%arg18 : memref<!tpu.dma_semaphore, #tpu.memory_space<semaphore_mem>>)
      %dma_wait3A_360 = arith.constant 4 : i32
      %dma_wait3A_361 = arith.constant 0 : i32
      %dma_wait3A_362 = tpu.memref_slice %arg7[%dma_wait3A_360, %dma_wait3A_361] : memref<8x128xi32, #tpu.memory_space<vmem>> -> memref<1x128xi32, #tpu.memory_space<vmem>>
      %dma_wait3A_363 = tpu.memref_squeeze %dma_wait3A_362 : memref<1x128xi32, #tpu.memory_space<vmem>> -> memref<128xi32, #tpu.memory_space<vmem>>
      %dma_wait3A_364 = arith.constant 0 : i32
      %dma_wait3A_365 = arith.constant 0 : i32
      %dma_wait3A_366 = tpu.memref_slice %arg2[%dma_wait3A_364, %dma_wait3A_365] : memref<10000x128xf32, #tpu.memory_space<hbm>> -> memref<10000x128xf32, #tpu.memory_space<hbm>>
      tpu.wait_indirect_dma semaphore(%arg17 : memref<!tpu.dma_semaphore, #tpu.memory_space<semaphore_mem>>) src(%dma_wait3A_366 : memref<10000x128xf32, #tpu.memory_space<hbm>>) dst(%arg10 : memref<128x128xf32, #tpu.memory_space<vmem>>)
      %run_scoped3A_367 = arith.constant 4 : i32
      "tpu.region"() ({
        %run_scoped3A_454 = tpu.sem_alloc : memref<!tpu.dma_semaphore, #tpu.memory_space<semaphore_mem>>
        %dma_start3A_455 = arith.constant 0 : i32
        %dma_start3A_456 = tpu.memref_slice %arg9[%run_scoped3A_367, %dma_start3A_455] : memref<8x128xi32, #tpu.memory_space<vmem>> -> memref<1x128xi32, #tpu.memory_space<vmem>>
        %dma_start3A_457 = tpu.memref_squeeze %dma_start3A_456 : memref<1x128xi32, #tpu.memory_space<vmem>> -> memref<128xi32, #tpu.memory_space<vmem>>
        %dma_start3A_458 = arith.constant 0 : i32
        %dma_start3A_459 = arith.constant 0 : i32
        %dma_start3A_460 = tpu.memref_slice %arg12[%dma_start3A_458, %dma_start3A_459] : memref<10240x128xf32, #tpu.memory_space<vmem_shared>> -> memref<10240x128xf32, #tpu.memory_space<vmem_shared>>
        tpu.enqueue_indirect_dma source(%arg10 : memref<128x128xf32, #tpu.memory_space<vmem>>) target(%dma_start3A_460 : memref<10240x128xf32, #tpu.memory_space<vmem_shared>>) offsets(%dma_start3A_457 : memref<128xi32, #tpu.memory_space<vmem>>) semaphore(%run_scoped3A_454 : memref<!tpu.dma_semaphore, #tpu.memory_space<semaphore_mem>>) {add = true}
        %dma_wait3A_461 = arith.constant 0 : i32
        %dma_wait3A_462 = tpu.memref_slice %arg9[%run_scoped3A_367, %dma_wait3A_461] : memref<8x128xi32, #tpu.memory_space<vmem>> -> memref<1x128xi32, #tpu.memory_space<vmem>>
        %dma_wait3A_463 = tpu.memref_squeeze %dma_wait3A_462 : memref<1x128xi32, #tpu.memory_space<vmem>> -> memref<128xi32, #tpu.memory_space<vmem>>
        %dma_wait3A_464 = arith.constant 0 : i32
        %dma_wait3A_465 = arith.constant 0 : i32
        %dma_wait3A_466 = tpu.memref_slice %arg12[%dma_wait3A_464, %dma_wait3A_465] : memref<10240x128xf32, #tpu.memory_space<vmem_shared>> -> memref<10240x128xf32, #tpu.memory_space<vmem_shared>>
        tpu.wait_indirect_dma semaphore(%run_scoped3A_454 : memref<!tpu.dma_semaphore, #tpu.memory_space<semaphore_mem>>) src(%arg10 : memref<128x128xf32, #tpu.memory_space<vmem>>) dst(%dma_wait3A_466 : memref<10240x128xf32, #tpu.memory_space<vmem_shared>>)
        tpu.yield
      }) : () -> ()
      %dma_start3A_368 = arith.constant 6 : i32
      %dma_start3A_369 = arith.constant 0 : i32
      %dma_start3A_370 = tpu.memref_slice %arg7[%dma_start3A_368, %dma_start3A_369] : memref<8x128xi32, #tpu.memory_space<vmem>> -> memref<1x128xi32, #tpu.memory_space<vmem>>
      %dma_start3A_371 = tpu.memref_squeeze %dma_start3A_370 : memref<1x128xi32, #tpu.memory_space<vmem>> -> memref<128xi32, #tpu.memory_space<vmem>>
      %dma_start3A_372 = arith.constant 0 : i32
      %dma_start3A_373 = arith.constant 0 : i32
      %dma_start3A_374 = tpu.memref_slice %arg2[%dma_start3A_372, %dma_start3A_373] : memref<10000x128xf32, #tpu.memory_space<hbm>> -> memref<10000x128xf32, #tpu.memory_space<hbm>>
      tpu.enqueue_indirect_dma source(%dma_start3A_374 : memref<10000x128xf32, #tpu.memory_space<hbm>>) target(%arg10 : memref<128x128xf32, #tpu.memory_space<vmem>>) offsets(%dma_start3A_371 : memref<128xi32, #tpu.memory_space<vmem>>) semaphore(%arg17 : memref<!tpu.dma_semaphore, #tpu.memory_space<semaphore_mem>>)
      %dma_wait3A_375 = arith.constant 5 : i32
      %dma_wait3A_376 = arith.constant 0 : i32
      %dma_wait3A_377 = tpu.memref_slice %arg7[%dma_wait3A_375, %dma_wait3A_376] : memref<8x128xi32, #tpu.memory_space<vmem>> -> memref<1x128xi32, #tpu.memory_space<vmem>>
      %dma_wait3A_378 = tpu.memref_squeeze %dma_wait3A_377 : memref<1x128xi32, #tpu.memory_space<vmem>> -> memref<128xi32, #tpu.memory_space<vmem>>
      %dma_wait3A_379 = arith.constant 0 : i32
      %dma_wait3A_380 = arith.constant 0 : i32
      %dma_wait3A_381 = tpu.memref_slice %arg2[%dma_wait3A_379, %dma_wait3A_380] : memref<10000x128xf32, #tpu.memory_space<hbm>> -> memref<10000x128xf32, #tpu.memory_space<hbm>>
      tpu.wait_indirect_dma semaphore(%arg18 : memref<!tpu.dma_semaphore, #tpu.memory_space<semaphore_mem>>) src(%dma_wait3A_381 : memref<10000x128xf32, #tpu.memory_space<hbm>>) dst(%arg11 : memref<128x128xf32, #tpu.memory_space<vmem>>)
      %run_scoped3A_382 = arith.constant 5 : i32
      "tpu.region"() ({
        %run_scoped3A_454 = tpu.sem_alloc : memref<!tpu.dma_semaphore, #tpu.memory_space<semaphore_mem>>
        %dma_start3A_455 = arith.constant 0 : i32
        %dma_start3A_456 = tpu.memref_slice %arg9[%run_scoped3A_382, %dma_start3A_455] : memref<8x128xi32, #tpu.memory_space<vmem>> -> memref<1x128xi32, #tpu.memory_space<vmem>>
        %dma_start3A_457 = tpu.memref_squeeze %dma_start3A_456 : memref<1x128xi32, #tpu.memory_space<vmem>> -> memref<128xi32, #tpu.memory_space<vmem>>
        %dma_start3A_458 = arith.constant 0 : i32
        %dma_start3A_459 = arith.constant 0 : i32
        %dma_start3A_460 = tpu.memref_slice %arg12[%dma_start3A_458, %dma_start3A_459] : memref<10240x128xf32, #tpu.memory_space<vmem_shared>> -> memref<10240x128xf32, #tpu.memory_space<vmem_shared>>
        tpu.enqueue_indirect_dma source(%arg11 : memref<128x128xf32, #tpu.memory_space<vmem>>) target(%dma_start3A_460 : memref<10240x128xf32, #tpu.memory_space<vmem_shared>>) offsets(%dma_start3A_457 : memref<128xi32, #tpu.memory_space<vmem>>) semaphore(%run_scoped3A_454 : memref<!tpu.dma_semaphore, #tpu.memory_space<semaphore_mem>>) {add = true}
        %dma_wait3A_461 = arith.constant 0 : i32
        %dma_wait3A_462 = tpu.memref_slice %arg9[%run_scoped3A_382, %dma_wait3A_461] : memref<8x128xi32, #tpu.memory_space<vmem>> -> memref<1x128xi32, #tpu.memory_space<vmem>>
        %dma_wait3A_463 = tpu.memref_squeeze %dma_wait3A_462 : memref<1x128xi32, #tpu.memory_space<vmem>> -> memref<128xi32, #tpu.memory_space<vmem>>
        %dma_wait3A_464 = arith.constant 0 : i32
        %dma_wait3A_465 = arith.constant 0 : i32
        %dma_wait3A_466 = tpu.memref_slice %arg12[%dma_wait3A_464, %dma_wait3A_465] : memref<10240x128xf32, #tpu.memory_space<vmem_shared>> -> memref<10240x128xf32, #tpu.memory_space<vmem_shared>>
        tpu.wait_indirect_dma semaphore(%run_scoped3A_454 : memref<!tpu.dma_semaphore, #tpu.memory_space<semaphore_mem>>) src(%arg11 : memref<128x128xf32, #tpu.memory_space<vmem>>) dst(%dma_wait3A_466 : memref<10240x128xf32, #tpu.memory_space<vmem_shared>>)
        tpu.yield
      }) : () -> ()
      %dma_start3A_383 = arith.constant 7 : i32
      %dma_start3A_384 = arith.constant 0 : i32
      %dma_start3A_385 = tpu.memref_slice %arg7[%dma_start3A_383, %dma_start3A_384] : memref<8x128xi32, #tpu.memory_space<vmem>> -> memref<1x128xi32, #tpu.memory_space<vmem>>
      %dma_start3A_386 = tpu.memref_squeeze %dma_start3A_385 : memref<1x128xi32, #tpu.memory_space<vmem>> -> memref<128xi32, #tpu.memory_space<vmem>>
      %dma_start3A_387 = arith.constant 0 : i32
      %dma_start3A_388 = arith.constant 0 : i32
      %dma_start3A_389 = tpu.memref_slice %arg2[%dma_start3A_387, %dma_start3A_388] : memref<10000x128xf32, #tpu.memory_space<hbm>> -> memref<10000x128xf32, #tpu.memory_space<hbm>>
      tpu.enqueue_indirect_dma source(%dma_start3A_389 : memref<10000x128xf32, #tpu.memory_space<hbm>>) target(%arg11 : memref<128x128xf32, #tpu.memory_space<vmem>>) offsets(%dma_start3A_386 : memref<128xi32, #tpu.memory_space<vmem>>) semaphore(%arg18 : memref<!tpu.dma_semaphore, #tpu.memory_space<semaphore_mem>>)
      %dma_wait3A_390 = arith.constant 6 : i32
      %dma_wait3A_391 = arith.constant 0 : i32
      %dma_wait3A_392 = tpu.memref_slice %arg7[%dma_wait3A_390, %dma_wait3A_391] : memref<8x128xi32, #tpu.memory_space<vmem>> -> memref<1x128xi32, #tpu.memory_space<vmem>>
      %dma_wait3A_393 = tpu.memref_squeeze %dma_wait3A_392 : memref<1x128xi32, #tpu.memory_space<vmem>> -> memref<128xi32, #tpu.memory_space<vmem>>
      %dma_wait3A_394 = arith.constant 0 : i32
      %dma_wait3A_395 = arith.constant 0 : i32
      %dma_wait3A_396 = tpu.memref_slice %arg2[%dma_wait3A_394, %dma_wait3A_395] : memref<10000x128xf32, #tpu.memory_space<hbm>> -> memref<10000x128xf32, #tpu.memory_space<hbm>>
      tpu.wait_indirect_dma semaphore(%arg17 : memref<!tpu.dma_semaphore, #tpu.memory_space<semaphore_mem>>) src(%dma_wait3A_396 : memref<10000x128xf32, #tpu.memory_space<hbm>>) dst(%arg10 : memref<128x128xf32, #tpu.memory_space<vmem>>)
      %run_scoped3A_397 = arith.constant 6 : i32
      "tpu.region"() ({
        %run_scoped3A_454 = tpu.sem_alloc : memref<!tpu.dma_semaphore, #tpu.memory_space<semaphore_mem>>
        %dma_start3A_455 = arith.constant 0 : i32
        %dma_start3A_456 = tpu.memref_slice %arg9[%run_scoped3A_397, %dma_start3A_455] : memref<8x128xi32, #tpu.memory_space<vmem>> -> memref<1x128xi32, #tpu.memory_space<vmem>>
        %dma_start3A_457 = tpu.memref_squeeze %dma_start3A_456 : memref<1x128xi32, #tpu.memory_space<vmem>> -> memref<128xi32, #tpu.memory_space<vmem>>
        %dma_start3A_458 = arith.constant 0 : i32
        %dma_start3A_459 = arith.constant 0 : i32
        %dma_start3A_460 = tpu.memref_slice %arg12[%dma_start3A_458, %dma_start3A_459] : memref<10240x128xf32, #tpu.memory_space<vmem_shared>> -> memref<10240x128xf32, #tpu.memory_space<vmem_shared>>
        tpu.enqueue_indirect_dma source(%arg10 : memref<128x128xf32, #tpu.memory_space<vmem>>) target(%dma_start3A_460 : memref<10240x128xf32, #tpu.memory_space<vmem_shared>>) offsets(%dma_start3A_457 : memref<128xi32, #tpu.memory_space<vmem>>) semaphore(%run_scoped3A_454 : memref<!tpu.dma_semaphore, #tpu.memory_space<semaphore_mem>>) {add = true}
        %dma_wait3A_461 = arith.constant 0 : i32
        %dma_wait3A_462 = tpu.memref_slice %arg9[%run_scoped3A_397, %dma_wait3A_461] : memref<8x128xi32, #tpu.memory_space<vmem>> -> memref<1x128xi32, #tpu.memory_space<vmem>>
        %dma_wait3A_463 = tpu.memref_squeeze %dma_wait3A_462 : memref<1x128xi32, #tpu.memory_space<vmem>> -> memref<128xi32, #tpu.memory_space<vmem>>
        %dma_wait3A_464 = arith.constant 0 : i32
        %dma_wait3A_465 = arith.constant 0 : i32
        %dma_wait3A_466 = tpu.memref_slice %arg12[%dma_wait3A_464, %dma_wait3A_465] : memref<10240x128xf32, #tpu.memory_space<vmem_shared>> -> memref<10240x128xf32, #tpu.memory_space<vmem_shared>>
        tpu.wait_indirect_dma semaphore(%run_scoped3A_454 : memref<!tpu.dma_semaphore, #tpu.memory_space<semaphore_mem>>) src(%arg10 : memref<128x128xf32, #tpu.memory_space<vmem>>) dst(%dma_wait3A_466 : memref<10240x128xf32, #tpu.memory_space<vmem_shared>>)
        tpu.yield
      }) : () -> ()
      %dma_wait3A_398 = arith.constant 0 : i32
      %dma_wait3A_399 = arith.constant 0 : i32
      %dma_wait3A_400 = arith.constant 0 : i32
      %dma_wait3A_401 = tpu.memref_slice %arg3[%add3A, %dma_wait3A_398, %dma_wait3A_399, %dma_wait3A_400] : memref<32x10x8x128xi32, #tpu.memory_space<hbm>> -> memref<1x1x8x128xi32, #tpu.memory_space<hbm>>
      %dma_wait3A_402 = tpu.memref_squeeze %dma_wait3A_401 : memref<1x1x8x128xi32, #tpu.memory_space<hbm>> -> memref<8x128xi32, #tpu.memory_space<hbm>>
      %dma_wait3A_403 = arith.constant 0 : i32
      %dma_wait3A_404 = arith.constant 0 : i32
      %dma_wait3A_405 = tpu.memref_slice %arg3[%add3A, %dma_wait3A_398, %dma_wait3A_403, %dma_wait3A_404] : memref<32x10x8x128xi32, #tpu.memory_space<hbm>> -> memref<1x1x8x128xi32, #tpu.memory_space<hbm>>
      %dma_wait3A_406 = tpu.memref_squeeze %dma_wait3A_405 : memref<1x1x8x128xi32, #tpu.memory_space<hbm>> -> memref<8x128xi32, #tpu.memory_space<hbm>>
      tpu.wait_dma2 semaphore(%arg13 : memref<!tpu.dma_semaphore, #tpu.memory_space<semaphore_mem>>) src(%dma_wait3A_406 : memref<8x128xi32, #tpu.memory_space<hbm>>) dst(%arg6 : memref<8x128xi32, #tpu.memory_space<vmem>>)
      %dma_start3A_407 = arith.constant 0 : i32
      %dma_start3A_408 = arith.constant 0 : i32
      %dma_start3A_409 = tpu.memref_slice %arg6[%dma_start3A_407, %dma_start3A_408] : memref<8x128xi32, #tpu.memory_space<vmem>> -> memref<1x128xi32, #tpu.memory_space<vmem>>
      %dma_start3A_410 = tpu.memref_squeeze %dma_start3A_409 : memref<1x128xi32, #tpu.memory_space<vmem>> -> memref<128xi32, #tpu.memory_space<vmem>>
      %dma_start3A_411 = arith.constant 0 : i32
      %dma_start3A_412 = arith.constant 0 : i32
      %dma_start3A_413 = tpu.memref_slice %arg2[%dma_start3A_411, %dma_start3A_412] : memref<10000x128xf32, #tpu.memory_space<hbm>> -> memref<10000x128xf32, #tpu.memory_space<hbm>>
      tpu.enqueue_indirect_dma source(%dma_start3A_413 : memref<10000x128xf32, #tpu.memory_space<hbm>>) target(%arg10 : memref<128x128xf32, #tpu.memory_space<vmem>>) offsets(%dma_start3A_410 : memref<128xi32, #tpu.memory_space<vmem>>) semaphore(%arg17 : memref<!tpu.dma_semaphore, #tpu.memory_space<semaphore_mem>>)
      %dma_wait3A_414 = arith.constant 7 : i32
      %dma_wait3A_415 = arith.constant 0 : i32
      %dma_wait3A_416 = tpu.memref_slice %arg7[%dma_wait3A_414, %dma_wait3A_415] : memref<8x128xi32, #tpu.memory_space<vmem>> -> memref<1x128xi32, #tpu.memory_space<vmem>>
      %dma_wait3A_417 = tpu.memref_squeeze %dma_wait3A_416 : memref<1x128xi32, #tpu.memory_space<vmem>> -> memref<128xi32, #tpu.memory_space<vmem>>
      %dma_wait3A_418 = arith.constant 0 : i32
      %dma_wait3A_419 = arith.constant 0 : i32
      %dma_wait3A_420 = tpu.memref_slice %arg2[%dma_wait3A_418, %dma_wait3A_419] : memref<10000x128xf32, #tpu.memory_space<hbm>> -> memref<10000x128xf32, #tpu.memory_space<hbm>>
      tpu.wait_indirect_dma semaphore(%arg18 : memref<!tpu.dma_semaphore, #tpu.memory_space<semaphore_mem>>) src(%dma_wait3A_420 : memref<10000x128xf32, #tpu.memory_space<hbm>>) dst(%arg11 : memref<128x128xf32, #tpu.memory_space<vmem>>)
      %run_scoped3A_421 = arith.constant 7 : i32
      "tpu.region"() ({
        %run_scoped3A_454 = tpu.sem_alloc : memref<!tpu.dma_semaphore, #tpu.memory_space<semaphore_mem>>
        %dma_start3A_455 = arith.constant 0 : i32
        %dma_start3A_456 = tpu.memref_slice %arg9[%run_scoped3A_421, %dma_start3A_455] : memref<8x128xi32, #tpu.memory_space<vmem>> -> memref<1x128xi32, #tpu.memory_space<vmem>>
        %dma_start3A_457 = tpu.memref_squeeze %dma_start3A_456 : memref<1x128xi32, #tpu.memory_space<vmem>> -> memref<128xi32, #tpu.memory_space<vmem>>
        %dma_start3A_458 = arith.constant 0 : i32
        %dma_start3A_459 = arith.constant 0 : i32
        %dma_start3A_460 = tpu.memref_slice %arg12[%dma_start3A_458, %dma_start3A_459] : memref<10240x128xf32, #tpu.memory_space<vmem_shared>> -> memref<10240x128xf32, #tpu.memory_space<vmem_shared>>
        tpu.enqueue_indirect_dma source(%arg11 : memref<128x128xf32, #tpu.memory_space<vmem>>) target(%dma_start3A_460 : memref<10240x128xf32, #tpu.memory_space<vmem_shared>>) offsets(%dma_start3A_457 : memref<128xi32, #tpu.memory_space<vmem>>) semaphore(%run_scoped3A_454 : memref<!tpu.dma_semaphore, #tpu.memory_space<semaphore_mem>>) {add = true}
        %dma_wait3A_461 = arith.constant 0 : i32
        %dma_wait3A_462 = tpu.memref_slice %arg9[%run_scoped3A_421, %dma_wait3A_461] : memref<8x128xi32, #tpu.memory_space<vmem>> -> memref<1x128xi32, #tpu.memory_space<vmem>>
        %dma_wait3A_463 = tpu.memref_squeeze %dma_wait3A_462 : memref<1x128xi32, #tpu.memory_space<vmem>> -> memref<128xi32, #tpu.memory_space<vmem>>
        %dma_wait3A_464 = arith.constant 0 : i32
        %dma_wait3A_465 = arith.constant 0 : i32
        %dma_wait3A_466 = tpu.memref_slice %arg12[%dma_wait3A_464, %dma_wait3A_465] : memref<10240x128xf32, #tpu.memory_space<vmem_shared>> -> memref<10240x128xf32, #tpu.memory_space<vmem_shared>>
        tpu.wait_indirect_dma semaphore(%run_scoped3A_454 : memref<!tpu.dma_semaphore, #tpu.memory_space<semaphore_mem>>) src(%arg11 : memref<128x128xf32, #tpu.memory_space<vmem>>) dst(%dma_wait3A_466 : memref<10240x128xf32, #tpu.memory_space<vmem_shared>>)
        tpu.yield
      }) : () -> ()
      %dma_start3A_422 = arith.constant 1 : i32
      %dma_start3A_423 = arith.constant 0 : i32
      %dma_start3A_424 = tpu.memref_slice %arg6[%dma_start3A_422, %dma_start3A_423] : memref<8x128xi32, #tpu.memory_space<vmem>> -> memref<1x128xi32, #tpu.memory_space<vmem>>
      %dma_start3A_425 = tpu.memref_squeeze %dma_start3A_424 : memref<1x128xi32, #tpu.memory_space<vmem>> -> memref<128xi32, #tpu.memory_space<vmem>>
      %dma_start3A_426 = arith.constant 0 : i32
      %dma_start3A_427 = arith.constant 0 : i32
      %dma_start3A_428 = tpu.memref_slice %arg2[%dma_start3A_426, %dma_start3A_427] : memref<10000x128xf32, #tpu.memory_space<hbm>> -> memref<10000x128xf32, #tpu.memory_space<hbm>>
      tpu.enqueue_indirect_dma source(%dma_start3A_428 : memref<10000x128xf32, #tpu.memory_space<hbm>>) target(%arg11 : memref<128x128xf32, #tpu.memory_space<vmem>>) offsets(%dma_start3A_425 : memref<128xi32, #tpu.memory_space<vmem>>) semaphore(%arg18 : memref<!tpu.dma_semaphore, #tpu.memory_space<semaphore_mem>>)
      %dma_start3A_429 = arith.constant 0 : i32
      %dma_start3A_430 = arith.constant 0 : i32
      %dma_start3A_431 = tpu.memref_slice %arg3[%add3A, %min3A_146, %dma_start3A_429, %dma_start3A_430] : memref<32x10x8x128xi32, #tpu.memory_space<hbm>> -> memref<1x1x8x128xi32, #tpu.memory_space<hbm>>
      %dma_start3A_432 = tpu.memref_squeeze %dma_start3A_431 : memref<1x1x8x128xi32, #tpu.memory_space<hbm>> -> memref<8x128xi32, #tpu.memory_space<hbm>>
      %dma_start3A_433 = arith.constant 0 : i32
      %dma_start3A_434 = arith.constant 0 : i32
      %dma_start3A_435 = tpu.memref_slice %arg3[%add3A, %min3A_146, %dma_start3A_433, %dma_start3A_434] : memref<32x10x8x128xi32, #tpu.memory_space<hbm>> -> memref<1x1x8x128xi32, #tpu.memory_space<hbm>>
      %dma_start3A_436 = tpu.memref_squeeze %dma_start3A_435 : memref<1x1x8x128xi32, #tpu.memory_space<hbm>> -> memref<8x128xi32, #tpu.memory_space<hbm>>
      tpu.enqueue_dma source(%dma_start3A_436 : memref<8x128xi32, #tpu.memory_space<hbm>>) target(%arg7 : memref<8x128xi32, #tpu.memory_space<vmem>>) target_semaphore(%arg14 : memref<!tpu.dma_semaphore, #tpu.memory_space<semaphore_mem>>)
      %dma_start3A_437 = arith.constant 0 : i32
      %dma_start3A_438 = arith.constant 0 : i32
      %dma_start3A_439 = tpu.memref_slice %arg4[%add3A, %min3A_146, %dma_start3A_437, %dma_start3A_438] : memref<32x10x8x128xi32, #tpu.memory_space<hbm>> -> memref<1x1x8x128xi32, #tpu.memory_space<hbm>>
      %dma_start3A_440 = tpu.memref_squeeze %dma_start3A_439 : memref<1x1x8x128xi32, #tpu.memory_space<hbm>> -> memref<8x128xi32, #tpu.memory_space<hbm>>
      %dma_start3A_441 = arith.constant 0 : i32
      %dma_start3A_442 = arith.constant 0 : i32
      %dma_start3A_443 = tpu.memref_slice %arg4[%add3A, %min3A_146, %dma_start3A_441, %dma_start3A_442] : memref<32x10x8x128xi32, #tpu.memory_space<hbm>> -> memref<1x1x8x128xi32, #tpu.memory_space<hbm>>
      %dma_start3A_444 = tpu.memref_squeeze %dma_start3A_443 : memref<1x1x8x128xi32, #tpu.memory_space<hbm>> -> memref<8x128xi32, #tpu.memory_space<hbm>>
      tpu.enqueue_dma source(%dma_start3A_444 : memref<8x128xi32, #tpu.memory_space<hbm>>) target(%arg9 : memref<8x128xi32, #tpu.memory_space<vmem>>) target_semaphore(%arg16 : memref<!tpu.dma_semaphore, #tpu.memory_space<semaphore_mem>>)
      %dma_wait3A_445 = arith.constant 0 : i32
      %dma_wait3A_446 = arith.constant 0 : i32
      %dma_wait3A_447 = arith.constant 0 : i32
      %dma_wait3A_448 = tpu.memref_slice %arg4[%add3A, %dma_wait3A_445, %dma_wait3A_446, %dma_wait3A_447] : memref<32x10x8x128xi32, #tpu.memory_space<hbm>> -> memref<1x1x8x128xi32, #tpu.memory_space<hbm>>
      %dma_wait3A_449 = tpu.memref_squeeze %dma_wait3A_448 : memref<1x1x8x128xi32, #tpu.memory_space<hbm>> -> memref<8x128xi32, #tpu.memory_space<hbm>>
      %dma_wait3A_450 = arith.constant 0 : i32
      %dma_wait3A_451 = arith.constant 0 : i32
      %dma_wait3A_452 = tpu.memref_slice %arg4[%add3A, %dma_wait3A_445, %dma_wait3A_450, %dma_wait3A_451] : memref<32x10x8x128xi32, #tpu.memory_space<hbm>> -> memref<1x1x8x128xi32, #tpu.memory_space<hbm>>
      %dma_wait3A_453 = tpu.memref_squeeze %dma_wait3A_452 : memref<1x1x8x128xi32, #tpu.memory_space<hbm>> -> memref<8x128xi32, #tpu.memory_space<hbm>>
      tpu.wait_dma2 semaphore(%arg15 : memref<!tpu.dma_semaphore, #tpu.memory_space<semaphore_mem>>) src(%dma_wait3A_453 : memref<8x128xi32, #tpu.memory_space<hbm>>) dst(%arg8 : memref<8x128xi32, #tpu.memory_space<vmem>>)
    }
    %scan3A_97 = arith.constant 5 : i32
    %dma_wait3A_98 = arith.constant 0 : i32
    %dma_wait3A_99 = arith.constant 0 : i32
    %dma_wait3A_100 = tpu.memref_slice %arg6[%dma_wait3A_98, %dma_wait3A_99] : memref<8x128xi32, #tpu.memory_space<vmem>> -> memref<1x128xi32, #tpu.memory_space<vmem>>
    %dma_wait3A_101 = tpu.memref_squeeze %dma_wait3A_100 : memref<1x128xi32, #tpu.memory_space<vmem>> -> memref<128xi32, #tpu.memory_space<vmem>>
    %dma_wait3A_102 = arith.constant 0 : i32
    %dma_wait3A_103 = arith.constant 0 : i32
    %dma_wait3A_104 = tpu.memref_slice %arg2[%dma_wait3A_102, %dma_wait3A_103] : memref<10000x128xf32, #tpu.memory_space<hbm>> -> memref<10000x128xf32, #tpu.memory_space<hbm>>
    tpu.wait_indirect_dma semaphore(%arg17 : memref<!tpu.dma_semaphore, #tpu.memory_space<semaphore_mem>>) src(%dma_wait3A_104 : memref<10000x128xf32, #tpu.memory_space<hbm>>) dst(%arg10 : memref<128x128xf32, #tpu.memory_space<vmem>>)
    %dma_wait3A_105 = arith.constant 0 : i32
    %dma_wait3A_106 = arith.constant 0 : i32
    %dma_wait3A_107 = tpu.memref_slice %arg6[%dma_wait3A_105, %dma_wait3A_106] : memref<8x128xi32, #tpu.memory_space<vmem>> -> memref<1x128xi32, #tpu.memory_space<vmem>>
    %dma_wait3A_108 = tpu.memref_squeeze %dma_wait3A_107 : memref<1x128xi32, #tpu.memory_space<vmem>> -> memref<128xi32, #tpu.memory_space<vmem>>
    %dma_wait3A_109 = arith.constant 0 : i32
    %dma_wait3A_110 = arith.constant 0 : i32
    %dma_wait3A_111 = tpu.memref_slice %arg2[%dma_wait3A_109, %dma_wait3A_110] : memref<10000x128xf32, #tpu.memory_space<hbm>> -> memref<10000x128xf32, #tpu.memory_space<hbm>>
    tpu.wait_indirect_dma semaphore(%arg18 : memref<!tpu.dma_semaphore, #tpu.memory_space<semaphore_mem>>) src(%dma_wait3A_111 : memref<10000x128xf32, #tpu.memory_space<hbm>>) dst(%arg11 : memref<128x128xf32, #tpu.memory_space<vmem>>)
    %dma_wait3A_112 = arith.constant 0 : i32
    %dma_wait3A_113 = arith.constant 0 : i32
    %dma_wait3A_114 = arith.constant 0 : i32
    %dma_wait3A_115 = tpu.memref_slice %arg3[%add3A, %dma_wait3A_112, %dma_wait3A_113, %dma_wait3A_114] : memref<32x10x8x128xi32, #tpu.memory_space<hbm>> -> memref<1x1x8x128xi32, #tpu.memory_space<hbm>>
    %dma_wait3A_116 = tpu.memref_squeeze %dma_wait3A_115 : memref<1x1x8x128xi32, #tpu.memory_space<hbm>> -> memref<8x128xi32, #tpu.memory_space<hbm>>
    %dma_wait3A_117 = arith.constant 0 : i32
    %dma_wait3A_118 = arith.constant 0 : i32
    %dma_wait3A_119 = tpu.memref_slice %arg3[%add3A, %dma_wait3A_112, %dma_wait3A_117, %dma_wait3A_118] : memref<32x10x8x128xi32, #tpu.memory_space<hbm>> -> memref<1x1x8x128xi32, #tpu.memory_space<hbm>>
    %dma_wait3A_120 = tpu.memref_squeeze %dma_wait3A_119 : memref<1x1x8x128xi32, #tpu.memory_space<hbm>> -> memref<8x128xi32, #tpu.memory_space<hbm>>
    tpu.wait_dma2 semaphore(%arg14 : memref<!tpu.dma_semaphore, #tpu.memory_space<semaphore_mem>>) src(%dma_wait3A_120 : memref<8x128xi32, #tpu.memory_space<hbm>>) dst(%arg7 : memref<8x128xi32, #tpu.memory_space<vmem>>)
    %dma_wait3A_121 = arith.constant 0 : i32
    %dma_wait3A_122 = arith.constant 0 : i32
    %dma_wait3A_123 = arith.constant 0 : i32
    %dma_wait3A_124 = tpu.memref_slice %arg4[%add3A, %dma_wait3A_121, %dma_wait3A_122, %dma_wait3A_123] : memref<32x10x8x128xi32, #tpu.memory_space<hbm>> -> memref<1x1x8x128xi32, #tpu.memory_space<hbm>>
    %dma_wait3A_125 = tpu.memref_squeeze %dma_wait3A_124 : memref<1x1x8x128xi32, #tpu.memory_space<hbm>> -> memref<8x128xi32, #tpu.memory_space<hbm>>
    %dma_wait3A_126 = arith.constant 0 : i32
    %dma_wait3A_127 = arith.constant 0 : i32
    %dma_wait3A_128 = tpu.memref_slice %arg4[%add3A, %dma_wait3A_121, %dma_wait3A_126, %dma_wait3A_127] : memref<32x10x8x128xi32, #tpu.memory_space<hbm>> -> memref<1x1x8x128xi32, #tpu.memory_space<hbm>>
    %dma_wait3A_129 = tpu.memref_squeeze %dma_wait3A_128 : memref<1x1x8x128xi32, #tpu.memory_space<hbm>> -> memref<8x128xi32, #tpu.memory_space<hbm>>
    tpu.wait_dma2 semaphore(%arg16 : memref<!tpu.dma_semaphore, #tpu.memory_space<semaphore_mem>>) src(%dma_wait3A_129 : memref<8x128xi32, #tpu.memory_space<hbm>>) dst(%arg9 : memref<8x128xi32, #tpu.memory_space<vmem>>)
    %barrier3A_130 = arith.constant 0 : index
    tpu.barrier barrier_id(%barrier3A_130)
    %mul3A_131 = arith.constant 640 : i32
    %mul3A_132 = arith.muli %arg1, %mul3A_131 : i32
    %mul3A_133 = arith.constant 640 : i32
    %mul3A_134 = arith.muli %arg1, %mul3A_133 : i32
    "tpu.region"() ({
      %run_scoped3A = tpu.sem_alloc : memref<!tpu.dma_semaphore, #tpu.memory_space<semaphore_mem>>
      %dma_start3A_135 = arith.constant 0 : i32
      %dma_start3A_136 = tpu.memref_slice %arg5[%arg0, %mul3A_134, %dma_start3A_135] : memref<2x10240x128xf32, #tpu.memory_space<hbm>> -> memref<1x640x128xf32, #tpu.memory_space<hbm>>
      %dma_start3A_137 = tpu.memref_squeeze %dma_start3A_136 : memref<1x640x128xf32, #tpu.memory_space<hbm>> -> memref<640x128xf32, #tpu.memory_space<hbm>>
      %dma_start3A_138 = arith.constant 0 : i32
      %dma_start3A_139 = tpu.memref_slice %arg12[%mul3A_132, %dma_start3A_138] : memref<10240x128xf32, #tpu.memory_space<vmem_shared>> -> memref<640x128xf32, #tpu.memory_space<vmem_shared>>
      tpu.enqueue_dma source(%dma_start3A_139 : memref<640x128xf32, #tpu.memory_space<vmem_shared>>) target(%dma_start3A_137 : memref<640x128xf32, #tpu.memory_space<hbm>>) target_semaphore(%run_scoped3A : memref<!tpu.dma_semaphore, #tpu.memory_space<semaphore_mem>>)
      %dma_wait3A_140 = arith.constant 0 : i32
      %dma_wait3A_141 = tpu.memref_slice %arg5[%arg0, %mul3A_134, %dma_wait3A_140] : memref<2x10240x128xf32, #tpu.memory_space<hbm>> -> memref<1x640x128xf32, #tpu.memory_space<hbm>>
      %dma_wait3A_142 = tpu.memref_squeeze %dma_wait3A_141 : memref<1x640x128xf32, #tpu.memory_space<hbm>> -> memref<640x128xf32, #tpu.memory_space<hbm>>
      %dma_wait3A_143 = arith.constant 0 : i32
      %dma_wait3A_144 = tpu.memref_slice %arg12[%mul3A_132, %dma_wait3A_143] : memref<10240x128xf32, #tpu.memory_space<vmem_shared>> -> memref<640x128xf32, #tpu.memory_space<vmem_shared>>
      tpu.wait_dma2 semaphore(%run_scoped3A : memref<!tpu.dma_semaphore, #tpu.memory_space<semaphore_mem>>) src(%dma_wait3A_144 : memref<640x128xf32, #tpu.memory_space<vmem_shared>>) dst(%dma_wait3A_142 : memref<640x128xf32, #tpu.memory_space<hbm>>)
      tpu.yield
    }) : () -> ()
    return
  }
}

module attributes {stable_mosaic.version = 14 : i64} {
  func.func @_mm_body(%arg0: i32, %arg1: memref<5000x128xf32, #tpu.memory_space<vmem>>, %arg2: memref<128x128xf32, #tpu.memory_space<vmem>>, %arg3: memref<5000x128xf32, #tpu.memory_space<vmem>>) attributes {dimension_semantics = [#tpu.dimension_semantics<arbitrary>], iteration_bounds = array<i64: 2>, scalar_prefetch = 0 : i64, scratch_operands = 0 : i64, tpu.core_type = #tpu.core_type<tc>, window_params = [{transform_indices = @transform_0, window_bounds = array<i64: 5000, 128>}, {pipeline_mode = #tpu.pipeline_mode<synchronous>, transform_indices = @transform_1, window_bounds = array<i64: 128, 128>}, {transform_indices = @transform_2, window_bounds = array<i64: 5000, 128>}]} {
    %get3A = arith.constant 0 : index
    %get3A_0 = arith.constant 0 : index
    %get3A_1 = vector.load %arg1[%get3A, %get3A_0] : memref<5000x128xf32, #tpu.memory_space<vmem>>, vector<5000x128xf32>
    %get3A_2 = arith.constant 0 : index
    %get3A_3 = arith.constant 0 : index
    %get3A_4 = vector.load %arg2[%get3A_2, %get3A_3] : memref<128x128xf32, #tpu.memory_space<vmem>>, vector<128x128xf32>
    %dot_general3A = arith.constant dense<0.000000e+00> : vector<5000x128xf32>
    %dot_general3A_5 = tpu.matmul %get3A_1, %get3A_4, %dot_general3A {dimension_numbers = #tpu.dot_dimension_numbers<[1], [0], [0], [1], [0, 0, 1, 1], [], []>, transpose_lhs_hint = false} : vector<5000x128xf32>, vector<128x128xf32>, vector<5000x128xf32> -> vector<5000x128xf32>
    %swap3A = arith.constant 0 : index
    %swap3A_6 = arith.constant 0 : index
    %swap3A_7 = vector.load %arg3[%swap3A, %swap3A_6] : memref<5000x128xf32, #tpu.memory_space<vmem>>, vector<5000x128xf32>
    tpu.vector_store %arg3[%swap3A, %swap3A_6], %dot_general3A_5 {strides = array<i32>} : memref<5000x128xf32, #tpu.memory_space<vmem>>, vector<5000x128xf32>,
    return
  }
  func.func @transform_0(%arg0: i32) -> (i32, i32) {
    %c0_i32 = arith.constant 0 : i32
    %c0_i32_0 = arith.constant 0 : i32
    return %arg0, %c0_i32 : i32, i32
  }
  func.func @transform_1(%arg0: i32) -> (i32, i32) {
    %c0_i32 = arith.constant 0 : i32
    %c0_i32_0 = arith.constant 0 : i32
    %c0_i32_1 = arith.constant 0 : i32
    return %c0_i32, %c0_i32_0 : i32, i32
  }
  func.func @transform_2(%arg0: i32) -> (i32, i32) {
    %c0_i32 = arith.constant 0 : i32
    %c0_i32_0 = arith.constant 0 : i32
    return %arg0, %c0_i32 : i32, i32
  }
}

module attributes {stable_mosaic.version = 14 : i64} {
  func.func @_stage_body(%arg0: i32, %arg1: memref<5000x128xf32, #tpu.memory_space<vmem>>, %arg2: memref<1x5000x128xf32, #tpu.memory_space<vmem>>, %arg3: memref<1x5000x128xf32, #tpu.memory_space<vmem>>, %arg4: memref<1x1xf32, #tpu.memory_space<smem>>, %arg5: memref<1x128xf32, #tpu.memory_space<vmem>>, %arg6: memref<1x128xf32, #tpu.memory_space<vmem>>, %arg7: memref<1x128xf32, #tpu.memory_space<vmem>>, %arg8: memref<128x128xf32, #tpu.memory_space<vmem>>, %arg9: memref<5000x128xf32, #tpu.memory_space<vmem>>) attributes {dimension_semantics = [#tpu.dimension_semantics<arbitrary>], iteration_bounds = array<i64: 2>, scalar_prefetch = 0 : i64, scratch_operands = 0 : i64, tpu.core_type = #tpu.core_type<tc>, window_params = [{transform_indices = @transform_0, window_bounds = array<i64: 5000, 128>}, {transform_indices = @transform_1, window_bounds = array<i64: 1, 5000, 128>}, {transform_indices = @transform_2, window_bounds = array<i64: 1, 5000, 128>}, {transform_indices = @transform_3, window_bounds = array<i64: 1, 1>}, {pipeline_mode = #tpu.pipeline_mode<synchronous>, transform_indices = @transform_4, window_bounds = array<i64: 1, 128>}, {pipeline_mode = #tpu.pipeline_mode<synchronous>, transform_indices = @transform_5, window_bounds = array<i64: 1, 128>}, {pipeline_mode = #tpu.pipeline_mode<synchronous>, transform_indices = @transform_6, window_bounds = array<i64: 1, 128>}, {pipeline_mode = #tpu.pipeline_mode<synchronous>, transform_indices = @transform_7, window_bounds = array<i64: 128, 128>}, {transform_indices = @transform_8, window_bounds = array<i64: 5000, 128>}]} {
    %get3A = arith.constant 0 : index
    %get3A_0 = arith.constant 0 : index
    %get3A_1 = arith.constant 0 : index
    %get3A_2 = vector.load %arg2[%get3A, %get3A_0, %get3A_1] : memref<1x5000x128xf32, #tpu.memory_space<vmem>>, vector<1x5000x128xf32>
    %get3A_3 = vector.shape_cast %get3A_2 : vector<1x5000x128xf32> to vector<5000x128xf32>
    %get3A_4 = arith.constant 0 : index
    %get3A_5 = arith.constant 0 : index
    %get3A_6 = arith.constant 0 : index
    %get3A_7 = vector.load %arg3[%get3A_4, %get3A_5, %get3A_6] : memref<1x5000x128xf32, #tpu.memory_space<vmem>>, vector<1x5000x128xf32>
    %get3A_8 = vector.shape_cast %get3A_7 : vector<1x5000x128xf32> to vector<5000x128xf32>
    %add3A = arith.addf %get3A_3, %get3A_8 : vector<5000x128xf32>
    %get3A_9 = arith.constant 0 : index
    %get3A_10 = arith.constant 0 : index
    %get3A_11 = memref.load %arg4[%get3A_9, %get3A_10] : memref<1x1xf32, #tpu.memory_space<smem>>
    %add3A_12 = arith.constant 1.000000e+00 : f32
    %add3A_13 = arith.addf %add3A_12, %get3A_11 : f32
    %get3A_14 = arith.constant 0 : index
    %get3A_15 = arith.constant 0 : index
    %get3A_16 = vector.load %arg1[%get3A_14, %get3A_15] : memref<5000x128xf32, #tpu.memory_space<vmem>>, vector<5000x128xf32>
    %mul3A = vector.broadcast %add3A_13 : f32 to vector<5000x128xf32>
    %mul3A_17 = arith.mulf %mul3A, %get3A_16 : vector<5000x128xf32>
    %add3A_18 = arith.addf %mul3A_17, %add3A : vector<5000x128xf32>
    %get3A_19 = arith.constant 0 : index
    %get3A_20 = arith.constant 0 : index
    %get3A_21 = vector.load %arg5[%get3A_19, %get3A_20] : memref<1x128xf32, #tpu.memory_space<vmem>>, vector<1x128xf32>
    %add3A_22 = vector.broadcast %get3A_21 : vector<1x128xf32> to vector<5000x128xf32>
    %add3A_23 = arith.addf %add3A_18, %add3A_22 : vector<5000x128xf32>
    %get3A_24 = arith.constant 0 : index
    %get3A_25 = arith.constant 0 : index
    %get3A_26 = vector.load %arg6[%get3A_24, %get3A_25] : memref<1x128xf32, #tpu.memory_space<vmem>>, vector<1x128xf32>
    %mul3A_27 = vector.broadcast %get3A_26 : vector<1x128xf32> to vector<5000x128xf32>
    %mul3A_28 = arith.mulf %add3A_23, %mul3A_27 : vector<5000x128xf32>
    %get3A_29 = arith.constant 0 : index
    %get3A_30 = arith.constant 0 : index
    %get3A_31 = vector.load %arg7[%get3A_29, %get3A_30] : memref<1x128xf32, #tpu.memory_space<vmem>>, vector<1x128xf32>
    %add3A_32 = vector.broadcast %get3A_31 : vector<1x128xf32> to vector<5000x128xf32>
    %add3A_33 = arith.addf %mul3A_28, %add3A_32 : vector<5000x128xf32>
    %max3A = arith.constant 0.000000e+00 : f32
    %max3A_34 = vector.broadcast %max3A : f32 to vector<5000x128xf32>
    %max3A_35 = arith.maximumf %add3A_33, %max3A_34 : vector<5000x128xf32>
    %get3A_36 = arith.constant 0 : index
    %get3A_37 = arith.constant 0 : index
    %get3A_38 = vector.load %arg8[%get3A_36, %get3A_37] : memref<128x128xf32, #tpu.memory_space<vmem>>, vector<128x128xf32>
    %dot_general3A = arith.constant dense<0.000000e+00> : vector<5000x128xf32>
    %dot_general3A_39 = tpu.matmul %max3A_35, %get3A_38, %dot_general3A {dimension_numbers = #tpu.dot_dimension_numbers<[1], [0], [0], [1], [0, 0, 1, 1], [], []>, transpose_lhs_hint = false} : vector<5000x128xf32>, vector<128x128xf32>, vector<5000x128xf32> -> vector<5000x128xf32>
    %swap3A = arith.constant 0 : index
    %swap3A_40 = arith.constant 0 : index
    %swap3A_41 = vector.load %arg9[%swap3A, %swap3A_40] : memref<5000x128xf32, #tpu.memory_space<vmem>>, vector<5000x128xf32>
    tpu.vector_store %arg9[%swap3A, %swap3A_40], %dot_general3A_39 {strides = array<i32>} : memref<5000x128xf32, #tpu.memory_space<vmem>>, vector<5000x128xf32>,
    return
  }
  func.func @transform_0(%arg0: i32) -> (i32, i32) {
    %c0_i32 = arith.constant 0 : i32
    %c0_i32_0 = arith.constant 0 : i32
    return %arg0, %c0_i32 : i32, i32
  }
  func.func @transform_1(%arg0: i32) -> (i32, i32, i32) {
    %c0_i32 = arith.constant 0 : i32
    %c0_i32_0 = arith.constant 0 : i32
    %c0_i32_1 = arith.constant 0 : i32
    return %c0_i32, %arg0, %c0_i32_0 : i32, i32, i32
  }
  func.func @transform_2(%arg0: i32) -> (i32, i32, i32) {
    %c1_i32 = arith.constant 1 : i32
    %c0_i32 = arith.constant 0 : i32
    %c0_i32_0 = arith.constant 0 : i32
    return %c1_i32, %arg0, %c0_i32 : i32, i32, i32
  }
  func.func @transform_3(%arg0: i32) -> (i32, i32) {
    %c0_i32 = arith.constant 0 : i32
    %c0_i32_0 = arith.constant 0 : i32
    %c0_i32_1 = arith.constant 0 : i32
    return %c0_i32, %c0_i32_0 : i32, i32
  }
  func.func @transform_4(%arg0: i32) -> (i32, i32) {
    %c0_i32 = arith.constant 0 : i32
    %c0_i32_0 = arith.constant 0 : i32
    %c0_i32_1 = arith.constant 0 : i32
    return %c0_i32, %c0_i32_0 : i32, i32
  }
  func.func @transform_5(%arg0: i32) -> (i32, i32) {
    %c0_i32 = arith.constant 0 : i32
    %c0_i32_0 = arith.constant 0 : i32
    %c0_i32_1 = arith.constant 0 : i32
    return %c0_i32, %c0_i32_0 : i32, i32
  }
  func.func @transform_6(%arg0: i32) -> (i32, i32) {
    %c0_i32 = arith.constant 0 : i32
    %c0_i32_0 = arith.constant 0 : i32
    %c0_i32_1 = arith.constant 0 : i32
    return %c0_i32, %c0_i32_0 : i32, i32
  }
  func.func @transform_7(%arg0: i32) -> (i32, i32) {
    %c0_i32 = arith.constant 0 : i32
    %c0_i32_0 = arith.constant 0 : i32
    %c0_i32_1 = arith.constant 0 : i32
    return %c0_i32, %c0_i32_0 : i32, i32
  }
  func.func @transform_8(%arg0: i32) -> (i32, i32) {
    %c0_i32 = arith.constant 0 : i32
    %c0_i32_0 = arith.constant 0 : i32
    return %arg0, %c0_i32 : i32, i32
  }
}

module attributes {stable_mosaic.version = 14 : i64} {
  func.func @_final_body(%arg0: i32, %arg1: memref<5000x128xf32, #tpu.memory_space<vmem>>, %arg2: memref<1x5000x128xf32, #tpu.memory_space<vmem>>, %arg3: memref<1x5000x128xf32, #tpu.memory_space<vmem>>, %arg4: memref<1x1xf32, #tpu.memory_space<smem>>, %arg5: memref<1x128xf32, #tpu.memory_space<vmem>>, %arg6: memref<5000x40xf32, #tpu.memory_space<vmem>>) attributes {dimension_semantics = [#tpu.dimension_semantics<arbitrary>], iteration_bounds = array<i64: 2>, scalar_prefetch = 0 : i64, scratch_operands = 0 : i64, tpu.core_type = #tpu.core_type<tc>, window_params = [{transform_indices = @transform_0, window_bounds = array<i64: 5000, 128>}, {transform_indices = @transform_1, window_bounds = array<i64: 1, 5000, 128>}, {transform_indices = @transform_2, window_bounds = array<i64: 1, 5000, 128>}, {transform_indices = @transform_3, window_bounds = array<i64: 1, 1>}, {pipeline_mode = #tpu.pipeline_mode<synchronous>, transform_indices = @transform_4, window_bounds = array<i64: 1, 128>}, {transform_indices = @transform_5, window_bounds = array<i64: 5000, 40>}]} {
    %get3A = arith.constant 0 : index
    %get3A_0 = arith.constant 0 : index
    %get3A_1 = arith.constant 0 : index
    %get3A_2 = vector.load %arg2[%get3A, %get3A_0, %get3A_1] : memref<1x5000x128xf32, #tpu.memory_space<vmem>>, vector<1x5000x128xf32>
    %get3A_3 = vector.shape_cast %get3A_2 : vector<1x5000x128xf32> to vector<5000x128xf32>
    %get3A_4 = arith.constant 0 : index
    %get3A_5 = arith.constant 0 : index
    %get3A_6 = arith.constant 0 : index
    %get3A_7 = vector.load %arg3[%get3A_4, %get3A_5, %get3A_6] : memref<1x5000x128xf32, #tpu.memory_space<vmem>>, vector<1x5000x128xf32>
    %get3A_8 = vector.shape_cast %get3A_7 : vector<1x5000x128xf32> to vector<5000x128xf32>
    %add3A = arith.addf %get3A_3, %get3A_8 : vector<5000x128xf32>
    %get3A_9 = arith.constant 0 : index
    %get3A_10 = arith.constant 0 : index
    %get3A_11 = memref.load %arg4[%get3A_9, %get3A_10] : memref<1x1xf32, #tpu.memory_space<smem>>
    %add3A_12 = arith.constant 1.000000e+00 : f32
    %add3A_13 = arith.addf %add3A_12, %get3A_11 : f32
    %get3A_14 = arith.constant 0 : index
    %get3A_15 = arith.constant 0 : index
    %get3A_16 = vector.load %arg1[%get3A_14, %get3A_15] : memref<5000x128xf32, #tpu.memory_space<vmem>>, vector<5000x128xf32>
    %mul3A = vector.broadcast %add3A_13 : f32 to vector<5000x128xf32>
    %mul3A_17 = arith.mulf %mul3A, %get3A_16 : vector<5000x128xf32>
    %add3A_18 = arith.addf %mul3A_17, %add3A : vector<5000x128xf32>
    %get3A_19 = arith.constant 0 : index
    %get3A_20 = arith.constant 0 : index
    %get3A_21 = vector.load %arg5[%get3A_19, %get3A_20] : memref<1x128xf32, #tpu.memory_space<vmem>>, vector<1x128xf32>
    %add3A_22 = vector.broadcast %get3A_21 : vector<1x128xf32> to vector<5000x128xf32>
    %add3A_23 = arith.addf %add3A_18, %add3A_22 : vector<5000x128xf32>
    %iota3A = tpu.iota {dimensions = array<i32: 1>} : vector<5000x128xi32>
    %lt3A = arith.constant 40 : i32
    %lt3A_24 = vector.broadcast %lt3A : i32 to vector<5000x128xi32>
    %lt3A_25 = arith.cmpi slt, %iota3A, %lt3A_24 : vector<5000x128xi32>
    %jit3A = arith.constant 0xFF800000 : f32
    %broadcast_in_dim3A = vector.broadcast %jit3A : f32 to vector<5000x128xf32>
    %select_n3A = arith.select %lt3A_25, %add3A_23, %broadcast_in_dim3A : vector<5000x128xi1>, vector<5000x128xf32>
    %reduce_max3A = arith.constant dense<0xFF800000> : vector<5000xf32>
    %reduce_max3A_26 = vector.multi_reduction <maximumf>, %select_n3A, %reduce_max3A [1] : vector<5000x128xf32> to vector<5000xf32>
    %broadcast_in_dim3A_27 = vector.shape_cast %reduce_max3A_26 : vector<5000xf32> to vector<5000x1xf32>
    %sub3A = vector.broadcast %broadcast_in_dim3A_27 : vector<5000x1xf32> to vector<5000x128xf32>
    %sub3A_28 = arith.subf %add3A_23, %sub3A : vector<5000x128xf32>
    %exp3A = math.exp %sub3A_28 : vector<5000x128xf32>
    %jit3A_29 = arith.constant 0.000000e+00 : f32
    %broadcast_in_dim3A_30 = vector.broadcast %jit3A_29 : f32 to vector<5000x128xf32>
    %select_n3A_31 = arith.select %lt3A_25, %exp3A, %broadcast_in_dim3A_30 : vector<5000x128xi1>, vector<5000x128xf32>
    %sub3A_32 = vector.broadcast %broadcast_in_dim3A_27 : vector<5000x1xf32> to vector<5000x128xf32>
    %sub3A_33 = arith.subf %add3A_23, %sub3A_32 : vector<5000x128xf32>
    %reduce_sum3A = arith.constant dense<0.000000e+00> : vector<5000xf32>
    %reduce_sum3A_34 = vector.multi_reduction <add>, %select_n3A_31, %reduce_sum3A [1] : vector<5000x128xf32> to vector<5000xf32>
    %broadcast_in_dim3A_35 = vector.shape_cast %reduce_sum3A_34 : vector<5000xf32> to vector<5000x1xf32>
    %log3A = math.log %broadcast_in_dim3A_35 : vector<5000x1xf32>
    %sub3A_36 = vector.broadcast %log3A : vector<5000x1xf32> to vector<5000x128xf32>
    %sub3A_37 = arith.subf %sub3A_33, %sub3A_36 : vector<5000x128xf32>
    %slice3A = vector.extract_strided_slice %sub3A_37 {offsets = [0, 0], sizes = [5000, 40], strides = [1, 1]} : vector<5000x128xf32> to vector<5000x40xf32>
    %swap3A = arith.constant 0 : index
    %swap3A_38 = arith.constant 0 : index
    %swap3A_39 = vector.load %arg6[%swap3A, %swap3A_38] : memref<5000x40xf32, #tpu.memory_space<vmem>>, vector<5000x40xf32>
    tpu.vector_store %arg6[%swap3A, %swap3A_38], %slice3A {strides = array<i32>} : memref<5000x40xf32, #tpu.memory_space<vmem>>, vector<5000x40xf32>,
    return
  }
  func.func @transform_0(%arg0: i32) -> (i32, i32) {
    %c0_i32 = arith.constant 0 : i32
    %c0_i32_0 = arith.constant 0 : i32
    return %arg0, %c0_i32 : i32, i32
  }
  func.func @transform_1(%arg0: i32) -> (i32, i32, i32) {
    %c0_i32 = arith.constant 0 : i32
    %c0_i32_0 = arith.constant 0 : i32
    %c0_i32_1 = arith.constant 0 : i32
    return %c0_i32, %arg0, %c0_i32_0 : i32, i32, i32
  }
  func.func @transform_2(%arg0: i32) -> (i32, i32, i32) {
    %c1_i32 = arith.constant 1 : i32
    %c0_i32 = arith.constant 0 : i32
    %c0_i32_0 = arith.constant 0 : i32
    return %c1_i32, %arg0, %c0_i32 : i32, i32, i32
  }
  func.func @transform_3(%arg0: i32) -> (i32, i32) {
    %c0_i32 = arith.constant 0 : i32
    %c0_i32_0 = arith.constant 0 : i32
    %c0_i32_1 = arith.constant 0 : i32
    return %c0_i32, %c0_i32_0 : i32, i32
  }
  func.func @transform_4(%arg0: i32) -> (i32, i32) {
    %c0_i32 = arith.constant 0 : i32
    %c0_i32_0 = arith.constant 0 : i32
    %c0_i32_1 = arith.constant 0 : i32
    return %c0_i32, %c0_i32_0 : i32, i32
  }
  func.func @transform_5(%arg0: i32) -> (i32, i32) {
    %c0_i32 = arith.constant 0 : i32
    %c0_i32_0 = arith.constant 0 : i32
    return %arg0, %c0_i32 : i32, i32
  }
}

</mosaic_0001>

<sc_bundles>
// kernel: _run.12.cloned.1.call-start
scs
__scs_entry_jumppad:
0x0: {  	(pc) =	sbr.rel $0x88, $3  }
0x1: {  	(tag) =	ssettag $0x0;
	lr =	simm.s32 $0x1  }
0x2: {  	[smem:$0x3F92] =	sst lr;
	_ =	strace $0xD0000000  }
0x3: {  	_ = 	snop  }
0x4: {  	_ = 	snop  }
0x5: {  	_ = 	snop  }
0x6: {  	_ = 	snop  }
0x7: {  	_ = 	snop  }
__scs_overlays_trampoline_lowered:
0x8: {  	[smem:$0x3FA1] =	sst s0  }
0x9: {  	[smem:$0x3FA2] =	sst s1  }
0xa: {  	[smem:$0x3FA3] =	sst s2  }
0xb: {  	[smem:$0x3FA4] =	sst s3  }
0xc: {  	[smem:$0x3FA5] =	sst s4  }
0xd: {  	[smem:$0x3FA6] =	sst s5  }
0xe: {  	[smem:$0x3FA7] =	sst s6  }
0xf: {  	[smem:$0x3FA8] =	sst s7  }
0x10: {  	[smem:$0x3FA9] =	sst s8  }
0x11: {  	[smem:$0x3FAA] =	sst s9;
	s0 =	simm.s32 @!p0 $0x0  }
0x12: {  	s1 =	sld [smem:$0x3F90];
	s0 =	simm.s32 @p0 $0x1  }
0x13: {  	[smem:$0x3FAB] =	sst s0;
	s0 =	simm.s32 @!p1 $0x0  }
0x14: {  	s2 =	sld [smem:$0x3F8F];
	s0 =	simm.s32 @p1 $0x1  }
0x15: {  	[smem:$0x3FAC] =	sst s0;
	s0 =	simm.s32 @!p2 $0x0  }
0x16: {  	s3 =	sld [smem:$0x3FDB];
	s0 =	simm.s32 @p2 $0x1  }
0x17: {  	s4 =	simm.s32 $0x1BF5;
	[smem:$0x3FAE] =	sst s0  }
0x18: {  	s0 =	sld [smem:$0x3F91];
	_ =	swait.ge [sflag:s4], $0x0  }
0x19: {  	s7 =	sld [smem:$0x3F92]  }
0x1a: {  	s8 =	sadd.s32 $0xFFFFE003, lr  }
0x1b: {  	s9 =	sadd.s32 $0xFFFFFEF7, lr;
	s5 =	simm.s32 $0xFFFFFFFF;
	p2 =	slt.u32 s8, $0xFFFFF086  }
0x1c: {  	p1 =	slt.u32 s9, $0xF7A;
	s5 =	simm.s32 @!p2 $0x0  }
0x1d: {  	s5 =	simm.s32 @p1 $0x1;
	p0 =	seq.s32 s7, s2  }
0x1e: {  	s7 =	smul.u32 @!p0 $0xF7A, s2;
	p2 =	seq.s32 @!p0 s5, $0x0  }
0x1f: {  	s9 =	smul.u32 $0xF7A, s1;
	s8 =	simm.s32 @!p0 $0x1BF5;
	p2 =	por !p2, p0  }
0x20: {  	[sflag:s8] =	ssyncset.s32 @!p0 $0xFFFFF086;
	s6 =	sadd.s32 @!p0 s3, s7;
	s7 =	simm.s32 @!p0 $0x108  }
0x21: {  	s3 =	sadd.s32 s3, s9;
	s6 =	sadd.s32 @!p0 $0x88, s6;
	s7 =	simm.s32 @p2 $0x1082  }
0x22: {  	[simem:s7], [sflag:s8] =	dma.local @!p0 [hbm:s6], $0xF7A  }
0x23: {  	s9 =	sor.u32 $0xD0000000, s2;
	s6 =	simm.s32 $0x108;
	_ =	swait.ge @!p0 [sflag:s8], $0x0  }
0x24: {  	s3 =	sadd.s32 $0x88, s3;
	s6 =	simm.s32 @!p1 $0x1082;
	[sflag:s4] =	ssyncset.s32 $0xFFFFF086  }
0x25: {  	[simem:s6], [sflag:s4] =	dma.local [hbm:s3], $0xF7A  }
0x26: {  	[smem:$0x3F92] =	sst s1;
	(tag) =	ssettag s2;
	_ =	strace s9  }
0x27: {  	s1 =	sld [smem:$0x3FA2]  }
0x28: {  	s2 =	sld [smem:$0x3FA3]  }
0x29: {  	s4 =	sld [smem:$0x3FA5]  }
0x2a: {  	p0 =	seq.s32 s5, $0x0;
	s5 =	sld [smem:$0x3FA6]  }
0x2b: {  	s6 =	sld [smem:$0x3FA7]  }
0x2c: {  	s7 =	sld [smem:$0x3FA8]  }
0x2d: {  	s3 =	simm.s32 $0x108;
	s8 =	sld [smem:$0x3FA9]  }
0x2e: {  	s3 =	simm.s32 @!p0 $0x1082;
	s9 =	sld [smem:$0x3FAA]  }
0x2f: {  	lr =	sadd.s32 s0, s3;
	s0 =	sld [smem:$0x3FA1]  }
0x30: {  	s3 =	sld [smem:$0x3FA4]  }
0x31: {  	[smem:$0x3FAD] =	sst s10  }
0x32: {  	s10 =	sld [smem:$0x3FAB];
	_ =	sdelay $0x3  }
0x33: {  	p0 =	seq.s32 s10, $0x1;
	s10 =	sld [smem:$0x3FAD];
	_ =	sdelay $0x3  }
0x34: {  	[smem:$0x3FAD] =	sst s10  }
0x35: {  	s10 =	sld [smem:$0x3FAC];
	_ =	sdelay $0x3  }
0x36: {  	p1 =	seq.s32 s10, $0x1;
	s10 =	sld [smem:$0x3FAD];
	_ =	sdelay $0x3  }
0x37: {  	[smem:$0x3FAD] =	sst s10  }
0x38: {  	s10 =	sld [smem:$0x3FAE]  }
0x39: {  	_ = 	snop;
	(pc) =	sbr.ind lr, $3  }
0x3a: {  	_ = 	snop  }
0x3b: {  	_ = 	snop  }
0x3c: {  	p2 =	seq.s32 s10, $0x1;
	s10 =	sld [smem:$0x3FAD]  }
0x3d: {  	_ =	shalt  }
0x3e: {  	_ =	shalt  }
0x3f: {  	_ =	shalt  }
0x40: {  	_ =	shalt  }
0x41: {  	_ =	shalt  }
0x42: {  	_ =	shalt  }
0x43: {  	_ =	shalt  }
0x44: {  	_ =	shalt  }
0x45: {  	_ =	shalt  }
0x46: {  	_ =	shalt  }
0x47: {  	_ =	shalt  }
0x48: {  	_ =	shalt  }
0x49: {  	_ =	shalt  }
0x4a: {  	_ =	shalt  }
0x4b: {  	_ =	shalt  }
0x4c: {  	_ =	shalt  }
0x4d: {  	_ =	shalt  }
0x4e: {  	_ =	shalt  }
0x4f: {  	_ =	shalt  }
0x50: {  	_ =	shalt  }
0x51: {  	_ =	shalt  }
0x52: {  	_ =	shalt  }
0x53: {  	_ =	shalt  }
0x54: {  	_ =	shalt  }
0x55: {  	_ =	shalt  }
0x56: {  	_ =	shalt  }
0x57: {  	_ =	shalt  }
0x58: {  	_ =	shalt  }
0x59: {  	_ =	shalt  }
0x5a: {  	_ =	shalt  }
0x5b: {  	_ =	shalt  }
0x5c: {  	_ =	shalt  }
0x5d: {  	_ =	shalt  }
0x5e: {  	_ =	shalt  }
0x5f: {  	_ =	shalt  }
0x60: {  	_ =	shalt  }
0x61: {  	_ =	shalt  }
0x62: {  	_ =	shalt  }
0x63: {  	_ =	shalt  }
0x64: {  	_ =	shalt  }
0x65: {  	_ =	shalt  }
0x66: {  	_ =	shalt  }
0x67: {  	_ =	shalt  }
0x68: {  	_ =	shalt  }
0x69: {  	_ =	shalt  }
0x6a: {  	_ =	shalt  }
0x6b: {  	_ =	shalt  }
0x6c: {  	_ =	shalt  }
0x6d: {  	_ =	shalt  }
0x6e: {  	_ =	shalt  }
0x6f: {  	_ =	shalt  }
0x70: {  	_ =	shalt  }
0x71: {  	_ =	shalt  }
0x72: {  	_ =	shalt  }
0x73: {  	_ =	shalt  }
0x74: {  	_ =	shalt  }
0x75: {  	_ =	shalt  }
0x76: {  	_ =	shalt  }
0x77: {  	_ =	shalt  }
0x78: {  	_ =	shalt  }
0x79: {  	_ =	shalt  }
0x7a: {  	_ =	shalt  }
0x7b: {  	_ =	shalt  }
0x7c: {  	_ =	shalt  }
0x7d: {  	_ =	shalt  }
0x7e: {  	_ =	shalt  }
0x7f: {  	_ =	shalt  }
0x80: {  	_ =	shalt  }
0x81: {  	_ =	shalt  }
0x82: {  	_ =	shalt  }
0x83: {  	_ =	shalt  }
0x84: {  	_ =	shalt  }
0x85: {  	_ =	shalt  }
0x86: {  	_ =	shalt  }
0x87: {  	_ =	shalt  }
.Lfunc_end0:
.L_simem_size_0:
called_computation.1_lowered:
.L_overlay_start_0:
0x88: {  	s2 =	sld [smem:$0x3FD9]  }
0x89: {  	s3 =	sld [smem:$0x3FFE];
	_ =	sdelay $0x1  }
0x8a: {  	s1 =	srdreg.scid  }
0x8b: {  	s0 =	sand.u32 $0x1, s1  }
0x8c: {  	s17 =	sshll.u32 s0, $0xA;
	s2 =	sadd.s32 s3, s2  }
0x8d: {  	s2 =	sadd.s32 s2, s17  }
0x8e: {  	[smem:$0x3FB9] =	sst s2  }
0x8f: {  	_ = 	snop  }
0x90: {  	s2 =	sld [smem:$0x3FD0];
	(tm) =	ssettm $0x1  }
0x91: {  	s18 =	sld [smem:$0x3FFB];
	_ =	sdelay $0x3  }
0x92: {  	_ =	strace s18  }
0x93: {  	s3 =	sld [smem:$0x3FFC];
	_ =	sdelay $0x3  }
0x94: {  	_ =	strace s3  }
0x95: {  	s3 =	sld [smem:$0x3FFD];
	_ =	sdelay $0x3  }
0x96: {  	_ =	strace s3  }
0x97: {  	_ =	strace $0x8FFFFFFF  }
0x98: {  	s19 =	sld [smem:$0x3FDB];
	_ =	sdelay $0x1  }
0x99: {  	s4 =	simm.s32 $_scs_section_size  }
0x9a: {  	s5 =	simm.s32 $_size__tile_overlayer_lowered;
	s6 =	simm.s32 $_tile_overlayer_lowered  }
0x9b: {  	s22 =	simm.s32 $0x1BFF;
	s21 =	sshll.u32 s6, $0x1;
	s3 =	sadd.s32 s4, s19  }
0x9c: {  	s7 =	simm.s32 $0x0;
	s20 =	sshll.u32 s5, $0x1;
	s5 =	sadd.s32 s21, s3  }
0x9d: {  	[timem:s7], [sflag:s22] =	dma.local [hbm:s5], s20  }
0x9e: {  	_ =	swait.ge [sflag:s22], s20  }
0x9f: {  	s4 =	ssub.s32 $0x0, s20;
	[sflag:s22] =	ssyncset.done $0x0  }
0xa0: {  	[sflag:s22] =	ssyncadd.s32 s4;
	_ =	sdelay $0x1  }
0xa1: {  	s23 =	simm.s32 $0x1B8B  }
0xa2: {  	_ =	swait.ge [sflag:s23], $0x1  }
0xa3: {  	[sflag:s23] =	ssyncset.done $0x0  }
0xa4: {  	s25 =	simm.s32 $0x1B8E;
	s24 =	sld [smem:$0x3FFE];
	[sflag:s23] =	ssyncadd.s32 $0xFFFFFFFF  }
0xa5: {  	s26 =	simm.s32 $execute0_lowered;
	[smem:$0x3FD2] =	sst s25  }
0xa6: {  	s5 =	sshll.u32 s26, $0x1;
	_ =	strace $0x80000049;
	[dreg:$0x1] =	wrdreg $0xFFFFFFFF  }
0xa7: {  	s28 =	simm.s32 $_size_execute0_lowered;
	s3 =	sadd.s32 s3, s5;
	[dreg:$0x0] =	wrdreg $0x0  }
0xa8: {  	s5 =	sshll.u32 s28, $0x1;
	[dreg:$0x2] =	wrdreg s3  }
0xa9: {  	[dreg:$0x3] =	wrdreg s5  }
0xaa: {  	[dreg:$0x4] =	wrdreg $0xC0  }
0xab: {  	_ =	task [dreg:s7], $0x5FFFF  }
0xac: {  	[dreg:$0x1] =	wrdreg $0xFFFFFFFF  }
0xad: {  	[dreg:$0x0] =	wrdreg $0x60  }
0xae: {  	[dreg:$0x2] =	wrdreg s24  }
0xaf: {  	[dreg:$0x3] =	wrdreg s2  }
0xb0: {  	[dreg:$0x4] =	wrdreg $0x90000  }
0xb1: {  	[dreg:$0x5] =	wrdreg $0x9  }
0xb2: {  	_ =	task.clear_ibuf [dreg:s7], $0x6FFFF;
	_ =	strace $0x90000049  }
0xb3: {  	s29 =	simm.s32 $0x9;
	_ =	strace $0x8000004B  }
0xb4: {  	_ =	swait.ge [sflag:s29], $0x1  }
0xb5: {  	[sflag:s29] =	ssyncadd.s32 $0xFFFFFFFF  }
0xb6: {  	_ =	strace $0x9000004B  }
0xb7: {  	_ =	sfence  }
0xb8: {  	s30 =	sld [smem:$0x0];
	_ =	sdelay $0x2  }
0xb9: {  	s31 =	sshll.u32 s1, $0xD;
	s1 =	sshrl.u32 s1, $0x2  }
0xba: {  	s3 =	sand.u32 $0x4000, s31;
	s1 =	sadd.s32 s1, s30  }
0xbb: {  	s0 =	sor.u32 s3, s0;
	s1 =	sshll.u32 s1, $0x11  }
0xbc: {  	s0 =	sor.u32 s1, s0  }
0xbd: {  	s0 =	sadd.s32 $0x8F2B, s0  }
0xbe: {  	[sflag:s0] =	ssyncadd.remote.s32 $0x1  }
0xbf: {  	_ =	sfence.sel $0xFFFF  }
0xc0: {  	[dreg:$0x0] =	wrdreg $0xFFFFFFFF;
	(pc) =	sbr.abs _section_cstart, $3  }
0xc1: {  	[dreg:$0x1] =	wrdreg $0xFFFFFFFF  }
0xc2: {  	_ =	task.clear_ibuf [dreg:s7], $0x2FFFF;
	_ =	strace $0x9FFFFFFF  }
0xc3: {  	(tm) =	ssettm $0x7FFFFFFF  }
tec
execute0_lowered:
.L_overlay_start_1:
0x0: {  	(tag) =	ssettag $0x1  }
0x1: {  	s0 =	rddreg [dreg:$0x0]  }
0x2: {  	s2 =	rddreg [dreg:$0x1];
	s1 =	srdreg.scid  }
0x3: {  	s3 =	rddreg [dreg:$0x2];
	s10 =	stileid.u32  }
0x4: {  	s4 =	simm.s32 $0x0;
	s26 =	simm.s32 $0x100;
	s12 =	simm.s32 $0x180  }
0x5: {  	s13 =	simm.s32 $0x900;
	s14 =	simm.s32 $0x200;
	[smem:$0x7FF] =	sst s4  }
0x6: {  	s16 =	simm.s32 $0x980;
	_ =	strace $0x8000004A;
	[dreg:$0x6] =	wrdreg s26  }
0x7: {  	s17 =	simm.s32 $0x280;
	s19 =	simm.s32 $0xA00;
	[dreg:$0x8] =	wrdreg s12  }
0x8: {  	s21 =	simm.s32 $0x300;
	s23 =	simm.s32 $0xA80;
	[dreg:$0x9] =	wrdreg s13  }
0x9: {  	s28 =	simm.s32 $0x5;
	s29 =	simm.s32 $0x6;
	[dreg:$0xa] =	wrdreg s14  }
0xa: {  	s30 =	simm.s32 $0x2;
	s31 =	simm.s32 $0x4;
	[dreg:$0xb] =	wrdreg s16  }
0xb: {  	s1 =	sand.u32 $0x1, s1;
	s8 =	smul.u32 $0x14000, s10;
	[dreg:$0xc] =	wrdreg s17  }
0xc: {  	s5 =	sshll.u32 s10, $0x1;
	s10 =	smul.u32 $0x50000, s10;
	[dreg:$0xd] =	wrdreg s19  }
0xd: {  	s6 =	sadd.s32 $0x2A600, s0;
	s7 =	smul.u32 $0x140000, s1;
	[dreg:$0xe] =	wrdreg s21  }
0xe: {  	s5 =	sor.u32 s1, s5;
	[dreg:$0xf] =	wrdreg s23;
	s26 =	simm.s32 $0xB00  }
0xf: {  	s1 =	ssub.s32 $0x2, s1;
	s12 =	simm.s32 $0xB80;
	[dreg:$0x11] =	wrdreg s26  }
0x10: {  	s14 =	simm.s32 $0x480;
	s16 =	simm.s32 $0xC80;
	[dreg:$0x12] =	wrdreg s12  }
0x11: {  	s17 =	simm.s32 $0x580;
	s19 =	simm.s32 $0x600;
	[dreg:$0x13] =	wrdreg s14  }
0x12: {  	s21 =	simm.s32 $0x680;
	s23 =	simm.s32 $0x700;
	[dreg:$0x15] =	wrdreg s16  }
0x13: {  	s9 =	smul.u32 $0x2800, s5;
	s5 =	sadd.s32 $0x3400, s0;
	[dreg:$0x16] =	wrdreg s17  }
0x14: {  	s11 =	sshrl.u32 s1, $0x1;
	s15 =	sshrl.u32 s10, $0x2;
	[dreg:$0x18] =	wrdreg s19  }
0x15: {  	s19 =	simm.s32 $0x7;
	[dreg:$0x1a] =	wrdreg s21;
	s21 =	simm.s32 $0x400  }
0x16: {  	[dreg:$0x1c] =	wrdreg s23;
	s23 =	simm.s32 $0x1;
	s26 =	simm.s32 $0xF00  }
0x17: {  	s7 =	sadd.s32 s8, s7;
	s8 =	simm.s32 $0x880;
	s1 =	ssub.s32 s1, s11  }
0x18: {  	[dreg:$0x1f] =	wrdreg s26;
	s26 =	simm.s32 $0x3;
	s24 =	sadd.s32 $0x800, s9  }
0x19: {  	s7 =	sshrl.u32 s7, $0x3;
	s25 =	sadd.s32 $0xC00, s9;
	[dreg:$0x7] =	wrdreg s8  }
0x1a: {  	s9 =	sshrl.u32 s9, $0x3;
	s17 =	smax.u32 s1, $0x1;
	[dreg:$0x4] =	wrdreg s24  }
0x1b: {  	s1 =	simm.s32 $0x0;
	[dreg:$0x5] =	wrdreg s25;
	s25 =	simm.s32 $0x380  }
0x1c: {  	s0 =	sadd.s32 s7, s0;
	s11 =	sadd.s32 s2, s9;
	[dreg:$0x10] =	wrdreg s25  }
0x1d: {  	s7 =	sadd.s32 s15, s3;
	s15 =	simm.s32 $0x500;
	[smem:$0x7FD] =	sst s11  }
0x1e: {  	s13 =	sadd.s32 s6, s9;
	s18 =	sadd.s32 $0x4000, s7;
	[dreg:$0x14] =	wrdreg s15  }
0x1f: {  	s9 =	sor.u32 $0x80, s9;
	s20 =	sadd.s32 $0x8000, s7;
	[smem:$0x7F9] =	sst s18  }
0x20: {  	s22 =	sadd.s32 $0xC000, s7;
	s24 =	sadd.s32 $0x10000, s7;
	[smem:$0x7FA] =	sst s20  }
0x21: {  	s14 =	sadd.s32 s2, s9;
	s15 =	sadd.s32 s6, s9;
	[smem:$0x7FB] =	sst s22  }
0x22: {  	s16 =	sadd.s32 $0x34600, s0;
	s25 =	simm.s32 $0x780;
	[smem:$0x7FC] =	sst s24  }
0x23: {  	s0 =	simm.s32 $0xF80;
	s18 =	simm.s32 $0xD00;
	[dreg:$0x1e] =	wrdreg s25  }
0x24: {  	s20 =	simm.s32 $0xD80;
	s22 =	simm.s32 $0xE00;
	[dreg:$0x17] =	wrdreg s18  }
0x25: {  	s24 =	simm.s32 $0xE80;
	s25 =	simm.s32 $0x5000;
	[dreg:$0x19] =	wrdreg s20  }
0x26: {  	s18 =	simm.s32 $0x1000;
	s20 =	simm.s32 $0x800;
	[dreg:$0x1b] =	wrdreg s22  }
0x27: {  	v0 =	vimm.f32 $0.0e+00;
	s22 =	simm.s32 $0xC00;
	[dreg:$0x1d] =	wrdreg s24;
	s24 =	simm.s32 $0x80  }
.LBB2_1:
0x28: {  	s8 =	simm.s32 $0x0;
	s9 =	simm.s32 $0x200  }
.LBB2_2:
0x29: {  	p0 =	sne.s32 s9, $0xFE00;
	[tilespmem:s8+$0x1070] =	vst v0  }
0x2a: {  	[tilespmem:s8+$0x1000] =	vst v0  }
0x2b: {  	[tilespmem:s8+$0x1010] =	vst v0  }
.Ltmp0:
0x2c: {  	[tilespmem:s8+$0x1020] =	vst v0;
	(pc) =	sbr.rel @p0 .LBB2_2-.Ltmp0, $4  }
0x2d: {  	[tilespmem:s8+$0x1030] =	vst v0  }
0x2e: {  	[tilespmem:s8+$0x1040] =	vst v0  }
0x2f: {  	[tilespmem:s8+$0x1050] =	vst v0  }
0x30: {  	[tilespmem:s8+$0x1060] =	vst v0;
	s8 =	sshra.s32 s9, $0x2;
	s9 =	sadd.s32 $0x200, s9  }
0x31: {  	[tilespmem:s8+$0x1070] =	vst v0  }
0x32: {  	[tilespmem:s8+$0x1000] =	vst v0  }
0x33: {  	[tilespmem:s8+$0x1010] =	vst v0  }
0x34: {  	[tilespmem:s8+$0x1020] =	vst v0  }
0x35: {  	[tilespmem:s8+$0x1030] =	vst v0  }
0x36: {  	[tilespmem:s8+$0x1040] =	vst v0  }
0x37: {  	[tilespmem:s8+$0x1050] =	vst v0  }
0x38: {  	[tilespmem:s8+$0x1060] =	vst v0  }
0x39: {  	[spmem:s7] =	stream.linear.scatter [tilespmem:s18], [sflag:$0x7], $0x4000, $0x38;
	[tilespmem:$0x1D000] =	vst v63  }
0x3a: {  	_ =	swait.ge [sflag:s19], $0x4000  }
0x3b: {  	s11 =	sld [smem:$0x7F9]  }
0x3c: {  	[sflag:s19] =	ssyncset.done $0x0  }
0x3d: {  	[sflag:s19] =	ssyncadd.s32 $0xFFFFC000  }
0x3e: {  	[spmem:s11] =	stream.linear.scatter [tilespmem:s18], [sflag:$0x7], $0x4000, $0x38;
	[tilespmem:$0x1D000] =	vst v63  }
0x3f: {  	_ =	swait.ge [sflag:s19], $0x4000  }
0x40: {  	s12 =	sld [smem:$0x7FA]  }
0x41: {  	[sflag:s19] =	ssyncset.done $0x0  }
0x42: {  	[sflag:s19] =	ssyncadd.s32 $0xFFFFC000  }
0x43: {  	[spmem:s12] =	stream.linear.scatter [tilespmem:s18], [sflag:$0x7], $0x4000, $0x38;
	[tilespmem:$0x1D000] =	vst v63  }
0x44: {  	_ =	swait.ge [sflag:s19], $0x4000  }
0x45: {  	s9 =	sld [smem:$0x7FB]  }
0x46: {  	[sflag:s19] =	ssyncset.done $0x0  }
0x47: {  	[sflag:s19] =	ssyncadd.s32 $0xFFFFC000  }
0x48: {  	[spmem:s9] =	stream.linear.scatter [tilespmem:s18], [sflag:$0x7], $0x4000, $0x38;
	[tilespmem:$0x1D000] =	vst v63  }
0x49: {  	_ =	swait.ge [sflag:s19], $0x4000  }
0x4a: {  	s10 =	sld [smem:$0x7FC]  }
0x4b: {  	[sflag:s19] =	ssyncset.done $0x0  }
0x4c: {  	[sflag:s19] =	ssyncadd.s32 $0xFFFFC000  }
0x4d: {  	[spmem:s10] =	stream.linear.scatter [tilespmem:s18], [sflag:$0x7], $0x4000, $0x38;
	[tilespmem:$0x1D000] =	vst v63  }
0x4e: {  	_ =	swait.ge [sflag:s19], $0x4000  }
0x4f: {  	[sflag:s19] =	ssyncset.done $0x0  }
0x50: {  	[sflag:s19] =	ssyncadd.s32 $0xFFFFC000  }
0x51: {  	[bflag:$0x0] =	sbarrier.arrive $0xFFFF  }
0x52: {  	s9 =	sld [smem:$0x7FD];
	_ =	sdelay $0x1  }
0x53: {  	s8 =	simm.s32 $0x0  }
0x54: {  	[tilespmem:s8], [sflag:$0x1] =	stream.linear.gather [hbm4b:s9+s8], $0x400, $0x38;
	[tilespmem:$0x1D000] =	vst v63  }
0x55: {  	_ = 	snop  }
0x56: {  	[tilespmem:s20], [sflag:$0x3] =	stream.linear.gather [hbm4b:s13+s8], $0x400, $0x38;
	[tilespmem:$0x1D000] =	vst v63  }
0x57: {  	_ = 	snop  }
0x58: {  	[tilespmem:s21], [sflag:$0x2] =	stream.linear.gather [hbm4b:s14+s8], $0x400, $0x38;
	[tilespmem:$0x1D000] =	vst v63  }
0x59: {  	_ = 	snop  }
0x5a: {  	[tilespmem:s22], [sflag:$0x4] =	stream.linear.gather [hbm4b:s15+s8], $0x400, $0x38;
	[tilespmem:$0x1D000] =	vst v63  }
0x5b: {  	_ =	swait.ge [sflag:s23], $0x400  }
0x5c: {  	[sflag:s23] =	ssyncset.done $0x0  }
0x5d: {  	[sflag:s23] =	ssyncadd.s32 $0xFFFFFC00  }
0x5e: {  	[tilespmem:s18], [sflag:$0x5] =	stream.indirect.gather [hbm4b:s5+s24], $0x80, s8, s24, $0xb8;
	[tilespmem:$0x1D000] =	vst v63  }
0x5f: {  	_ = 	snop  }
0x60: {  	[tilespmem:s25], [sflag:$0x6] =	stream.indirect.gather [hbm4b:s5+s24], $0x80, s24, s24, $0xb8;
	[tilespmem:$0x1D000] =	vst v63  }
0x61: {  	_ =	swait.ge [sflag:s26], $0x400  }
0x62: {  	[sflag:s26] =	ssyncset.done $0x0  }
0x63: {  	[sflag:s26] =	ssyncadd.s32 $0xFFFFFC00  }
0x64: {  	_ =	swait.ge [sflag:s28], $0x4000  }
0x65: {  	[sflag:s28] =	ssyncset.done $0x0  }
0x66: {  	[sflag:s28] =	ssyncadd.s32 $0xFFFFC000  }
0x67: {  	[spmem:s3] =	stream.indirect.scatter.add.f32 [tilespmem:s18], [sflag:$0x7], $0x80, s20, s24, $0xb8;
	[tilespmem:$0x1D000] =	vst v63  }
0x68: {  	_ =	swait.ge [sflag:s19], $0x4000  }
0x69: {  	[sflag:s19] =	ssyncset.done $0x0  }
0x6a: {  	s11 =	rddreg [dreg:$0x6];
	[sflag:s19] =	ssyncadd.s32 $0xFFFFC000  }
0x6b: {  	[tilespmem:s18], [sflag:$0x5] =	stream.indirect.gather [hbm4b:s5+s24], $0x80, s11, s24, $0xb8;
	[tilespmem:$0x1D000] =	vst v63  }
0x6c: {  	_ =	swait.ge [sflag:s29], $0x4000  }
0x6d: {  	[sflag:s29] =	ssyncset.done $0x0  }
0x6e: {  	s12 =	rddreg [dreg:$0x7];
	[sflag:s29] =	ssyncadd.s32 $0xFFFFC000  }
0x6f: {  	[spmem:s3] =	stream.indirect.scatter.add.f32 [tilespmem:s25], [sflag:$0x7], $0x80, s12, s24, $0xb8;
	[tilespmem:$0x1D000] =	vst v63  }
0x70: {  	_ =	swait.ge [sflag:s19], $0x4000  }
0x71: {  	[sflag:s19] =	ssyncset.done $0x0  }
0x72: {  	s10 =	rddreg [dreg:$0x8];
	[sflag:s19] =	ssyncadd.s32 $0xFFFFC000  }
0x73: {  	[tilespmem:s25], [sflag:$0x6] =	stream.indirect.gather [hbm4b:s5+s24], $0x80, s10, s24, $0xb8;
	[tilespmem:$0x1D000] =	vst v63  }
0x74: {  	_ =	swait.ge [sflag:s28], $0x4000  }
0x75: {  	[sflag:s28] =	ssyncset.done $0x0  }
0x76: {  	s11 =	rddreg [dreg:$0x9];
	[sflag:s28] =	ssyncadd.s32 $0xFFFFC000  }
0x77: {  	[spmem:s3] =	stream.indirect.scatter.add.f32 [tilespmem:s18], [sflag:$0x7], $0x80, s11, s24, $0xb8;
	[tilespmem:$0x1D000] =	vst v63  }
0x78: {  	_ =	swait.ge [sflag:s19], $0x4000  }
0x79: {  	[sflag:s19] =	ssyncset.done $0x0  }
0x7a: {  	s12 =	rddreg [dreg:$0xa];
	[sflag:s19] =	ssyncadd.s32 $0xFFFFC000  }
0x7b: {  	[tilespmem:s18], [sflag:$0x5] =	stream.indirect.gather [hbm4b:s5+s24], $0x80, s12, s24, $0xb8;
	[tilespmem:$0x1D000] =	vst v63  }
0x7c: {  	_ =	swait.ge [sflag:s29], $0x4000  }
0x7d: {  	[sflag:s29] =	ssyncset.done $0x0  }
0x7e: {  	s10 =	rddreg [dreg:$0xb];
	[sflag:s29] =	ssyncadd.s32 $0xFFFFC000  }
0x7f: {  	[spmem:s3] =	stream.indirect.scatter.add.f32 [tilespmem:s25], [sflag:$0x7], $0x80, s10, s24, $0xb8;
	[tilespmem:$0x1D000] =	vst v63  }
0x80: {  	_ =	swait.ge [sflag:s19], $0x4000  }
0x81: {  	[sflag:s19] =	ssyncset.done $0x0  }
0x82: {  	s11 =	rddreg [dreg:$0xc];
	[sflag:s19] =	ssyncadd.s32 $0xFFFFC000  }
0x83: {  	[tilespmem:s25], [sflag:$0x6] =	stream.indirect.gather [hbm4b:s5+s24], $0x80, s11, s24, $0xb8;
	[tilespmem:$0x1D000] =	vst v63  }
0x84: {  	_ =	swait.ge [sflag:s28], $0x4000  }
0x85: {  	[sflag:s28] =	ssyncset.done $0x0  }
0x86: {  	s12 =	rddreg [dreg:$0xd];
	[sflag:s28] =	ssyncadd.s32 $0xFFFFC000  }
0x87: {  	[spmem:s3] =	stream.indirect.scatter.add.f32 [tilespmem:s18], [sflag:$0x7], $0x80, s12, s24, $0xb8;
	[tilespmem:$0x1D000] =	vst v63  }
0x88: {  	_ =	swait.ge [sflag:s19], $0x4000  }
0x89: {  	[sflag:s19] =	ssyncset.done $0x0  }
0x8a: {  	s10 =	rddreg [dreg:$0xe];
	[sflag:s19] =	ssyncadd.s32 $0xFFFFC000  }
0x8b: {  	[tilespmem:s18], [sflag:$0x5] =	stream.indirect.gather [hbm4b:s5+s24], $0x80, s10, s24, $0xb8;
	[tilespmem:$0x1D000] =	vst v63  }
0x8c: {  	_ =	swait.ge [sflag:s29], $0x4000  }
0x8d: {  	[sflag:s29] =	ssyncset.done $0x0  }
0x8e: {  	s11 =	rddreg [dreg:$0xf];
	[sflag:s29] =	ssyncadd.s32 $0xFFFFC000  }
0x8f: {  	[spmem:s3] =	stream.indirect.scatter.add.f32 [tilespmem:s25], [sflag:$0x7], $0x80, s11, s24, $0xb8;
	[tilespmem:$0x1D000] =	vst v63  }
0x90: {  	_ =	swait.ge [sflag:s19], $0x4000  }
0x91: {  	[sflag:s19] =	ssyncset.done $0x0  }
0x92: {  	s12 =	rddreg [dreg:$0x10];
	[sflag:s19] =	ssyncadd.s32 $0xFFFFC000  }
0x93: {  	[tilespmem:s25], [sflag:$0x6] =	stream.indirect.gather [hbm4b:s5+s24], $0x80, s12, s24, $0xb8;
	[tilespmem:$0x1D000] =	vst v63  }
0x94: {  	_ =	swait.ge [sflag:s28], $0x4000  }
0x95: {  	[sflag:s28] =	ssyncset.done $0x0  }
0x96: {  	s10 =	rddreg [dreg:$0x11];
	[sflag:s28] =	ssyncadd.s32 $0xFFFFC000  }
0x97: {  	[spmem:s3] =	stream.indirect.scatter.add.f32 [tilespmem:s18], [sflag:$0x7], $0x80, s10, s24, $0xb8;
	[tilespmem:$0x1D000] =	vst v63  }
0x98: {  	_ =	swait.ge [sflag:s19], $0x4000  }
0x99: {  	[sflag:s19] =	ssyncset.done $0x0  }
0x9a: {  	[sflag:s19] =	ssyncadd.s32 $0xFFFFC000  }
0x9b: {  	_ =	swait.ge [sflag:s30], $0x400  }
0x9c: {  	[sflag:s30] =	ssyncset.done $0x0  }
0x9d: {  	[sflag:s30] =	ssyncadd.s32 $0xFFFFFC00  }
0x9e: {  	[tilespmem:s18], [sflag:$0x5] =	stream.indirect.gather [hbm4b:s5+s24], $0x80, s21, s24, $0xb8;
	[tilespmem:$0x1D000] =	vst v63  }
0x9f: {  	_ =	swait.ge [sflag:s29], $0x4000  }
0xa0: {  	[sflag:s29] =	ssyncset.done $0x0  }
0xa1: {  	s11 =	rddreg [dreg:$0x12];
	[sflag:s29] =	ssyncadd.s32 $0xFFFFC000  }
0xa2: {  	[spmem:s3] =	stream.indirect.scatter.add.f32 [tilespmem:s25], [sflag:$0x7], $0x80, s11, s24, $0xb8;
	[tilespmem:$0x1D000] =	vst v63  }
0xa3: {  	s10 =	smin.u32 s8, $0x7;
	_ =	swait.ge [sflag:s19], $0x4000  }
0xa4: {  	s10 =	sshll.u32 s10, $0xA;
	s12 =	rddreg [dreg:$0x4]  }
0xa5: {  	[sflag:s19] =	ssyncset.done $0x0;
	s9 =	sadd.s32 s10, s12  }
0xa6: {  	s11 =	rddreg [dreg:$0x13];
	[sflag:s19] =	ssyncadd.s32 $0xFFFFC000;
	s9 =	sshrl.u32 s9, $0x3  }
0xa7: {  	[tilespmem:s25], [sflag:$0x6] =	stream.indirect.gather [hbm4b:s5+s24], $0x80, s11, s24, $0xb8;
	[tilespmem:$0x1D000] =	vst v63  }
0xa8: {  	s12 =	sadd.s32 s2, s9  }
0xa9: {  	[tilespmem:s4], [sflag:$0x1] =	stream.linear.gather [hbm4b:s12+s4], $0x400, $0x38;
	[tilespmem:$0x1D000] =	vst v63  }
0xaa: {  	s9 =	sadd.s32 s6, s9  }
0xab: {  	[tilespmem:s20], [sflag:$0x3] =	stream.linear.gather [hbm4b:s9+s4], $0x400, $0x38;
	[tilespmem:$0x1D000] =	vst v63  }
0xac: {  	_ =	swait.ge [sflag:s31], $0x400  }
0xad: {  	[sflag:s31] =	ssyncset.done $0x0  }
0xae: {  	[sflag:s31] =	ssyncadd.s32 $0xFFFFFC00  }
0xaf: {  	_ =	swait.ge [sflag:s28], $0x4000  }
0xb0: {  	[sflag:s28] =	ssyncset.done $0x0  }
0xb1: {  	[sflag:s28] =	ssyncadd.s32 $0xFFFFC000  }
0xb2: {  	[spmem:s3] =	stream.indirect.scatter.add.f32 [tilespmem:s18], [sflag:$0x7], $0x80, s22, s24, $0xb8;
	[tilespmem:$0x1D000] =	vst v63  }
0xb3: {  	_ =	swait.ge [sflag:s19], $0x4000  }
0xb4: {  	[sflag:s19] =	ssyncset.done $0x0  }
0xb5: {  	s11 =	rddreg [dreg:$0x14];
	[sflag:s19] =	ssyncadd.s32 $0xFFFFC000  }
0xb6: {  	[tilespmem:s18], [sflag:$0x5] =	stream.indirect.gather [hbm4b:s5+s24], $0x80, s11, s24, $0xb8;
	[tilespmem:$0x1D000] =	vst v63  }
0xb7: {  	_ =	swait.ge [sflag:s29], $0x4000  }
0xb8: {  	[sflag:s29] =	ssyncset.done $0x0  }
0xb9: {  	s12 =	rddreg [dreg:$0x15];
	[sflag:s29] =	ssyncadd.s32 $0xFFFFC000  }
0xba: {  	[spmem:s3] =	stream.indirect.scatter.add.f32 [tilespmem:s25], [sflag:$0x7], $0x80, s12, s24, $0xb8;
	[tilespmem:$0x1D000] =	vst v63  }
0xbb: {  	_ =	swait.ge [sflag:s19], $0x4000  }
0xbc: {  	[sflag:s19] =	ssyncset.done $0x0  }
0xbd: {  	s10 =	rddreg [dreg:$0x16];
	[sflag:s19] =	ssyncadd.s32 $0xFFFFC000  }
0xbe: {  	[tilespmem:s25], [sflag:$0x6] =	stream.indirect.gather [hbm4b:s5+s24], $0x80, s10, s24, $0xb8;
	[tilespmem:$0x1D000] =	vst v63  }
0xbf: {  	_ =	swait.ge [sflag:s28], $0x4000  }
0xc0: {  	[sflag:s28] =	ssyncset.done $0x0  }
0xc1: {  	s11 =	rddreg [dreg:$0x17];
	[sflag:s28] =	ssyncadd.s32 $0xFFFFC000  }
0xc2: {  	[spmem:s3] =	stream.indirect.scatter.add.f32 [tilespmem:s18], [sflag:$0x7], $0x80, s11, s24, $0xb8;
	[tilespmem:$0x1D000] =	vst v63  }
0xc3: {  	_ =	swait.ge [sflag:s19], $0x4000  }
0xc4: {  	[sflag:s19] =	ssyncset.done $0x0  }
0xc5: {  	s12 =	rddreg [dreg:$0x18];
	[sflag:s19] =	ssyncadd.s32 $0xFFFFC000  }
0xc6: {  	[tilespmem:s18], [sflag:$0x5] =	stream.indirect.gather [hbm4b:s5+s24], $0x80, s12, s24, $0xb8;
	[tilespmem:$0x1D000] =	vst v63  }
0xc7: {  	_ =	swait.ge [sflag:s29], $0x4000  }
0xc8: {  	[sflag:s29] =	ssyncset.done $0x0  }
0xc9: {  	s10 =	rddreg [dreg:$0x19];
	[sflag:s29] =	ssyncadd.s32 $0xFFFFC000  }
0xca: {  	[spmem:s3] =	stream.indirect.scatter.add.f32 [tilespmem:s25], [sflag:$0x7], $0x80, s10, s24, $0xb8;
	[tilespmem:$0x1D000] =	vst v63  }
0xcb: {  	_ =	swait.ge [sflag:s19], $0x4000  }
0xcc: {  	[sflag:s19] =	ssyncset.done $0x0  }
0xcd: {  	s11 =	rddreg [dreg:$0x1a];
	[sflag:s19] =	ssyncadd.s32 $0xFFFFC000  }
0xce: {  	[tilespmem:s25], [sflag:$0x6] =	stream.indirect.gather [hbm4b:s5+s24], $0x80, s11, s24, $0xb8;
	[tilespmem:$0x1D000] =	vst v63  }
0xcf: {  	_ =	swait.ge [sflag:s28], $0x4000  }
0xd0: {  	[sflag:s28] =	ssyncset.done $0x0  }
0xd1: {  	s12 =	rddreg [dreg:$0x1b];
	[sflag:s28] =	ssyncadd.s32 $0xFFFFC000  }
0xd2: {  	[spmem:s3] =	stream.indirect.scatter.add.f32 [tilespmem:s18], [sflag:$0x7], $0x80, s12, s24, $0xb8;
	[tilespmem:$0x1D000] =	vst v63  }
0xd3: {  	_ =	swait.ge [sflag:s19], $0x4000  }
0xd4: {  	[sflag:s19] =	ssyncset.done $0x0  }
0xd5: {  	s10 =	rddreg [dreg:$0x1c];
	[sflag:s19] =	ssyncadd.s32 $0xFFFFC000  }
0xd6: {  	[tilespmem:s18], [sflag:$0x5] =	stream.indirect.gather [hbm4b:s5+s24], $0x80, s10, s24, $0xb8;
	[tilespmem:$0x1D000] =	vst v63  }
0xd7: {  	_ =	swait.ge [sflag:s29], $0x4000  }
0xd8: {  	[sflag:s29] =	ssyncset.done $0x0  }
0xd9: {  	s11 =	rddreg [dreg:$0x1d];
	[sflag:s29] =	ssyncadd.s32 $0xFFFFC000  }
0xda: {  	[spmem:s3] =	stream.indirect.scatter.add.f32 [tilespmem:s25], [sflag:$0x7], $0x80, s11, s24, $0xb8;
	[tilespmem:$0x1D000] =	vst v63  }
0xdb: {  	_ =	swait.ge [sflag:s19], $0x4000  }
0xdc: {  	[sflag:s19] =	ssyncset.done $0x0  }
0xdd: {  	s12 =	rddreg [dreg:$0x1e];
	[sflag:s19] =	ssyncadd.s32 $0xFFFFC000  }
0xde: {  	[tilespmem:s25], [sflag:$0x6] =	stream.indirect.gather [hbm4b:s5+s24], $0x80, s12, s24, $0xb8;
	[tilespmem:$0x1D000] =	vst v63  }
0xdf: {  	_ =	swait.ge [sflag:s28], $0x4000  }
0xe0: {  	[sflag:s28] =	ssyncset.done $0x0  }
0xe1: {  	s10 =	rddreg [dreg:$0x1f];
	[sflag:s28] =	ssyncadd.s32 $0xFFFFC000  }
0xe2: {  	[spmem:s3] =	stream.indirect.scatter.add.f32 [tilespmem:s18], [sflag:$0x7], $0x80, s10, s24, $0xb8;
	[tilespmem:$0x1D000] =	vst v63  }
0xe3: {  	_ =	swait.ge [sflag:s19], $0x4000  }
0xe4: {  	[sflag:s19] =	ssyncset.done $0x0  }
0xe5: {  	[sflag:s19] =	ssyncadd.s32 $0xFFFFC000  }
0xe6: {  	_ =	swait.ge [sflag:s23], $0x400  }
0xe7: {  	[sflag:s23] =	ssyncset.done $0x0  }
0xe8: {  	[sflag:s23] =	ssyncadd.s32 $0xFFFFFC00  }
0xe9: {  	[tilespmem:s18], [sflag:$0x5] =	stream.indirect.gather [hbm4b:s5+s24], $0x80, s4, s24, $0xb8;
	[tilespmem:$0x1D000] =	vst v63  }
0xea: {  	_ =	swait.ge [sflag:s29], $0x4000  }
0xeb: {  	[sflag:s29] =	ssyncset.done $0x0  }
0xec: {  	[sflag:s29] =	ssyncadd.s32 $0xFFFFC000  }
0xed: {  	[spmem:s3] =	stream.indirect.scatter.add.f32 [tilespmem:s25], [sflag:$0x7], $0x80, s0, s24, $0xb8;
	[tilespmem:$0x1D000] =	vst v63  }
0xee: {  	s8 =	smin.u32 s8, $0x6;
	_ =	swait.ge [sflag:s19], $0x4000  }
0xef: {  	s8 =	sshll.u32 s8, $0xA;
	[sflag:s19] =	ssyncset.done $0x0;
	s11 =	rddreg [dreg:$0x5]  }
0xf0: {  	[sflag:s19] =	ssyncadd.s32 $0xFFFFC000;
	s8 =	sadd.s32 s8, s11  }
0xf1: {  	[tilespmem:s25], [sflag:$0x6] =	stream.indirect.gather [hbm4b:s5+s24], $0x80, s24, s24, $0xb8;
	[tilespmem:$0x1D000] =	vst v63  }
0xf2: {  	s8 =	sshrl.u32 s8, $0x3  }
0xf3: {  	s12 =	sadd.s32 s2, s8  }
0xf4: {  	[tilespmem:s21], [sflag:$0x2] =	stream.linear.gather [hbm4b:s12+s4], $0x400, $0x38;
	[tilespmem:$0x1D000] =	vst v63  }
0xf5: {  	s8 =	sadd.s32 s6, s8  }
0xf6: {  	[tilespmem:s22], [sflag:$0x4] =	stream.linear.gather [hbm4b:s8+s4], $0x400, $0x38;
	[tilespmem:$0x1D000] =	vst v63  }
0xf7: {  	s8 =	simm.s32 $0x2  }
.LBB2_4:
0xf8: {  	_ =	swait.ge [sflag:s26], $0x400  }
0xf9: {  	[sflag:s26] =	ssyncset.done $0x0  }
0xfa: {  	[sflag:s26] =	ssyncadd.s32 $0xFFFFFC00  }
0xfb: {  	_ =	swait.ge [sflag:s28], $0x4000  }
0xfc: {  	[sflag:s28] =	ssyncset.done $0x0  }
0xfd: {  	[sflag:s28] =	ssyncadd.s32 $0xFFFFC000  }
0xfe: {  	[spmem:s3] =	stream.indirect.scatter.add.f32 [tilespmem:s18], [sflag:$0x7], $0x80, s20, s24, $0xb8;
	[tilespmem:$0x1D000] =	vst v63  }
0xff: {  	_ =	swait.ge [sflag:s19], $0x4000  }
0x100: {  	[sflag:s19] =	ssyncset.done $0x0  }
0x101: {  	s10 =	rddreg [dreg:$0x6];
	[sflag:s19] =	ssyncadd.s32 $0xFFFFC000  }
0x102: {  	[tilespmem:s18], [sflag:$0x5] =	stream.indirect.gather [hbm4b:s5+s24], $0x80, s10, s24, $0xb8;
	[tilespmem:$0x1D000] =	vst v63  }
0x103: {  	_ =	swait.ge [sflag:s29], $0x4000  }
0x104: {  	[sflag:s29] =	ssyncset.done $0x0  }
0x105: {  	s11 =	rddreg [dreg:$0x7];
	[sflag:s29] =	ssyncadd.s32 $0xFFFFC000  }
0x106: {  	[spmem:s3] =	stream.indirect.scatter.add.f32 [tilespmem:s25], [sflag:$0x7], $0x80, s11, s24, $0xb8;
	[tilespmem:$0x1D000] =	vst v63  }
0x107: {  	_ =	swait.ge [sflag:s19], $0x4000  }
0x108: {  	[sflag:s19] =	ssyncset.done $0x0  }
0x109: {  	s12 =	rddreg [dreg:$0x8];
	[sflag:s19] =	ssyncadd.s32 $0xFFFFC000  }
0x10a: {  	[tilespmem:s25], [sflag:$0x6] =	stream.indirect.gather [hbm4b:s5+s24], $0x80, s12, s24, $0xb8;
	[tilespmem:$0x1D000] =	vst v63  }
0x10b: {  	_ =	swait.ge [sflag:s28], $0x4000  }
0x10c: {  	[sflag:s28] =	ssyncset.done $0x0  }
0x10d: {  	s11 =	rddreg [dreg:$0x9];
	[sflag:s28] =	ssyncadd.s32 $0xFFFFC000  }
0x10e: {  	[spmem:s3] =	stream.indirect.scatter.add.f32 [tilespmem:s18], [sflag:$0x7], $0x80, s11, s24, $0xb8;
	[tilespmem:$0x1D000] =	vst v63  }
0x10f: {  	_ =	swait.ge [sflag:s19], $0x4000  }
0x110: {  	[sflag:s19] =	ssyncset.done $0x0  }
0x111: {  	s12 =	rddreg [dreg:$0xa];
	[sflag:s19] =	ssyncadd.s32 $0xFFFFC000  }
0x112: {  	[tilespmem:s18], [sflag:$0x5] =	stream.indirect.gather [hbm4b:s5+s24], $0x80, s12, s24, $0xb8;
	[tilespmem:$0x1D000] =	vst v63  }
0x113: {  	_ =	swait.ge [sflag:s29], $0x4000  }
0x114: {  	[sflag:s29] =	ssyncset.done $0x0  }
0x115: {  	s11 =	rddreg [dreg:$0xb];
	[sflag:s29] =	ssyncadd.s32 $0xFFFFC000  }
0x116: {  	[spmem:s3] =	stream.indirect.scatter.add.f32 [tilespmem:s25], [sflag:$0x7], $0x80, s11, s24, $0xb8;
	[tilespmem:$0x1D000] =	vst v63  }
0x117: {  	_ =	swait.ge [sflag:s19], $0x4000  }
0x118: {  	[sflag:s19] =	ssyncset.done $0x0  }
0x119: {  	s12 =	rddreg [dreg:$0xc];
	[sflag:s19] =	ssyncadd.s32 $0xFFFFC000  }
0x11a: {  	[tilespmem:s25], [sflag:$0x6] =	stream.indirect.gather [hbm4b:s5+s24], $0x80, s12, s24, $0xb8;
	[tilespmem:$0x1D000] =	vst v63  }
0x11b: {  	_ =	swait.ge [sflag:s28], $0x4000  }
0x11c: {  	[sflag:s28] =	ssyncset.done $0x0  }
0x11d: {  	s11 =	rddreg [dreg:$0xd];
	[sflag:s28] =	ssyncadd.s32 $0xFFFFC000  }
0x11e: {  	[spmem:s3] =	stream.indirect.scatter.add.f32 [tilespmem:s18], [sflag:$0x7], $0x80, s11, s24, $0xb8;
	[tilespmem:$0x1D000] =	vst v63  }
0x11f: {  	_ =	swait.ge [sflag:s19], $0x4000  }
0x120: {  	[sflag:s19] =	ssyncset.done $0x0  }
0x121: {  	s12 =	rddreg [dreg:$0xe];
	[sflag:s19] =	ssyncadd.s32 $0xFFFFC000  }
0x122: {  	[tilespmem:s18], [sflag:$0x5] =	stream.indirect.gather [hbm4b:s5+s24], $0x80, s12, s24, $0xb8;
	[tilespmem:$0x1D000] =	vst v63  }
0x123: {  	_ =	swait.ge [sflag:s29], $0x4000  }
0x124: {  	[sflag:s29] =	ssyncset.done $0x0  }
0x125: {  	s11 =	rddreg [dreg:$0xf];
	[sflag:s29] =	ssyncadd.s32 $0xFFFFC000  }
0x126: {  	[spmem:s3] =	stream.indirect.scatter.add.f32 [tilespmem:s25], [sflag:$0x7], $0x80, s11, s24, $0xb8;
	[tilespmem:$0x1D000] =	vst v63  }
0x127: {  	_ =	swait.ge [sflag:s19], $0x4000  }
0x128: {  	[sflag:s19] =	ssyncset.done $0x0  }
0x129: {  	s12 =	rddreg [dreg:$0x10];
	[sflag:s19] =	ssyncadd.s32 $0xFFFFC000  }
0x12a: {  	[tilespmem:s25], [sflag:$0x6] =	stream.indirect.gather [hbm4b:s5+s24], $0x80, s12, s24, $0xb8;
	[tilespmem:$0x1D000] =	vst v63  }
0x12b: {  	_ =	swait.ge [sflag:s28], $0x4000  }
0x12c: {  	[sflag:s28] =	ssyncset.done $0x0  }
0x12d: {  	s11 =	rddreg [dreg:$0x11];
	[sflag:s28] =	ssyncadd.s32 $0xFFFFC000  }
0x12e: {  	[spmem:s3] =	stream.indirect.scatter.add.f32 [tilespmem:s18], [sflag:$0x7], $0x80, s11, s24, $0xb8;
	[tilespmem:$0x1D000] =	vst v63  }
0x12f: {  	_ =	swait.ge [sflag:s19], $0x4000  }
0x130: {  	[sflag:s19] =	ssyncset.done $0x0  }
0x131: {  	[sflag:s19] =	ssyncadd.s32 $0xFFFFC000  }
0x132: {  	_ =	swait.ge [sflag:s30], $0x400  }
0x133: {  	[sflag:s30] =	ssyncset.done $0x0  }
0x134: {  	[sflag:s30] =	ssyncadd.s32 $0xFFFFFC00  }
0x135: {  	[tilespmem:s18], [sflag:$0x5] =	stream.indirect.gather [hbm4b:s5+s24], $0x80, s21, s24, $0xb8;
	[tilespmem:$0x1D000] =	vst v63  }
0x136: {  	_ =	swait.ge [sflag:s29], $0x4000  }
0x137: {  	[sflag:s29] =	ssyncset.done $0x0  }
0x138: {  	s9 =	smov.u32 s8;
	s12 =	rddreg [dreg:$0x12];
	[sflag:s29] =	ssyncadd.s32 $0xFFFFC000  }
0x139: {  	[spmem:s3] =	stream.indirect.scatter.add.f32 [tilespmem:s25], [sflag:$0x7], $0x80, s12, s24, $0xb8;
	[tilespmem:$0x1D000] =	vst v63  }
0x13a: {  	s12 =	smin.u32 s9, $0x7;
	_ =	swait.ge [sflag:s19], $0x4000  }
0x13b: {  	s12 =	sshll.u32 s12, $0xA;
	s10 =	rddreg [dreg:$0x4]  }
0x13c: {  	[sflag:s19] =	ssyncset.done $0x0;
	s10 =	sadd.s32 s12, s10  }
0x13d: {  	s11 =	rddreg [dreg:$0x13];
	[sflag:s19] =	ssyncadd.s32 $0xFFFFC000;
	s10 =	sshrl.u32 s10, $0x3  }
0x13e: {  	[tilespmem:s25], [sflag:$0x6] =	stream.indirect.gather [hbm4b:s5+s24], $0x80, s11, s24, $0xb8;
	[tilespmem:$0x1D000] =	vst v63  }
0x13f: {  	s12 =	sadd.s32 s2, s10  }
0x140: {  	[tilespmem:s4], [sflag:$0x1] =	stream.linear.gather [hbm4b:s12+s4], $0x400, $0x38;
	[tilespmem:$0x1D000] =	vst v63  }
0x141: {  	s10 =	sadd.s32 s6, s10  }
0x142: {  	[tilespmem:s20], [sflag:$0x3] =	stream.linear.gather [hbm4b:s10+s4], $0x400, $0x38;
	[tilespmem:$0x1D000] =	vst v63  }
0x143: {  	_ =	swait.ge [sflag:s31], $0x400  }
0x144: {  	[sflag:s31] =	ssyncset.done $0x0  }
0x145: {  	[sflag:s31] =	ssyncadd.s32 $0xFFFFFC00  }
0x146: {  	_ =	swait.ge [sflag:s28], $0x4000  }
0x147: {  	[sflag:s28] =	ssyncset.done $0x0  }
0x148: {  	[sflag:s28] =	ssyncadd.s32 $0xFFFFC000  }
0x149: {  	[spmem:s3] =	stream.indirect.scatter.add.f32 [tilespmem:s18], [sflag:$0x7], $0x80, s22, s24, $0xb8;
	[tilespmem:$0x1D000] =	vst v63  }
0x14a: {  	_ =	swait.ge [sflag:s19], $0x4000  }
0x14b: {  	[sflag:s19] =	ssyncset.done $0x0  }
0x14c: {  	s11 =	rddreg [dreg:$0x14];
	[sflag:s19] =	ssyncadd.s32 $0xFFFFC000  }
0x14d: {  	[tilespmem:s18], [sflag:$0x5] =	stream.indirect.gather [hbm4b:s5+s24], $0x80, s11, s24, $0xb8;
	[tilespmem:$0x1D000] =	vst v63  }
0x14e: {  	_ =	swait.ge [sflag:s29], $0x4000  }
0x14f: {  	[sflag:s29] =	ssyncset.done $0x0  }
0x150: {  	s12 =	rddreg [dreg:$0x15];
	[sflag:s29] =	ssyncadd.s32 $0xFFFFC000  }
0x151: {  	[spmem:s3] =	stream.indirect.scatter.add.f32 [tilespmem:s25], [sflag:$0x7], $0x80, s12, s24, $0xb8;
	[tilespmem:$0x1D000] =	vst v63  }
0x152: {  	_ =	swait.ge [sflag:s19], $0x4000  }
0x153: {  	[sflag:s19] =	ssyncset.done $0x0  }
0x154: {  	s11 =	rddreg [dreg:$0x16];
	[sflag:s19] =	ssyncadd.s32 $0xFFFFC000  }
0x155: {  	[tilespmem:s25], [sflag:$0x6] =	stream.indirect.gather [hbm4b:s5+s24], $0x80, s11, s24, $0xb8;
	[tilespmem:$0x1D000] =	vst v63  }
0x156: {  	_ =	swait.ge [sflag:s28], $0x4000  }
0x157: {  	[sflag:s28] =	ssyncset.done $0x0  }
0x158: {  	s12 =	rddreg [dreg:$0x17];
	[sflag:s28] =	ssyncadd.s32 $0xFFFFC000  }
0x159: {  	[spmem:s3] =	stream.indirect.scatter.add.f32 [tilespmem:s18], [sflag:$0x7], $0x80, s12, s24, $0xb8;
	[tilespmem:$0x1D000] =	vst v63  }
0x15a: {  	_ =	swait.ge [sflag:s19], $0x4000  }
0x15b: {  	[sflag:s19] =	ssyncset.done $0x0  }
0x15c: {  	s11 =	rddreg [dreg:$0x18];
	[sflag:s19] =	ssyncadd.s32 $0xFFFFC000  }
0x15d: {  	[tilespmem:s18], [sflag:$0x5] =	stream.indirect.gather [hbm4b:s5+s24], $0x80, s11, s24, $0xb8;
	[tilespmem:$0x1D000] =	vst v63  }
0x15e: {  	_ =	swait.ge [sflag:s29], $0x4000  }
0x15f: {  	[sflag:s29] =	ssyncset.done $0x0  }
0x160: {  	s12 =	rddreg [dreg:$0x19];
	[sflag:s29] =	ssyncadd.s32 $0xFFFFC000  }
0x161: {  	[spmem:s3] =	stream.indirect.scatter.add.f32 [tilespmem:s25], [sflag:$0x7], $0x80, s12, s24, $0xb8;
	[tilespmem:$0x1D000] =	vst v63  }
0x162: {  	_ =	swait.ge [sflag:s19], $0x4000  }
0x163: {  	[sflag:s19] =	ssyncset.done $0x0  }
0x164: {  	s11 =	rddreg [dreg:$0x1a];
	[sflag:s19] =	ssyncadd.s32 $0xFFFFC000  }
0x165: {  	[tilespmem:s25], [sflag:$0x6] =	stream.indirect.gather [hbm4b:s5+s24], $0x80, s11, s24, $0xb8;
	[tilespmem:$0x1D000] =	vst v63  }
0x166: {  	_ =	swait.ge [sflag:s28], $0x4000  }
0x167: {  	[sflag:s28] =	ssyncset.done $0x0  }
0x168: {  	s12 =	rddreg [dreg:$0x1b];
	[sflag:s28] =	ssyncadd.s32 $0xFFFFC000  }
0x169: {  	[spmem:s3] =	stream.indirect.scatter.add.f32 [tilespmem:s18], [sflag:$0x7], $0x80, s12, s24, $0xb8;
	[tilespmem:$0x1D000] =	vst v63  }
0x16a: {  	_ =	swait.ge [sflag:s19], $0x4000  }
0x16b: {  	[sflag:s19] =	ssyncset.done $0x0  }
0x16c: {  	s11 =	rddreg [dreg:$0x1c];
	[sflag:s19] =	ssyncadd.s32 $0xFFFFC000  }
0x16d: {  	[tilespmem:s18], [sflag:$0x5] =	stream.indirect.gather [hbm4b:s5+s24], $0x80, s11, s24, $0xb8;
	[tilespmem:$0x1D000] =	vst v63  }
0x16e: {  	_ =	swait.ge [sflag:s29], $0x4000  }
0x16f: {  	[sflag:s29] =	ssyncset.done $0x0  }
0x170: {  	s12 =	rddreg [dreg:$0x1d];
	[sflag:s29] =	ssyncadd.s32 $0xFFFFC000  }
0x171: {  	[spmem:s3] =	stream.indirect.scatter.add.f32 [tilespmem:s25], [sflag:$0x7], $0x80, s12, s24, $0xb8;
	[tilespmem:$0x1D000] =	vst v63  }
0x172: {  	_ =	swait.ge [sflag:s19], $0x4000  }
0x173: {  	[sflag:s19] =	ssyncset.done $0x0  }
0x174: {  	s11 =	rddreg [dreg:$0x1e];
	[sflag:s19] =	ssyncadd.s32 $0xFFFFC000  }
0x175: {  	[tilespmem:s25], [sflag:$0x6] =	stream.indirect.gather [hbm4b:s5+s24], $0x80, s11, s24, $0xb8;
	[tilespmem:$0x1D000] =	vst v63  }
0x176: {  	_ =	swait.ge [sflag:s28], $0x4000  }
0x177: {  	[sflag:s28] =	ssyncset.done $0x0  }
0x178: {  	s12 =	rddreg [dreg:$0x1f];
	[sflag:s28] =	ssyncadd.s32 $0xFFFFC000  }
0x179: {  	[spmem:s3] =	stream.indirect.scatter.add.f32 [tilespmem:s18], [sflag:$0x7], $0x80, s12, s24, $0xb8;
	[tilespmem:$0x1D000] =	vst v63  }
0x17a: {  	_ =	swait.ge [sflag:s19], $0x4000  }
0x17b: {  	[sflag:s19] =	ssyncset.done $0x0  }
0x17c: {  	[sflag:s19] =	ssyncadd.s32 $0xFFFFC000  }
0x17d: {  	_ =	swait.ge [sflag:s23], $0x400  }
0x17e: {  	[sflag:s23] =	ssyncset.done $0x0  }
0x17f: {  	[sflag:s23] =	ssyncadd.s32 $0xFFFFFC00  }
0x180: {  	[tilespmem:s18], [sflag:$0x5] =	stream.indirect.gather [hbm4b:s5+s24], $0x80, s4, s24, $0xb8;
	[tilespmem:$0x1D000] =	vst v63  }
0x181: {  	_ =	swait.ge [sflag:s29], $0x4000  }
0x182: {  	[sflag:s29] =	ssyncset.done $0x0  }
0x183: {  	[sflag:s29] =	ssyncadd.s32 $0xFFFFC000  }
0x184: {  	[spmem:s3] =	stream.indirect.scatter.add.f32 [tilespmem:s25], [sflag:$0x7], $0x80, s0, s24, $0xb8;
	[tilespmem:$0x1D000] =	vst v63  }
0x185: {  	s9 =	smin.u32 s9, $0x6;
	_ =	swait.ge [sflag:s19], $0x4000  }
0x186: {  	s9 =	sshll.u32 s9, $0xA;
	[sflag:s19] =	ssyncset.done $0x0;
	s11 =	rddreg [dreg:$0x5]  }
0x187: {  	p0 =	sne.s32 s8, $0x8;
	[sflag:s19] =	ssyncadd.s32 $0xFFFFC000;
	s9 =	sadd.s32 s9, s11  }
0x188: {  	[tilespmem:s25], [sflag:$0x6] =	stream.indirect.gather [hbm4b:s5+s24], $0x80, s24, s24, $0xb8;
	[tilespmem:$0x1D000] =	vst v63  }
.Ltmp1:
0x189: {  	s9 =	sshrl.u32 s9, $0x3;
	(pc) =	sbr.rel @p0 .LBB2_4-.Ltmp1, $4  }
0x18a: {  	s12 =	sadd.s32 s2, s9  }
0x18b: {  	[tilespmem:s21], [sflag:$0x2] =	stream.linear.gather [hbm4b:s12+s4], $0x400, $0x38;
	[tilespmem:$0x1D000] =	vst v63  }
0x18c: {  	s8 =	sadd.s32 $0x2, s8;
	s9 =	sadd.s32 s6, s9  }
0x18d: {  	[tilespmem:s22], [sflag:$0x4] =	stream.linear.gather [hbm4b:s9+s4], $0x400, $0x38;
	[tilespmem:$0x1D000] =	vst v63  }
0x18e: {  	_ =	swait.ge [sflag:s26], $0x400  }
0x18f: {  	[sflag:s26] =	ssyncset.done $0x0  }
0x190: {  	[sflag:s26] =	ssyncadd.s32 $0xFFFFFC00  }
0x191: {  	_ =	swait.ge [sflag:s28], $0x4000  }
0x192: {  	[sflag:s28] =	ssyncset.done $0x0  }
0x193: {  	[sflag:s28] =	ssyncadd.s32 $0xFFFFC000  }
0x194: {  	_ =	swait.ge [sflag:s29], $0x4000  }
0x195: {  	[sflag:s29] =	ssyncset.done $0x0  }
0x196: {  	[sflag:s29] =	ssyncadd.s32 $0xFFFFC000  }
0x197: {  	_ =	swait.ge [sflag:s30], $0x400  }
0x198: {  	[sflag:s30] =	ssyncset.done $0x0  }
0x199: {  	[sflag:s30] =	ssyncadd.s32 $0xFFFFFC00  }
0x19a: {  	s8 =	stileid.u32;
	_ =	swait.ge [sflag:s31], $0x400  }
0x19b: {  	s9 =	sshrl.u32 s7, $0x3;
	s1 =	sadd.s32 $0x1, s1;
	[sflag:s31] =	ssyncset.done $0x0  }
0x19c: {  	s8 =	sshll.u32 s8, $0x6;
	p0 =	sne.s32 s1, s17;
	[sflag:s31] =	ssyncadd.s32 $0xFFFFFC00  }
.Ltmp2:
0x19d: {  	s8 =	sor.u32 $0x1C07, s8;
	[bflag:$0x0] =	sbarrier.arrive $0xFFFF;
	(pc) =	sbr.rel @p0 .LBB2_1-.Ltmp2, $4  }
0x19e: {  	[hbm:s16], [sflag:s8] =	dma.local [spmem:s9], $0x2800  }
0x19f: {  	_ =	swait.ge [sflag:s19], $0x2800  }
0x1a0: {  	[sflag:s19] =	ssyncset.done $0x0  }
0x1a1: {  	[sflag:s19] =	ssyncadd.s32 $0xFFFFD800  }
0x1a2: {  	_ =	sfence.sel $0x180000  }
0x1a3: {  	[bflag:$0x0] =	sbarrier.arrive $0xFFFF  }
0x1a4: {  	_ =	strace $0x9000004A  }
0x1a5: {  	s0 =	stileid.u32;
	[bflag:$0x2] =	sbarrier.arrive $0xFFFF  }
0x1a6: {  	p0 =	sne.s32 s0, $0x0;
	s0 =	rddreg [dreg:$0x3]  }
0x1a7: {  	s0 =	sadd.s32 @!p0 $0x100000, s0  }
0x1a8: {  	[sflag:s0] =	ssyncadd.tile.s32 @!p0 $0x1;
	_ =	shalt  }
.Lfunc_end2:
_tile_overlayer_lowered:
.L_overlay_start_2:
0x1a9: {  	(tag) =	ssettag $0x2  }
0x1aa: {  	s0 =	rddreg [dreg:$0x0];
	s2 =	stileid.u32  }
0x1ab: {  	s1 =	rddreg [dreg:$0x1];
	p0 =	sne.s32 s2, $0x0  }
0x1ac: {  	s3 =	rddreg [dreg:$0x2];
	[bflag:$0x3] =	sbarrier.arrive $0xFFFF;
	s2 =	simm.s32 @!p0 $0x1C07  }
0x1ad: {  	[timem:s3], [sflag:s2] =	dma.local @!p0 [hbm:s0], s1  }
0x1ae: {  	s0 =	simm.s32 @!p0 $0x7  }
0x1af: {  	_ =	swait.ge @!p0 [sflag:s0], s1  }
0x1b0: {  	s1 =	ssub.s32 @!p0 $0x0, s1;
	[sflag:s0] =	ssyncset.done @!p0 $0x0  }
0x1b1: {  	[sflag:s0] =	ssyncadd.s32 @!p0 s1  }
0x1b2: {  	[bflag:$0x3] =	sbarrier.arrive $0xFFFF  }
0x1b3: {  	_ =	shalt  }

// kernel: _run.15.cloned.1.call-start
scs
__scs_entry_jumppad:
0x0: {  	(pc) =	sbr.rel $0x88, $3  }
0x1: {  	(tag) =	ssettag $0x0;
	lr =	simm.s32 $0x1  }
0x2: {  	[smem:$0x3F92] =	sst lr;
	_ =	strace $0xD0000000  }
0x3: {  	_ = 	snop  }
0x4: {  	_ = 	snop  }
0x5: {  	_ = 	snop  }
0x6: {  	_ = 	snop  }
0x7: {  	_ = 	snop  }
__scs_overlays_trampoline_lowered:
0x8: {  	[smem:$0x3FA1] =	sst s0  }
0x9: {  	[smem:$0x3FA2] =	sst s1  }
0xa: {  	[smem:$0x3FA3] =	sst s2  }
0xb: {  	[smem:$0x3FA4] =	sst s3  }
0xc: {  	[smem:$0x3FA5] =	sst s4  }
0xd: {  	[smem:$0x3FA6] =	sst s5  }
0xe: {  	[smem:$0x3FA7] =	sst s6  }
0xf: {  	[smem:$0x3FA8] =	sst s7  }
0x10: {  	[smem:$0x3FA9] =	sst s8  }
0x11: {  	[smem:$0x3FAA] =	sst s9;
	s0 =	simm.s32 @!p0 $0x0  }
0x12: {  	s1 =	sld [smem:$0x3F90];
	s0 =	simm.s32 @p0 $0x1  }
0x13: {  	[smem:$0x3FAB] =	sst s0;
	s0 =	simm.s32 @!p1 $0x0  }
0x14: {  	s2 =	sld [smem:$0x3F8F];
	s0 =	simm.s32 @p1 $0x1  }
0x15: {  	[smem:$0x3FAC] =	sst s0;
	s0 =	simm.s32 @!p2 $0x0  }
0x16: {  	s3 =	sld [smem:$0x3FDB];
	s0 =	simm.s32 @p2 $0x1  }
0x17: {  	s4 =	simm.s32 $0x1BF5;
	[smem:$0x3FAE] =	sst s0  }
0x18: {  	s0 =	sld [smem:$0x3F91];
	_ =	swait.ge [sflag:s4], $0x0  }
0x19: {  	s7 =	sld [smem:$0x3F92]  }
0x1a: {  	s8 =	sadd.s32 $0xFFFFE003, lr  }
0x1b: {  	s9 =	sadd.s32 $0xFFFFFEF7, lr;
	s5 =	simm.s32 $0xFFFFFFFF;
	p2 =	slt.u32 s8, $0xFFFFF086  }
0x1c: {  	p1 =	slt.u32 s9, $0xF7A;
	s5 =	simm.s32 @!p2 $0x0  }
0x1d: {  	s5 =	simm.s32 @p1 $0x1;
	p0 =	seq.s32 s7, s2  }
0x1e: {  	s7 =	smul.u32 @!p0 $0xF7A, s2;
	p2 =	seq.s32 @!p0 s5, $0x0  }
0x1f: {  	s9 =	smul.u32 $0xF7A, s1;
	s8 =	simm.s32 @!p0 $0x1BF5;
	p2 =	por !p2, p0  }
0x20: {  	[sflag:s8] =	ssyncset.s32 @!p0 $0xFFFFF086;
	s6 =	sadd.s32 @!p0 s3, s7;
	s7 =	simm.s32 @!p0 $0x108  }
0x21: {  	s3 =	sadd.s32 s3, s9;
	s6 =	sadd.s32 @!p0 $0x88, s6;
	s7 =	simm.s32 @p2 $0x1082  }
0x22: {  	[simem:s7], [sflag:s8] =	dma.local @!p0 [hbm:s6], $0xF7A  }
0x23: {  	s9 =	sor.u32 $0xD0000000, s2;
	s6 =	simm.s32 $0x108;
	_ =	swait.ge @!p0 [sflag:s8], $0x0  }
0x24: {  	s3 =	sadd.s32 $0x88, s3;
	s6 =	simm.s32 @!p1 $0x1082;
	[sflag:s4] =	ssyncset.s32 $0xFFFFF086  }
0x25: {  	[simem:s6], [sflag:s4] =	dma.local [hbm:s3], $0xF7A  }
0x26: {  	[smem:$0x3F92] =	sst s1;
	(tag) =	ssettag s2;
	_ =	strace s9  }
0x27: {  	s1 =	sld [smem:$0x3FA2]  }
0x28: {  	s2 =	sld [smem:$0x3FA3]  }
0x29: {  	s4 =	sld [smem:$0x3FA5]  }
0x2a: {  	p0 =	seq.s32 s5, $0x0;
	s5 =	sld [smem:$0x3FA6]  }
0x2b: {  	s6 =	sld [smem:$0x3FA7]  }
0x2c: {  	s7 =	sld [smem:$0x3FA8]  }
0x2d: {  	s3 =	simm.s32 $0x108;
	s8 =	sld [smem:$0x3FA9]  }
0x2e: {  	s3 =	simm.s32 @!p0 $0x1082;
	s9 =	sld [smem:$0x3FAA]  }
0x2f: {  	lr =	sadd.s32 s0, s3;
	s0 =	sld [smem:$0x3FA1]  }
0x30: {  	s3 =	sld [smem:$0x3FA4]  }
0x31: {  	[smem:$0x3FAD] =	sst s10  }
0x32: {  	s10 =	sld [smem:$0x3FAB];
	_ =	sdelay $0x3  }
0x33: {  	p0 =	seq.s32 s10, $0x1;
	s10 =	sld [smem:$0x3FAD];
	_ =	sdelay $0x3  }
0x34: {  	[smem:$0x3FAD] =	sst s10  }
0x35: {  	s10 =	sld [smem:$0x3FAC];
	_ =	sdelay $0x3  }
0x36: {  	p1 =	seq.s32 s10, $0x1;
	s10 =	sld [smem:$0x3FAD];
	_ =	sdelay $0x3  }
0x37: {  	[smem:$0x3FAD] =	sst s10  }
0x38: {  	s10 =	sld [smem:$0x3FAE]  }
0x39: {  	_ = 	snop;
	(pc) =	sbr.ind lr, $3  }
0x3a: {  	_ = 	snop  }
0x3b: {  	_ = 	snop  }
0x3c: {  	p2 =	seq.s32 s10, $0x1;
	s10 =	sld [smem:$0x3FAD]  }
0x3d: {  	_ =	shalt  }
0x3e: {  	_ =	shalt  }
0x3f: {  	_ =	shalt  }
0x40: {  	_ =	shalt  }
0x41: {  	_ =	shalt  }
0x42: {  	_ =	shalt  }
0x43: {  	_ =	shalt  }
0x44: {  	_ =	shalt  }
0x45: {  	_ =	shalt  }
0x46: {  	_ =	shalt  }
0x47: {  	_ =	shalt  }
0x48: {  	_ =	shalt  }
0x49: {  	_ =	shalt  }
0x4a: {  	_ =	shalt  }
0x4b: {  	_ =	shalt  }
0x4c: {  	_ =	shalt  }
0x4d: {  	_ =	shalt  }
0x4e: {  	_ =	shalt  }
0x4f: {  	_ =	shalt  }
0x50: {  	_ =	shalt  }
0x51: {  	_ =	shalt  }
0x52: {  	_ =	shalt  }
0x53: {  	_ =	shalt  }
0x54: {  	_ =	shalt  }
0x55: {  	_ =	shalt  }
0x56: {  	_ =	shalt  }
0x57: {  	_ =	shalt  }
0x58: {  	_ =	shalt  }
0x59: {  	_ =	shalt  }
0x5a: {  	_ =	shalt  }
0x5b: {  	_ =	shalt  }
0x5c: {  	_ =	shalt  }
0x5d: {  	_ =	shalt  }
0x5e: {  	_ =	shalt  }
0x5f: {  	_ =	shalt  }
0x60: {  	_ =	shalt  }
0x61: {  	_ =	shalt  }
0x62: {  	_ =	shalt  }
0x63: {  	_ =	shalt  }
0x64: {  	_ =	shalt  }
0x65: {  	_ =	shalt  }
0x66: {  	_ =	shalt  }
0x67: {  	_ =	shalt  }
0x68: {  	_ =	shalt  }
0x69: {  	_ =	shalt  }
0x6a: {  	_ =	shalt  }
0x6b: {  	_ =	shalt  }
0x6c: {  	_ =	shalt  }
0x6d: {  	_ =	shalt  }
0x6e: {  	_ =	shalt  }
0x6f: {  	_ =	shalt  }
0x70: {  	_ =	shalt  }
0x71: {  	_ =	shalt  }
0x72: {  	_ =	shalt  }
0x73: {  	_ =	shalt  }
0x74: {  	_ =	shalt  }
0x75: {  	_ =	shalt  }
0x76: {  	_ =	shalt  }
0x77: {  	_ =	shalt  }
0x78: {  	_ =	shalt  }
0x79: {  	_ =	shalt  }
0x7a: {  	_ =	shalt  }
0x7b: {  	_ =	shalt  }
0x7c: {  	_ =	shalt  }
0x7d: {  	_ =	shalt  }
0x7e: {  	_ =	shalt  }
0x7f: {  	_ =	shalt  }
0x80: {  	_ =	shalt  }
0x81: {  	_ =	shalt  }
0x82: {  	_ =	shalt  }
0x83: {  	_ =	shalt  }
0x84: {  	_ =	shalt  }
0x85: {  	_ =	shalt  }
0x86: {  	_ =	shalt  }
0x87: {  	_ =	shalt  }
.Lfunc_end0:
.L_simem_size_0:
called_computation.2_lowered:
.L_overlay_start_0:
0x88: {  	s2 =	sld [smem:$0x3FD9]  }
0x89: {  	s3 =	sld [smem:$0x3FFE];
	_ =	sdelay $0x1  }
0x8a: {  	s1 =	srdreg.scid  }
0x8b: {  	s0 =	sand.u32 $0x1, s1  }
0x8c: {  	s17 =	sshll.u32 s0, $0xA;
	s2 =	sadd.s32 s3, s2  }
0x8d: {  	s2 =	sadd.s32 s2, s17  }
0x8e: {  	[smem:$0x3FB9] =	sst s2  }
0x8f: {  	_ = 	snop  }
0x90: {  	s2 =	sld [smem:$0x3FD0];
	(tm) =	ssettm $0x1  }
0x91: {  	s18 =	sld [smem:$0x3FFB];
	_ =	sdelay $0x3  }
0x92: {  	_ =	strace s18  }
0x93: {  	s3 =	sld [smem:$0x3FFC];
	_ =	sdelay $0x3  }
0x94: {  	_ =	strace s3  }
0x95: {  	s3 =	sld [smem:$0x3FFD];
	_ =	sdelay $0x3  }
0x96: {  	_ =	strace s3  }
0x97: {  	_ =	strace $0x8FFFFFFF  }
0x98: {  	s19 =	sld [smem:$0x3FDB];
	_ =	sdelay $0x1  }
0x99: {  	s4 =	simm.s32 $_scs_section_size  }
0x9a: {  	s5 =	simm.s32 $_size__tile_overlayer_lowered;
	s6 =	simm.s32 $_tile_overlayer_lowered  }
0x9b: {  	s22 =	simm.s32 $0x1BFF;
	s21 =	sshll.u32 s6, $0x1;
	s3 =	sadd.s32 s4, s19  }
0x9c: {  	s7 =	simm.s32 $0x0;
	s20 =	sshll.u32 s5, $0x1;
	s5 =	sadd.s32 s21, s3  }
0x9d: {  	[timem:s7], [sflag:s22] =	dma.local [hbm:s5], s20  }
0x9e: {  	_ =	swait.ge [sflag:s22], s20  }
0x9f: {  	s4 =	ssub.s32 $0x0, s20;
	[sflag:s22] =	ssyncset.done $0x0  }
0xa0: {  	[sflag:s22] =	ssyncadd.s32 s4;
	_ =	sdelay $0x1  }
0xa1: {  	s23 =	simm.s32 $0x1B8B  }
0xa2: {  	_ =	swait.ge [sflag:s23], $0x1  }
0xa3: {  	[sflag:s23] =	ssyncset.done $0x0  }
0xa4: {  	s25 =	simm.s32 $0x1B8E;
	s24 =	sld [smem:$0x3FFE];
	[sflag:s23] =	ssyncadd.s32 $0xFFFFFFFF  }
0xa5: {  	s26 =	simm.s32 $execute0_lowered;
	[smem:$0x3FD2] =	sst s25  }
0xa6: {  	s5 =	sshll.u32 s26, $0x1;
	_ =	strace $0x8000004C;
	[dreg:$0x1] =	wrdreg $0xFFFFFFFF  }
0xa7: {  	s28 =	simm.s32 $_size_execute0_lowered;
	s3 =	sadd.s32 s3, s5;
	[dreg:$0x0] =	wrdreg $0x0  }
0xa8: {  	s5 =	sshll.u32 s28, $0x1;
	[dreg:$0x2] =	wrdreg s3  }
0xa9: {  	[dreg:$0x3] =	wrdreg s5  }
0xaa: {  	[dreg:$0x4] =	wrdreg $0xC0  }
0xab: {  	_ =	task [dreg:s7], $0x5FFFF  }
0xac: {  	[dreg:$0x1] =	wrdreg $0xFFFFFFFF  }
0xad: {  	[dreg:$0x0] =	wrdreg $0x60  }
0xae: {  	[dreg:$0x2] =	wrdreg s24  }
0xaf: {  	[dreg:$0x3] =	wrdreg s2  }
0xb0: {  	[dreg:$0x4] =	wrdreg $0x90000  }
0xb1: {  	[dreg:$0x5] =	wrdreg $0x9  }
0xb2: {  	_ =	task.clear_ibuf [dreg:s7], $0x6FFFF;
	_ =	strace $0x9000004C  }
0xb3: {  	s29 =	simm.s32 $0x9;
	_ =	strace $0x8000004E  }
0xb4: {  	_ =	swait.ge [sflag:s29], $0x1  }
0xb5: {  	[sflag:s29] =	ssyncadd.s32 $0xFFFFFFFF  }
0xb6: {  	_ =	strace $0x9000004E  }
0xb7: {  	_ =	sfence  }
0xb8: {  	s30 =	sld [smem:$0x0];
	_ =	sdelay $0x2  }
0xb9: {  	s31 =	sshll.u32 s1, $0xD;
	s1 =	sshrl.u32 s1, $0x2  }
0xba: {  	s3 =	sand.u32 $0x4000, s31;
	s1 =	sadd.s32 s1, s30  }
0xbb: {  	s0 =	sor.u32 s3, s0;
	s1 =	sshll.u32 s1, $0x11  }
0xbc: {  	s0 =	sor.u32 s1, s0  }
0xbd: {  	s0 =	sadd.s32 $0x8F2B, s0  }
0xbe: {  	[sflag:s0] =	ssyncadd.remote.s32 $0x1  }
0xbf: {  	_ =	sfence.sel $0xFFFF  }
0xc0: {  	[dreg:$0x0] =	wrdreg $0xFFFFFFFF;
	(pc) =	sbr.abs _section_cstart, $3  }
0xc1: {  	[dreg:$0x1] =	wrdreg $0xFFFFFFFF  }
0xc2: {  	_ =	task.clear_ibuf [dreg:s7], $0x2FFFF;
	_ =	strace $0x9FFFFFFF  }
0xc3: {  	(tm) =	ssettm $0x7FFFFFFF  }
tec
execute0_lowered:
.L_overlay_start_1:
0x0: {  	(tag) =	ssettag $0x1  }
0x1: {  	s0 =	rddreg [dreg:$0x0]  }
0x2: {  	s2 =	rddreg [dreg:$0x1];
	s1 =	srdreg.scid  }
0x3: {  	s3 =	rddreg [dreg:$0x2];
	s10 =	stileid.u32  }
0x4: {  	s4 =	simm.s32 $0x0;
	s26 =	simm.s32 $0x100;
	s12 =	simm.s32 $0x180  }
0x5: {  	s13 =	simm.s32 $0x900;
	s14 =	simm.s32 $0x200;
	[smem:$0x7FF] =	sst s4  }
0x6: {  	s16 =	simm.s32 $0x980;
	_ =	strace $0x8000004D;
	[dreg:$0x6] =	wrdreg s26  }
0x7: {  	s17 =	simm.s32 $0x280;
	s19 =	simm.s32 $0xA00;
	[dreg:$0x8] =	wrdreg s12  }
0x8: {  	s21 =	simm.s32 $0x300;
	s23 =	simm.s32 $0xA80;
	[dreg:$0x9] =	wrdreg s13  }
0x9: {  	s28 =	simm.s32 $0x5;
	s29 =	simm.s32 $0x6;
	[dreg:$0xa] =	wrdreg s14  }
0xa: {  	s30 =	simm.s32 $0x2;
	s31 =	simm.s32 $0x4;
	[dreg:$0xb] =	wrdreg s16  }
0xb: {  	s1 =	sand.u32 $0x1, s1;
	s8 =	smul.u32 $0x14000, s10;
	[dreg:$0xc] =	wrdreg s17  }
0xc: {  	s5 =	sshll.u32 s10, $0x1;
	s10 =	smul.u32 $0x50000, s10;
	[dreg:$0xd] =	wrdreg s19  }
0xd: {  	s6 =	sadd.s32 $0x2A600, s0;
	s7 =	smul.u32 $0x140000, s1;
	[dreg:$0xe] =	wrdreg s21  }
0xe: {  	s5 =	sor.u32 s1, s5;
	[dreg:$0xf] =	wrdreg s23;
	s26 =	simm.s32 $0xB00  }
0xf: {  	s1 =	ssub.s32 $0x2, s1;
	s12 =	simm.s32 $0xB80;
	[dreg:$0x11] =	wrdreg s26  }
0x10: {  	s14 =	simm.s32 $0x480;
	s16 =	simm.s32 $0xC80;
	[dreg:$0x12] =	wrdreg s12  }
0x11: {  	s17 =	simm.s32 $0x580;
	s19 =	simm.s32 $0x600;
	[dreg:$0x13] =	wrdreg s14  }
0x12: {  	s21 =	simm.s32 $0x680;
	s23 =	simm.s32 $0x700;
	[dreg:$0x15] =	wrdreg s16  }
0x13: {  	s9 =	smul.u32 $0x2800, s5;
	s5 =	sadd.s32 $0x3400, s0;
	[dreg:$0x16] =	wrdreg s17  }
0x14: {  	s11 =	sshrl.u32 s1, $0x1;
	s15 =	sshrl.u32 s10, $0x2;
	[dreg:$0x18] =	wrdreg s19  }
0x15: {  	s19 =	simm.s32 $0x7;
	[dreg:$0x1a] =	wrdreg s21;
	s21 =	simm.s32 $0x400  }
0x16: {  	[dreg:$0x1c] =	wrdreg s23;
	s23 =	simm.s32 $0x1;
	s26 =	simm.s32 $0xF00  }
0x17: {  	s7 =	sadd.s32 s8, s7;
	s8 =	simm.s32 $0x880;
	s1 =	ssub.s32 s1, s11  }
0x18: {  	[dreg:$0x1f] =	wrdreg s26;
	s26 =	simm.s32 $0x3;
	s24 =	sadd.s32 $0x800, s9  }
0x19: {  	s7 =	sshrl.u32 s7, $0x3;
	s25 =	sadd.s32 $0xC00, s9;
	[dreg:$0x7] =	wrdreg s8  }
0x1a: {  	s9 =	sshrl.u32 s9, $0x3;
	s17 =	smax.u32 s1, $0x1;
	[dreg:$0x4] =	wrdreg s24  }
0x1b: {  	s1 =	simm.s32 $0x0;
	[dreg:$0x5] =	wrdreg s25;
	s25 =	simm.s32 $0x380  }
0x1c: {  	s0 =	sadd.s32 s7, s0;
	s11 =	sadd.s32 s2, s9;
	[dreg:$0x10] =	wrdreg s25  }
0x1d: {  	s7 =	sadd.s32 s15, s3;
	s15 =	simm.s32 $0x500;
	[smem:$0x7FD] =	sst s11  }
0x1e: {  	s13 =	sadd.s32 s6, s9;
	s18 =	sadd.s32 $0x4000, s7;
	[dreg:$0x14] =	wrdreg s15  }
0x1f: {  	s9 =	sor.u32 $0x80, s9;
	s20 =	sadd.s32 $0x8000, s7;
	[smem:$0x7F9] =	sst s18  }
0x20: {  	s22 =	sadd.s32 $0xC000, s7;
	s24 =	sadd.s32 $0x10000, s7;
	[smem:$0x7FA] =	sst s20  }
0x21: {  	s14 =	sadd.s32 s2, s9;
	s15 =	sadd.s32 s6, s9;
	[smem:$0x7FB] =	sst s22  }
0x22: {  	s16 =	sadd.s32 $0x34600, s0;
	s25 =	simm.s32 $0x780;
	[smem:$0x7FC] =	sst s24  }
0x23: {  	s0 =	simm.s32 $0xF80;
	s18 =	simm.s32 $0xD00;
	[dreg:$0x1e] =	wrdreg s25  }
0x24: {  	s20 =	simm.s32 $0xD80;
	s22 =	simm.s32 $0xE00;
	[dreg:$0x17] =	wrdreg s18  }
0x25: {  	s24 =	simm.s32 $0xE80;
	s25 =	simm.s32 $0x5000;
	[dreg:$0x19] =	wrdreg s20  }
0x26: {  	s18 =	simm.s32 $0x1000;
	s20 =	simm.s32 $0x800;
	[dreg:$0x1b] =	wrdreg s22  }
0x27: {  	v0 =	vimm.f32 $0.0e+00;
	s22 =	simm.s32 $0xC00;
	[dreg:$0x1d] =	wrdreg s24;
	s24 =	simm.s32 $0x80  }
.LBB2_1:
0x28: {  	s8 =	simm.s32 $0x0;
	s9 =	simm.s32 $0x200  }
.LBB2_2:
0x29: {  	p0 =	sne.s32 s9, $0xFE00;
	[tilespmem:s8+$0x1070] =	vst v0  }
0x2a: {  	[tilespmem:s8+$0x1000] =	vst v0  }
0x2b: {  	[tilespmem:s8+$0x1010] =	vst v0  }
.Ltmp0:
0x2c: {  	[tilespmem:s8+$0x1020] =	vst v0;
	(pc) =	sbr.rel @p0 .LBB2_2-.Ltmp0, $4  }
0x2d: {  	[tilespmem:s8+$0x1030] =	vst v0  }
0x2e: {  	[tilespmem:s8+$0x1040] =	vst v0  }
0x2f: {  	[tilespmem:s8+$0x1050] =	vst v0  }
0x30: {  	[tilespmem:s8+$0x1060] =	vst v0;
	s8 =	sshra.s32 s9, $0x2;
	s9 =	sadd.s32 $0x200, s9  }
0x31: {  	[tilespmem:s8+$0x1070] =	vst v0  }
0x32: {  	[tilespmem:s8+$0x1000] =	vst v0  }
0x33: {  	[tilespmem:s8+$0x1010] =	vst v0  }
0x34: {  	[tilespmem:s8+$0x1020] =	vst v0  }
0x35: {  	[tilespmem:s8+$0x1030] =	vst v0  }
0x36: {  	[tilespmem:s8+$0x1040] =	vst v0  }
0x37: {  	[tilespmem:s8+$0x1050] =	vst v0  }
0x38: {  	[tilespmem:s8+$0x1060] =	vst v0  }
0x39: {  	[spmem:s7] =	stream.linear.scatter [tilespmem:s18], [sflag:$0x7], $0x4000, $0x38;
	[tilespmem:$0x1D000] =	vst v63  }
0x3a: {  	_ =	swait.ge [sflag:s19], $0x4000  }
0x3b: {  	s11 =	sld [smem:$0x7F9]  }
0x3c: {  	[sflag:s19] =	ssyncset.done $0x0  }
0x3d: {  	[sflag:s19] =	ssyncadd.s32 $0xFFFFC000  }
0x3e: {  	[spmem:s11] =	stream.linear.scatter [tilespmem:s18], [sflag:$0x7], $0x4000, $0x38;
	[tilespmem:$0x1D000] =	vst v63  }
0x3f: {  	_ =	swait.ge [sflag:s19], $0x4000  }
0x40: {  	s12 =	sld [smem:$0x7FA]  }
0x41: {  	[sflag:s19] =	ssyncset.done $0x0  }
0x42: {  	[sflag:s19] =	ssyncadd.s32 $0xFFFFC000  }
0x43: {  	[spmem:s12] =	stream.linear.scatter [tilespmem:s18], [sflag:$0x7], $0x4000, $0x38;
	[tilespmem:$0x1D000] =	vst v63  }
0x44: {  	_ =	swait.ge [sflag:s19], $0x4000  }
0x45: {  	s9 =	sld [smem:$0x7FB]  }
0x46: {  	[sflag:s19] =	ssyncset.done $0x0  }
0x47: {  	[sflag:s19] =	ssyncadd.s32 $0xFFFFC000  }
0x48: {  	[spmem:s9] =	stream.linear.scatter [tilespmem:s18], [sflag:$0x7], $0x4000, $0x38;
	[tilespmem:$0x1D000] =	vst v63  }
0x49: {  	_ =	swait.ge [sflag:s19], $0x4000  }
0x4a: {  	s10 =	sld [smem:$0x7FC]  }
0x4b: {  	[sflag:s19] =	ssyncset.done $0x0  }
0x4c: {  	[sflag:s19] =	ssyncadd.s32 $0xFFFFC000  }
0x4d: {  	[spmem:s10] =	stream.linear.scatter [tilespmem:s18], [sflag:$0x7], $0x4000, $0x38;
	[tilespmem:$0x1D000] =	vst v63  }
0x4e: {  	_ =	swait.ge [sflag:s19], $0x4000  }
0x4f: {  	[sflag:s19] =	ssyncset.done $0x0  }
0x50: {  	[sflag:s19] =	ssyncadd.s32 $0xFFFFC000  }
0x51: {  	[bflag:$0x0] =	sbarrier.arrive $0xFFFF  }
0x52: {  	s9 =	sld [smem:$0x7FD];
	_ =	sdelay $0x1  }
0x53: {  	s8 =	simm.s32 $0x0  }
0x54: {  	[tilespmem:s8], [sflag:$0x1] =	stream.linear.gather [hbm4b:s9+s8], $0x400, $0x38;
	[tilespmem:$0x1D000] =	vst v63  }
0x55: {  	_ = 	snop  }
0x56: {  	[tilespmem:s20], [sflag:$0x3] =	stream.linear.gather [hbm4b:s13+s8], $0x400, $0x38;
	[tilespmem:$0x1D000] =	vst v63  }
0x57: {  	_ = 	snop  }
0x58: {  	[tilespmem:s21], [sflag:$0x2] =	stream.linear.gather [hbm4b:s14+s8], $0x400, $0x38;
	[tilespmem:$0x1D000] =	vst v63  }
0x59: {  	_ = 	snop  }
0x5a: {  	[tilespmem:s22], [sflag:$0x4] =	stream.linear.gather [hbm4b:s15+s8], $0x400, $0x38;
	[tilespmem:$0x1D000] =	vst v63  }
0x5b: {  	_ =	swait.ge [sflag:s23], $0x400  }
0x5c: {  	[sflag:s23] =	ssyncset.done $0x0  }
0x5d: {  	[sflag:s23] =	ssyncadd.s32 $0xFFFFFC00  }
0x5e: {  	[tilespmem:s18], [sflag:$0x5] =	stream.indirect.gather [hbm4b:s5+s24], $0x80, s8, s24, $0xb8;
	[tilespmem:$0x1D000] =	vst v63  }
0x5f: {  	_ = 	snop  }
0x60: {  	[tilespmem:s25], [sflag:$0x6] =	stream.indirect.gather [hbm4b:s5+s24], $0x80, s24, s24, $0xb8;
	[tilespmem:$0x1D000] =	vst v63  }
0x61: {  	_ =	swait.ge [sflag:s26], $0x400  }
0x62: {  	[sflag:s26] =	ssyncset.done $0x0  }
0x63: {  	[sflag:s26] =	ssyncadd.s32 $0xFFFFFC00  }
0x64: {  	_ =	swait.ge [sflag:s28], $0x4000  }
0x65: {  	[sflag:s28] =	ssyncset.done $0x0  }
0x66: {  	[sflag:s28] =	ssyncadd.s32 $0xFFFFC000  }
0x67: {  	[spmem:s3] =	stream.indirect.scatter.add.f32 [tilespmem:s18], [sflag:$0x7], $0x80, s20, s24, $0xb8;
	[tilespmem:$0x1D000] =	vst v63  }
0x68: {  	_ =	swait.ge [sflag:s19], $0x4000  }
0x69: {  	[sflag:s19] =	ssyncset.done $0x0  }
0x6a: {  	s11 =	rddreg [dreg:$0x6];
	[sflag:s19] =	ssyncadd.s32 $0xFFFFC000  }
0x6b: {  	[tilespmem:s18], [sflag:$0x5] =	stream.indirect.gather [hbm4b:s5+s24], $0x80, s11, s24, $0xb8;
	[tilespmem:$0x1D000] =	vst v63  }
0x6c: {  	_ =	swait.ge [sflag:s29], $0x4000  }
0x6d: {  	[sflag:s29] =	ssyncset.done $0x0  }
0x6e: {  	s12 =	rddreg [dreg:$0x7];
	[sflag:s29] =	ssyncadd.s32 $0xFFFFC000  }
0x6f: {  	[spmem:s3] =	stream.indirect.scatter.add.f32 [tilespmem:s25], [sflag:$0x7], $0x80, s12, s24, $0xb8;
	[tilespmem:$0x1D000] =	vst v63  }
0x70: {  	_ =	swait.ge [sflag:s19], $0x4000  }
0x71: {  	[sflag:s19] =	ssyncset.done $0x0  }
0x72: {  	s10 =	rddreg [dreg:$0x8];
	[sflag:s19] =	ssyncadd.s32 $0xFFFFC000  }
0x73: {  	[tilespmem:s25], [sflag:$0x6] =	stream.indirect.gather [hbm4b:s5+s24], $0x80, s10, s24, $0xb8;
	[tilespmem:$0x1D000] =	vst v63  }
0x74: {  	_ =	swait.ge [sflag:s28], $0x4000  }
0x75: {  	[sflag:s28] =	ssyncset.done $0x0  }
0x76: {  	s11 =	rddreg [dreg:$0x9];
	[sflag:s28] =	ssyncadd.s32 $0xFFFFC000  }
0x77: {  	[spmem:s3] =	stream.indirect.scatter.add.f32 [tilespmem:s18], [sflag:$0x7], $0x80, s11, s24, $0xb8;
	[tilespmem:$0x1D000] =	vst v63  }
0x78: {  	_ =	swait.ge [sflag:s19], $0x4000  }
0x79: {  	[sflag:s19] =	ssyncset.done $0x0  }
0x7a: {  	s12 =	rddreg [dreg:$0xa];
	[sflag:s19] =	ssyncadd.s32 $0xFFFFC000  }
0x7b: {  	[tilespmem:s18], [sflag:$0x5] =	stream.indirect.gather [hbm4b:s5+s24], $0x80, s12, s24, $0xb8;
	[tilespmem:$0x1D000] =	vst v63  }
0x7c: {  	_ =	swait.ge [sflag:s29], $0x4000  }
0x7d: {  	[sflag:s29] =	ssyncset.done $0x0  }
0x7e: {  	s10 =	rddreg [dreg:$0xb];
	[sflag:s29] =	ssyncadd.s32 $0xFFFFC000  }
0x7f: {  	[spmem:s3] =	stream.indirect.scatter.add.f32 [tilespmem:s25], [sflag:$0x7], $0x80, s10, s24, $0xb8;
	[tilespmem:$0x1D000] =	vst v63  }
0x80: {  	_ =	swait.ge [sflag:s19], $0x4000  }
0x81: {  	[sflag:s19] =	ssyncset.done $0x0  }
0x82: {  	s11 =	rddreg [dreg:$0xc];
	[sflag:s19] =	ssyncadd.s32 $0xFFFFC000  }
0x83: {  	[tilespmem:s25], [sflag:$0x6] =	stream.indirect.gather [hbm4b:s5+s24], $0x80, s11, s24, $0xb8;
	[tilespmem:$0x1D000] =	vst v63  }
0x84: {  	_ =	swait.ge [sflag:s28], $0x4000  }
0x85: {  	[sflag:s28] =	ssyncset.done $0x0  }
0x86: {  	s12 =	rddreg [dreg:$0xd];
	[sflag:s28] =	ssyncadd.s32 $0xFFFFC000  }
0x87: {  	[spmem:s3] =	stream.indirect.scatter.add.f32 [tilespmem:s18], [sflag:$0x7], $0x80, s12, s24, $0xb8;
	[tilespmem:$0x1D000] =	vst v63  }
0x88: {  	_ =	swait.ge [sflag:s19], $0x4000  }
0x89: {  	[sflag:s19] =	ssyncset.done $0x0  }
0x8a: {  	s10 =	rddreg [dreg:$0xe];
	[sflag:s19] =	ssyncadd.s32 $0xFFFFC000  }
0x8b: {  	[tilespmem:s18], [sflag:$0x5] =	stream.indirect.gather [hbm4b:s5+s24], $0x80, s10, s24, $0xb8;
	[tilespmem:$0x1D000] =	vst v63  }
0x8c: {  	_ =	swait.ge [sflag:s29], $0x4000  }
0x8d: {  	[sflag:s29] =	ssyncset.done $0x0  }
0x8e: {  	s11 =	rddreg [dreg:$0xf];
	[sflag:s29] =	ssyncadd.s32 $0xFFFFC000  }
0x8f: {  	[spmem:s3] =	stream.indirect.scatter.add.f32 [tilespmem:s25], [sflag:$0x7], $0x80, s11, s24, $0xb8;
	[tilespmem:$0x1D000] =	vst v63  }
0x90: {  	_ =	swait.ge [sflag:s19], $0x4000  }
0x91: {  	[sflag:s19] =	ssyncset.done $0x0  }
0x92: {  	s12 =	rddreg [dreg:$0x10];
	[sflag:s19] =	ssyncadd.s32 $0xFFFFC000  }
0x93: {  	[tilespmem:s25], [sflag:$0x6] =	stream.indirect.gather [hbm4b:s5+s24], $0x80, s12, s24, $0xb8;
	[tilespmem:$0x1D000] =	vst v63  }
0x94: {  	_ =	swait.ge [sflag:s28], $0x4000  }
0x95: {  	[sflag:s28] =	ssyncset.done $0x0  }
0x96: {  	s10 =	rddreg [dreg:$0x11];
	[sflag:s28] =	ssyncadd.s32 $0xFFFFC000  }
0x97: {  	[spmem:s3] =	stream.indirect.scatter.add.f32 [tilespmem:s18], [sflag:$0x7], $0x80, s10, s24, $0xb8;
	[tilespmem:$0x1D000] =	vst v63  }
0x98: {  	_ =	swait.ge [sflag:s19], $0x4000  }
0x99: {  	[sflag:s19] =	ssyncset.done $0x0  }
0x9a: {  	[sflag:s19] =	ssyncadd.s32 $0xFFFFC000  }
0x9b: {  	_ =	swait.ge [sflag:s30], $0x400  }
0x9c: {  	[sflag:s30] =	ssyncset.done $0x0  }
0x9d: {  	[sflag:s30] =	ssyncadd.s32 $0xFFFFFC00  }
0x9e: {  	[tilespmem:s18], [sflag:$0x5] =	stream.indirect.gather [hbm4b:s5+s24], $0x80, s21, s24, $0xb8;
	[tilespmem:$0x1D000] =	vst v63  }
0x9f: {  	_ =	swait.ge [sflag:s29], $0x4000  }
0xa0: {  	[sflag:s29] =	ssyncset.done $0x0  }
0xa1: {  	s11 =	rddreg [dreg:$0x12];
	[sflag:s29] =	ssyncadd.s32 $0xFFFFC000  }
0xa2: {  	[spmem:s3] =	stream.indirect.scatter.add.f32 [tilespmem:s25], [sflag:$0x7], $0x80, s11, s24, $0xb8;
	[tilespmem:$0x1D000] =	vst v63  }
0xa3: {  	s10 =	smin.u32 s8, $0x7;
	_ =	swait.ge [sflag:s19], $0x4000  }
0xa4: {  	s10 =	sshll.u32 s10, $0xA;
	s12 =	rddreg [dreg:$0x4]  }
0xa5: {  	[sflag:s19] =	ssyncset.done $0x0;
	s9 =	sadd.s32 s10, s12  }
0xa6: {  	s11 =	rddreg [dreg:$0x13];
	[sflag:s19] =	ssyncadd.s32 $0xFFFFC000;
	s9 =	sshrl.u32 s9, $0x3  }
0xa7: {  	[tilespmem:s25], [sflag:$0x6] =	stream.indirect.gather [hbm4b:s5+s24], $0x80, s11, s24, $0xb8;
	[tilespmem:$0x1D000] =	vst v63  }
0xa8: {  	s12 =	sadd.s32 s2, s9  }
0xa9: {  	[tilespmem:s4], [sflag:$0x1] =	stream.linear.gather [hbm4b:s12+s4], $0x400, $0x38;
	[tilespmem:$0x1D000] =	vst v63  }
0xaa: {  	s9 =	sadd.s32 s6, s9  }
0xab: {  	[tilespmem:s20], [sflag:$0x3] =	stream.linear.gather [hbm4b:s9+s4], $0x400, $0x38;
	[tilespmem:$0x1D000] =	vst v63  }
0xac: {  	_ =	swait.ge [sflag:s31], $0x400  }
0xad: {  	[sflag:s31] =	ssyncset.done $0x0  }
0xae: {  	[sflag:s31] =	ssyncadd.s32 $0xFFFFFC00  }
0xaf: {  	_ =	swait.ge [sflag:s28], $0x4000  }
0xb0: {  	[sflag:s28] =	ssyncset.done $0x0  }
0xb1: {  	[sflag:s28] =	ssyncadd.s32 $0xFFFFC000  }
0xb2: {  	[spmem:s3] =	stream.indirect.scatter.add.f32 [tilespmem:s18], [sflag:$0x7], $0x80, s22, s24, $0xb8;
	[tilespmem:$0x1D000] =	vst v63  }
0xb3: {  	_ =	swait.ge [sflag:s19], $0x4000  }
0xb4: {  	[sflag:s19] =	ssyncset.done $0x0  }
0xb5: {  	s11 =	rddreg [dreg:$0x14];
	[sflag:s19] =	ssyncadd.s32 $0xFFFFC000  }
0xb6: {  	[tilespmem:s18], [sflag:$0x5] =	stream.indirect.gather [hbm4b:s5+s24], $0x80, s11, s24, $0xb8;
	[tilespmem:$0x1D000] =	vst v63  }
0xb7: {  	_ =	swait.ge [sflag:s29], $0x4000  }
0xb8: {  	[sflag:s29] =	ssyncset.done $0x0  }
0xb9: {  	s12 =	rddreg [dreg:$0x15];
	[sflag:s29] =	ssyncadd.s32 $0xFFFFC000  }
0xba: {  	[spmem:s3] =	stream.indirect.scatter.add.f32 [tilespmem:s25], [sflag:$0x7], $0x80, s12, s24, $0xb8;
	[tilespmem:$0x1D000] =	vst v63  }
0xbb: {  	_ =	swait.ge [sflag:s19], $0x4000  }
0xbc: {  	[sflag:s19] =	ssyncset.done $0x0  }
0xbd: {  	s10 =	rddreg [dreg:$0x16];
	[sflag:s19] =	ssyncadd.s32 $0xFFFFC000  }
0xbe: {  	[tilespmem:s25], [sflag:$0x6] =	stream.indirect.gather [hbm4b:s5+s24], $0x80, s10, s24, $0xb8;
	[tilespmem:$0x1D000] =	vst v63  }
0xbf: {  	_ =	swait.ge [sflag:s28], $0x4000  }
0xc0: {  	[sflag:s28] =	ssyncset.done $0x0  }
0xc1: {  	s11 =	rddreg [dreg:$0x17];
	[sflag:s28] =	ssyncadd.s32 $0xFFFFC000  }
0xc2: {  	[spmem:s3] =	stream.indirect.scatter.add.f32 [tilespmem:s18], [sflag:$0x7], $0x80, s11, s24, $0xb8;
	[tilespmem:$0x1D000] =	vst v63  }
0xc3: {  	_ =	swait.ge [sflag:s19], $0x4000  }
0xc4: {  	[sflag:s19] =	ssyncset.done $0x0  }
0xc5: {  	s12 =	rddreg [dreg:$0x18];
	[sflag:s19] =	ssyncadd.s32 $0xFFFFC000  }
0xc6: {  	[tilespmem:s18], [sflag:$0x5] =	stream.indirect.gather [hbm4b:s5+s24], $0x80, s12, s24, $0xb8;
	[tilespmem:$0x1D000] =	vst v63  }
0xc7: {  	_ =	swait.ge [sflag:s29], $0x4000  }
0xc8: {  	[sflag:s29] =	ssyncset.done $0x0  }
0xc9: {  	s10 =	rddreg [dreg:$0x19];
	[sflag:s29] =	ssyncadd.s32 $0xFFFFC000  }
0xca: {  	[spmem:s3] =	stream.indirect.scatter.add.f32 [tilespmem:s25], [sflag:$0x7], $0x80, s10, s24, $0xb8;
	[tilespmem:$0x1D000] =	vst v63  }
0xcb: {  	_ =	swait.ge [sflag:s19], $0x4000  }
0xcc: {  	[sflag:s19] =	ssyncset.done $0x0  }
0xcd: {  	s11 =	rddreg [dreg:$0x1a];
	[sflag:s19] =	ssyncadd.s32 $0xFFFFC000  }
0xce: {  	[tilespmem:s25], [sflag:$0x6] =	stream.indirect.gather [hbm4b:s5+s24], $0x80, s11, s24, $0xb8;
	[tilespmem:$0x1D000] =	vst v63  }
0xcf: {  	_ =	swait.ge [sflag:s28], $0x4000  }
0xd0: {  	[sflag:s28] =	ssyncset.done $0x0  }
0xd1: {  	s12 =	rddreg [dreg:$0x1b];
	[sflag:s28] =	ssyncadd.s32 $0xFFFFC000  }
0xd2: {  	[spmem:s3] =	stream.indirect.scatter.add.f32 [tilespmem:s18], [sflag:$0x7], $0x80, s12, s24, $0xb8;
	[tilespmem:$0x1D000] =	vst v63  }
0xd3: {  	_ =	swait.ge [sflag:s19], $0x4000  }
0xd4: {  	[sflag:s19] =	ssyncset.done $0x0  }
0xd5: {  	s10 =	rddreg [dreg:$0x1c];
	[sflag:s19] =	ssyncadd.s32 $0xFFFFC000  }
0xd6: {  	[tilespmem:s18], [sflag:$0x5] =	stream.indirect.gather [hbm4b:s5+s24], $0x80, s10, s24, $0xb8;
	[tilespmem:$0x1D000] =	vst v63  }
0xd7: {  	_ =	swait.ge [sflag:s29], $0x4000  }
0xd8: {  	[sflag:s29] =	ssyncset.done $0x0  }
0xd9: {  	s11 =	rddreg [dreg:$0x1d];
	[sflag:s29] =	ssyncadd.s32 $0xFFFFC000  }
0xda: {  	[spmem:s3] =	stream.indirect.scatter.add.f32 [tilespmem:s25], [sflag:$0x7], $0x80, s11, s24, $0xb8;
	[tilespmem:$0x1D000] =	vst v63  }
0xdb: {  	_ =	swait.ge [sflag:s19], $0x4000  }
0xdc: {  	[sflag:s19] =	ssyncset.done $0x0  }
0xdd: {  	s12 =	rddreg [dreg:$0x1e];
	[sflag:s19] =	ssyncadd.s32 $0xFFFFC000  }
0xde: {  	[tilespmem:s25], [sflag:$0x6] =	stream.indirect.gather [hbm4b:s5+s24], $0x80, s12, s24, $0xb8;
	[tilespmem:$0x1D000] =	vst v63  }
0xdf: {  	_ =	swait.ge [sflag:s28], $0x4000  }
0xe0: {  	[sflag:s28] =	ssyncset.done $0x0  }
0xe1: {  	s10 =	rddreg [dreg:$0x1f];
	[sflag:s28] =	ssyncadd.s32 $0xFFFFC000  }
0xe2: {  	[spmem:s3] =	stream.indirect.scatter.add.f32 [tilespmem:s18], [sflag:$0x7], $0x80, s10, s24, $0xb8;
	[tilespmem:$0x1D000] =	vst v63  }
0xe3: {  	_ =	swait.ge [sflag:s19], $0x4000  }
0xe4: {  	[sflag:s19] =	ssyncset.done $0x0  }
0xe5: {  	[sflag:s19] =	ssyncadd.s32 $0xFFFFC000  }
0xe6: {  	_ =	swait.ge [sflag:s23], $0x400  }
0xe7: {  	[sflag:s23] =	ssyncset.done $0x0  }
0xe8: {  	[sflag:s23] =	ssyncadd.s32 $0xFFFFFC00  }
0xe9: {  	[tilespmem:s18], [sflag:$0x5] =	stream.indirect.gather [hbm4b:s5+s24], $0x80, s4, s24, $0xb8;
	[tilespmem:$0x1D000] =	vst v63  }
0xea: {  	_ =	swait.ge [sflag:s29], $0x4000  }
0xeb: {  	[sflag:s29] =	ssyncset.done $0x0  }
0xec: {  	[sflag:s29] =	ssyncadd.s32 $0xFFFFC000  }
0xed: {  	[spmem:s3] =	stream.indirect.scatter.add.f32 [tilespmem:s25], [sflag:$0x7], $0x80, s0, s24, $0xb8;
	[tilespmem:$0x1D000] =	vst v63  }
0xee: {  	s8 =	smin.u32 s8, $0x6;
	_ =	swait.ge [sflag:s19], $0x4000  }
0xef: {  	s8 =	sshll.u32 s8, $0xA;
	[sflag:s19] =	ssyncset.done $0x0;
	s11 =	rddreg [dreg:$0x5]  }
0xf0: {  	[sflag:s19] =	ssyncadd.s32 $0xFFFFC000;
	s8 =	sadd.s32 s8, s11  }
0xf1: {  	[tilespmem:s25], [sflag:$0x6] =	stream.indirect.gather [hbm4b:s5+s24], $0x80, s24, s24, $0xb8;
	[tilespmem:$0x1D000] =	vst v63  }
0xf2: {  	s8 =	sshrl.u32 s8, $0x3  }
0xf3: {  	s12 =	sadd.s32 s2, s8  }
0xf4: {  	[tilespmem:s21], [sflag:$0x2] =	stream.linear.gather [hbm4b:s12+s4], $0x400, $0x38;
	[tilespmem:$0x1D000] =	vst v63  }
0xf5: {  	s8 =	sadd.s32 s6, s8  }
0xf6: {  	[tilespmem:s22], [sflag:$0x4] =	stream.linear.gather [hbm4b:s8+s4], $0x400, $0x38;
	[tilespmem:$0x1D000] =	vst v63  }
0xf7: {  	s8 =	simm.s32 $0x2  }
.LBB2_4:
0xf8: {  	_ =	swait.ge [sflag:s26], $0x400  }
0xf9: {  	[sflag:s26] =	ssyncset.done $0x0  }
0xfa: {  	[sflag:s26] =	ssyncadd.s32 $0xFFFFFC00  }
0xfb: {  	_ =	swait.ge [sflag:s28], $0x4000  }
0xfc: {  	[sflag:s28] =	ssyncset.done $0x0  }
0xfd: {  	[sflag:s28] =	ssyncadd.s32 $0xFFFFC000  }
0xfe: {  	[spmem:s3] =	stream.indirect.scatter.add.f32 [tilespmem:s18], [sflag:$0x7], $0x80, s20, s24, $0xb8;
	[tilespmem:$0x1D000] =	vst v63  }
0xff: {  	_ =	swait.ge [sflag:s19], $0x4000  }
0x100: {  	[sflag:s19] =	ssyncset.done $0x0  }
0x101: {  	s10 =	rddreg [dreg:$0x6];
	[sflag:s19] =	ssyncadd.s32 $0xFFFFC000  }
0x102: {  	[tilespmem:s18], [sflag:$0x5] =	stream.indirect.gather [hbm4b:s5+s24], $0x80, s10, s24, $0xb8;
	[tilespmem:$0x1D000] =	vst v63  }
0x103: {  	_ =	swait.ge [sflag:s29], $0x4000  }
0x104: {  	[sflag:s29] =	ssyncset.done $0x0  }
0x105: {  	s11 =	rddreg [dreg:$0x7];
	[sflag:s29] =	ssyncadd.s32 $0xFFFFC000  }
0x106: {  	[spmem:s3] =	stream.indirect.scatter.add.f32 [tilespmem:s25], [sflag:$0x7], $0x80, s11, s24, $0xb8;
	[tilespmem:$0x1D000] =	vst v63  }
0x107: {  	_ =	swait.ge [sflag:s19], $0x4000  }
0x108: {  	[sflag:s19] =	ssyncset.done $0x0  }
0x109: {  	s12 =	rddreg [dreg:$0x8];
	[sflag:s19] =	ssyncadd.s32 $0xFFFFC000  }
0x10a: {  	[tilespmem:s25], [sflag:$0x6] =	stream.indirect.gather [hbm4b:s5+s24], $0x80, s12, s24, $0xb8;
	[tilespmem:$0x1D000] =	vst v63  }
0x10b: {  	_ =	swait.ge [sflag:s28], $0x4000  }
0x10c: {  	[sflag:s28] =	ssyncset.done $0x0  }
0x10d: {  	s11 =	rddreg [dreg:$0x9];
	[sflag:s28] =	ssyncadd.s32 $0xFFFFC000  }
0x10e: {  	[spmem:s3] =	stream.indirect.scatter.add.f32 [tilespmem:s18], [sflag:$0x7], $0x80, s11, s24, $0xb8;
	[tilespmem:$0x1D000] =	vst v63  }
0x10f: {  	_ =	swait.ge [sflag:s19], $0x4000  }
0x110: {  	[sflag:s19] =	ssyncset.done $0x0  }
0x111: {  	s12 =	rddreg [dreg:$0xa];
	[sflag:s19] =	ssyncadd.s32 $0xFFFFC000  }
0x112: {  	[tilespmem:s18], [sflag:$0x5] =	stream.indirect.gather [hbm4b:s5+s24], $0x80, s12, s24, $0xb8;
	[tilespmem:$0x1D000] =	vst v63  }
0x113: {  	_ =	swait.ge [sflag:s29], $0x4000  }
0x114: {  	[sflag:s29] =	ssyncset.done $0x0  }
0x115: {  	s11 =	rddreg [dreg:$0xb];
	[sflag:s29] =	ssyncadd.s32 $0xFFFFC000  }
0x116: {  	[spmem:s3] =	stream.indirect.scatter.add.f32 [tilespmem:s25], [sflag:$0x7], $0x80, s11, s24, $0xb8;
	[tilespmem:$0x1D000] =	vst v63  }
0x117: {  	_ =	swait.ge [sflag:s19], $0x4000  }
0x118: {  	[sflag:s19] =	ssyncset.done $0x0  }
0x119: {  	s12 =	rddreg [dreg:$0xc];
	[sflag:s19] =	ssyncadd.s32 $0xFFFFC000  }
0x11a: {  	[tilespmem:s25], [sflag:$0x6] =	stream.indirect.gather [hbm4b:s5+s24], $0x80, s12, s24, $0xb8;
	[tilespmem:$0x1D000] =	vst v63  }
0x11b: {  	_ =	swait.ge [sflag:s28], $0x4000  }
0x11c: {  	[sflag:s28] =	ssyncset.done $0x0  }
0x11d: {  	s11 =	rddreg [dreg:$0xd];
	[sflag:s28] =	ssyncadd.s32 $0xFFFFC000  }
0x11e: {  	[spmem:s3] =	stream.indirect.scatter.add.f32 [tilespmem:s18], [sflag:$0x7], $0x80, s11, s24, $0xb8;
	[tilespmem:$0x1D000] =	vst v63  }
0x11f: {  	_ =	swait.ge [sflag:s19], $0x4000  }
0x120: {  	[sflag:s19] =	ssyncset.done $0x0  }
0x121: {  	s12 =	rddreg [dreg:$0xe];
	[sflag:s19] =	ssyncadd.s32 $0xFFFFC000  }
0x122: {  	[tilespmem:s18], [sflag:$0x5] =	stream.indirect.gather [hbm4b:s5+s24], $0x80, s12, s24, $0xb8;
	[tilespmem:$0x1D000] =	vst v63  }
0x123: {  	_ =	swait.ge [sflag:s29], $0x4000  }
0x124: {  	[sflag:s29] =	ssyncset.done $0x0  }
0x125: {  	s11 =	rddreg [dreg:$0xf];
	[sflag:s29] =	ssyncadd.s32 $0xFFFFC000  }
0x126: {  	[spmem:s3] =	stream.indirect.scatter.add.f32 [tilespmem:s25], [sflag:$0x7], $0x80, s11, s24, $0xb8;
	[tilespmem:$0x1D000] =	vst v63  }
0x127: {  	_ =	swait.ge [sflag:s19], $0x4000  }
0x128: {  	[sflag:s19] =	ssyncset.done $0x0  }
0x129: {  	s12 =	rddreg [dreg:$0x10];
	[sflag:s19] =	ssyncadd.s32 $0xFFFFC000  }
0x12a: {  	[tilespmem:s25], [sflag:$0x6] =	stream.indirect.gather [hbm4b:s5+s24], $0x80, s12, s24, $0xb8;
	[tilespmem:$0x1D000] =	vst v63  }
0x12b: {  	_ =	swait.ge [sflag:s28], $0x4000  }
0x12c: {  	[sflag:s28] =	ssyncset.done $0x0  }
0x12d: {  	s11 =	rddreg [dreg:$0x11];
	[sflag:s28] =	ssyncadd.s32 $0xFFFFC000  }
0x12e: {  	[spmem:s3] =	stream.indirect.scatter.add.f32 [tilespmem:s18], [sflag:$0x7], $0x80, s11, s24, $0xb8;
	[tilespmem:$0x1D000] =	vst v63  }
0x12f: {  	_ =	swait.ge [sflag:s19], $0x4000  }
0x130: {  	[sflag:s19] =	ssyncset.done $0x0  }
0x131: {  	[sflag:s19] =	ssyncadd.s32 $0xFFFFC000  }
0x132: {  	_ =	swait.ge [sflag:s30], $0x400  }
0x133: {  	[sflag:s30] =	ssyncset.done $0x0  }
0x134: {  	[sflag:s30] =	ssyncadd.s32 $0xFFFFFC00  }
0x135: {  	[tilespmem:s18], [sflag:$0x5] =	stream.indirect.gather [hbm4b:s5+s24], $0x80, s21, s24, $0xb8;
	[tilespmem:$0x1D000] =	vst v63  }
0x136: {  	_ =	swait.ge [sflag:s29], $0x4000  }
0x137: {  	[sflag:s29] =	ssyncset.done $0x0  }
0x138: {  	s9 =	smov.u32 s8;
	s12 =	rddreg [dreg:$0x12];
	[sflag:s29] =	ssyncadd.s32 $0xFFFFC000  }
0x139: {  	[spmem:s3] =	stream.indirect.scatter.add.f32 [tilespmem:s25], [sflag:$0x7], $0x80, s12, s24, $0xb8;
	[tilespmem:$0x1D000] =	vst v63  }
0x13a: {  	s12 =	smin.u32 s9, $0x7;
	_ =	swait.ge [sflag:s19], $0x4000  }
0x13b: {  	s12 =	sshll.u32 s12, $0xA;
	s10 =	rddreg [dreg:$0x4]  }
0x13c: {  	[sflag:s19] =	ssyncset.done $0x0;
	s10 =	sadd.s32 s12, s10  }
0x13d: {  	s11 =	rddreg [dreg:$0x13];
	[sflag:s19] =	ssyncadd.s32 $0xFFFFC000;
	s10 =	sshrl.u32 s10, $0x3  }
0x13e: {  	[tilespmem:s25], [sflag:$0x6] =	stream.indirect.gather [hbm4b:s5+s24], $0x80, s11, s24, $0xb8;
	[tilespmem:$0x1D000] =	vst v63  }
0x13f: {  	s12 =	sadd.s32 s2, s10  }
0x140: {  	[tilespmem:s4], [sflag:$0x1] =	stream.linear.gather [hbm4b:s12+s4], $0x400, $0x38;
	[tilespmem:$0x1D000] =	vst v63  }
0x141: {  	s10 =	sadd.s32 s6, s10  }
0x142: {  	[tilespmem:s20], [sflag:$0x3] =	stream.linear.gather [hbm4b:s10+s4], $0x400, $0x38;
	[tilespmem:$0x1D000] =	vst v63  }
0x143: {  	_ =	swait.ge [sflag:s31], $0x400  }
0x144: {  	[sflag:s31] =	ssyncset.done $0x0  }
0x145: {  	[sflag:s31] =	ssyncadd.s32 $0xFFFFFC00  }
0x146: {  	_ =	swait.ge [sflag:s28], $0x4000  }
0x147: {  	[sflag:s28] =	ssyncset.done $0x0  }
0x148: {  	[sflag:s28] =	ssyncadd.s32 $0xFFFFC000  }
0x149: {  	[spmem:s3] =	stream.indirect.scatter.add.f32 [tilespmem:s18], [sflag:$0x7], $0x80, s22, s24, $0xb8;
	[tilespmem:$0x1D000] =	vst v63  }
0x14a: {  	_ =	swait.ge [sflag:s19], $0x4000  }
0x14b: {  	[sflag:s19] =	ssyncset.done $0x0  }
0x14c: {  	s11 =	rddreg [dreg:$0x14];
	[sflag:s19] =	ssyncadd.s32 $0xFFFFC000  }
0x14d: {  	[tilespmem:s18], [sflag:$0x5] =	stream.indirect.gather [hbm4b:s5+s24], $0x80, s11, s24, $0xb8;
	[tilespmem:$0x1D000] =	vst v63  }
0x14e: {  	_ =	swait.ge [sflag:s29], $0x4000  }
0x14f: {  	[sflag:s29] =	ssyncset.done $0x0  }
0x150: {  	s12 =	rddreg [dreg:$0x15];
	[sflag:s29] =	ssyncadd.s32 $0xFFFFC000  }
0x151: {  	[spmem:s3] =	stream.indirect.scatter.add.f32 [tilespmem:s25], [sflag:$0x7], $0x80, s12, s24, $0xb8;
	[tilespmem:$0x1D000] =	vst v63  }
0x152: {  	_ =	swait.ge [sflag:s19], $0x4000  }
0x153: {  	[sflag:s19] =	ssyncset.done $0x0  }
0x154: {  	s11 =	rddreg [dreg:$0x16];
	[sflag:s19] =	ssyncadd.s32 $0xFFFFC000  }
0x155: {  	[tilespmem:s25], [sflag:$0x6] =	stream.indirect.gather [hbm4b:s5+s24], $0x80, s11, s24, $0xb8;
	[tilespmem:$0x1D000] =	vst v63  }
0x156: {  	_ =	swait.ge [sflag:s28], $0x4000  }
0x157: {  	[sflag:s28] =	ssyncset.done $0x0  }
0x158: {  	s12 =	rddreg [dreg:$0x17];
	[sflag:s28] =	ssyncadd.s32 $0xFFFFC000  }
0x159: {  	[spmem:s3] =	stream.indirect.scatter.add.f32 [tilespmem:s18], [sflag:$0x7], $0x80, s12, s24, $0xb8;
	[tilespmem:$0x1D000] =	vst v63  }
0x15a: {  	_ =	swait.ge [sflag:s19], $0x4000  }
0x15b: {  	[sflag:s19] =	ssyncset.done $0x0  }
0x15c: {  	s11 =	rddreg [dreg:$0x18];
	[sflag:s19] =	ssyncadd.s32 $0xFFFFC000  }
0x15d: {  	[tilespmem:s18], [sflag:$0x5] =	stream.indirect.gather [hbm4b:s5+s24], $0x80, s11, s24, $0xb8;
	[tilespmem:$0x1D000] =	vst v63  }
0x15e: {  	_ =	swait.ge [sflag:s29], $0x4000  }
0x15f: {  	[sflag:s29] =	ssyncset.done $0x0  }
0x160: {  	s12 =	rddreg [dreg:$0x19];
	[sflag:s29] =	ssyncadd.s32 $0xFFFFC000  }
0x161: {  	[spmem:s3] =	stream.indirect.scatter.add.f32 [tilespmem:s25], [sflag:$0x7], $0x80, s12, s24, $0xb8;
	[tilespmem:$0x1D000] =	vst v63  }
0x162: {  	_ =	swait.ge [sflag:s19], $0x4000  }
0x163: {  	[sflag:s19] =	ssyncset.done $0x0  }
0x164: {  	s11 =	rddreg [dreg:$0x1a];
	[sflag:s19] =	ssyncadd.s32 $0xFFFFC000  }
0x165: {  	[tilespmem:s25], [sflag:$0x6] =	stream.indirect.gather [hbm4b:s5+s24], $0x80, s11, s24, $0xb8;
	[tilespmem:$0x1D000] =	vst v63  }
0x166: {  	_ =	swait.ge [sflag:s28], $0x4000  }
0x167: {  	[sflag:s28] =	ssyncset.done $0x0  }
0x168: {  	s12 =	rddreg [dreg:$0x1b];
	[sflag:s28] =	ssyncadd.s32 $0xFFFFC000  }
0x169: {  	[spmem:s3] =	stream.indirect.scatter.add.f32 [tilespmem:s18], [sflag:$0x7], $0x80, s12, s24, $0xb8;
	[tilespmem:$0x1D000] =	vst v63  }
0x16a: {  	_ =	swait.ge [sflag:s19], $0x4000  }
0x16b: {  	[sflag:s19] =	ssyncset.done $0x0  }
0x16c: {  	s11 =	rddreg [dreg:$0x1c];
	[sflag:s19] =	ssyncadd.s32 $0xFFFFC000  }
0x16d: {  	[tilespmem:s18], [sflag:$0x5] =	stream.indirect.gather [hbm4b:s5+s24], $0x80, s11, s24, $0xb8;
	[tilespmem:$0x1D000] =	vst v63  }
0x16e: {  	_ =	swait.ge [sflag:s29], $0x4000  }
0x16f: {  	[sflag:s29] =	ssyncset.done $0x0  }
0x170: {  	s12 =	rddreg [dreg:$0x1d];
	[sflag:s29] =	ssyncadd.s32 $0xFFFFC000  }
0x171: {  	[spmem:s3] =	stream.indirect.scatter.add.f32 [tilespmem:s25], [sflag:$0x7], $0x80, s12, s24, $0xb8;
	[tilespmem:$0x1D000] =	vst v63  }
0x172: {  	_ =	swait.ge [sflag:s19], $0x4000  }
0x173: {  	[sflag:s19] =	ssyncset.done $0x0  }
0x174: {  	s11 =	rddreg [dreg:$0x1e];
	[sflag:s19] =	ssyncadd.s32 $0xFFFFC000  }
0x175: {  	[tilespmem:s25], [sflag:$0x6] =	stream.indirect.gather [hbm4b:s5+s24], $0x80, s11, s24, $0xb8;
	[tilespmem:$0x1D000] =	vst v63  }
0x176: {  	_ =	swait.ge [sflag:s28], $0x4000  }
0x177: {  	[sflag:s28] =	ssyncset.done $0x0  }
0x178: {  	s12 =	rddreg [dreg:$0x1f];
	[sflag:s28] =	ssyncadd.s32 $0xFFFFC000  }
0x179: {  	[spmem:s3] =	stream.indirect.scatter.add.f32 [tilespmem:s18], [sflag:$0x7], $0x80, s12, s24, $0xb8;
	[tilespmem:$0x1D000] =	vst v63  }
0x17a: {  	_ =	swait.ge [sflag:s19], $0x4000  }
0x17b: {  	[sflag:s19] =	ssyncset.done $0x0  }
0x17c: {  	[sflag:s19] =	ssyncadd.s32 $0xFFFFC000  }
0x17d: {  	_ =	swait.ge [sflag:s23], $0x400  }
0x17e: {  	[sflag:s23] =	ssyncset.done $0x0  }
0x17f: {  	[sflag:s23] =	ssyncadd.s32 $0xFFFFFC00  }
0x180: {  	[tilespmem:s18], [sflag:$0x5] =	stream.indirect.gather [hbm4b:s5+s24], $0x80, s4, s24, $0xb8;
	[tilespmem:$0x1D000] =	vst v63  }
0x181: {  	_ =	swait.ge [sflag:s29], $0x4000  }
0x182: {  	[sflag:s29] =	ssyncset.done $0x0  }
0x183: {  	[sflag:s29] =	ssyncadd.s32 $0xFFFFC000  }
0x184: {  	[spmem:s3] =	stream.indirect.scatter.add.f32 [tilespmem:s25], [sflag:$0x7], $0x80, s0, s24, $0xb8;
	[tilespmem:$0x1D000] =	vst v63  }
0x185: {  	s9 =	smin.u32 s9, $0x6;
	_ =	swait.ge [sflag:s19], $0x4000  }
0x186: {  	s9 =	sshll.u32 s9, $0xA;
	[sflag:s19] =	ssyncset.done $0x0;
	s11 =	rddreg [dreg:$0x5]  }
0x187: {  	p0 =	sne.s32 s8, $0x8;
	[sflag:s19] =	ssyncadd.s32 $0xFFFFC000;
	s9 =	sadd.s32 s9, s11  }
0x188: {  	[tilespmem:s25], [sflag:$0x6] =	stream.indirect.gather [hbm4b:s5+s24], $0x80, s24, s24, $0xb8;
	[tilespmem:$0x1D000] =	vst v63  }
.Ltmp1:
0x189: {  	s9 =	sshrl.u32 s9, $0x3;
	(pc) =	sbr.rel @p0 .LBB2_4-.Ltmp1, $4  }
0x18a: {  	s12 =	sadd.s32 s2, s9  }
0x18b: {  	[tilespmem:s21], [sflag:$0x2] =	stream.linear.gather [hbm4b:s12+s4], $0x400, $0x38;
	[tilespmem:$0x1D000] =	vst v63  }
0x18c: {  	s8 =	sadd.s32 $0x2, s8;
	s9 =	sadd.s32 s6, s9  }
0x18d: {  	[tilespmem:s22], [sflag:$0x4] =	stream.linear.gather [hbm4b:s9+s4], $0x400, $0x38;
	[tilespmem:$0x1D000] =	vst v63  }
0x18e: {  	_ =	swait.ge [sflag:s26], $0x400  }
0x18f: {  	[sflag:s26] =	ssyncset.done $0x0  }
0x190: {  	[sflag:s26] =	ssyncadd.s32 $0xFFFFFC00  }
0x191: {  	_ =	swait.ge [sflag:s28], $0x4000  }
0x192: {  	[sflag:s28] =	ssyncset.done $0x0  }
0x193: {  	[sflag:s28] =	ssyncadd.s32 $0xFFFFC000  }
0x194: {  	_ =	swait.ge [sflag:s29], $0x4000  }
0x195: {  	[sflag:s29] =	ssyncset.done $0x0  }
0x196: {  	[sflag:s29] =	ssyncadd.s32 $0xFFFFC000  }
0x197: {  	_ =	swait.ge [sflag:s30], $0x400  }
0x198: {  	[sflag:s30] =	ssyncset.done $0x0  }
0x199: {  	[sflag:s30] =	ssyncadd.s32 $0xFFFFFC00  }
0x19a: {  	s8 =	stileid.u32;
	_ =	swait.ge [sflag:s31], $0x400  }
0x19b: {  	s9 =	sshrl.u32 s7, $0x3;
	s1 =	sadd.s32 $0x1, s1;
	[sflag:s31] =	ssyncset.done $0x0  }
0x19c: {  	s8 =	sshll.u32 s8, $0x6;
	p0 =	sne.s32 s1, s17;
	[sflag:s31] =	ssyncadd.s32 $0xFFFFFC00  }
.Ltmp2:
0x19d: {  	s8 =	sor.u32 $0x1C07, s8;
	[bflag:$0x0] =	sbarrier.arrive $0xFFFF;
	(pc) =	sbr.rel @p0 .LBB2_1-.Ltmp2, $4  }
0x19e: {  	[hbm:s16], [sflag:s8] =	dma.local [spmem:s9], $0x2800  }
0x19f: {  	_ =	swait.ge [sflag:s19], $0x2800  }
0x1a0: {  	[sflag:s19] =	ssyncset.done $0x0  }
0x1a1: {  	[sflag:s19] =	ssyncadd.s32 $0xFFFFD800  }
0x1a2: {  	_ =	sfence.sel $0x180000  }
0x1a3: {  	[bflag:$0x0] =	sbarrier.arrive $0xFFFF  }
0x1a4: {  	_ =	strace $0x9000004D  }
0x1a5: {  	s0 =	stileid.u32;
	[bflag:$0x2] =	sbarrier.arrive $0xFFFF  }
0x1a6: {  	p0 =	sne.s32 s0, $0x0;
	s0 =	rddreg [dreg:$0x3]  }
0x1a7: {  	s0 =	sadd.s32 @!p0 $0x100000, s0  }
0x1a8: {  	[sflag:s0] =	ssyncadd.tile.s32 @!p0 $0x1;
	_ =	shalt  }
.Lfunc_end2:
_tile_overlayer_lowered:
.L_overlay_start_2:
0x1a9: {  	(tag) =	ssettag $0x2  }
0x1aa: {  	s0 =	rddreg [dreg:$0x0];
	s2 =	stileid.u32  }
0x1ab: {  	s1 =	rddreg [dreg:$0x1];
	p0 =	sne.s32 s2, $0x0  }
0x1ac: {  	s3 =	rddreg [dreg:$0x2];
	[bflag:$0x3] =	sbarrier.arrive $0xFFFF;
	s2 =	simm.s32 @!p0 $0x1C07  }
0x1ad: {  	[timem:s3], [sflag:s2] =	dma.local @!p0 [hbm:s0], s1  }
0x1ae: {  	s0 =	simm.s32 @!p0 $0x7  }
0x1af: {  	_ =	swait.ge @!p0 [sflag:s0], s1  }
0x1b0: {  	s1 =	ssub.s32 @!p0 $0x0, s1;
	[sflag:s0] =	ssyncset.done @!p0 $0x0  }
0x1b1: {  	[sflag:s0] =	ssyncadd.s32 @!p0 s1  }
0x1b2: {  	[bflag:$0x3] =	sbarrier.arrive $0xFFFF  }
0x1b3: {  	_ =	shalt  }

// kernel: _run.9.cloned.1.call-start
scs
__scs_entry_jumppad:
0x0: {  	(pc) =	sbr.rel $0x88, $3  }
0x1: {  	(tag) =	ssettag $0x0;
	lr =	simm.s32 $0x1  }
0x2: {  	[smem:$0x3F92] =	sst lr;
	_ =	strace $0xD0000000  }
0x3: {  	_ = 	snop  }
0x4: {  	_ = 	snop  }
0x5: {  	_ = 	snop  }
0x6: {  	_ = 	snop  }
0x7: {  	_ = 	snop  }
__scs_overlays_trampoline_lowered:
0x8: {  	[smem:$0x3FA1] =	sst s0  }
0x9: {  	[smem:$0x3FA2] =	sst s1  }
0xa: {  	[smem:$0x3FA3] =	sst s2  }
0xb: {  	[smem:$0x3FA4] =	sst s3  }
0xc: {  	[smem:$0x3FA5] =	sst s4  }
0xd: {  	[smem:$0x3FA6] =	sst s5  }
0xe: {  	[smem:$0x3FA7] =	sst s6  }
0xf: {  	[smem:$0x3FA8] =	sst s7  }
0x10: {  	[smem:$0x3FA9] =	sst s8  }
0x11: {  	[smem:$0x3FAA] =	sst s9;
	s0 =	simm.s32 @!p0 $0x0  }
0x12: {  	s1 =	sld [smem:$0x3F90];
	s0 =	simm.s32 @p0 $0x1  }
0x13: {  	[smem:$0x3FAB] =	sst s0;
	s0 =	simm.s32 @!p1 $0x0  }
0x14: {  	s2 =	sld [smem:$0x3F8F];
	s0 =	simm.s32 @p1 $0x1  }
0x15: {  	[smem:$0x3FAC] =	sst s0;
	s0 =	simm.s32 @!p2 $0x0  }
0x16: {  	s3 =	sld [smem:$0x3FDB];
	s0 =	simm.s32 @p2 $0x1  }
0x17: {  	s4 =	simm.s32 $0x1BF5;
	[smem:$0x3FAE] =	sst s0  }
0x18: {  	s0 =	sld [smem:$0x3F91];
	_ =	swait.ge [sflag:s4], $0x0  }
0x19: {  	s7 =	sld [smem:$0x3F92]  }
0x1a: {  	s8 =	sadd.s32 $0xFFFFE003, lr  }
0x1b: {  	s9 =	sadd.s32 $0xFFFFFEF7, lr;
	s5 =	simm.s32 $0xFFFFFFFF;
	p2 =	slt.u32 s8, $0xFFFFF086  }
0x1c: {  	p1 =	slt.u32 s9, $0xF7A;
	s5 =	simm.s32 @!p2 $0x0  }
0x1d: {  	s5 =	simm.s32 @p1 $0x1;
	p0 =	seq.s32 s7, s2  }
0x1e: {  	s7 =	smul.u32 @!p0 $0xF7A, s2;
	p2 =	seq.s32 @!p0 s5, $0x0  }
0x1f: {  	s9 =	smul.u32 $0xF7A, s1;
	s8 =	simm.s32 @!p0 $0x1BF5;
	p2 =	por !p2, p0  }
0x20: {  	[sflag:s8] =	ssyncset.s32 @!p0 $0xFFFFF086;
	s6 =	sadd.s32 @!p0 s3, s7;
	s7 =	simm.s32 @!p0 $0x108  }
0x21: {  	s3 =	sadd.s32 s3, s9;
	s6 =	sadd.s32 @!p0 $0x88, s6;
	s7 =	simm.s32 @p2 $0x1082  }
0x22: {  	[simem:s7], [sflag:s8] =	dma.local @!p0 [hbm:s6], $0xF7A  }
0x23: {  	s9 =	sor.u32 $0xD0000000, s2;
	s6 =	simm.s32 $0x108;
	_ =	swait.ge @!p0 [sflag:s8], $0x0  }
0x24: {  	s3 =	sadd.s32 $0x88, s3;
	s6 =	simm.s32 @!p1 $0x1082;
	[sflag:s4] =	ssyncset.s32 $0xFFFFF086  }
0x25: {  	[simem:s6], [sflag:s4] =	dma.local [hbm:s3], $0xF7A  }
0x26: {  	[smem:$0x3F92] =	sst s1;
	(tag) =	ssettag s2;
	_ =	strace s9  }
0x27: {  	s1 =	sld [smem:$0x3FA2]  }
0x28: {  	s2 =	sld [smem:$0x3FA3]  }
0x29: {  	s4 =	sld [smem:$0x3FA5]  }
0x2a: {  	p0 =	seq.s32 s5, $0x0;
	s5 =	sld [smem:$0x3FA6]  }
0x2b: {  	s6 =	sld [smem:$0x3FA7]  }
0x2c: {  	s7 =	sld [smem:$0x3FA8]  }
0x2d: {  	s3 =	simm.s32 $0x108;
	s8 =	sld [smem:$0x3FA9]  }
0x2e: {  	s3 =	simm.s32 @!p0 $0x1082;
	s9 =	sld [smem:$0x3FAA]  }
0x2f: {  	lr =	sadd.s32 s0, s3;
	s0 =	sld [smem:$0x3FA1]  }
0x30: {  	s3 =	sld [smem:$0x3FA4]  }
0x31: {  	[smem:$0x3FAD] =	sst s10  }
0x32: {  	s10 =	sld [smem:$0x3FAB];
	_ =	sdelay $0x3  }
0x33: {  	p0 =	seq.s32 s10, $0x1;
	s10 =	sld [smem:$0x3FAD];
	_ =	sdelay $0x3  }
0x34: {  	[smem:$0x3FAD] =	sst s10  }
0x35: {  	s10 =	sld [smem:$0x3FAC];
	_ =	sdelay $0x3  }
0x36: {  	p1 =	seq.s32 s10, $0x1;
	s10 =	sld [smem:$0x3FAD];
	_ =	sdelay $0x3  }
0x37: {  	[smem:$0x3FAD] =	sst s10  }
0x38: {  	s10 =	sld [smem:$0x3FAE]  }
0x39: {  	_ = 	snop;
	(pc) =	sbr.ind lr, $3  }
0x3a: {  	_ = 	snop  }
0x3b: {  	_ = 	snop  }
0x3c: {  	p2 =	seq.s32 s10, $0x1;
	s10 =	sld [smem:$0x3FAD]  }
0x3d: {  	_ =	shalt  }
0x3e: {  	_ =	shalt  }
0x3f: {  	_ =	shalt  }
0x40: {  	_ =	shalt  }
0x41: {  	_ =	shalt  }
0x42: {  	_ =	shalt  }
0x43: {  	_ =	shalt  }
0x44: {  	_ =	shalt  }
0x45: {  	_ =	shalt  }
0x46: {  	_ =	shalt  }
0x47: {  	_ =	shalt  }
0x48: {  	_ =	shalt  }
0x49: {  	_ =	shalt  }
0x4a: {  	_ =	shalt  }
0x4b: {  	_ =	shalt  }
0x4c: {  	_ =	shalt  }
0x4d: {  	_ =	shalt  }
0x4e: {  	_ =	shalt  }
0x4f: {  	_ =	shalt  }
0x50: {  	_ =	shalt  }
0x51: {  	_ =	shalt  }
0x52: {  	_ =	shalt  }
0x53: {  	_ =	shalt  }
0x54: {  	_ =	shalt  }
0x55: {  	_ =	shalt  }
0x56: {  	_ =	shalt  }
0x57: {  	_ =	shalt  }
0x58: {  	_ =	shalt  }
0x59: {  	_ =	shalt  }
0x5a: {  	_ =	shalt  }
0x5b: {  	_ =	shalt  }
0x5c: {  	_ =	shalt  }
0x5d: {  	_ =	shalt  }
0x5e: {  	_ =	shalt  }
0x5f: {  	_ =	shalt  }
0x60: {  	_ =	shalt  }
0x61: {  	_ =	shalt  }
0x62: {  	_ =	shalt  }
0x63: {  	_ =	shalt  }
0x64: {  	_ =	shalt  }
0x65: {  	_ =	shalt  }
0x66: {  	_ =	shalt  }
0x67: {  	_ =	shalt  }
0x68: {  	_ =	shalt  }
0x69: {  	_ =	shalt  }
0x6a: {  	_ =	shalt  }
0x6b: {  	_ =	shalt  }
0x6c: {  	_ =	shalt  }
0x6d: {  	_ =	shalt  }
0x6e: {  	_ =	shalt  }
0x6f: {  	_ =	shalt  }
0x70: {  	_ =	shalt  }
0x71: {  	_ =	shalt  }
0x72: {  	_ =	shalt  }
0x73: {  	_ =	shalt  }
0x74: {  	_ =	shalt  }
0x75: {  	_ =	shalt  }
0x76: {  	_ =	shalt  }
0x77: {  	_ =	shalt  }
0x78: {  	_ =	shalt  }
0x79: {  	_ =	shalt  }
0x7a: {  	_ =	shalt  }
0x7b: {  	_ =	shalt  }
0x7c: {  	_ =	shalt  }
0x7d: {  	_ =	shalt  }
0x7e: {  	_ =	shalt  }
0x7f: {  	_ =	shalt  }
0x80: {  	_ =	shalt  }
0x81: {  	_ =	shalt  }
0x82: {  	_ =	shalt  }
0x83: {  	_ =	shalt  }
0x84: {  	_ =	shalt  }
0x85: {  	_ =	shalt  }
0x86: {  	_ =	shalt  }
0x87: {  	_ =	shalt  }
.Lfunc_end0:
.L_simem_size_0:
called_computation_lowered:
.L_overlay_start_0:
0x88: {  	s2 =	sld [smem:$0x3FD9]  }
0x89: {  	s3 =	sld [smem:$0x3FFE];
	_ =	sdelay $0x1  }
0x8a: {  	s1 =	srdreg.scid  }
0x8b: {  	s0 =	sand.u32 $0x1, s1  }
0x8c: {  	s17 =	sshll.u32 s0, $0xA;
	s2 =	sadd.s32 s3, s2  }
0x8d: {  	s2 =	sadd.s32 s2, s17  }
0x8e: {  	[smem:$0x3FB9] =	sst s2  }
0x8f: {  	_ = 	snop  }
0x90: {  	s2 =	sld [smem:$0x3FD0];
	(tm) =	ssettm $0x1  }
0x91: {  	s18 =	sld [smem:$0x3FFB];
	_ =	sdelay $0x3  }
0x92: {  	_ =	strace s18  }
0x93: {  	s3 =	sld [smem:$0x3FFC];
	_ =	sdelay $0x3  }
0x94: {  	_ =	strace s3  }
0x95: {  	s3 =	sld [smem:$0x3FFD];
	_ =	sdelay $0x3  }
0x96: {  	_ =	strace s3  }
0x97: {  	_ =	strace $0x8FFFFFFF  }
0x98: {  	s19 =	sld [smem:$0x3FDB];
	_ =	sdelay $0x1  }
0x99: {  	s4 =	simm.s32 $_scs_section_size  }
0x9a: {  	s5 =	simm.s32 $_size__tile_overlayer_lowered;
	s6 =	simm.s32 $_tile_overlayer_lowered  }
0x9b: {  	s22 =	simm.s32 $0x1BFF;
	s21 =	sshll.u32 s6, $0x1;
	s3 =	sadd.s32 s4, s19  }
0x9c: {  	s7 =	simm.s32 $0x0;
	s20 =	sshll.u32 s5, $0x1;
	s5 =	sadd.s32 s21, s3  }
0x9d: {  	[timem:s7], [sflag:s22] =	dma.local [hbm:s5], s20  }
0x9e: {  	_ =	swait.ge [sflag:s22], s20  }
0x9f: {  	s4 =	ssub.s32 $0x0, s20;
	[sflag:s22] =	ssyncset.done $0x0  }
0xa0: {  	[sflag:s22] =	ssyncadd.s32 s4;
	_ =	sdelay $0x1  }
0xa1: {  	s23 =	simm.s32 $0x1B8B  }
0xa2: {  	_ =	swait.ge [sflag:s23], $0x1  }
0xa3: {  	[sflag:s23] =	ssyncset.done $0x0  }
0xa4: {  	s25 =	simm.s32 $0x1B8E;
	s24 =	sld [smem:$0x3FFE];
	[sflag:s23] =	ssyncadd.s32 $0xFFFFFFFF  }
0xa5: {  	s26 =	simm.s32 $execute0_lowered;
	[smem:$0x3FD2] =	sst s25  }
0xa6: {  	s5 =	sshll.u32 s26, $0x1;
	_ =	strace $0x80000046;
	[dreg:$0x1] =	wrdreg $0xFFFFFFFF  }
0xa7: {  	s28 =	simm.s32 $_size_execute0_lowered;
	s3 =	sadd.s32 s3, s5;
	[dreg:$0x0] =	wrdreg $0x0  }
0xa8: {  	s5 =	sshll.u32 s28, $0x1;
	[dreg:$0x2] =	wrdreg s3  }
0xa9: {  	[dreg:$0x3] =	wrdreg s5  }
0xaa: {  	[dreg:$0x4] =	wrdreg $0xC0  }
0xab: {  	_ =	task [dreg:s7], $0x5FFFF  }
0xac: {  	[dreg:$0x1] =	wrdreg $0xFFFFFFFF  }
0xad: {  	[dreg:$0x0] =	wrdreg $0x60  }
0xae: {  	[dreg:$0x2] =	wrdreg s24  }
0xaf: {  	[dreg:$0x3] =	wrdreg s2  }
0xb0: {  	[dreg:$0x4] =	wrdreg $0x90000  }
0xb1: {  	[dreg:$0x5] =	wrdreg $0x9  }
0xb2: {  	_ =	task.clear_ibuf [dreg:s7], $0x6FFFF;
	_ =	strace $0x90000046  }
0xb3: {  	s29 =	simm.s32 $0x9;
	_ =	strace $0x80000048  }
0xb4: {  	_ =	swait.ge [sflag:s29], $0x1  }
0xb5: {  	[sflag:s29] =	ssyncadd.s32 $0xFFFFFFFF  }
0xb6: {  	_ =	strace $0x90000048  }
0xb7: {  	_ =	sfence  }
0xb8: {  	s30 =	sld [smem:$0x0];
	_ =	sdelay $0x2  }
0xb9: {  	s31 =	sshll.u32 s1, $0xD;
	s1 =	sshrl.u32 s1, $0x2  }
0xba: {  	s3 =	sand.u32 $0x4000, s31;
	s1 =	sadd.s32 s1, s30  }
0xbb: {  	s0 =	sor.u32 s3, s0;
	s1 =	sshll.u32 s1, $0x11  }
0xbc: {  	s0 =	sor.u32 s1, s0  }
0xbd: {  	s0 =	sadd.s32 $0x8F2B, s0  }
0xbe: {  	[sflag:s0] =	ssyncadd.remote.s32 $0x1  }
0xbf: {  	_ =	sfence.sel $0xFFFF  }
0xc0: {  	[dreg:$0x0] =	wrdreg $0xFFFFFFFF;
	(pc) =	sbr.abs _section_cstart, $3  }
0xc1: {  	[dreg:$0x1] =	wrdreg $0xFFFFFFFF  }
0xc2: {  	_ =	task.clear_ibuf [dreg:s7], $0x2FFFF;
	_ =	strace $0x9FFFFFFF  }
0xc3: {  	(tm) =	ssettm $0x7FFFFFFF  }
tec
execute0_lowered:
.L_overlay_start_1:
0x0: {  	(tag) =	ssettag $0x1  }
0x1: {  	s0 =	rddreg [dreg:$0x0]  }
0x2: {  	s2 =	rddreg [dreg:$0x1];
	s1 =	srdreg.scid  }
0x3: {  	s3 =	rddreg [dreg:$0x2];
	s10 =	stileid.u32  }
0x4: {  	s4 =	simm.s32 $0x0;
	s26 =	simm.s32 $0x100;
	s12 =	simm.s32 $0x180  }
0x5: {  	s13 =	simm.s32 $0x900;
	s14 =	simm.s32 $0x200;
	[smem:$0x7FF] =	sst s4  }
0x6: {  	s16 =	simm.s32 $0x980;
	_ =	strace $0x80000047;
	[dreg:$0x6] =	wrdreg s26  }
0x7: {  	s17 =	simm.s32 $0x280;
	s19 =	simm.s32 $0xA00;
	[dreg:$0x8] =	wrdreg s12  }
0x8: {  	s21 =	simm.s32 $0x300;
	s23 =	simm.s32 $0xA80;
	[dreg:$0x9] =	wrdreg s13  }
0x9: {  	s28 =	simm.s32 $0x5;
	s29 =	simm.s32 $0x6;
	[dreg:$0xa] =	wrdreg s14  }
0xa: {  	s30 =	simm.s32 $0x2;
	s31 =	simm.s32 $0x4;
	[dreg:$0xb] =	wrdreg s16  }
0xb: {  	s1 =	sand.u32 $0x1, s1;
	s8 =	smul.u32 $0x14000, s10;
	[dreg:$0xc] =	wrdreg s17  }
0xc: {  	s5 =	sshll.u32 s10, $0x1;
	s10 =	smul.u32 $0x50000, s10;
	[dreg:$0xd] =	wrdreg s19  }
0xd: {  	s6 =	sadd.s32 $0x2A600, s0;
	s7 =	smul.u32 $0x140000, s1;
	[dreg:$0xe] =	wrdreg s21  }
0xe: {  	s5 =	sor.u32 s1, s5;
	[dreg:$0xf] =	wrdreg s23;
	s26 =	simm.s32 $0xB00  }
0xf: {  	s1 =	ssub.s32 $0x2, s1;
	s12 =	simm.s32 $0xB80;
	[dreg:$0x11] =	wrdreg s26  }
0x10: {  	s14 =	simm.s32 $0x480;
	s16 =	simm.s32 $0xC80;
	[dreg:$0x12] =	wrdreg s12  }
0x11: {  	s17 =	simm.s32 $0x580;
	s19 =	simm.s32 $0x600;
	[dreg:$0x13] =	wrdreg s14  }
0x12: {  	s21 =	simm.s32 $0x680;
	s23 =	simm.s32 $0x700;
	[dreg:$0x15] =	wrdreg s16  }
0x13: {  	s9 =	smul.u32 $0x2800, s5;
	s5 =	sadd.s32 $0x3400, s0;
	[dreg:$0x16] =	wrdreg s17  }
0x14: {  	s11 =	sshrl.u32 s1, $0x1;
	s15 =	sshrl.u32 s10, $0x2;
	[dreg:$0x18] =	wrdreg s19  }
0x15: {  	s19 =	simm.s32 $0x7;
	[dreg:$0x1a] =	wrdreg s21;
	s21 =	simm.s32 $0x400  }
0x16: {  	[dreg:$0x1c] =	wrdreg s23;
	s23 =	simm.s32 $0x1;
	s26 =	simm.s32 $0xF00  }
0x17: {  	s7 =	sadd.s32 s8, s7;
	s8 =	simm.s32 $0x880;
	s1 =	ssub.s32 s1, s11  }
0x18: {  	[dreg:$0x1f] =	wrdreg s26;
	s26 =	simm.s32 $0x3;
	s24 =	sadd.s32 $0x800, s9  }
0x19: {  	s7 =	sshrl.u32 s7, $0x3;
	s25 =	sadd.s32 $0xC00, s9;
	[dreg:$0x7] =	wrdreg s8  }
0x1a: {  	s9 =	sshrl.u32 s9, $0x3;
	s17 =	smax.u32 s1, $0x1;
	[dreg:$0x4] =	wrdreg s24  }
0x1b: {  	s1 =	simm.s32 $0x0;
	[dreg:$0x5] =	wrdreg s25;
	s25 =	simm.s32 $0x380  }
0x1c: {  	s0 =	sadd.s32 s7, s0;
	s11 =	sadd.s32 s2, s9;
	[dreg:$0x10] =	wrdreg s25  }
0x1d: {  	s7 =	sadd.s32 s15, s3;
	s15 =	simm.s32 $0x500;
	[smem:$0x7FD] =	sst s11  }
0x1e: {  	s13 =	sadd.s32 s6, s9;
	s18 =	sadd.s32 $0x4000, s7;
	[dreg:$0x14] =	wrdreg s15  }
0x1f: {  	s9 =	sor.u32 $0x80, s9;
	s20 =	sadd.s32 $0x8000, s7;
	[smem:$0x7F9] =	sst s18  }
0x20: {  	s22 =	sadd.s32 $0xC000, s7;
	s24 =	sadd.s32 $0x10000, s7;
	[smem:$0x7FA] =	sst s20  }
0x21: {  	s14 =	sadd.s32 s2, s9;
	s15 =	sadd.s32 s6, s9;
	[smem:$0x7FB] =	sst s22  }
0x22: {  	s16 =	sadd.s32 $0x34600, s0;
	s25 =	simm.s32 $0x780;
	[smem:$0x7FC] =	sst s24  }
0x23: {  	s0 =	simm.s32 $0xF80;
	s18 =	simm.s32 $0xD00;
	[dreg:$0x1e] =	wrdreg s25  }
0x24: {  	s20 =	simm.s32 $0xD80;
	s22 =	simm.s32 $0xE00;
	[dreg:$0x17] =	wrdreg s18  }
0x25: {  	s24 =	simm.s32 $0xE80;
	s25 =	simm.s32 $0x5000;
	[dreg:$0x19] =	wrdreg s20  }
0x26: {  	s18 =	simm.s32 $0x1000;
	s20 =	simm.s32 $0x800;
	[dreg:$0x1b] =	wrdreg s22  }
0x27: {  	v0 =	vimm.f32 $0.0e+00;
	s22 =	simm.s32 $0xC00;
	[dreg:$0x1d] =	wrdreg s24;
	s24 =	simm.s32 $0x80  }
.LBB2_1:
0x28: {  	s8 =	simm.s32 $0x0;
	s9 =	simm.s32 $0x200  }
.LBB2_2:
0x29: {  	p0 =	sne.s32 s9, $0xFE00;
	[tilespmem:s8+$0x1070] =	vst v0  }
0x2a: {  	[tilespmem:s8+$0x1000] =	vst v0  }
0x2b: {  	[tilespmem:s8+$0x1010] =	vst v0  }
.Ltmp0:
0x2c: {  	[tilespmem:s8+$0x1020] =	vst v0;
	(pc) =	sbr.rel @p0 .LBB2_2-.Ltmp0, $4  }
0x2d: {  	[tilespmem:s8+$0x1030] =	vst v0  }
0x2e: {  	[tilespmem:s8+$0x1040] =	vst v0  }
0x2f: {  	[tilespmem:s8+$0x1050] =	vst v0  }
0x30: {  	[tilespmem:s8+$0x1060] =	vst v0;
	s8 =	sshra.s32 s9, $0x2;
	s9 =	sadd.s32 $0x200, s9  }
0x31: {  	[tilespmem:s8+$0x1070] =	vst v0  }
0x32: {  	[tilespmem:s8+$0x1000] =	vst v0  }
0x33: {  	[tilespmem:s8+$0x1010] =	vst v0  }
0x34: {  	[tilespmem:s8+$0x1020] =	vst v0  }
0x35: {  	[tilespmem:s8+$0x1030] =	vst v0  }
0x36: {  	[tilespmem:s8+$0x1040] =	vst v0  }
0x37: {  	[tilespmem:s8+$0x1050] =	vst v0  }
0x38: {  	[tilespmem:s8+$0x1060] =	vst v0  }
0x39: {  	[spmem:s7] =	stream.linear.scatter [tilespmem:s18], [sflag:$0x7], $0x4000, $0x38;
	[tilespmem:$0x1D000] =	vst v63  }
0x3a: {  	_ =	swait.ge [sflag:s19], $0x4000  }
0x3b: {  	s11 =	sld [smem:$0x7F9]  }
0x3c: {  	[sflag:s19] =	ssyncset.done $0x0  }
0x3d: {  	[sflag:s19] =	ssyncadd.s32 $0xFFFFC000  }
0x3e: {  	[spmem:s11] =	stream.linear.scatter [tilespmem:s18], [sflag:$0x7], $0x4000, $0x38;
	[tilespmem:$0x1D000] =	vst v63  }
0x3f: {  	_ =	swait.ge [sflag:s19], $0x4000  }
0x40: {  	s12 =	sld [smem:$0x7FA]  }
0x41: {  	[sflag:s19] =	ssyncset.done $0x0  }
0x42: {  	[sflag:s19] =	ssyncadd.s32 $0xFFFFC000  }
0x43: {  	[spmem:s12] =	stream.linear.scatter [tilespmem:s18], [sflag:$0x7], $0x4000, $0x38;
	[tilespmem:$0x1D000] =	vst v63  }
0x44: {  	_ =	swait.ge [sflag:s19], $0x4000  }
0x45: {  	s9 =	sld [smem:$0x7FB]  }
0x46: {  	[sflag:s19] =	ssyncset.done $0x0  }
0x47: {  	[sflag:s19] =	ssyncadd.s32 $0xFFFFC000  }
0x48: {  	[spmem:s9] =	stream.linear.scatter [tilespmem:s18], [sflag:$0x7], $0x4000, $0x38;
	[tilespmem:$0x1D000] =	vst v63  }
0x49: {  	_ =	swait.ge [sflag:s19], $0x4000  }
0x4a: {  	s10 =	sld [smem:$0x7FC]  }
0x4b: {  	[sflag:s19] =	ssyncset.done $0x0  }
0x4c: {  	[sflag:s19] =	ssyncadd.s32 $0xFFFFC000  }
0x4d: {  	[spmem:s10] =	stream.linear.scatter [tilespmem:s18], [sflag:$0x7], $0x4000, $0x38;
	[tilespmem:$0x1D000] =	vst v63  }
0x4e: {  	_ =	swait.ge [sflag:s19], $0x4000  }
0x4f: {  	[sflag:s19] =	ssyncset.done $0x0  }
0x50: {  	[sflag:s19] =	ssyncadd.s32 $0xFFFFC000  }
0x51: {  	[bflag:$0x0] =	sbarrier.arrive $0xFFFF  }
0x52: {  	s9 =	sld [smem:$0x7FD];
	_ =	sdelay $0x1  }
0x53: {  	s8 =	simm.s32 $0x0  }
0x54: {  	[tilespmem:s8], [sflag:$0x1] =	stream.linear.gather [hbm4b:s9+s8], $0x400, $0x38;
	[tilespmem:$0x1D000] =	vst v63  }
0x55: {  	_ = 	snop  }
0x56: {  	[tilespmem:s20], [sflag:$0x3] =	stream.linear.gather [hbm4b:s13+s8], $0x400, $0x38;
	[tilespmem:$0x1D000] =	vst v63  }
0x57: {  	_ = 	snop  }
0x58: {  	[tilespmem:s21], [sflag:$0x2] =	stream.linear.gather [hbm4b:s14+s8], $0x400, $0x38;
	[tilespmem:$0x1D000] =	vst v63  }
0x59: {  	_ = 	snop  }
0x5a: {  	[tilespmem:s22], [sflag:$0x4] =	stream.linear.gather [hbm4b:s15+s8], $0x400, $0x38;
	[tilespmem:$0x1D000] =	vst v63  }
0x5b: {  	_ =	swait.ge [sflag:s23], $0x400  }
0x5c: {  	[sflag:s23] =	ssyncset.done $0x0  }
0x5d: {  	[sflag:s23] =	ssyncadd.s32 $0xFFFFFC00  }
0x5e: {  	[tilespmem:s18], [sflag:$0x5] =	stream.indirect.gather [hbm4b:s5+s24], $0x80, s8, s24, $0xb8;
	[tilespmem:$0x1D000] =	vst v63  }
0x5f: {  	_ = 	snop  }
0x60: {  	[tilespmem:s25], [sflag:$0x6] =	stream.indirect.gather [hbm4b:s5+s24], $0x80, s24, s24, $0xb8;
	[tilespmem:$0x1D000] =	vst v63  }
0x61: {  	_ =	swait.ge [sflag:s26], $0x400  }
0x62: {  	[sflag:s26] =	ssyncset.done $0x0  }
0x63: {  	[sflag:s26] =	ssyncadd.s32 $0xFFFFFC00  }
0x64: {  	_ =	swait.ge [sflag:s28], $0x4000  }
0x65: {  	[sflag:s28] =	ssyncset.done $0x0  }
0x66: {  	[sflag:s28] =	ssyncadd.s32 $0xFFFFC000  }
0x67: {  	[spmem:s3] =	stream.indirect.scatter.add.f32 [tilespmem:s18], [sflag:$0x7], $0x80, s20, s24, $0xb8;
	[tilespmem:$0x1D000] =	vst v63  }
0x68: {  	_ =	swait.ge [sflag:s19], $0x4000  }
0x69: {  	[sflag:s19] =	ssyncset.done $0x0  }
0x6a: {  	s11 =	rddreg [dreg:$0x6];
	[sflag:s19] =	ssyncadd.s32 $0xFFFFC000  }
0x6b: {  	[tilespmem:s18], [sflag:$0x5] =	stream.indirect.gather [hbm4b:s5+s24], $0x80, s11, s24, $0xb8;
	[tilespmem:$0x1D000] =	vst v63  }
0x6c: {  	_ =	swait.ge [sflag:s29], $0x4000  }
0x6d: {  	[sflag:s29] =	ssyncset.done $0x0  }
0x6e: {  	s12 =	rddreg [dreg:$0x7];
	[sflag:s29] =	ssyncadd.s32 $0xFFFFC000  }
0x6f: {  	[spmem:s3] =	stream.indirect.scatter.add.f32 [tilespmem:s25], [sflag:$0x7], $0x80, s12, s24, $0xb8;
	[tilespmem:$0x1D000] =	vst v63  }
0x70: {  	_ =	swait.ge [sflag:s19], $0x4000  }
0x71: {  	[sflag:s19] =	ssyncset.done $0x0  }
0x72: {  	s10 =	rddreg [dreg:$0x8];
	[sflag:s19] =	ssyncadd.s32 $0xFFFFC000  }
0x73: {  	[tilespmem:s25], [sflag:$0x6] =	stream.indirect.gather [hbm4b:s5+s24], $0x80, s10, s24, $0xb8;
	[tilespmem:$0x1D000] =	vst v63  }
0x74: {  	_ =	swait.ge [sflag:s28], $0x4000  }
0x75: {  	[sflag:s28] =	ssyncset.done $0x0  }
0x76: {  	s11 =	rddreg [dreg:$0x9];
	[sflag:s28] =	ssyncadd.s32 $0xFFFFC000  }
0x77: {  	[spmem:s3] =	stream.indirect.scatter.add.f32 [tilespmem:s18], [sflag:$0x7], $0x80, s11, s24, $0xb8;
	[tilespmem:$0x1D000] =	vst v63  }
0x78: {  	_ =	swait.ge [sflag:s19], $0x4000  }
0x79: {  	[sflag:s19] =	ssyncset.done $0x0  }
0x7a: {  	s12 =	rddreg [dreg:$0xa];
	[sflag:s19] =	ssyncadd.s32 $0xFFFFC000  }
0x7b: {  	[tilespmem:s18], [sflag:$0x5] =	stream.indirect.gather [hbm4b:s5+s24], $0x80, s12, s24, $0xb8;
	[tilespmem:$0x1D000] =	vst v63  }
0x7c: {  	_ =	swait.ge [sflag:s29], $0x4000  }
0x7d: {  	[sflag:s29] =	ssyncset.done $0x0  }
0x7e: {  	s10 =	rddreg [dreg:$0xb];
	[sflag:s29] =	ssyncadd.s32 $0xFFFFC000  }
0x7f: {  	[spmem:s3] =	stream.indirect.scatter.add.f32 [tilespmem:s25], [sflag:$0x7], $0x80, s10, s24, $0xb8;
	[tilespmem:$0x1D000] =	vst v63  }
0x80: {  	_ =	swait.ge [sflag:s19], $0x4000  }
0x81: {  	[sflag:s19] =	ssyncset.done $0x0  }
0x82: {  	s11 =	rddreg [dreg:$0xc];
	[sflag:s19] =	ssyncadd.s32 $0xFFFFC000  }
0x83: {  	[tilespmem:s25], [sflag:$0x6] =	stream.indirect.gather [hbm4b:s5+s24], $0x80, s11, s24, $0xb8;
	[tilespmem:$0x1D000] =	vst v63  }
0x84: {  	_ =	swait.ge [sflag:s28], $0x4000  }
0x85: {  	[sflag:s28] =	ssyncset.done $0x0  }
0x86: {  	s12 =	rddreg [dreg:$0xd];
	[sflag:s28] =	ssyncadd.s32 $0xFFFFC000  }
0x87: {  	[spmem:s3] =	stream.indirect.scatter.add.f32 [tilespmem:s18], [sflag:$0x7], $0x80, s12, s24, $0xb8;
	[tilespmem:$0x1D000] =	vst v63  }
0x88: {  	_ =	swait.ge [sflag:s19], $0x4000  }
0x89: {  	[sflag:s19] =	ssyncset.done $0x0  }
0x8a: {  	s10 =	rddreg [dreg:$0xe];
	[sflag:s19] =	ssyncadd.s32 $0xFFFFC000  }
0x8b: {  	[tilespmem:s18], [sflag:$0x5] =	stream.indirect.gather [hbm4b:s5+s24], $0x80, s10, s24, $0xb8;
	[tilespmem:$0x1D000] =	vst v63  }
0x8c: {  	_ =	swait.ge [sflag:s29], $0x4000  }
0x8d: {  	[sflag:s29] =	ssyncset.done $0x0  }
0x8e: {  	s11 =	rddreg [dreg:$0xf];
	[sflag:s29] =	ssyncadd.s32 $0xFFFFC000  }
0x8f: {  	[spmem:s3] =	stream.indirect.scatter.add.f32 [tilespmem:s25], [sflag:$0x7], $0x80, s11, s24, $0xb8;
	[tilespmem:$0x1D000] =	vst v63  }
0x90: {  	_ =	swait.ge [sflag:s19], $0x4000  }
0x91: {  	[sflag:s19] =	ssyncset.done $0x0  }
0x92: {  	s12 =	rddreg [dreg:$0x10];
	[sflag:s19] =	ssyncadd.s32 $0xFFFFC000  }
0x93: {  	[tilespmem:s25], [sflag:$0x6] =	stream.indirect.gather [hbm4b:s5+s24], $0x80, s12, s24, $0xb8;
	[tilespmem:$0x1D000] =	vst v63  }
0x94: {  	_ =	swait.ge [sflag:s28], $0x4000  }
0x95: {  	[sflag:s28] =	ssyncset.done $0x0  }
0x96: {  	s10 =	rddreg [dreg:$0x11];
	[sflag:s28] =	ssyncadd.s32 $0xFFFFC000  }
0x97: {  	[spmem:s3] =	stream.indirect.scatter.add.f32 [tilespmem:s18], [sflag:$0x7], $0x80, s10, s24, $0xb8;
	[tilespmem:$0x1D000] =	vst v63  }
0x98: {  	_ =	swait.ge [sflag:s19], $0x4000  }
0x99: {  	[sflag:s19] =	ssyncset.done $0x0  }
0x9a: {  	[sflag:s19] =	ssyncadd.s32 $0xFFFFC000  }
0x9b: {  	_ =	swait.ge [sflag:s30], $0x400  }
0x9c: {  	[sflag:s30] =	ssyncset.done $0x0  }
0x9d: {  	[sflag:s30] =	ssyncadd.s32 $0xFFFFFC00  }
0x9e: {  	[tilespmem:s18], [sflag:$0x5] =	stream.indirect.gather [hbm4b:s5+s24], $0x80, s21, s24, $0xb8;
	[tilespmem:$0x1D000] =	vst v63  }
0x9f: {  	_ =	swait.ge [sflag:s29], $0x4000  }
0xa0: {  	[sflag:s29] =	ssyncset.done $0x0  }
0xa1: {  	s11 =	rddreg [dreg:$0x12];
	[sflag:s29] =	ssyncadd.s32 $0xFFFFC000  }
0xa2: {  	[spmem:s3] =	stream.indirect.scatter.add.f32 [tilespmem:s25], [sflag:$0x7], $0x80, s11, s24, $0xb8;
	[tilespmem:$0x1D000] =	vst v63  }
0xa3: {  	s10 =	smin.u32 s8, $0x7;
	_ =	swait.ge [sflag:s19], $0x4000  }
0xa4: {  	s10 =	sshll.u32 s10, $0xA;
	s12 =	rddreg [dreg:$0x4]  }
0xa5: {  	[sflag:s19] =	ssyncset.done $0x0;
	s9 =	sadd.s32 s10, s12  }
0xa6: {  	s11 =	rddreg [dreg:$0x13];
	[sflag:s19] =	ssyncadd.s32 $0xFFFFC000;
	s9 =	sshrl.u32 s9, $0x3  }
0xa7: {  	[tilespmem:s25], [sflag:$0x6] =	stream.indirect.gather [hbm4b:s5+s24], $0x80, s11, s24, $0xb8;
	[tilespmem:$0x1D000] =	vst v63  }
0xa8: {  	s12 =	sadd.s32 s2, s9  }
0xa9: {  	[tilespmem:s4], [sflag:$0x1] =	stream.linear.gather [hbm4b:s12+s4], $0x400, $0x38;
	[tilespmem:$0x1D000] =	vst v63  }
0xaa: {  	s9 =	sadd.s32 s6, s9  }
0xab: {  	[tilespmem:s20], [sflag:$0x3] =	stream.linear.gather [hbm4b:s9+s4], $0x400, $0x38;
	[tilespmem:$0x1D000] =	vst v63  }
0xac: {  	_ =	swait.ge [sflag:s31], $0x400  }
0xad: {  	[sflag:s31] =	ssyncset.done $0x0  }
0xae: {  	[sflag:s31] =	ssyncadd.s32 $0xFFFFFC00  }
0xaf: {  	_ =	swait.ge [sflag:s28], $0x4000  }
0xb0: {  	[sflag:s28] =	ssyncset.done $0x0  }
0xb1: {  	[sflag:s28] =	ssyncadd.s32 $0xFFFFC000  }
0xb2: {  	[spmem:s3] =	stream.indirect.scatter.add.f32 [tilespmem:s18], [sflag:$0x7], $0x80, s22, s24, $0xb8;
	[tilespmem:$0x1D000] =	vst v63  }
0xb3: {  	_ =	swait.ge [sflag:s19], $0x4000  }
0xb4: {  	[sflag:s19] =	ssyncset.done $0x0  }
0xb5: {  	s11 =	rddreg [dreg:$0x14];
	[sflag:s19] =	ssyncadd.s32 $0xFFFFC000  }
0xb6: {  	[tilespmem:s18], [sflag:$0x5] =	stream.indirect.gather [hbm4b:s5+s24], $0x80, s11, s24, $0xb8;
	[tilespmem:$0x1D000] =	vst v63  }
0xb7: {  	_ =	swait.ge [sflag:s29], $0x4000  }
0xb8: {  	[sflag:s29] =	ssyncset.done $0x0  }
0xb9: {  	s12 =	rddreg [dreg:$0x15];
	[sflag:s29] =	ssyncadd.s32 $0xFFFFC000  }
0xba: {  	[spmem:s3] =	stream.indirect.scatter.add.f32 [tilespmem:s25], [sflag:$0x7], $0x80, s12, s24, $0xb8;
	[tilespmem:$0x1D000] =	vst v63  }
0xbb: {  	_ =	swait.ge [sflag:s19], $0x4000  }
0xbc: {  	[sflag:s19] =	ssyncset.done $0x0  }
0xbd: {  	s10 =	rddreg [dreg:$0x16];
	[sflag:s19] =	ssyncadd.s32 $0xFFFFC000  }
0xbe: {  	[tilespmem:s25], [sflag:$0x6] =	stream.indirect.gather [hbm4b:s5+s24], $0x80, s10, s24, $0xb8;
	[tilespmem:$0x1D000] =	vst v63  }
0xbf: {  	_ =	swait.ge [sflag:s28], $0x4000  }
0xc0: {  	[sflag:s28] =	ssyncset.done $0x0  }
0xc1: {  	s11 =	rddreg [dreg:$0x17];
	[sflag:s28] =	ssyncadd.s32 $0xFFFFC000  }
0xc2: {  	[spmem:s3] =	stream.indirect.scatter.add.f32 [tilespmem:s18], [sflag:$0x7], $0x80, s11, s24, $0xb8;
	[tilespmem:$0x1D000] =	vst v63  }
0xc3: {  	_ =	swait.ge [sflag:s19], $0x4000  }
0xc4: {  	[sflag:s19] =	ssyncset.done $0x0  }
0xc5: {  	s12 =	rddreg [dreg:$0x18];
	[sflag:s19] =	ssyncadd.s32 $0xFFFFC000  }
0xc6: {  	[tilespmem:s18], [sflag:$0x5] =	stream.indirect.gather [hbm4b:s5+s24], $0x80, s12, s24, $0xb8;
	[tilespmem:$0x1D000] =	vst v63  }
0xc7: {  	_ =	swait.ge [sflag:s29], $0x4000  }
0xc8: {  	[sflag:s29] =	ssyncset.done $0x0  }
0xc9: {  	s10 =	rddreg [dreg:$0x19];
	[sflag:s29] =	ssyncadd.s32 $0xFFFFC000  }
0xca: {  	[spmem:s3] =	stream.indirect.scatter.add.f32 [tilespmem:s25], [sflag:$0x7], $0x80, s10, s24, $0xb8;
	[tilespmem:$0x1D000] =	vst v63  }
0xcb: {  	_ =	swait.ge [sflag:s19], $0x4000  }
0xcc: {  	[sflag:s19] =	ssyncset.done $0x0  }
0xcd: {  	s11 =	rddreg [dreg:$0x1a];
	[sflag:s19] =	ssyncadd.s32 $0xFFFFC000  }
0xce: {  	[tilespmem:s25], [sflag:$0x6] =	stream.indirect.gather [hbm4b:s5+s24], $0x80, s11, s24, $0xb8;
	[tilespmem:$0x1D000] =	vst v63  }
0xcf: {  	_ =	swait.ge [sflag:s28], $0x4000  }
0xd0: {  	[sflag:s28] =	ssyncset.done $0x0  }
0xd1: {  	s12 =	rddreg [dreg:$0x1b];
	[sflag:s28] =	ssyncadd.s32 $0xFFFFC000  }
0xd2: {  	[spmem:s3] =	stream.indirect.scatter.add.f32 [tilespmem:s18], [sflag:$0x7], $0x80, s12, s24, $0xb8;
	[tilespmem:$0x1D000] =	vst v63  }
0xd3: {  	_ =	swait.ge [sflag:s19], $0x4000  }
0xd4: {  	[sflag:s19] =	ssyncset.done $0x0  }
0xd5: {  	s10 =	rddreg [dreg:$0x1c];
	[sflag:s19] =	ssyncadd.s32 $0xFFFFC000  }
0xd6: {  	[tilespmem:s18], [sflag:$0x5] =	stream.indirect.gather [hbm4b:s5+s24], $0x80, s10, s24, $0xb8;
	[tilespmem:$0x1D000] =	vst v63  }
0xd7: {  	_ =	swait.ge [sflag:s29], $0x4000  }
0xd8: {  	[sflag:s29] =	ssyncset.done $0x0  }
0xd9: {  	s11 =	rddreg [dreg:$0x1d];
	[sflag:s29] =	ssyncadd.s32 $0xFFFFC000  }
0xda: {  	[spmem:s3] =	stream.indirect.scatter.add.f32 [tilespmem:s25], [sflag:$0x7], $0x80, s11, s24, $0xb8;
	[tilespmem:$0x1D000] =	vst v63  }
0xdb: {  	_ =	swait.ge [sflag:s19], $0x4000  }
0xdc: {  	[sflag:s19] =	ssyncset.done $0x0  }
0xdd: {  	s12 =	rddreg [dreg:$0x1e];
	[sflag:s19] =	ssyncadd.s32 $0xFFFFC000  }
0xde: {  	[tilespmem:s25], [sflag:$0x6] =	stream.indirect.gather [hbm4b:s5+s24], $0x80, s12, s24, $0xb8;
	[tilespmem:$0x1D000] =	vst v63  }
0xdf: {  	_ =	swait.ge [sflag:s28], $0x4000  }
0xe0: {  	[sflag:s28] =	ssyncset.done $0x0  }
0xe1: {  	s10 =	rddreg [dreg:$0x1f];
	[sflag:s28] =	ssyncadd.s32 $0xFFFFC000  }
0xe2: {  	[spmem:s3] =	stream.indirect.scatter.add.f32 [tilespmem:s18], [sflag:$0x7], $0x80, s10, s24, $0xb8;
	[tilespmem:$0x1D000] =	vst v63  }
0xe3: {  	_ =	swait.ge [sflag:s19], $0x4000  }
0xe4: {  	[sflag:s19] =	ssyncset.done $0x0  }
0xe5: {  	[sflag:s19] =	ssyncadd.s32 $0xFFFFC000  }
0xe6: {  	_ =	swait.ge [sflag:s23], $0x400  }
0xe7: {  	[sflag:s23] =	ssyncset.done $0x0  }
0xe8: {  	[sflag:s23] =	ssyncadd.s32 $0xFFFFFC00  }
0xe9: {  	[tilespmem:s18], [sflag:$0x5] =	stream.indirect.gather [hbm4b:s5+s24], $0x80, s4, s24, $0xb8;
	[tilespmem:$0x1D000] =	vst v63  }
0xea: {  	_ =	swait.ge [sflag:s29], $0x4000  }
0xeb: {  	[sflag:s29] =	ssyncset.done $0x0  }
0xec: {  	[sflag:s29] =	ssyncadd.s32 $0xFFFFC000  }
0xed: {  	[spmem:s3] =	stream.indirect.scatter.add.f32 [tilespmem:s25], [sflag:$0x7], $0x80, s0, s24, $0xb8;
	[tilespmem:$0x1D000] =	vst v63  }
0xee: {  	s8 =	smin.u32 s8, $0x6;
	_ =	swait.ge [sflag:s19], $0x4000  }
0xef: {  	s8 =	sshll.u32 s8, $0xA;
	[sflag:s19] =	ssyncset.done $0x0;
	s11 =	rddreg [dreg:$0x5]  }
0xf0: {  	[sflag:s19] =	ssyncadd.s32 $0xFFFFC000;
	s8 =	sadd.s32 s8, s11  }
0xf1: {  	[tilespmem:s25], [sflag:$0x6] =	stream.indirect.gather [hbm4b:s5+s24], $0x80, s24, s24, $0xb8;
	[tilespmem:$0x1D000] =	vst v63  }
0xf2: {  	s8 =	sshrl.u32 s8, $0x3  }
0xf3: {  	s12 =	sadd.s32 s2, s8  }
0xf4: {  	[tilespmem:s21], [sflag:$0x2] =	stream.linear.gather [hbm4b:s12+s4], $0x400, $0x38;
	[tilespmem:$0x1D000] =	vst v63  }
0xf5: {  	s8 =	sadd.s32 s6, s8  }
0xf6: {  	[tilespmem:s22], [sflag:$0x4] =	stream.linear.gather [hbm4b:s8+s4], $0x400, $0x38;
	[tilespmem:$0x1D000] =	vst v63  }
0xf7: {  	s8 =	simm.s32 $0x2  }
.LBB2_4:
0xf8: {  	_ =	swait.ge [sflag:s26], $0x400  }
0xf9: {  	[sflag:s26] =	ssyncset.done $0x0  }
0xfa: {  	[sflag:s26] =	ssyncadd.s32 $0xFFFFFC00  }
0xfb: {  	_ =	swait.ge [sflag:s28], $0x4000  }
0xfc: {  	[sflag:s28] =	ssyncset.done $0x0  }
0xfd: {  	[sflag:s28] =	ssyncadd.s32 $0xFFFFC000  }
0xfe: {  	[spmem:s3] =	stream.indirect.scatter.add.f32 [tilespmem:s18], [sflag:$0x7], $0x80, s20, s24, $0xb8;
	[tilespmem:$0x1D000] =	vst v63  }
0xff: {  	_ =	swait.ge [sflag:s19], $0x4000  }
0x100: {  	[sflag:s19] =	ssyncset.done $0x0  }
0x101: {  	s10 =	rddreg [dreg:$0x6];
	[sflag:s19] =	ssyncadd.s32 $0xFFFFC000  }
0x102: {  	[tilespmem:s18], [sflag:$0x5] =	stream.indirect.gather [hbm4b:s5+s24], $0x80, s10, s24, $0xb8;
	[tilespmem:$0x1D000] =	vst v63  }
0x103: {  	_ =	swait.ge [sflag:s29], $0x4000  }
0x104: {  	[sflag:s29] =	ssyncset.done $0x0  }
0x105: {  	s11 =	rddreg [dreg:$0x7];
	[sflag:s29] =	ssyncadd.s32 $0xFFFFC000  }
0x106: {  	[spmem:s3] =	stream.indirect.scatter.add.f32 [tilespmem:s25], [sflag:$0x7], $0x80, s11, s24, $0xb8;
	[tilespmem:$0x1D000] =	vst v63  }
0x107: {  	_ =	swait.ge [sflag:s19], $0x4000  }
0x108: {  	[sflag:s19] =	ssyncset.done $0x0  }
0x109: {  	s12 =	rddreg [dreg:$0x8];
	[sflag:s19] =	ssyncadd.s32 $0xFFFFC000  }
0x10a: {  	[tilespmem:s25], [sflag:$0x6] =	stream.indirect.gather [hbm4b:s5+s24], $0x80, s12, s24, $0xb8;
	[tilespmem:$0x1D000] =	vst v63  }
0x10b: {  	_ =	swait.ge [sflag:s28], $0x4000  }
0x10c: {  	[sflag:s28] =	ssyncset.done $0x0  }
0x10d: {  	s11 =	rddreg [dreg:$0x9];
	[sflag:s28] =	ssyncadd.s32 $0xFFFFC000  }
0x10e: {  	[spmem:s3] =	stream.indirect.scatter.add.f32 [tilespmem:s18], [sflag:$0x7], $0x80, s11, s24, $0xb8;
	[tilespmem:$0x1D000] =	vst v63  }
0x10f: {  	_ =	swait.ge [sflag:s19], $0x4000  }
0x110: {  	[sflag:s19] =	ssyncset.done $0x0  }
0x111: {  	s12 =	rddreg [dreg:$0xa];
	[sflag:s19] =	ssyncadd.s32 $0xFFFFC000  }
0x112: {  	[tilespmem:s18], [sflag:$0x5] =	stream.indirect.gather [hbm4b:s5+s24], $0x80, s12, s24, $0xb8;
	[tilespmem:$0x1D000] =	vst v63  }
0x113: {  	_ =	swait.ge [sflag:s29], $0x4000  }
0x114: {  	[sflag:s29] =	ssyncset.done $0x0  }
0x115: {  	s11 =	rddreg [dreg:$0xb];
	[sflag:s29] =	ssyncadd.s32 $0xFFFFC000  }
0x116: {  	[spmem:s3] =	stream.indirect.scatter.add.f32 [tilespmem:s25], [sflag:$0x7], $0x80, s11, s24, $0xb8;
	[tilespmem:$0x1D000] =	vst v63  }
0x117: {  	_ =	swait.ge [sflag:s19], $0x4000  }
0x118: {  	[sflag:s19] =	ssyncset.done $0x0  }
0x119: {  	s12 =	rddreg [dreg:$0xc];
	[sflag:s19] =	ssyncadd.s32 $0xFFFFC000  }
0x11a: {  	[tilespmem:s25], [sflag:$0x6] =	stream.indirect.gather [hbm4b:s5+s24], $0x80, s12, s24, $0xb8;
	[tilespmem:$0x1D000] =	vst v63  }
0x11b: {  	_ =	swait.ge [sflag:s28], $0x4000  }
0x11c: {  	[sflag:s28] =	ssyncset.done $0x0  }
0x11d: {  	s11 =	rddreg [dreg:$0xd];
	[sflag:s28] =	ssyncadd.s32 $0xFFFFC000  }
0x11e: {  	[spmem:s3] =	stream.indirect.scatter.add.f32 [tilespmem:s18], [sflag:$0x7], $0x80, s11, s24, $0xb8;
	[tilespmem:$0x1D000] =	vst v63  }
0x11f: {  	_ =	swait.ge [sflag:s19], $0x4000  }
0x120: {  	[sflag:s19] =	ssyncset.done $0x0  }
0x121: {  	s12 =	rddreg [dreg:$0xe];
	[sflag:s19] =	ssyncadd.s32 $0xFFFFC000  }
0x122: {  	[tilespmem:s18], [sflag:$0x5] =	stream.indirect.gather [hbm4b:s5+s24], $0x80, s12, s24, $0xb8;
	[tilespmem:$0x1D000] =	vst v63  }
0x123: {  	_ =	swait.ge [sflag:s29], $0x4000  }
0x124: {  	[sflag:s29] =	ssyncset.done $0x0  }
0x125: {  	s11 =	rddreg [dreg:$0xf];
	[sflag:s29] =	ssyncadd.s32 $0xFFFFC000  }
0x126: {  	[spmem:s3] =	stream.indirect.scatter.add.f32 [tilespmem:s25], [sflag:$0x7], $0x80, s11, s24, $0xb8;
	[tilespmem:$0x1D000] =	vst v63  }
0x127: {  	_ =	swait.ge [sflag:s19], $0x4000  }
0x128: {  	[sflag:s19] =	ssyncset.done $0x0  }
0x129: {  	s12 =	rddreg [dreg:$0x10];
	[sflag:s19] =	ssyncadd.s32 $0xFFFFC000  }
0x12a: {  	[tilespmem:s25], [sflag:$0x6] =	stream.indirect.gather [hbm4b:s5+s24], $0x80, s12, s24, $0xb8;
	[tilespmem:$0x1D000] =	vst v63  }
0x12b: {  	_ =	swait.ge [sflag:s28], $0x4000  }
0x12c: {  	[sflag:s28] =	ssyncset.done $0x0  }
0x12d: {  	s11 =	rddreg [dreg:$0x11];
	[sflag:s28] =	ssyncadd.s32 $0xFFFFC000  }
0x12e: {  	[spmem:s3] =	stream.indirect.scatter.add.f32 [tilespmem:s18], [sflag:$0x7], $0x80, s11, s24, $0xb8;
	[tilespmem:$0x1D000] =	vst v63  }
0x12f: {  	_ =	swait.ge [sflag:s19], $0x4000  }
0x130: {  	[sflag:s19] =	ssyncset.done $0x0  }
0x131: {  	[sflag:s19] =	ssyncadd.s32 $0xFFFFC000  }
0x132: {  	_ =	swait.ge [sflag:s30], $0x400  }
0x133: {  	[sflag:s30] =	ssyncset.done $0x0  }
0x134: {  	[sflag:s30] =	ssyncadd.s32 $0xFFFFFC00  }
0x135: {  	[tilespmem:s18], [sflag:$0x5] =	stream.indirect.gather [hbm4b:s5+s24], $0x80, s21, s24, $0xb8;
	[tilespmem:$0x1D000] =	vst v63  }
0x136: {  	_ =	swait.ge [sflag:s29], $0x4000  }
0x137: {  	[sflag:s29] =	ssyncset.done $0x0  }
0x138: {  	s9 =	smov.u32 s8;
	s12 =	rddreg [dreg:$0x12];
	[sflag:s29] =	ssyncadd.s32 $0xFFFFC000  }
0x139: {  	[spmem:s3] =	stream.indirect.scatter.add.f32 [tilespmem:s25], [sflag:$0x7], $0x80, s12, s24, $0xb8;
	[tilespmem:$0x1D000] =	vst v63  }
0x13a: {  	s12 =	smin.u32 s9, $0x7;
	_ =	swait.ge [sflag:s19], $0x4000  }
0x13b: {  	s12 =	sshll.u32 s12, $0xA;
	s10 =	rddreg [dreg:$0x4]  }
0x13c: {  	[sflag:s19] =	ssyncset.done $0x0;
	s10 =	sadd.s32 s12, s10  }
0x13d: {  	s11 =	rddreg [dreg:$0x13];
	[sflag:s19] =	ssyncadd.s32 $0xFFFFC000;
	s10 =	sshrl.u32 s10, $0x3  }
0x13e: {  	[tilespmem:s25], [sflag:$0x6] =	stream.indirect.gather [hbm4b:s5+s24], $0x80, s11, s24, $0xb8;
	[tilespmem:$0x1D000] =	vst v63  }
0x13f: {  	s12 =	sadd.s32 s2, s10  }
0x140: {  	[tilespmem:s4], [sflag:$0x1] =	stream.linear.gather [hbm4b:s12+s4], $0x400, $0x38;
	[tilespmem:$0x1D000] =	vst v63  }
0x141: {  	s10 =	sadd.s32 s6, s10  }
0x142: {  	[tilespmem:s20], [sflag:$0x3] =	stream.linear.gather [hbm4b:s10+s4], $0x400, $0x38;
	[tilespmem:$0x1D000] =	vst v63  }
0x143: {  	_ =	swait.ge [sflag:s31], $0x400  }
0x144: {  	[sflag:s31] =	ssyncset.done $0x0  }
0x145: {  	[sflag:s31] =	ssyncadd.s32 $0xFFFFFC00  }
0x146: {  	_ =	swait.ge [sflag:s28], $0x4000  }
0x147: {  	[sflag:s28] =	ssyncset.done $0x0  }
0x148: {  	[sflag:s28] =	ssyncadd.s32 $0xFFFFC000  }
0x149: {  	[spmem:s3] =	stream.indirect.scatter.add.f32 [tilespmem:s18], [sflag:$0x7], $0x80, s22, s24, $0xb8;
	[tilespmem:$0x1D000] =	vst v63  }
0x14a: {  	_ =	swait.ge [sflag:s19], $0x4000  }
0x14b: {  	[sflag:s19] =	ssyncset.done $0x0  }
0x14c: {  	s11 =	rddreg [dreg:$0x14];
	[sflag:s19] =	ssyncadd.s32 $0xFFFFC000  }
0x14d: {  	[tilespmem:s18], [sflag:$0x5] =	stream.indirect.gather [hbm4b:s5+s24], $0x80, s11, s24, $0xb8;
	[tilespmem:$0x1D000] =	vst v63  }
0x14e: {  	_ =	swait.ge [sflag:s29], $0x4000  }
0x14f: {  	[sflag:s29] =	ssyncset.done $0x0  }
0x150: {  	s12 =	rddreg [dreg:$0x15];
	[sflag:s29] =	ssyncadd.s32 $0xFFFFC000  }
0x151: {  	[spmem:s3] =	stream.indirect.scatter.add.f32 [tilespmem:s25], [sflag:$0x7], $0x80, s12, s24, $0xb8;
	[tilespmem:$0x1D000] =	vst v63  }
0x152: {  	_ =	swait.ge [sflag:s19], $0x4000  }
0x153: {  	[sflag:s19] =	ssyncset.done $0x0  }
0x154: {  	s11 =	rddreg [dreg:$0x16];
	[sflag:s19] =	ssyncadd.s32 $0xFFFFC000  }
0x155: {  	[tilespmem:s25], [sflag:$0x6] =	stream.indirect.gather [hbm4b:s5+s24], $0x80, s11, s24, $0xb8;
	[tilespmem:$0x1D000] =	vst v63  }
0x156: {  	_ =	swait.ge [sflag:s28], $0x4000  }
0x157: {  	[sflag:s28] =	ssyncset.done $0x0  }
0x158: {  	s12 =	rddreg [dreg:$0x17];
	[sflag:s28] =	ssyncadd.s32 $0xFFFFC000  }
0x159: {  	[spmem:s3] =	stream.indirect.scatter.add.f32 [tilespmem:s18], [sflag:$0x7], $0x80, s12, s24, $0xb8;
	[tilespmem:$0x1D000] =	vst v63  }
0x15a: {  	_ =	swait.ge [sflag:s19], $0x4000  }
0x15b: {  	[sflag:s19] =	ssyncset.done $0x0  }
0x15c: {  	s11 =	rddreg [dreg:$0x18];
	[sflag:s19] =	ssyncadd.s32 $0xFFFFC000  }
0x15d: {  	[tilespmem:s18], [sflag:$0x5] =	stream.indirect.gather [hbm4b:s5+s24], $0x80, s11, s24, $0xb8;
	[tilespmem:$0x1D000] =	vst v63  }
0x15e: {  	_ =	swait.ge [sflag:s29], $0x4000  }
0x15f: {  	[sflag:s29] =	ssyncset.done $0x0  }
0x160: {  	s12 =	rddreg [dreg:$0x19];
	[sflag:s29] =	ssyncadd.s32 $0xFFFFC000  }
0x161: {  	[spmem:s3] =	stream.indirect.scatter.add.f32 [tilespmem:s25], [sflag:$0x7], $0x80, s12, s24, $0xb8;
	[tilespmem:$0x1D000] =	vst v63  }
0x162: {  	_ =	swait.ge [sflag:s19], $0x4000  }
0x163: {  	[sflag:s19] =	ssyncset.done $0x0  }
0x164: {  	s11 =	rddreg [dreg:$0x1a];
	[sflag:s19] =	ssyncadd.s32 $0xFFFFC000  }
0x165: {  	[tilespmem:s25], [sflag:$0x6] =	stream.indirect.gather [hbm4b:s5+s24], $0x80, s11, s24, $0xb8;
	[tilespmem:$0x1D000] =	vst v63  }
0x166: {  	_ =	swait.ge [sflag:s28], $0x4000  }
0x167: {  	[sflag:s28] =	ssyncset.done $0x0  }
0x168: {  	s12 =	rddreg [dreg:$0x1b];
	[sflag:s28] =	ssyncadd.s32 $0xFFFFC000  }
0x169: {  	[spmem:s3] =	stream.indirect.scatter.add.f32 [tilespmem:s18], [sflag:$0x7], $0x80, s12, s24, $0xb8;
	[tilespmem:$0x1D000] =	vst v63  }
0x16a: {  	_ =	swait.ge [sflag:s19], $0x4000  }
0x16b: {  	[sflag:s19] =	ssyncset.done $0x0  }
0x16c: {  	s11 =	rddreg [dreg:$0x1c];
	[sflag:s19] =	ssyncadd.s32 $0xFFFFC000  }
0x16d: {  	[tilespmem:s18], [sflag:$0x5] =	stream.indirect.gather [hbm4b:s5+s24], $0x80, s11, s24, $0xb8;
	[tilespmem:$0x1D000] =	vst v63  }
0x16e: {  	_ =	swait.ge [sflag:s29], $0x4000  }
0x16f: {  	[sflag:s29] =	ssyncset.done $0x0  }
0x170: {  	s12 =	rddreg [dreg:$0x1d];
	[sflag:s29] =	ssyncadd.s32 $0xFFFFC000  }
0x171: {  	[spmem:s3] =	stream.indirect.scatter.add.f32 [tilespmem:s25], [sflag:$0x7], $0x80, s12, s24, $0xb8;
	[tilespmem:$0x1D000] =	vst v63  }
0x172: {  	_ =	swait.ge [sflag:s19], $0x4000  }
0x173: {  	[sflag:s19] =	ssyncset.done $0x0  }
0x174: {  	s11 =	rddreg [dreg:$0x1e];
	[sflag:s19] =	ssyncadd.s32 $0xFFFFC000  }
0x175: {  	[tilespmem:s25], [sflag:$0x6] =	stream.indirect.gather [hbm4b:s5+s24], $0x80, s11, s24, $0xb8;
	[tilespmem:$0x1D000] =	vst v63  }
0x176: {  	_ =	swait.ge [sflag:s28], $0x4000  }
0x177: {  	[sflag:s28] =	ssyncset.done $0x0  }
0x178: {  	s12 =	rddreg [dreg:$0x1f];
	[sflag:s28] =	ssyncadd.s32 $0xFFFFC000  }
0x179: {  	[spmem:s3] =	stream.indirect.scatter.add.f32 [tilespmem:s18], [sflag:$0x7], $0x80, s12, s24, $0xb8;
	[tilespmem:$0x1D000] =	vst v63  }
0x17a: {  	_ =	swait.ge [sflag:s19], $0x4000  }
0x17b: {  	[sflag:s19] =	ssyncset.done $0x0  }
0x17c: {  	[sflag:s19] =	ssyncadd.s32 $0xFFFFC000  }
0x17d: {  	_ =	swait.ge [sflag:s23], $0x400  }
0x17e: {  	[sflag:s23] =	ssyncset.done $0x0  }
0x17f: {  	[sflag:s23] =	ssyncadd.s32 $0xFFFFFC00  }
0x180: {  	[tilespmem:s18], [sflag:$0x5] =	stream.indirect.gather [hbm4b:s5+s24], $0x80, s4, s24, $0xb8;
	[tilespmem:$0x1D000] =	vst v63  }
0x181: {  	_ =	swait.ge [sflag:s29], $0x4000  }
0x182: {  	[sflag:s29] =	ssyncset.done $0x0  }
0x183: {  	[sflag:s29] =	ssyncadd.s32 $0xFFFFC000  }
0x184: {  	[spmem:s3] =	stream.indirect.scatter.add.f32 [tilespmem:s25], [sflag:$0x7], $0x80, s0, s24, $0xb8;
	[tilespmem:$0x1D000] =	vst v63  }
0x185: {  	s9 =	smin.u32 s9, $0x6;
	_ =	swait.ge [sflag:s19], $0x4000  }
0x186: {  	s9 =	sshll.u32 s9, $0xA;
	[sflag:s19] =	ssyncset.done $0x0;
	s11 =	rddreg [dreg:$0x5]  }
0x187: {  	p0 =	sne.s32 s8, $0x8;
	[sflag:s19] =	ssyncadd.s32 $0xFFFFC000;
	s9 =	sadd.s32 s9, s11  }
0x188: {  	[tilespmem:s25], [sflag:$0x6] =	stream.indirect.gather [hbm4b:s5+s24], $0x80, s24, s24, $0xb8;
	[tilespmem:$0x1D000] =	vst v63  }
.Ltmp1:
0x189: {  	s9 =	sshrl.u32 s9, $0x3;
	(pc) =	sbr.rel @p0 .LBB2_4-.Ltmp1, $4  }
0x18a: {  	s12 =	sadd.s32 s2, s9  }
0x18b: {  	[tilespmem:s21], [sflag:$0x2] =	stream.linear.gather [hbm4b:s12+s4], $0x400, $0x38;
	[tilespmem:$0x1D000] =	vst v63  }
0x18c: {  	s8 =	sadd.s32 $0x2, s8;
	s9 =	sadd.s32 s6, s9  }
0x18d: {  	[tilespmem:s22], [sflag:$0x4] =	stream.linear.gather [hbm4b:s9+s4], $0x400, $0x38;
	[tilespmem:$0x1D000] =	vst v63  }
0x18e: {  	_ =	swait.ge [sflag:s26], $0x400  }
0x18f: {  	[sflag:s26] =	ssyncset.done $0x0  }
0x190: {  	[sflag:s26] =	ssyncadd.s32 $0xFFFFFC00  }
0x191: {  	_ =	swait.ge [sflag:s28], $0x4000  }
0x192: {  	[sflag:s28] =	ssyncset.done $0x0  }
0x193: {  	[sflag:s28] =	ssyncadd.s32 $0xFFFFC000  }
0x194: {  	_ =	swait.ge [sflag:s29], $0x4000  }
0x195: {  	[sflag:s29] =	ssyncset.done $0x0  }
0x196: {  	[sflag:s29] =	ssyncadd.s32 $0xFFFFC000  }
0x197: {  	_ =	swait.ge [sflag:s30], $0x400  }
0x198: {  	[sflag:s30] =	ssyncset.done $0x0  }
0x199: {  	[sflag:s30] =	ssyncadd.s32 $0xFFFFFC00  }
0x19a: {  	s8 =	stileid.u32;
	_ =	swait.ge [sflag:s31], $0x400  }
0x19b: {  	s9 =	sshrl.u32 s7, $0x3;
	s1 =	sadd.s32 $0x1, s1;
	[sflag:s31] =	ssyncset.done $0x0  }
0x19c: {  	s8 =	sshll.u32 s8, $0x6;
	p0 =	sne.s32 s1, s17;
	[sflag:s31] =	ssyncadd.s32 $0xFFFFFC00  }
.Ltmp2:
0x19d: {  	s8 =	sor.u32 $0x1C07, s8;
	[bflag:$0x0] =	sbarrier.arrive $0xFFFF;
	(pc) =	sbr.rel @p0 .LBB2_1-.Ltmp2, $4  }
0x19e: {  	[hbm:s16], [sflag:s8] =	dma.local [spmem:s9], $0x2800  }
0x19f: {  	_ =	swait.ge [sflag:s19], $0x2800  }
0x1a0: {  	[sflag:s19] =	ssyncset.done $0x0  }
0x1a1: {  	[sflag:s19] =	ssyncadd.s32 $0xFFFFD800  }
0x1a2: {  	_ =	sfence.sel $0x180000  }
0x1a3: {  	[bflag:$0x0] =	sbarrier.arrive $0xFFFF  }
0x1a4: {  	_ =	strace $0x90000047  }
0x1a5: {  	s0 =	stileid.u32;
	[bflag:$0x2] =	sbarrier.arrive $0xFFFF  }
0x1a6: {  	p0 =	sne.s32 s0, $0x0;
	s0 =	rddreg [dreg:$0x3]  }
0x1a7: {  	s0 =	sadd.s32 @!p0 $0x100000, s0  }
0x1a8: {  	[sflag:s0] =	ssyncadd.tile.s32 @!p0 $0x1;
	_ =	shalt  }
.Lfunc_end2:
_tile_overlayer_lowered:
.L_overlay_start_2:
0x1a9: {  	(tag) =	ssettag $0x2  }
0x1aa: {  	s0 =	rddreg [dreg:$0x0];
	s2 =	stileid.u32  }
0x1ab: {  	s1 =	rddreg [dreg:$0x1];
	p0 =	sne.s32 s2, $0x0  }
0x1ac: {  	s3 =	rddreg [dreg:$0x2];
	[bflag:$0x3] =	sbarrier.arrive $0xFFFF;
	s2 =	simm.s32 @!p0 $0x1C07  }
0x1ad: {  	[timem:s3], [sflag:s2] =	dma.local @!p0 [hbm:s0], s1  }
0x1ae: {  	s0 =	simm.s32 @!p0 $0x7  }
0x1af: {  	_ =	swait.ge @!p0 [sflag:s0], s1  }
0x1b0: {  	s1 =	ssub.s32 @!p0 $0x0, s1;
	[sflag:s0] =	ssyncset.done @!p0 $0x0  }
0x1b1: {  	[sflag:s0] =	ssyncadd.s32 @!p0 s1  }
0x1b2: {  	[bflag:$0x3] =	sbarrier.arrive $0xFFFF  }
0x1b3: {  	_ =	shalt  }

</sc_bundles>
